<compile_context>
chip_gen: v7x
topology: tpu7x:2x2x1
jax: 0.10.2.dev20260603
libtpu: 0.0.44.dev20260713+nightly
codegen_flags: <defaults>
</compile_context>

<pallas_src>
import functools

import jax
import jax.numpy as jnp
from jax import lax
from jax.experimental import pallas as pl
from jax.experimental.pallas import tpu as pltpu
from jax.experimental.pallas import tpu_sc as plsc

N = 8192
K = 8
NN = 30
H = 100
R = 256
GRID = N // R
F = 16
NF = 9
HP = 128
OP = 32

NGRP = 512
NMEM = N // NGRP
NC, NS, L = 2, 16, 16
NW = NC * NS
RPT = N // NW
RCH = 8
NCHUNK = RPT // RCH
GSLOTS = 64
MSLOTS = 64

_NEG_BIG = -3.0e38
_POS_BIG = 3.0e38


def _tc_main(p16, e1c, e1r, e2c, e2r, w1, b1, w2, b2, b0r, g0r, a0, dtr,
             o_up, o_sp, o_alpha, o_betas, o_gammas, o_v, o_vi2, o_tau, o_gm):
    i = pl.program_id(0)

    pb = p16[...]
    h = jax.nn.leaky_relu(jnp.dot(pb, w1[...], preferred_element_type=jnp.float32)
                          + b1[...])
    out = jnp.dot(h, w2[...], preferred_element_type=jnp.float32) + b2[...]

    alpha = a0[...] * jax.nn.sigmoid(out[:, 0:1])
    betas = b0r[...] * jax.nn.sigmoid(out[:, 1:1 + K])
    gammas = g0r[...] * jax.nn.sigmoid(out[:, 1 + K:1 + 2 * K])
    dt = dtr[...]

    u = pb[:, 0:1]
    s = pb[:, 1:1 + K]
    sumb = jnp.sum(betas, axis=1, keepdims=True)
    up = u + (alpha - u * sumb) * dt
    sp = s + (betas * u - gammas * s) * dt

    o_up[...] = up
    o_sp[...] = sp
    o_alpha[...] = alpha
    o_betas[...] = betas
    o_gammas[...] = gammas

    v16 = jnp.concatenate([up - u, sp - s, jnp.zeros((R, F - 1 - K), jnp.float32)],
                          axis=1)
    o_v[...] = v16
    o_vi2[...] = jnp.sum(v16 * v16, axis=1, keepdims=True)

    d2 = (e1c[...] - e1r[...]) ** 2 + (e2c[...] - e2r[...]) ** 2
    hi = jnp.max(d2, axis=1, keepdims=True)
    rowid = i * R + jax.lax.broadcasted_iota(jnp.int32, (R, N), 0)
    colid = jax.lax.broadcasted_iota(jnp.int32, (R, N), 1)
    d2 = jnp.where(rowid == colid, _POS_BIG, d2)

    tgt = float(NN - 1)

    def step(_, carry):
        lo, clo, hic, chi = carry
        frac = jnp.clip((tgt - clo) / jnp.maximum(chi - clo, 1e-9), 0.01, 0.99)
        mid = lo + (hic - lo) * frac
        cnt = jnp.sum(jnp.where(d2 <= mid, 1.0, 0.0), axis=1, keepdims=True)
        ge = cnt >= tgt
        return (jnp.where(ge, lo, mid), jnp.where(ge, clo, cnt),
                jnp.where(ge, mid, hic), jnp.where(ge, cnt, chi))

    zero = jnp.zeros((R, 1), jnp.float32)
    _, _, hi, _ = jax.lax.fori_loop(
        0, 14, step, (zero, zero, hi, jnp.full((R, 1), float(N - 1))))
    o_tau[...] = hi

    gm = d2[:, 0:NGRP]
    for kk in range(1, NMEM):
        gm = jnp.minimum(gm, d2[:, kk * NGRP:(kk + 1) * NGRP])
    o_gm[...] = gm


def _sc_neighbor_max(gm, tau, e1, e2, p16, vrow):
    mesh = plsc.VectorSubcoreMesh(core_axis_name="c", subcore_axis_name="s")
    SLOTS = RCH * MSLOTS

    @functools.partial(
        pl.kernel,
        mesh=mesh,
        out_type=jax.ShapeDtypeStruct((N,), jnp.float32),
        compiler_params=pltpu.CompilerParams(needs_layout_passes=False,
                                             use_tc_tiling_on_sc=False),
        scratch_types=[
            pltpu.VMEM((N,), jnp.float32),
            pltpu.VMEM((N,), jnp.float32),
            pltpu.VMEM((RPT, F), jnp.float32),
            pltpu.VMEM((RPT, F), jnp.float32),
            pltpu.VMEM((RPT,), jnp.float32),
            pltpu.VMEM((RCH, NGRP), jnp.float32),
            pltpu.VMEM((GSLOTS,), jnp.int32),
            pltpu.VMEM((SLOTS,), jnp.int32),
            pltpu.VMEM((SLOTS, F), jnp.float32),
            pltpu.VMEM((RPT,), jnp.float32),
            pltpu.SemaphoreType.DMA,
        ],
    )
    def k(gm_hbm, tau_hbm, e1_hbm, e2_hbm, p16_hbm, v_hbm, q_hbm,
          e1_v, e2_v, p16_v, v_v, tau_v, gm_v, gl_v, jl_v, grows_v, q_v, sem):
        wid = lax.axis_index("s") * NC + lax.axis_index("c")
        base = wid * RPT
        pltpu.sync_copy(e1_hbm, e1_v)
        pltpu.sync_copy(e2_hbm, e2_v)
        pltpu.sync_copy(p16_hbm.at[pl.ds(base, RPT)], p16_v)
        pltpu.sync_copy(v_hbm.at[pl.ds(base, RPT)], v_v)
        pltpu.sync_copy(tau_hbm.at[pl.ds(base, RPT)], tau_v)

        lane = jnp.arange(L, dtype=jnp.int32)

        def chunk_body(c, _):
            rbase = base + c * RCH
            pltpu.sync_copy(gm_hbm.at[pl.ds(rbase, RCH)], gm_v)

            def row_body_a(r, _):
                rl = c * RCH + r
                gi = base + rl
                rl_splat = jnp.zeros((L,), jnp.int32) + rl
                gi_splat = jnp.zeros((L,), jnp.int32) + gi
                tau_i = plsc.load_gather(tau_v, [rl_splat])
                e1i = plsc.load_gather(e1_v, [gi_splat])
                e2i = plsc.load_gather(e2_v, [gi_splat])

                for b in range(GSLOTS // L):
                    gl_v[pl.ds(b * L, L)] = jnp.zeros((L,), jnp.int32)
                def fill_b(b, _):
                    jl_v[pl.ds(r * MSLOTS + b * L, L)] = gi_splat
                    return 0
                lax.fori_loop(0, MSLOTS // L, fill_b, 0)

                def scan_w(w, cur_g):
                    gv = gm_v[r, pl.ds(w * L, L)]
                    m = gv <= tau_i
                    mi = jnp.where(m, 1, 0)
                    pos = plsc.cumsum(mi) - 1 + cur_g
                    m2 = m & (pos < GSLOTS)
                    plsc.store_scatter(gl_v, [pos], w * L + lane, mask=m2)
                    return cur_g + jnp.sum(mi)

                cur_g = lax.fori_loop(0, NGRP // L, scan_w, jnp.int32(0))
                cur_g = jnp.minimum(cur_g, GSLOTS)
                n_gb = (cur_g + L - 1) >> 4

                def gb_body(gb, cur_j):
                    gvreg = gl_v[pl.ds(gb * L, L)]
                    validg = (gb * L + lane) < cur_g
                    for kk in range(NMEM):
                        jv = gvreg + NGRP * kk
                        e1g = plsc.load_gather(e1_v, [jv])
                        e2g = plsc.load_gather(e2_v, [jv])
                        d1 = e1g - e1i
                        d2_ = e2g - e2i
                        d2v = d1 * d1 + d2_ * d2_
                        mm = (d2v <= tau_i) & validg & (jv != gi)
                        mi = jnp.where(mm, 1, 0)
                        pos = plsc.cumsum(mi) - 1 + cur_j
                        mm2 = mm & (pos < MSLOTS)
                        plsc.store_scatter(jl_v, [r * MSLOTS + pos], jv,
                                           mask=mm2)
                        cur_j = cur_j + jnp.sum(mi)
                    return cur_j

                lax.fori_loop(0, n_gb, gb_body, jnp.int32(0))
                return 0

            lax.fori_loop(0, RCH, row_body_a, 0)

            copies = [
                pltpu.async_copy(
                    p16_hbm.at[jl_v.at[pl.ds(b * 128, 128)]],
                    grows_v.at[pl.ds(b * 128, 128)], sem)
                for b in range(SLOTS // 128)
            ]
            for cp in copies:
                cp.wait()

            def row_body_c(r, _):
                rl = c * RCH + r
                gi = base + rl
                pvec = p16_v[rl, :]
                vvec = v_v[rl, :]
                qbest = jnp.full((L,), _NEG_BIG, jnp.float32)
                for mb in range(MSLOTS // L):
                    slot = r * MSLOTS + mb * L + lane
                    jm = plsc.load_gather(jl_v, [slot])
                    validm = jm != gi
                    nn2 = jnp.zeros((L,), jnp.float32)
                    num = jnp.zeros((L,), jnp.float32)
                    for f in range(NF):
                        pf = plsc.load_gather(
                            grows_v, [slot, jnp.full((L,), f, jnp.int32)])
                        dv = pf - pvec[f]
                        nn2 = nn2 + dv * dv
                        num = num + vvec[f] * dv
                    nn2 = jnp.where(nn2 <= 0.0, 1.0, nn2)
                    qv = num * jnp.abs(num) / nn2
                    qbest = jnp.maximum(qbest, jnp.where(validm, qv, _NEG_BIG))
                qrow = jnp.max(qbest) + jnp.zeros((L,), jnp.float32)
                plsc.store_scatter(q_v, [jnp.zeros((L,), jnp.int32) + rl],
                                   qrow, mask=lane == 0)
                return 0

            lax.fori_loop(0, RCH, row_body_c, 0)
            return 0

        lax.fori_loop(0, NCHUNK, chunk_body, 0)
        pltpu.sync_copy(q_v, q_hbm.at[pl.ds(base, RPT)])

    return k(gm, tau, e1, e2, p16, vrow)


def _tc_finish(q_ref, vi2_ref, o_cost):
    q = q_ref[...]
    vi2 = vi2_ref[...]
    mc = jnp.where(q < 0.0, -jnp.sqrt(jnp.maximum(-q, 0.0) / vi2),
                   jnp.sqrt(jnp.maximum(q, 0.0) / vi2))
    mc = jnp.where(vi2 <= 0.0, 0.0, mc)
    o_cost[...] = (jnp.sum(1.0 - mc) / float(N)).reshape(1, 1)


@jax.jit
def kernel(unsplice, splices, alpha0, beta0s, gamma0s, dt, embedding1,
           embedding2, W1, b1, W2, b2):
    f32 = jnp.float32
    p16 = jnp.concatenate(
        [unsplice[:, None], splices, jnp.zeros((N, F - 1 - K), f32)], axis=1)
    e1c = embedding1[:, None]
    e1r = embedding1[None, :]
    e2c = embedding2[:, None]
    e2r = embedding2[None, :]
    w1 = jnp.zeros((F, HP), f32).at[:K + 1, :H].set(W1)
    b1p = jnp.zeros((1, HP), f32).at[0, :H].set(b1)
    w2 = jnp.zeros((HP, OP), f32).at[:H, :1 + 2 * K].set(W2)
    b2p = jnp.zeros((1, OP), f32).at[0, :1 + 2 * K].set(b2)
    b0r = beta0s[None, :]
    g0r = gamma0s[None, :]
    a0 = jnp.full((1, 1), 1.0, f32) * alpha0
    dtr = jnp.full((1, 1), 1.0, f32) * dt

    row = lambda i: (i, 0)
    whole = lambda i: (0, 0)
    outs = pl.pallas_call(
        _tc_main,
        grid=(GRID,),
        in_specs=[
            pl.BlockSpec((R, F), row),
            pl.BlockSpec((R, 1), row),
            pl.BlockSpec((1, N), whole),
            pl.BlockSpec((R, 1), row),
            pl.BlockSpec((1, N), whole),
            pl.BlockSpec((F, HP), whole),
            pl.BlockSpec((1, HP), whole),
            pl.BlockSpec((HP, OP), whole),
            pl.BlockSpec((1, OP), whole),
            pl.BlockSpec((1, K), whole),
            pl.BlockSpec((1, K), whole),
            pl.BlockSpec((1, 1), whole),
            pl.BlockSpec((1, 1), whole),
        ],
        out_specs=[
            pl.BlockSpec((R, 1), row),
            pl.BlockSpec((R, K), row),
            pl.BlockSpec((R, 1), row),
            pl.BlockSpec((R, K), row),
            pl.BlockSpec((R, K), row),
            pl.BlockSpec((R, F), row),
            pl.BlockSpec((R, 1), row),
            pl.BlockSpec((R, 1), row),
            pl.BlockSpec((R, NGRP), row),
        ],
        out_shape=[
            jax.ShapeDtypeStruct((N, 1), f32),
            jax.ShapeDtypeStruct((N, K), f32),
            jax.ShapeDtypeStruct((N, 1), f32),
            jax.ShapeDtypeStruct((N, K), f32),
            jax.ShapeDtypeStruct((N, K), f32),
            jax.ShapeDtypeStruct((N, F), f32),
            jax.ShapeDtypeStruct((N, 1), f32),
            jax.ShapeDtypeStruct((N, 1), f32),
            jax.ShapeDtypeStruct((N, NGRP), f32),
        ],
    )(p16, e1c, e1r, e2c, e2r, w1, b1p, w2, b2p, b0r, g0r, a0, dtr)

    o_up, o_sp, o_alpha, o_betas, o_gammas, o_v, o_vi2, o_tau, o_gm = outs

    q = _sc_neighbor_max(o_gm, o_tau[:, 0], embedding1, embedding2, p16, o_v)

    o_cost = pl.pallas_call(
        _tc_finish,
        out_shape=jax.ShapeDtypeStruct((1, 1), f32),
    )(q[:, None], o_vi2)

    return (o_cost[0, 0], o_up[:, 0], o_sp, o_alpha[:, 0], o_betas, o_gammas)

# --- scband reference (transcript-rebuilt; emitter-appended) ---
"""Pipeline reference for scband-iso-velo-dnn-module-84516366451206 (READ-ONLY COPY).

The authoritative reference and input builder live on the scoring server;
editing this copy changes nothing except your own understanding.
"""

import jax, jax.numpy as jnp
import numpy as np

N = 8192
K = 8
NN = 30
H = 100


def setup_inputs(seed: int = 0) -> dict:
    key = jax.random.key(seed)
    ks = jax.random.split(key, 10)
    unsplice = jax.random.uniform(ks[0], (N,), dtype=jnp.float32)
    splices = jax.random.uniform(ks[1], (N, K), dtype=jnp.float32)
    alpha0 = jnp.ones((), dtype=jnp.float32)
    beta0s = jax.random.uniform(ks[2], (K,), dtype=jnp.float32) + 0.5
    gamma0s = jax.random.uniform(ks[3], (K,), dtype=jnp.float32) + 0.5
    dt = jnp.asarray(0.5, dtype=jnp.float32)
    embedding1 = jax.random.normal(ks[4], (N,), dtype=jnp.float32)
    embedding2 = jax.random.normal(ks[5], (N,), dtype=jnp.float32)
    W1 = jax.random.normal(ks[6], (K + 1, H), dtype=jnp.float32) * 0.1
    b1 = jnp.zeros((H,), dtype=jnp.float32)
    W2 = jax.random.normal(ks[7], (H, 1 + 2 * K), dtype=jnp.float32) * 0.1
    b2 = jnp.zeros((1 + 2 * K,), dtype=jnp.float32)
    return {"unsplice": unsplice, "splices": splices, "alpha0": alpha0,
            "beta0s": beta0s, "gamma0s": gamma0s, "dt": dt,
            "embedding1": embedding1, "embedding2": embedding2,
            "W1": W1, "b1": b1, "W2": W2, "b2": b2}


def _knn_indices(e1, e2, n_neighbors):
    # NearestNeighbors(n_neighbors).kneighbors(points): self + n_neighbors-1? sklearn returns
    # n_neighbors cols including self; torch code drops col 0 (self). We return nn+... here we
    # mimic: kneighbors with n_neighbors=NN returns NN columns (col 0 == self).
    points = jnp.stack([e1, e2], axis=1)
    d2 = jnp.sum((points[:, None, :] - points[None, :, :]) ** 2, axis=-1)
    _, idx = jax.lax.top_k(-d2, n_neighbors)
    return idx


def _module_fwd(u, s, alpha0, beta0s, gamma0s, dt, W1, b1, W2, b2):
    # inner kinetics DNN: predicts rate params from (u, s_1..s_K), then Euler step
    x = jnp.concatenate([u[:, None], s], axis=1)
    h = jax.nn.leaky_relu(x @ W1 + b1)
    out = h @ W2 + b2
    alpha = alpha0 * jax.nn.sigmoid(out[:, 0])
    betas = beta0s[None, :] * jax.nn.sigmoid(out[:, 1:1 + K])
    gammas = gamma0s[None, :] * jax.nn.sigmoid(out[:, 1 + K:])
    unsplice_predict = u + (alpha - u * jnp.sum(betas, axis=1)) * dt
    splice_predicts = s + (betas * u[:, None] - gammas * s) * dt
    return unsplice_predict, splice_predicts, alpha, betas, gammas


def reference(unsplice, splices, alpha0, beta0s, gamma0s, dt, embedding1, embedding2, W1, b1, W2, b2):
    indices = _knn_indices(embedding1, embedding2, NN)
    up, sp, alpha, betas, gammas = _module_fwd(unsplice, splices, alpha0, beta0s, gamma0s, dt, W1, b1, W2, b2)
    uv = up - unsplice
    sv = sp - splices
    v = jnp.concatenate([uv[:, None], sv], axis=1)  # [N, K+1]
    nidx = indices[:, 1:]  # drop self, [N, NN-1]
    un = unsplice[nidx] - unsplice[:, None]                 # [N, NN-1]
    sn = splices[nidx] - splices[:, None, :]                # [N, NN-1, K]
    vn = jnp.concatenate([un[..., None], sn], axis=-1)      # [N, NN-1, K+1]
    vi_norm = jnp.linalg.norm(v, axis=1)                    # [N]
    vn_norm = jnp.linalg.norm(vn, axis=2)                   # [N, NN-1]
    denom = vi_norm[:, None] * vn_norm
    denom = jnp.where(denom == 0, jnp.ones_like(denom), denom)
    cos_sim = jnp.sum(v[:, None, :] * vn, axis=-1) / denom
    max_cos = jnp.max(cos_sim, axis=1)
    cost_fin = jnp.mean(1.0 - max_cos)
    return (cost_fin, up, sp, alpha, betas, gammas)

if __name__ == "__main__":
    import jax
    _d = setup_inputs()
    print(jax.jit(kernel)(*tuple(_d.values())))

</pallas_src>

<mosaic_0001>
#map = affine_map<(d0, d1) -> (0, 0)>
#map1 = affine_map<(d0, d1) -> (0)>
module attributes {stable_mosaic.version = 14 : i64} {
  func.func @k(%arg0: i32, %arg1: i32, %arg2: memref<8192x512xf32, #tpu.memory_space<hbm>>, %arg3: memref<8192xf32, #tpu.memory_space<hbm>>, %arg4: memref<8192xf32, #tpu.memory_space<hbm>>, %arg5: memref<8192xf32, #tpu.memory_space<hbm>>, %arg6: memref<8192x16xf32, #tpu.memory_space<hbm>>, %arg7: memref<8192x16xf32, #tpu.memory_space<hbm>>, %arg8: memref<8192xf32, #tpu.memory_space<hbm>>, %arg9: memref<8192xf32, #tpu.memory_space<vmem>>, %arg10: memref<8192xf32, #tpu.memory_space<vmem>>, %arg11: memref<256x16xf32, #tpu.memory_space<vmem>>, %arg12: memref<256x16xf32, #tpu.memory_space<vmem>>, %arg13: memref<256xf32, #tpu.memory_space<vmem>>, %arg14: memref<8x512xf32, #tpu.memory_space<vmem>>, %arg15: memref<64xi32, #tpu.memory_space<vmem>>, %arg16: memref<512xi32, #tpu.memory_space<vmem>>, %arg17: memref<512x16xf32, #tpu.memory_space<vmem>>, %arg18: memref<256xf32, #tpu.memory_space<vmem>>, %arg19: memref<!tpu.dma_semaphore, #tpu.memory_space<semaphore_mem>>) attributes {dimension_semantics = [#tpu.dimension_semantics<core_parallel>, #tpu.dimension_semantics<subcore_parallel>], iteration_bounds = array<i64: 2, 16>, scalar_prefetch = 0 : i64, scratch_operands = 11 : i64, tpu.core_type = #tpu.core_type<sc_vector_subcore>, window_params = [{transform_indices = #map}, {transform_indices = #map1}, {transform_indices = #map1}, {transform_indices = #map1}, {transform_indices = #map}, {transform_indices = #map}, {transform_indices = #map1}]} {
    %mul3A = arith.constant 2 : i32
    %mul3A_0 = arith.muli %arg1, %mul3A : i32
    %add3A = arith.addi %mul3A_0, %arg0 : i32
    %mul3A_1 = arith.constant 256 : i32
    %mul3A_2 = arith.muli %add3A, %mul3A_1 : i32
    "tpu.region"() ({
      %run_scoped3A = tpu.sem_alloc : memref<!tpu.dma_semaphore, #tpu.memory_space<semaphore_mem>>
      tpu.enqueue_dma source(%arg4 : memref<8192xf32, #tpu.memory_space<hbm>>) target(%arg9 : memref<8192xf32, #tpu.memory_space<vmem>>) target_semaphore(%run_scoped3A : memref<!tpu.dma_semaphore, #tpu.memory_space<semaphore_mem>>)
      tpu.wait_dma2 semaphore(%run_scoped3A : memref<!tpu.dma_semaphore, #tpu.memory_space<semaphore_mem>>) src(%arg4 : memref<8192xf32, #tpu.memory_space<hbm>>) dst(%arg9 : memref<8192xf32, #tpu.memory_space<vmem>>)
      tpu.yield
    }) : () -> ()
    "tpu.region"() ({
      %run_scoped3A = tpu.sem_alloc : memref<!tpu.dma_semaphore, #tpu.memory_space<semaphore_mem>>
      tpu.enqueue_dma source(%arg5 : memref<8192xf32, #tpu.memory_space<hbm>>) target(%arg10 : memref<8192xf32, #tpu.memory_space<vmem>>) target_semaphore(%run_scoped3A : memref<!tpu.dma_semaphore, #tpu.memory_space<semaphore_mem>>)
      tpu.wait_dma2 semaphore(%run_scoped3A : memref<!tpu.dma_semaphore, #tpu.memory_space<semaphore_mem>>) src(%arg5 : memref<8192xf32, #tpu.memory_space<hbm>>) dst(%arg10 : memref<8192xf32, #tpu.memory_space<vmem>>)
      tpu.yield
    }) : () -> ()
    "tpu.region"() ({
      %run_scoped3A = tpu.sem_alloc : memref<!tpu.dma_semaphore, #tpu.memory_space<semaphore_mem>>
      %dma_start3A = arith.constant 0 : i32
      %dma_start3A_9 = tpu.memref_slice %arg6[%mul3A_2, %dma_start3A] : memref<8192x16xf32, #tpu.memory_space<hbm>> -> memref<256x16xf32, #tpu.memory_space<hbm>>
      %dma_start3A_10 = arith.constant 0 : i32
      %dma_start3A_11 = tpu.memref_slice %arg6[%mul3A_2, %dma_start3A_10] : memref<8192x16xf32, #tpu.memory_space<hbm>> -> memref<256x16xf32, #tpu.memory_space<hbm>>
      tpu.enqueue_dma source(%dma_start3A_11 : memref<256x16xf32, #tpu.memory_space<hbm>>) target(%arg11 : memref<256x16xf32, #tpu.memory_space<vmem>>) target_semaphore(%run_scoped3A : memref<!tpu.dma_semaphore, #tpu.memory_space<semaphore_mem>>)
      %dma_wait3A = arith.constant 0 : i32
      %dma_wait3A_12 = tpu.memref_slice %arg6[%mul3A_2, %dma_wait3A] : memref<8192x16xf32, #tpu.memory_space<hbm>> -> memref<256x16xf32, #tpu.memory_space<hbm>>
      %dma_wait3A_13 = arith.constant 0 : i32
      %dma_wait3A_14 = tpu.memref_slice %arg6[%mul3A_2, %dma_wait3A_13] : memref<8192x16xf32, #tpu.memory_space<hbm>> -> memref<256x16xf32, #tpu.memory_space<hbm>>
      tpu.wait_dma2 semaphore(%run_scoped3A : memref<!tpu.dma_semaphore, #tpu.memory_space<semaphore_mem>>) src(%dma_wait3A_14 : memref<256x16xf32, #tpu.memory_space<hbm>>) dst(%arg11 : memref<256x16xf32, #tpu.memory_space<vmem>>)
      tpu.yield
    }) : () -> ()
    "tpu.region"() ({
      %run_scoped3A = tpu.sem_alloc : memref<!tpu.dma_semaphore, #tpu.memory_space<semaphore_mem>>
      %dma_start3A = arith.constant 0 : i32
      %dma_start3A_9 = tpu.memref_slice %arg7[%mul3A_2, %dma_start3A] : memref<8192x16xf32, #tpu.memory_space<hbm>> -> memref<256x16xf32, #tpu.memory_space<hbm>>
      %dma_start3A_10 = arith.constant 0 : i32
      %dma_start3A_11 = tpu.memref_slice %arg7[%mul3A_2, %dma_start3A_10] : memref<8192x16xf32, #tpu.memory_space<hbm>> -> memref<256x16xf32, #tpu.memory_space<hbm>>
      tpu.enqueue_dma source(%dma_start3A_11 : memref<256x16xf32, #tpu.memory_space<hbm>>) target(%arg12 : memref<256x16xf32, #tpu.memory_space<vmem>>) target_semaphore(%run_scoped3A : memref<!tpu.dma_semaphore, #tpu.memory_space<semaphore_mem>>)
      %dma_wait3A = arith.constant 0 : i32
      %dma_wait3A_12 = tpu.memref_slice %arg7[%mul3A_2, %dma_wait3A] : memref<8192x16xf32, #tpu.memory_space<hbm>> -> memref<256x16xf32, #tpu.memory_space<hbm>>
      %dma_wait3A_13 = arith.constant 0 : i32
      %dma_wait3A_14 = tpu.memref_slice %arg7[%mul3A_2, %dma_wait3A_13] : memref<8192x16xf32, #tpu.memory_space<hbm>> -> memref<256x16xf32, #tpu.memory_space<hbm>>
      tpu.wait_dma2 semaphore(%run_scoped3A : memref<!tpu.dma_semaphore, #tpu.memory_space<semaphore_mem>>) src(%dma_wait3A_14 : memref<256x16xf32, #tpu.memory_space<hbm>>) dst(%arg12 : memref<256x16xf32, #tpu.memory_space<vmem>>)
      tpu.yield
    }) : () -> ()
    "tpu.region"() ({
      %run_scoped3A = tpu.sem_alloc : memref<!tpu.dma_semaphore, #tpu.memory_space<semaphore_mem>>
      %dma_start3A = tpu.memref_slice %arg3[%mul3A_2] : memref<8192xf32, #tpu.memory_space<hbm>> -> memref<256xf32, #tpu.memory_space<hbm>>
      %dma_start3A_9 = tpu.memref_slice %arg3[%mul3A_2] : memref<8192xf32, #tpu.memory_space<hbm>> -> memref<256xf32, #tpu.memory_space<hbm>>
      tpu.enqueue_dma source(%dma_start3A_9 : memref<256xf32, #tpu.memory_space<hbm>>) target(%arg13 : memref<256xf32, #tpu.memory_space<vmem>>) target_semaphore(%run_scoped3A : memref<!tpu.dma_semaphore, #tpu.memory_space<semaphore_mem>>)
      %dma_wait3A = tpu.memref_slice %arg3[%mul3A_2] : memref<8192xf32, #tpu.memory_space<hbm>> -> memref<256xf32, #tpu.memory_space<hbm>>
      %dma_wait3A_10 = tpu.memref_slice %arg3[%mul3A_2] : memref<8192xf32, #tpu.memory_space<hbm>> -> memref<256xf32, #tpu.memory_space<hbm>>
      tpu.wait_dma2 semaphore(%run_scoped3A : memref<!tpu.dma_semaphore, #tpu.memory_space<semaphore_mem>>) src(%dma_wait3A_10 : memref<256xf32, #tpu.memory_space<hbm>>) dst(%arg13 : memref<256xf32, #tpu.memory_space<vmem>>)
      tpu.yield
    }) : () -> ()
    %iota3A = tpu.iota {dimensions = array<i32: 0>} : vector<16xi32>
    %scan3A = arith.constant 0 : i32
    %scan3A_3 = arith.constant 0 : i32
    %scan3A_4 = arith.constant 32 : i32
    %scan3A_5 = arith.addi %scan3A_3, %scan3A_4 : i32
    %scan3A_6 = arith.constant 1 : i32
    %scan3A_7 = scf.for %scan3A_9 = %scan3A_3 to %scan3A_5 step %scan3A_6 iter_args(%scan3A_10 = %scan3A) -> (i32)  : i32 {
      %mul3A_11 = arith.constant 8 : i32
      %mul3A_12 = arith.muli %scan3A_9, %mul3A_11 : i32
      %add3A_13 = arith.addi %mul3A_2, %mul3A_12 : i32
      "tpu.region"() ({
        %run_scoped3A = tpu.sem_alloc : memref<!tpu.dma_semaphore, #tpu.memory_space<semaphore_mem>>
        %dma_start3A_91 = arith.constant 0 : i32
        %dma_start3A_92 = tpu.memref_slice %arg2[%add3A_13, %dma_start3A_91] : memref<8192x512xf32, #tpu.memory_space<hbm>> -> memref<8x512xf32, #tpu.memory_space<hbm>>
        %dma_start3A_93 = arith.constant 0 : i32
        %dma_start3A_94 = tpu.memref_slice %arg2[%add3A_13, %dma_start3A_93] : memref<8192x512xf32, #tpu.memory_space<hbm>> -> memref<8x512xf32, #tpu.memory_space<hbm>>
        tpu.enqueue_dma source(%dma_start3A_94 : memref<8x512xf32, #tpu.memory_space<hbm>>) target(%arg14 : memref<8x512xf32, #tpu.memory_space<vmem>>) target_semaphore(%run_scoped3A : memref<!tpu.dma_semaphore, #tpu.memory_space<semaphore_mem>>)
        %dma_wait3A_95 = arith.constant 0 : i32
        %dma_wait3A_96 = tpu.memref_slice %arg2[%add3A_13, %dma_wait3A_95] : memref<8192x512xf32, #tpu.memory_space<hbm>> -> memref<8x512xf32, #tpu.memory_space<hbm>>
        %dma_wait3A_97 = arith.constant 0 : i32
        %dma_wait3A_98 = tpu.memref_slice %arg2[%add3A_13, %dma_wait3A_97] : memref<8192x512xf32, #tpu.memory_space<hbm>> -> memref<8x512xf32, #tpu.memory_space<hbm>>
        tpu.wait_dma2 semaphore(%run_scoped3A : memref<!tpu.dma_semaphore, #tpu.memory_space<semaphore_mem>>) src(%dma_wait3A_98 : memref<8x512xf32, #tpu.memory_space<hbm>>) dst(%arg14 : memref<8x512xf32, #tpu.memory_space<vmem>>)
        tpu.yield
      }) : () -> ()
      %scan3A_14 = arith.constant 0 : i32
      %scan3A_15 = arith.constant 0 : i32
      %scan3A_16 = arith.constant 8 : i32
      %scan3A_17 = arith.addi %scan3A_15, %scan3A_16 : i32
      %scan3A_18 = arith.constant 1 : i32
      %scan3A_19 = scf.for %scan3A_91 = %scan3A_15 to %scan3A_17 step %scan3A_18 iter_args(%scan3A_92 = %scan3A_14) -> (i32)  : i32 {
        %mul3A_93 = arith.constant 8 : i32
        %mul3A_94 = arith.muli %scan3A_9, %mul3A_93 : i32
        %add3A_95 = arith.addi %mul3A_94, %scan3A_91 : i32
        %add3A_96 = arith.addi %mul3A_2, %add3A_95 : i32
        %broadcast_in_dim3A = arith.constant 0 : i32
        %broadcast_in_dim3A_97 = vector.broadcast %broadcast_in_dim3A : i32 to vector<16xi32>
        %add3A_98 = vector.broadcast %add3A_95 : i32 to vector<16xi32>
        %add3A_99 = arith.addi %broadcast_in_dim3A_97, %add3A_98 : vector<16xi32>
        %broadcast_in_dim3A_100 = arith.constant 0 : i32
        %broadcast_in_dim3A_101 = vector.broadcast %broadcast_in_dim3A_100 : i32 to vector<16xi32>
        %add3A_102 = vector.broadcast %add3A_96 : i32 to vector<16xi32>
        %add3A_103 = arith.addi %broadcast_in_dim3A_101, %add3A_102 : vector<16xi32>
        %gather3A = tpu.vector_load_idx %arg13[%add3A_99] : memref<256xf32, #tpu.memory_space<vmem>>[vector<16xi32>], vector<16xf32>,
        %gather3A_104 = tpu.vector_load_idx %arg9[%add3A_103] : memref<8192xf32, #tpu.memory_space<vmem>>[vector<16xi32>], vector<16xf32>,
        %gather3A_105 = tpu.vector_load_idx %arg10[%add3A_103] : memref<8192xf32, #tpu.memory_space<vmem>>[vector<16xi32>], vector<16xf32>,
        %broadcast_in_dim3A_106 = arith.constant 0 : i32
        %broadcast_in_dim3A_107 = vector.broadcast %broadcast_in_dim3A_106 : i32 to vector<16xi32>
        %swap3A = arith.constant 0 : index
        %swap3A_108 = tpu.vector_load %arg15[%swap3A] {strides = array<i32>} : memref<64xi32, #tpu.memory_space<vmem>>, vector<16xi32>,
        tpu.vector_store %arg15[%swap3A], %broadcast_in_dim3A_107 {strides = array<i32>} : memref<64xi32, #tpu.memory_space<vmem>>, vector<16xi32>,
        %broadcast_in_dim3A_109 = arith.constant 0 : i32
        %broadcast_in_dim3A_110 = vector.broadcast %broadcast_in_dim3A_109 : i32 to vector<16xi32>
        %swap3A_111 = arith.constant 16 : index
        %swap3A_112 = tpu.vector_load %arg15[%swap3A_111] {strides = array<i32>} : memref<64xi32, #tpu.memory_space<vmem>>, vector<16xi32>,
        tpu.vector_store %arg15[%swap3A_111], %broadcast_in_dim3A_110 {strides = array<i32>} : memref<64xi32, #tpu.memory_space<vmem>>, vector<16xi32>,
        %broadcast_in_dim3A_113 = arith.constant 0 : i32
        %broadcast_in_dim3A_114 = vector.broadcast %broadcast_in_dim3A_113 : i32 to vector<16xi32>
        %swap3A_115 = arith.constant 32 : index
        %swap3A_116 = tpu.vector_load %arg15[%swap3A_115] {strides = array<i32>} : memref<64xi32, #tpu.memory_space<vmem>>, vector<16xi32>,
        tpu.vector_store %arg15[%swap3A_115], %broadcast_in_dim3A_114 {strides = array<i32>} : memref<64xi32, #tpu.memory_space<vmem>>, vector<16xi32>,
        %broadcast_in_dim3A_117 = arith.constant 0 : i32
        %broadcast_in_dim3A_118 = vector.broadcast %broadcast_in_dim3A_117 : i32 to vector<16xi32>
        %swap3A_119 = arith.constant 48 : index
        %swap3A_120 = tpu.vector_load %arg15[%swap3A_119] {strides = array<i32>} : memref<64xi32, #tpu.memory_space<vmem>>, vector<16xi32>,
        tpu.vector_store %arg15[%swap3A_119], %broadcast_in_dim3A_118 {strides = array<i32>} : memref<64xi32, #tpu.memory_space<vmem>>, vector<16xi32>,
        %scan3A_121 = arith.constant 0 : i32
        %scan3A_122 = arith.constant 0 : i32
        %scan3A_123 = arith.constant 4 : i32
        %scan3A_124 = arith.addi %scan3A_122, %scan3A_123 : i32
        %scan3A_125 = arith.constant 1 : i32
        %scan3A_126 = scf.for %scan3A_152 = %scan3A_122 to %scan3A_124 step %scan3A_125 iter_args(%scan3A_153 = %scan3A_121) -> (i32)  : i32 {
          %mul3A_154 = arith.constant 64 : i32
          %mul3A_155 = arith.muli %scan3A_91, %mul3A_154 : i32
          %mul3A_156 = arith.constant 16 : i32
          %mul3A_157 = arith.muli %scan3A_152, %mul3A_156 : i32
          %add3A_158 = arith.addi %mul3A_155, %mul3A_157 : i32
          %swap3A_159 = arith.index_cast %add3A_158 : i32 to index
          %swap3A_160 = tpu.vector_load %arg16[%swap3A_159] {strides = array<i32>} : memref<512xi32, #tpu.memory_space<vmem>>, vector<16xi32>,
          tpu.vector_store %arg16[%swap3A_159], %add3A_103 {strides = array<i32>} : memref<512xi32, #tpu.memory_space<vmem>>, vector<16xi32>,
          %scan3A_161 = arith.constant 0 : i32
          scf.yield %scan3A_161 : i32
        }
        %scan3A_127 = arith.constant 4 : i32
        %scan3A_128 = arith.constant 0 : i32
        %scan3A_129 = arith.constant 0 : i32
        %scan3A_130 = arith.constant 32 : i32
        %scan3A_131 = arith.addi %scan3A_129, %scan3A_130 : i32
        %scan3A_132 = arith.constant 1 : i32
        %scan3A_133 = scf.for %scan3A_152 = %scan3A_129 to %scan3A_131 step %scan3A_132 iter_args(%scan3A_153 = %scan3A_128) -> (i32)  : i32 {
          %mul3A_154 = arith.constant 16 : i32
          %mul3A_155 = arith.muli %scan3A_152, %mul3A_154 : i32
          %get3A = arith.index_cast %scan3A_91 : i32 to index
          %get3A_156 = arith.index_cast %mul3A_155 : i32 to index
          %get3A_157 = tpu.vector_load %arg14[%get3A, %get3A_156] {strides = array<i32>} : memref<8x512xf32, #tpu.memory_space<vmem>>, vector<16xf32>,
          %le3A = arith.cmpf ole, %get3A_157, %gather3A : vector<16xf32>
          %jit3A = arith.constant 1 : i32
          %jit3A_158 = arith.constant 0 : i32
          %broadcast_in_dim3A_159 = vector.broadcast %jit3A : i32 to vector<16xi32>
          %broadcast_in_dim3A_160 = vector.broadcast %jit3A_158 : i32 to vector<16xi32>
          %select_n3A = arith.select %le3A, %broadcast_in_dim3A_159, %broadcast_in_dim3A_160 : vector<16xi1>, vector<16xi32>
          %broadcast_in_dim3A_161 = arith.constant true
          %broadcast_in_dim3A_162 = vector.broadcast %broadcast_in_dim3A_161 : i1 to vector<16xi1>
          %masked_cumsum3A = tpu.scan <sum>, %select_n3A masked %broadcast_in_dim3A_162 : vector<16xi32>, vector<16xi1> -> vector<16xi32>
          %sub3A_163 = arith.constant 1 : i32
          %sub3A_164 = vector.broadcast %sub3A_163 : i32 to vector<16xi32>
          %sub3A_165 = arith.subi %masked_cumsum3A, %sub3A_164 : vector<16xi32>
          %add3A_166 = vector.broadcast %scan3A_153 : i32 to vector<16xi32>
          %add3A_167 = arith.addi %sub3A_165, %add3A_166 : vector<16xi32>
          %lt3A = arith.constant 64 : i32
          %lt3A_168 = vector.broadcast %lt3A : i32 to vector<16xi32>
          %lt3A_169 = arith.cmpi slt, %add3A_167, %lt3A_168 : vector<16xi32>
          %and3A = arith.andi %le3A, %lt3A_169 : vector<16xi1>
          %mul3A_170 = arith.constant 16 : i32
          %mul3A_171 = arith.muli %scan3A_152, %mul3A_170 : i32
          %add3A_172 = vector.broadcast %mul3A_171 : i32 to vector<16xi32>
          %add3A_173 = arith.addi %add3A_172, %iota3A : vector<16xi32>
          tpu.vector_store_idx %arg15[%add3A_167], %add3A_173 masked %and3A : memref<64xi32, #tpu.memory_space<vmem>>[vector<16xi32>], vector<16xi32>, vector<16xi1>
          %reduce_sum3A = arith.constant true
          %reduce_sum3A_174 = vector.broadcast %reduce_sum3A : i1 to vector<16xi1>
          %reduce_sum3A_175 = tpu.scan <sum>, %select_n3A masked %reduce_sum3A_174 : vector<16xi32>, vector<16xi1> -> vector<16xi32>
          %reduce_sum3A_176 = vector.extract %reduce_sum3A_175[15] : i32 from vector<16xi32>
          %add3A_177 = arith.addi %scan3A_153, %reduce_sum3A_176 : i32
          scf.yield %add3A_177 : i32
        }
        %scan3A_134 = arith.constant 32 : i32
        %min3A = arith.constant 64 : i32
        %min3A_135 = arith.minsi %scan3A_133, %min3A : i32
        %add3A_136 = arith.constant 16 : i32
        %add3A_137 = arith.addi %min3A_135, %add3A_136 : i32
        %sub3A = arith.constant 1 : i32
        %sub3A_138 = arith.subi %add3A_137, %sub3A : i32
        %shift_right_arithmetic3A = arith.constant 4 : i32
        %shift_right_arithmetic3A_139 = arith.shrsi %sub3A_138, %shift_right_arithmetic3A : i32
        %while3A = arith.constant 0 : i32
        %while3A_140 = arith.constant 0 : i32
        %while3A_141 = arith.subi %shift_right_arithmetic3A_139, %while3A : i32
        %while3A_142 = arith.addi %while3A, %while3A_141 : i32
        %while3A_143 = arith.constant 1 : i32
        %while3A_144 = arith.divsi %while3A_141, %while3A_143 : i32
        %while3A_145 = arith.muli %while3A_144, %while3A_143 : i32
        %while3A_146 = arith.addi %while3A, %while3A_145 : i32
        %while3A_147 = arith.constant 1 : i32
        %while3A_148 = scf.for %while3A_152 = %while3A to %while3A_146 step %while3A_147 iter_args(%while3A_153 = %while3A_140) -> (i32)  : i32 {
          %mul3A_154 = arith.constant 16 : i32
          %mul3A_155 = arith.muli %while3A_152, %mul3A_154 : i32
          %get3A = arith.index_cast %mul3A_155 : i32 to index
          %get3A_156 = tpu.vector_load %arg15[%get3A] {strides = array<i32>} : memref<64xi32, #tpu.memory_space<vmem>>, vector<16xi32>,
          %mul3A_157 = arith.constant 16 : i32
          %mul3A_158 = arith.muli %while3A_152, %mul3A_157 : i32
          %add3A_159 = vector.broadcast %mul3A_158 : i32 to vector<16xi32>
          %add3A_160 = arith.addi %add3A_159, %iota3A : vector<16xi32>
          %lt3A = vector.broadcast %min3A_135 : i32 to vector<16xi32>
          %lt3A_161 = arith.cmpi slt, %add3A_160, %lt3A : vector<16xi32>
          %add3A_162 = arith.constant 0 : i32
          %add3A_163 = vector.broadcast %add3A_162 : i32 to vector<16xi32>
          %add3A_164 = arith.addi %get3A_156, %add3A_163 : vector<16xi32>
          %gather3A_165 = tpu.vector_load_idx %arg9[%add3A_164] : memref<8192xf32, #tpu.memory_space<vmem>>[vector<16xi32>], vector<16xf32>,
          %gather3A_166 = tpu.vector_load_idx %arg10[%add3A_164] : memref<8192xf32, #tpu.memory_space<vmem>>[vector<16xi32>], vector<16xf32>,
          %sub3A_167 = arith.subf %gather3A_165, %gather3A_104 : vector<16xf32>
          %sub3A_168 = arith.subf %gather3A_166, %gather3A_105 : vector<16xf32>
          %mul3A_169 = arith.mulf %sub3A_167, %sub3A_167 : vector<16xf32>
          %mul3A_170 = arith.mulf %sub3A_168, %sub3A_168 : vector<16xf32>
          %add3A_171 = arith.addf %mul3A_169, %mul3A_170 : vector<16xf32>
          %le3A = arith.cmpf ole, %add3A_171, %gather3A : vector<16xf32>
          %and3A = arith.andi %le3A, %lt3A_161 : vector<16xi1>
          %ne3A = vector.broadcast %add3A_96 : i32 to vector<16xi32>
          %ne3A_172 = arith.cmpi ne, %add3A_164, %ne3A : vector<16xi32>
          %and3A_173 = arith.andi %and3A, %ne3A_172 : vector<16xi1>
          %jit3A = arith.constant 1 : i32
          %jit3A_174 = arith.constant 0 : i32
          %broadcast_in_dim3A_175 = vector.broadcast %jit3A : i32 to vector<16xi32>
          %broadcast_in_dim3A_176 = vector.broadcast %jit3A_174 : i32 to vector<16xi32>
          %select_n3A = arith.select %and3A_173, %broadcast_in_dim3A_175, %broadcast_in_dim3A_176 : vector<16xi1>, vector<16xi32>
          %broadcast_in_dim3A_177 = arith.constant true
          %broadcast_in_dim3A_178 = vector.broadcast %broadcast_in_dim3A_177 : i1 to vector<16xi1>
          %masked_cumsum3A = tpu.scan <sum>, %select_n3A masked %broadcast_in_dim3A_178 : vector<16xi32>, vector<16xi1> -> vector<16xi32>
          %sub3A_179 = arith.constant 1 : i32
          %sub3A_180 = vector.broadcast %sub3A_179 : i32 to vector<16xi32>
          %sub3A_181 = arith.subi %masked_cumsum3A, %sub3A_180 : vector<16xi32>
          %add3A_182 = vector.broadcast %while3A_153 : i32 to vector<16xi32>
          %add3A_183 = arith.addi %sub3A_181, %add3A_182 : vector<16xi32>
          %lt3A_184 = arith.constant 64 : i32
          %lt3A_185 = vector.broadcast %lt3A_184 : i32 to vector<16xi32>
          %lt3A_186 = arith.cmpi slt, %add3A_183, %lt3A_185 : vector<16xi32>
          %and3A_187 = arith.andi %and3A_173, %lt3A_186 : vector<16xi1>
          %mul3A_188 = arith.constant 64 : i32
          %mul3A_189 = arith.muli %scan3A_91, %mul3A_188 : i32
          %add3A_190 = vector.broadcast %mul3A_189 : i32 to vector<16xi32>
          %add3A_191 = arith.addi %add3A_190, %add3A_183 : vector<16xi32>
          tpu.vector_store_idx %arg16[%add3A_191], %add3A_164 masked %and3A_187 : memref<512xi32, #tpu.memory_space<vmem>>[vector<16xi32>], vector<16xi32>, vector<16xi1>
          %reduce_sum3A = arith.constant true
          %reduce_sum3A_192 = vector.broadcast %reduce_sum3A : i1 to vector<16xi1>
          %reduce_sum3A_193 = tpu.scan <sum>, %select_n3A masked %reduce_sum3A_192 : vector<16xi32>, vector<16xi1> -> vector<16xi32>
          %reduce_sum3A_194 = vector.extract %reduce_sum3A_193[15] : i32 from vector<16xi32>
          %add3A_195 = arith.addi %while3A_153, %reduce_sum3A_194 : i32
          %add3A_196 = arith.constant 512 : i32
          %add3A_197 = vector.broadcast %add3A_196 : i32 to vector<16xi32>
          %add3A_198 = arith.addi %get3A_156, %add3A_197 : vector<16xi32>
          %gather3A_199 = tpu.vector_load_idx %arg9[%add3A_198] : memref<8192xf32, #tpu.memory_space<vmem>>[vector<16xi32>], vector<16xf32>,
          %gather3A_200 = tpu.vector_load_idx %arg10[%add3A_198] : memref<8192xf32, #tpu.memory_space<vmem>>[vector<16xi32>], vector<16xf32>,
          %sub3A_201 = arith.subf %gather3A_199, %gather3A_104 : vector<16xf32>
          %sub3A_202 = arith.subf %gather3A_200, %gather3A_105 : vector<16xf32>
          %mul3A_203 = arith.mulf %sub3A_201, %sub3A_201 : vector<16xf32>
          %mul3A_204 = arith.mulf %sub3A_202, %sub3A_202 : vector<16xf32>
          %add3A_205 = arith.addf %mul3A_203, %mul3A_204 : vector<16xf32>
          %le3A_206 = arith.cmpf ole, %add3A_205, %gather3A : vector<16xf32>
          %and3A_207 = arith.andi %le3A_206, %lt3A_161 : vector<16xi1>
          %ne3A_208 = vector.broadcast %add3A_96 : i32 to vector<16xi32>
          %ne3A_209 = arith.cmpi ne, %add3A_198, %ne3A_208 : vector<16xi32>
          %and3A_210 = arith.andi %and3A_207, %ne3A_209 : vector<16xi1>
          %jit3A_211 = arith.constant 1 : i32
          %jit3A_212 = arith.constant 0 : i32
          %broadcast_in_dim3A_213 = vector.broadcast %jit3A_211 : i32 to vector<16xi32>
          %broadcast_in_dim3A_214 = vector.broadcast %jit3A_212 : i32 to vector<16xi32>
          %select_n3A_215 = arith.select %and3A_210, %broadcast_in_dim3A_213, %broadcast_in_dim3A_214 : vector<16xi1>, vector<16xi32>
          %broadcast_in_dim3A_216 = arith.constant true
          %broadcast_in_dim3A_217 = vector.broadcast %broadcast_in_dim3A_216 : i1 to vector<16xi1>
          %masked_cumsum3A_218 = tpu.scan <sum>, %select_n3A_215 masked %broadcast_in_dim3A_217 : vector<16xi32>, vector<16xi1> -> vector<16xi32>
          %sub3A_219 = arith.constant 1 : i32
          %sub3A_220 = vector.broadcast %sub3A_219 : i32 to vector<16xi32>
          %sub3A_221 = arith.subi %masked_cumsum3A_218, %sub3A_220 : vector<16xi32>
          %add3A_222 = vector.broadcast %add3A_195 : i32 to vector<16xi32>
          %add3A_223 = arith.addi %sub3A_221, %add3A_222 : vector<16xi32>
          %lt3A_224 = arith.constant 64 : i32
          %lt3A_225 = vector.broadcast %lt3A_224 : i32 to vector<16xi32>
          %lt3A_226 = arith.cmpi slt, %add3A_223, %lt3A_225 : vector<16xi32>
          %and3A_227 = arith.andi %and3A_210, %lt3A_226 : vector<16xi1>
          %mul3A_228 = arith.constant 64 : i32
          %mul3A_229 = arith.muli %scan3A_91, %mul3A_228 : i32
          %add3A_230 = vector.broadcast %mul3A_229 : i32 to vector<16xi32>
          %add3A_231 = arith.addi %add3A_230, %add3A_223 : vector<16xi32>
          tpu.vector_store_idx %arg16[%add3A_231], %add3A_198 masked %and3A_227 : memref<512xi32, #tpu.memory_space<vmem>>[vector<16xi32>], vector<16xi32>, vector<16xi1>
          %reduce_sum3A_232 = arith.constant true
          %reduce_sum3A_233 = vector.broadcast %reduce_sum3A_232 : i1 to vector<16xi1>
          %reduce_sum3A_234 = tpu.scan <sum>, %select_n3A_215 masked %reduce_sum3A_233 : vector<16xi32>, vector<16xi1> -> vector<16xi32>
          %reduce_sum3A_235 = vector.extract %reduce_sum3A_234[15] : i32 from vector<16xi32>
          %add3A_236 = arith.addi %add3A_195, %reduce_sum3A_235 : i32
          %add3A_237 = arith.constant 1024 : i32
          %add3A_238 = vector.broadcast %add3A_237 : i32 to vector<16xi32>
          %add3A_239 = arith.addi %get3A_156, %add3A_238 : vector<16xi32>
          %gather3A_240 = tpu.vector_load_idx %arg9[%add3A_239] : memref<8192xf32, #tpu.memory_space<vmem>>[vector<16xi32>], vector<16xf32>,
          %gather3A_241 = tpu.vector_load_idx %arg10[%add3A_239] : memref<8192xf32, #tpu.memory_space<vmem>>[vector<16xi32>], vector<16xf32>,
          %sub3A_242 = arith.subf %gather3A_240, %gather3A_104 : vector<16xf32>
          %sub3A_243 = arith.subf %gather3A_241, %gather3A_105 : vector<16xf32>
          %mul3A_244 = arith.mulf %sub3A_242, %sub3A_242 : vector<16xf32>
          %mul3A_245 = arith.mulf %sub3A_243, %sub3A_243 : vector<16xf32>
          %add3A_246 = arith.addf %mul3A_244, %mul3A_245 : vector<16xf32>
          %le3A_247 = arith.cmpf ole, %add3A_246, %gather3A : vector<16xf32>
          %and3A_248 = arith.andi %le3A_247, %lt3A_161 : vector<16xi1>
          %ne3A_249 = vector.broadcast %add3A_96 : i32 to vector<16xi32>
          %ne3A_250 = arith.cmpi ne, %add3A_239, %ne3A_249 : vector<16xi32>
          %and3A_251 = arith.andi %and3A_248, %ne3A_250 : vector<16xi1>
          %jit3A_252 = arith.constant 1 : i32
          %jit3A_253 = arith.constant 0 : i32
          %broadcast_in_dim3A_254 = vector.broadcast %jit3A_252 : i32 to vector<16xi32>
          %broadcast_in_dim3A_255 = vector.broadcast %jit3A_253 : i32 to vector<16xi32>
          %select_n3A_256 = arith.select %and3A_251, %broadcast_in_dim3A_254, %broadcast_in_dim3A_255 : vector<16xi1>, vector<16xi32>
          %broadcast_in_dim3A_257 = arith.constant true
          %broadcast_in_dim3A_258 = vector.broadcast %broadcast_in_dim3A_257 : i1 to vector<16xi1>
          %masked_cumsum3A_259 = tpu.scan <sum>, %select_n3A_256 masked %broadcast_in_dim3A_258 : vector<16xi32>, vector<16xi1> -> vector<16xi32>
          %sub3A_260 = arith.constant 1 : i32
          %sub3A_261 = vector.broadcast %sub3A_260 : i32 to vector<16xi32>
          %sub3A_262 = arith.subi %masked_cumsum3A_259, %sub3A_261 : vector<16xi32>
          %add3A_263 = vector.broadcast %add3A_236 : i32 to vector<16xi32>
          %add3A_264 = arith.addi %sub3A_262, %add3A_263 : vector<16xi32>
          %lt3A_265 = arith.constant 64 : i32
          %lt3A_266 = vector.broadcast %lt3A_265 : i32 to vector<16xi32>
          %lt3A_267 = arith.cmpi slt, %add3A_264, %lt3A_266 : vector<16xi32>
          %and3A_268 = arith.andi %and3A_251, %lt3A_267 : vector<16xi1>
          %mul3A_269 = arith.constant 64 : i32
          %mul3A_270 = arith.muli %scan3A_91, %mul3A_269 : i32
          %add3A_271 = vector.broadcast %mul3A_270 : i32 to vector<16xi32>
          %add3A_272 = arith.addi %add3A_271, %add3A_264 : vector<16xi32>
          tpu.vector_store_idx %arg16[%add3A_272], %add3A_239 masked %and3A_268 : memref<512xi32, #tpu.memory_space<vmem>>[vector<16xi32>], vector<16xi32>, vector<16xi1>
          %reduce_sum3A_273 = arith.constant true
          %reduce_sum3A_274 = vector.broadcast %reduce_sum3A_273 : i1 to vector<16xi1>
          %reduce_sum3A_275 = tpu.scan <sum>, %select_n3A_256 masked %reduce_sum3A_274 : vector<16xi32>, vector<16xi1> -> vector<16xi32>
          %reduce_sum3A_276 = vector.extract %reduce_sum3A_275[15] : i32 from vector<16xi32>
          %add3A_277 = arith.addi %add3A_236, %reduce_sum3A_276 : i32
          %add3A_278 = arith.constant 1536 : i32
          %add3A_279 = vector.broadcast %add3A_278 : i32 to vector<16xi32>
          %add3A_280 = arith.addi %get3A_156, %add3A_279 : vector<16xi32>
          %gather3A_281 = tpu.vector_load_idx %arg9[%add3A_280] : memref<8192xf32, #tpu.memory_space<vmem>>[vector<16xi32>], vector<16xf32>,
          %gather3A_282 = tpu.vector_load_idx %arg10[%add3A_280] : memref<8192xf32, #tpu.memory_space<vmem>>[vector<16xi32>], vector<16xf32>,
          %sub3A_283 = arith.subf %gather3A_281, %gather3A_104 : vector<16xf32>
          %sub3A_284 = arith.subf %gather3A_282, %gather3A_105 : vector<16xf32>
          %mul3A_285 = arith.mulf %sub3A_283, %sub3A_283 : vector<16xf32>
          %mul3A_286 = arith.mulf %sub3A_284, %sub3A_284 : vector<16xf32>
          %add3A_287 = arith.addf %mul3A_285, %mul3A_286 : vector<16xf32>
          %le3A_288 = arith.cmpf ole, %add3A_287, %gather3A : vector<16xf32>
          %and3A_289 = arith.andi %le3A_288, %lt3A_161 : vector<16xi1>
          %ne3A_290 = vector.broadcast %add3A_96 : i32 to vector<16xi32>
          %ne3A_291 = arith.cmpi ne, %add3A_280, %ne3A_290 : vector<16xi32>
          %and3A_292 = arith.andi %and3A_289, %ne3A_291 : vector<16xi1>
          %jit3A_293 = arith.constant 1 : i32
          %jit3A_294 = arith.constant 0 : i32
          %broadcast_in_dim3A_295 = vector.broadcast %jit3A_293 : i32 to vector<16xi32>
          %broadcast_in_dim3A_296 = vector.broadcast %jit3A_294 : i32 to vector<16xi32>
          %select_n3A_297 = arith.select %and3A_292, %broadcast_in_dim3A_295, %broadcast_in_dim3A_296 : vector<16xi1>, vector<16xi32>
          %broadcast_in_dim3A_298 = arith.constant true
          %broadcast_in_dim3A_299 = vector.broadcast %broadcast_in_dim3A_298 : i1 to vector<16xi1>
          %masked_cumsum3A_300 = tpu.scan <sum>, %select_n3A_297 masked %broadcast_in_dim3A_299 : vector<16xi32>, vector<16xi1> -> vector<16xi32>
          %sub3A_301 = arith.constant 1 : i32
          %sub3A_302 = vector.broadcast %sub3A_301 : i32 to vector<16xi32>
          %sub3A_303 = arith.subi %masked_cumsum3A_300, %sub3A_302 : vector<16xi32>
          %add3A_304 = vector.broadcast %add3A_277 : i32 to vector<16xi32>
          %add3A_305 = arith.addi %sub3A_303, %add3A_304 : vector<16xi32>
          %lt3A_306 = arith.constant 64 : i32
          %lt3A_307 = vector.broadcast %lt3A_306 : i32 to vector<16xi32>
          %lt3A_308 = arith.cmpi slt, %add3A_305, %lt3A_307 : vector<16xi32>
          %and3A_309 = arith.andi %and3A_292, %lt3A_308 : vector<16xi1>
          %mul3A_310 = arith.constant 64 : i32
          %mul3A_311 = arith.muli %scan3A_91, %mul3A_310 : i32
          %add3A_312 = vector.broadcast %mul3A_311 : i32 to vector<16xi32>
          %add3A_313 = arith.addi %add3A_312, %add3A_305 : vector<16xi32>
          tpu.vector_store_idx %arg16[%add3A_313], %add3A_280 masked %and3A_309 : memref<512xi32, #tpu.memory_space<vmem>>[vector<16xi32>], vector<16xi32>, vector<16xi1>
          %reduce_sum3A_314 = arith.constant true
          %reduce_sum3A_315 = vector.broadcast %reduce_sum3A_314 : i1 to vector<16xi1>
          %reduce_sum3A_316 = tpu.scan <sum>, %select_n3A_297 masked %reduce_sum3A_315 : vector<16xi32>, vector<16xi1> -> vector<16xi32>
          %reduce_sum3A_317 = vector.extract %reduce_sum3A_316[15] : i32 from vector<16xi32>
          %add3A_318 = arith.addi %add3A_277, %reduce_sum3A_317 : i32
          %add3A_319 = arith.constant 2048 : i32
          %add3A_320 = vector.broadcast %add3A_319 : i32 to vector<16xi32>
          %add3A_321 = arith.addi %get3A_156, %add3A_320 : vector<16xi32>
          %gather3A_322 = tpu.vector_load_idx %arg9[%add3A_321] : memref<8192xf32, #tpu.memory_space<vmem>>[vector<16xi32>], vector<16xf32>,
          %gather3A_323 = tpu.vector_load_idx %arg10[%add3A_321] : memref<8192xf32, #tpu.memory_space<vmem>>[vector<16xi32>], vector<16xf32>,
          %sub3A_324 = arith.subf %gather3A_322, %gather3A_104 : vector<16xf32>
          %sub3A_325 = arith.subf %gather3A_323, %gather3A_105 : vector<16xf32>
          %mul3A_326 = arith.mulf %sub3A_324, %sub3A_324 : vector<16xf32>
          %mul3A_327 = arith.mulf %sub3A_325, %sub3A_325 : vector<16xf32>
          %add3A_328 = arith.addf %mul3A_326, %mul3A_327 : vector<16xf32>
          %le3A_329 = arith.cmpf ole, %add3A_328, %gather3A : vector<16xf32>
          %and3A_330 = arith.andi %le3A_329, %lt3A_161 : vector<16xi1>
          %ne3A_331 = vector.broadcast %add3A_96 : i32 to vector<16xi32>
          %ne3A_332 = arith.cmpi ne, %add3A_321, %ne3A_331 : vector<16xi32>
          %and3A_333 = arith.andi %and3A_330, %ne3A_332 : vector<16xi1>
          %jit3A_334 = arith.constant 1 : i32
          %jit3A_335 = arith.constant 0 : i32
          %broadcast_in_dim3A_336 = vector.broadcast %jit3A_334 : i32 to vector<16xi32>
          %broadcast_in_dim3A_337 = vector.broadcast %jit3A_335 : i32 to vector<16xi32>
          %select_n3A_338 = arith.select %and3A_333, %broadcast_in_dim3A_336, %broadcast_in_dim3A_337 : vector<16xi1>, vector<16xi32>
          %broadcast_in_dim3A_339 = arith.constant true
          %broadcast_in_dim3A_340 = vector.broadcast %broadcast_in_dim3A_339 : i1 to vector<16xi1>
          %masked_cumsum3A_341 = tpu.scan <sum>, %select_n3A_338 masked %broadcast_in_dim3A_340 : vector<16xi32>, vector<16xi1> -> vector<16xi32>
          %sub3A_342 = arith.constant 1 : i32
          %sub3A_343 = vector.broadcast %sub3A_342 : i32 to vector<16xi32>
          %sub3A_344 = arith.subi %masked_cumsum3A_341, %sub3A_343 : vector<16xi32>
          %add3A_345 = vector.broadcast %add3A_318 : i32 to vector<16xi32>
          %add3A_346 = arith.addi %sub3A_344, %add3A_345 : vector<16xi32>
          %lt3A_347 = arith.constant 64 : i32
          %lt3A_348 = vector.broadcast %lt3A_347 : i32 to vector<16xi32>
          %lt3A_349 = arith.cmpi slt, %add3A_346, %lt3A_348 : vector<16xi32>
          %and3A_350 = arith.andi %and3A_333, %lt3A_349 : vector<16xi1>
          %mul3A_351 = arith.constant 64 : i32
          %mul3A_352 = arith.muli %scan3A_91, %mul3A_351 : i32
          %add3A_353 = vector.broadcast %mul3A_352 : i32 to vector<16xi32>
          %add3A_354 = arith.addi %add3A_353, %add3A_346 : vector<16xi32>
          tpu.vector_store_idx %arg16[%add3A_354], %add3A_321 masked %and3A_350 : memref<512xi32, #tpu.memory_space<vmem>>[vector<16xi32>], vector<16xi32>, vector<16xi1>
          %reduce_sum3A_355 = arith.constant true
          %reduce_sum3A_356 = vector.broadcast %reduce_sum3A_355 : i1 to vector<16xi1>
          %reduce_sum3A_357 = tpu.scan <sum>, %select_n3A_338 masked %reduce_sum3A_356 : vector<16xi32>, vector<16xi1> -> vector<16xi32>
          %reduce_sum3A_358 = vector.extract %reduce_sum3A_357[15] : i32 from vector<16xi32>
          %add3A_359 = arith.addi %add3A_318, %reduce_sum3A_358 : i32
          %add3A_360 = arith.constant 2560 : i32
          %add3A_361 = vector.broadcast %add3A_360 : i32 to vector<16xi32>
          %add3A_362 = arith.addi %get3A_156, %add3A_361 : vector<16xi32>
          %gather3A_363 = tpu.vector_load_idx %arg9[%add3A_362] : memref<8192xf32, #tpu.memory_space<vmem>>[vector<16xi32>], vector<16xf32>,
          %gather3A_364 = tpu.vector_load_idx %arg10[%add3A_362] : memref<8192xf32, #tpu.memory_space<vmem>>[vector<16xi32>], vector<16xf32>,
          %sub3A_365 = arith.subf %gather3A_363, %gather3A_104 : vector<16xf32>
          %sub3A_366 = arith.subf %gather3A_364, %gather3A_105 : vector<16xf32>
          %mul3A_367 = arith.mulf %sub3A_365, %sub3A_365 : vector<16xf32>
          %mul3A_368 = arith.mulf %sub3A_366, %sub3A_366 : vector<16xf32>
          %add3A_369 = arith.addf %mul3A_367, %mul3A_368 : vector<16xf32>
          %le3A_370 = arith.cmpf ole, %add3A_369, %gather3A : vector<16xf32>
          %and3A_371 = arith.andi %le3A_370, %lt3A_161 : vector<16xi1>
          %ne3A_372 = vector.broadcast %add3A_96 : i32 to vector<16xi32>
          %ne3A_373 = arith.cmpi ne, %add3A_362, %ne3A_372 : vector<16xi32>
          %and3A_374 = arith.andi %and3A_371, %ne3A_373 : vector<16xi1>
          %jit3A_375 = arith.constant 1 : i32
          %jit3A_376 = arith.constant 0 : i32
          %broadcast_in_dim3A_377 = vector.broadcast %jit3A_375 : i32 to vector<16xi32>
          %broadcast_in_dim3A_378 = vector.broadcast %jit3A_376 : i32 to vector<16xi32>
          %select_n3A_379 = arith.select %and3A_374, %broadcast_in_dim3A_377, %broadcast_in_dim3A_378 : vector<16xi1>, vector<16xi32>
          %broadcast_in_dim3A_380 = arith.constant true
          %broadcast_in_dim3A_381 = vector.broadcast %broadcast_in_dim3A_380 : i1 to vector<16xi1>
          %masked_cumsum3A_382 = tpu.scan <sum>, %select_n3A_379 masked %broadcast_in_dim3A_381 : vector<16xi32>, vector<16xi1> -> vector<16xi32>
          %sub3A_383 = arith.constant 1 : i32
          %sub3A_384 = vector.broadcast %sub3A_383 : i32 to vector<16xi32>
          %sub3A_385 = arith.subi %masked_cumsum3A_382, %sub3A_384 : vector<16xi32>
          %add3A_386 = vector.broadcast %add3A_359 : i32 to vector<16xi32>
          %add3A_387 = arith.addi %sub3A_385, %add3A_386 : vector<16xi32>
          %lt3A_388 = arith.constant 64 : i32
          %lt3A_389 = vector.broadcast %lt3A_388 : i32 to vector<16xi32>
          %lt3A_390 = arith.cmpi slt, %add3A_387, %lt3A_389 : vector<16xi32>
          %and3A_391 = arith.andi %and3A_374, %lt3A_390 : vector<16xi1>
          %mul3A_392 = arith.constant 64 : i32
          %mul3A_393 = arith.muli %scan3A_91, %mul3A_392 : i32
          %add3A_394 = vector.broadcast %mul3A_393 : i32 to vector<16xi32>
          %add3A_395 = arith.addi %add3A_394, %add3A_387 : vector<16xi32>
          tpu.vector_store_idx %arg16[%add3A_395], %add3A_362 masked %and3A_391 : memref<512xi32, #tpu.memory_space<vmem>>[vector<16xi32>], vector<16xi32>, vector<16xi1>
          %reduce_sum3A_396 = arith.constant true
          %reduce_sum3A_397 = vector.broadcast %reduce_sum3A_396 : i1 to vector<16xi1>
          %reduce_sum3A_398 = tpu.scan <sum>, %select_n3A_379 masked %reduce_sum3A_397 : vector<16xi32>, vector<16xi1> -> vector<16xi32>
          %reduce_sum3A_399 = vector.extract %reduce_sum3A_398[15] : i32 from vector<16xi32>
          %add3A_400 = arith.addi %add3A_359, %reduce_sum3A_399 : i32
          %add3A_401 = arith.constant 3072 : i32
          %add3A_402 = vector.broadcast %add3A_401 : i32 to vector<16xi32>
          %add3A_403 = arith.addi %get3A_156, %add3A_402 : vector<16xi32>
          %gather3A_404 = tpu.vector_load_idx %arg9[%add3A_403] : memref<8192xf32, #tpu.memory_space<vmem>>[vector<16xi32>], vector<16xf32>,
          %gather3A_405 = tpu.vector_load_idx %arg10[%add3A_403] : memref<8192xf32, #tpu.memory_space<vmem>>[vector<16xi32>], vector<16xf32>,
          %sub3A_406 = arith.subf %gather3A_404, %gather3A_104 : vector<16xf32>
          %sub3A_407 = arith.subf %gather3A_405, %gather3A_105 : vector<16xf32>
          %mul3A_408 = arith.mulf %sub3A_406, %sub3A_406 : vector<16xf32>
          %mul3A_409 = arith.mulf %sub3A_407, %sub3A_407 : vector<16xf32>
          %add3A_410 = arith.addf %mul3A_408, %mul3A_409 : vector<16xf32>
          %le3A_411 = arith.cmpf ole, %add3A_410, %gather3A : vector<16xf32>
          %and3A_412 = arith.andi %le3A_411, %lt3A_161 : vector<16xi1>
          %ne3A_413 = vector.broadcast %add3A_96 : i32 to vector<16xi32>
          %ne3A_414 = arith.cmpi ne, %add3A_403, %ne3A_413 : vector<16xi32>
          %and3A_415 = arith.andi %and3A_412, %ne3A_414 : vector<16xi1>
          %jit3A_416 = arith.constant 1 : i32
          %jit3A_417 = arith.constant 0 : i32
          %broadcast_in_dim3A_418 = vector.broadcast %jit3A_416 : i32 to vector<16xi32>
          %broadcast_in_dim3A_419 = vector.broadcast %jit3A_417 : i32 to vector<16xi32>
          %select_n3A_420 = arith.select %and3A_415, %broadcast_in_dim3A_418, %broadcast_in_dim3A_419 : vector<16xi1>, vector<16xi32>
          %broadcast_in_dim3A_421 = arith.constant true
          %broadcast_in_dim3A_422 = vector.broadcast %broadcast_in_dim3A_421 : i1 to vector<16xi1>
          %masked_cumsum3A_423 = tpu.scan <sum>, %select_n3A_420 masked %broadcast_in_dim3A_422 : vector<16xi32>, vector<16xi1> -> vector<16xi32>
          %sub3A_424 = arith.constant 1 : i32
          %sub3A_425 = vector.broadcast %sub3A_424 : i32 to vector<16xi32>
          %sub3A_426 = arith.subi %masked_cumsum3A_423, %sub3A_425 : vector<16xi32>
          %add3A_427 = vector.broadcast %add3A_400 : i32 to vector<16xi32>
          %add3A_428 = arith.addi %sub3A_426, %add3A_427 : vector<16xi32>
          %lt3A_429 = arith.constant 64 : i32
          %lt3A_430 = vector.broadcast %lt3A_429 : i32 to vector<16xi32>
          %lt3A_431 = arith.cmpi slt, %add3A_428, %lt3A_430 : vector<16xi32>
          %and3A_432 = arith.andi %and3A_415, %lt3A_431 : vector<16xi1>
          %mul3A_433 = arith.constant 64 : i32
          %mul3A_434 = arith.muli %scan3A_91, %mul3A_433 : i32
          %add3A_435 = vector.broadcast %mul3A_434 : i32 to vector<16xi32>
          %add3A_436 = arith.addi %add3A_435, %add3A_428 : vector<16xi32>
          tpu.vector_store_idx %arg16[%add3A_436], %add3A_403 masked %and3A_432 : memref<512xi32, #tpu.memory_space<vmem>>[vector<16xi32>], vector<16xi32>, vector<16xi1>
          %reduce_sum3A_437 = arith.constant true
          %reduce_sum3A_438 = vector.broadcast %reduce_sum3A_437 : i1 to vector<16xi1>
          %reduce_sum3A_439 = tpu.scan <sum>, %select_n3A_420 masked %reduce_sum3A_438 : vector<16xi32>, vector<16xi1> -> vector<16xi32>
          %reduce_sum3A_440 = vector.extract %reduce_sum3A_439[15] : i32 from vector<16xi32>
          %add3A_441 = arith.addi %add3A_400, %reduce_sum3A_440 : i32
          %add3A_442 = arith.constant 3584 : i32
          %add3A_443 = vector.broadcast %add3A_442 : i32 to vector<16xi32>
          %add3A_444 = arith.addi %get3A_156, %add3A_443 : vector<16xi32>
          %gather3A_445 = tpu.vector_load_idx %arg9[%add3A_444] : memref<8192xf32, #tpu.memory_space<vmem>>[vector<16xi32>], vector<16xf32>,
          %gather3A_446 = tpu.vector_load_idx %arg10[%add3A_444] : memref<8192xf32, #tpu.memory_space<vmem>>[vector<16xi32>], vector<16xf32>,
          %sub3A_447 = arith.subf %gather3A_445, %gather3A_104 : vector<16xf32>
          %sub3A_448 = arith.subf %gather3A_446, %gather3A_105 : vector<16xf32>
          %mul3A_449 = arith.mulf %sub3A_447, %sub3A_447 : vector<16xf32>
          %mul3A_450 = arith.mulf %sub3A_448, %sub3A_448 : vector<16xf32>
          %add3A_451 = arith.addf %mul3A_449, %mul3A_450 : vector<16xf32>
          %le3A_452 = arith.cmpf ole, %add3A_451, %gather3A : vector<16xf32>
          %and3A_453 = arith.andi %le3A_452, %lt3A_161 : vector<16xi1>
          %ne3A_454 = vector.broadcast %add3A_96 : i32 to vector<16xi32>
          %ne3A_455 = arith.cmpi ne, %add3A_444, %ne3A_454 : vector<16xi32>
          %and3A_456 = arith.andi %and3A_453, %ne3A_455 : vector<16xi1>
          %jit3A_457 = arith.constant 1 : i32
          %jit3A_458 = arith.constant 0 : i32
          %broadcast_in_dim3A_459 = vector.broadcast %jit3A_457 : i32 to vector<16xi32>
          %broadcast_in_dim3A_460 = vector.broadcast %jit3A_458 : i32 to vector<16xi32>
          %select_n3A_461 = arith.select %and3A_456, %broadcast_in_dim3A_459, %broadcast_in_dim3A_460 : vector<16xi1>, vector<16xi32>
          %broadcast_in_dim3A_462 = arith.constant true
          %broadcast_in_dim3A_463 = vector.broadcast %broadcast_in_dim3A_462 : i1 to vector<16xi1>
          %masked_cumsum3A_464 = tpu.scan <sum>, %select_n3A_461 masked %broadcast_in_dim3A_463 : vector<16xi32>, vector<16xi1> -> vector<16xi32>
          %sub3A_465 = arith.constant 1 : i32
          %sub3A_466 = vector.broadcast %sub3A_465 : i32 to vector<16xi32>
          %sub3A_467 = arith.subi %masked_cumsum3A_464, %sub3A_466 : vector<16xi32>
          %add3A_468 = vector.broadcast %add3A_441 : i32 to vector<16xi32>
          %add3A_469 = arith.addi %sub3A_467, %add3A_468 : vector<16xi32>
          %lt3A_470 = arith.constant 64 : i32
          %lt3A_471 = vector.broadcast %lt3A_470 : i32 to vector<16xi32>
          %lt3A_472 = arith.cmpi slt, %add3A_469, %lt3A_471 : vector<16xi32>
          %and3A_473 = arith.andi %and3A_456, %lt3A_472 : vector<16xi1>
          %mul3A_474 = arith.constant 64 : i32
          %mul3A_475 = arith.muli %scan3A_91, %mul3A_474 : i32
          %add3A_476 = vector.broadcast %mul3A_475 : i32 to vector<16xi32>
          %add3A_477 = arith.addi %add3A_476, %add3A_469 : vector<16xi32>
          tpu.vector_store_idx %arg16[%add3A_477], %add3A_444 masked %and3A_473 : memref<512xi32, #tpu.memory_space<vmem>>[vector<16xi32>], vector<16xi32>, vector<16xi1>
          %reduce_sum3A_478 = arith.constant true
          %reduce_sum3A_479 = vector.broadcast %reduce_sum3A_478 : i1 to vector<16xi1>
          %reduce_sum3A_480 = tpu.scan <sum>, %select_n3A_461 masked %reduce_sum3A_479 : vector<16xi32>, vector<16xi1> -> vector<16xi32>
          %reduce_sum3A_481 = vector.extract %reduce_sum3A_480[15] : i32 from vector<16xi32>
          %add3A_482 = arith.addi %add3A_441, %reduce_sum3A_481 : i32
          %add3A_483 = arith.constant 4096 : i32
          %add3A_484 = vector.broadcast %add3A_483 : i32 to vector<16xi32>
          %add3A_485 = arith.addi %get3A_156, %add3A_484 : vector<16xi32>
          %gather3A_486 = tpu.vector_load_idx %arg9[%add3A_485] : memref<8192xf32, #tpu.memory_space<vmem>>[vector<16xi32>], vector<16xf32>,
          %gather3A_487 = tpu.vector_load_idx %arg10[%add3A_485] : memref<8192xf32, #tpu.memory_space<vmem>>[vector<16xi32>], vector<16xf32>,
          %sub3A_488 = arith.subf %gather3A_486, %gather3A_104 : vector<16xf32>
          %sub3A_489 = arith.subf %gather3A_487, %gather3A_105 : vector<16xf32>
          %mul3A_490 = arith.mulf %sub3A_488, %sub3A_488 : vector<16xf32>
          %mul3A_491 = arith.mulf %sub3A_489, %sub3A_489 : vector<16xf32>
          %add3A_492 = arith.addf %mul3A_490, %mul3A_491 : vector<16xf32>
          %le3A_493 = arith.cmpf ole, %add3A_492, %gather3A : vector<16xf32>
          %and3A_494 = arith.andi %le3A_493, %lt3A_161 : vector<16xi1>
          %ne3A_495 = vector.broadcast %add3A_96 : i32 to vector<16xi32>
          %ne3A_496 = arith.cmpi ne, %add3A_485, %ne3A_495 : vector<16xi32>
          %and3A_497 = arith.andi %and3A_494, %ne3A_496 : vector<16xi1>
          %jit3A_498 = arith.constant 1 : i32
          %jit3A_499 = arith.constant 0 : i32
          %broadcast_in_dim3A_500 = vector.broadcast %jit3A_498 : i32 to vector<16xi32>
          %broadcast_in_dim3A_501 = vector.broadcast %jit3A_499 : i32 to vector<16xi32>
          %select_n3A_502 = arith.select %and3A_497, %broadcast_in_dim3A_500, %broadcast_in_dim3A_501 : vector<16xi1>, vector<16xi32>
          %broadcast_in_dim3A_503 = arith.constant true
          %broadcast_in_dim3A_504 = vector.broadcast %broadcast_in_dim3A_503 : i1 to vector<16xi1>
          %masked_cumsum3A_505 = tpu.scan <sum>, %select_n3A_502 masked %broadcast_in_dim3A_504 : vector<16xi32>, vector<16xi1> -> vector<16xi32>
          %sub3A_506 = arith.constant 1 : i32
          %sub3A_507 = vector.broadcast %sub3A_506 : i32 to vector<16xi32>
          %sub3A_508 = arith.subi %masked_cumsum3A_505, %sub3A_507 : vector<16xi32>
          %add3A_509 = vector.broadcast %add3A_482 : i32 to vector<16xi32>
          %add3A_510 = arith.addi %sub3A_508, %add3A_509 : vector<16xi32>
          %lt3A_511 = arith.constant 64 : i32
          %lt3A_512 = vector.broadcast %lt3A_511 : i32 to vector<16xi32>
          %lt3A_513 = arith.cmpi slt, %add3A_510, %lt3A_512 : vector<16xi32>
          %and3A_514 = arith.andi %and3A_497, %lt3A_513 : vector<16xi1>
          %mul3A_515 = arith.constant 64 : i32
          %mul3A_516 = arith.muli %scan3A_91, %mul3A_515 : i32
          %add3A_517 = vector.broadcast %mul3A_516 : i32 to vector<16xi32>
          %add3A_518 = arith.addi %add3A_517, %add3A_510 : vector<16xi32>
          tpu.vector_store_idx %arg16[%add3A_518], %add3A_485 masked %and3A_514 : memref<512xi32, #tpu.memory_space<vmem>>[vector<16xi32>], vector<16xi32>, vector<16xi1>
          %reduce_sum3A_519 = arith.constant true
          %reduce_sum3A_520 = vector.broadcast %reduce_sum3A_519 : i1 to vector<16xi1>
          %reduce_sum3A_521 = tpu.scan <sum>, %select_n3A_502 masked %reduce_sum3A_520 : vector<16xi32>, vector<16xi1> -> vector<16xi32>
          %reduce_sum3A_522 = vector.extract %reduce_sum3A_521[15] : i32 from vector<16xi32>
          %add3A_523 = arith.addi %add3A_482, %reduce_sum3A_522 : i32
          %add3A_524 = arith.constant 4608 : i32
          %add3A_525 = vector.broadcast %add3A_524 : i32 to vector<16xi32>
          %add3A_526 = arith.addi %get3A_156, %add3A_525 : vector<16xi32>
          %gather3A_527 = tpu.vector_load_idx %arg9[%add3A_526] : memref<8192xf32, #tpu.memory_space<vmem>>[vector<16xi32>], vector<16xf32>,
          %gather3A_528 = tpu.vector_load_idx %arg10[%add3A_526] : memref<8192xf32, #tpu.memory_space<vmem>>[vector<16xi32>], vector<16xf32>,
          %sub3A_529 = arith.subf %gather3A_527, %gather3A_104 : vector<16xf32>
          %sub3A_530 = arith.subf %gather3A_528, %gather3A_105 : vector<16xf32>
          %mul3A_531 = arith.mulf %sub3A_529, %sub3A_529 : vector<16xf32>
          %mul3A_532 = arith.mulf %sub3A_530, %sub3A_530 : vector<16xf32>
          %add3A_533 = arith.addf %mul3A_531, %mul3A_532 : vector<16xf32>
          %le3A_534 = arith.cmpf ole, %add3A_533, %gather3A : vector<16xf32>
          %and3A_535 = arith.andi %le3A_534, %lt3A_161 : vector<16xi1>
          %ne3A_536 = vector.broadcast %add3A_96 : i32 to vector<16xi32>
          %ne3A_537 = arith.cmpi ne, %add3A_526, %ne3A_536 : vector<16xi32>
          %and3A_538 = arith.andi %and3A_535, %ne3A_537 : vector<16xi1>
          %jit3A_539 = arith.constant 1 : i32
          %jit3A_540 = arith.constant 0 : i32
          %broadcast_in_dim3A_541 = vector.broadcast %jit3A_539 : i32 to vector<16xi32>
          %broadcast_in_dim3A_542 = vector.broadcast %jit3A_540 : i32 to vector<16xi32>
          %select_n3A_543 = arith.select %and3A_538, %broadcast_in_dim3A_541, %broadcast_in_dim3A_542 : vector<16xi1>, vector<16xi32>
          %broadcast_in_dim3A_544 = arith.constant true
          %broadcast_in_dim3A_545 = vector.broadcast %broadcast_in_dim3A_544 : i1 to vector<16xi1>
          %masked_cumsum3A_546 = tpu.scan <sum>, %select_n3A_543 masked %broadcast_in_dim3A_545 : vector<16xi32>, vector<16xi1> -> vector<16xi32>
          %sub3A_547 = arith.constant 1 : i32
          %sub3A_548 = vector.broadcast %sub3A_547 : i32 to vector<16xi32>
          %sub3A_549 = arith.subi %masked_cumsum3A_546, %sub3A_548 : vector<16xi32>
          %add3A_550 = vector.broadcast %add3A_523 : i32 to vector<16xi32>
          %add3A_551 = arith.addi %sub3A_549, %add3A_550 : vector<16xi32>
          %lt3A_552 = arith.constant 64 : i32
          %lt3A_553 = vector.broadcast %lt3A_552 : i32 to vector<16xi32>
          %lt3A_554 = arith.cmpi slt, %add3A_551, %lt3A_553 : vector<16xi32>
          %and3A_555 = arith.andi %and3A_538, %lt3A_554 : vector<16xi1>
          %mul3A_556 = arith.constant 64 : i32
          %mul3A_557 = arith.muli %scan3A_91, %mul3A_556 : i32
          %add3A_558 = vector.broadcast %mul3A_557 : i32 to vector<16xi32>
          %add3A_559 = arith.addi %add3A_558, %add3A_551 : vector<16xi32>
          tpu.vector_store_idx %arg16[%add3A_559], %add3A_526 masked %and3A_555 : memref<512xi32, #tpu.memory_space<vmem>>[vector<16xi32>], vector<16xi32>, vector<16xi1>
          %reduce_sum3A_560 = arith.constant true
          %reduce_sum3A_561 = vector.broadcast %reduce_sum3A_560 : i1 to vector<16xi1>
          %reduce_sum3A_562 = tpu.scan <sum>, %select_n3A_543 masked %reduce_sum3A_561 : vector<16xi32>, vector<16xi1> -> vector<16xi32>
          %reduce_sum3A_563 = vector.extract %reduce_sum3A_562[15] : i32 from vector<16xi32>
          %add3A_564 = arith.addi %add3A_523, %reduce_sum3A_563 : i32
          %add3A_565 = arith.constant 5120 : i32
          %add3A_566 = vector.broadcast %add3A_565 : i32 to vector<16xi32>
          %add3A_567 = arith.addi %get3A_156, %add3A_566 : vector<16xi32>
          %gather3A_568 = tpu.vector_load_idx %arg9[%add3A_567] : memref<8192xf32, #tpu.memory_space<vmem>>[vector<16xi32>], vector<16xf32>,
          %gather3A_569 = tpu.vector_load_idx %arg10[%add3A_567] : memref<8192xf32, #tpu.memory_space<vmem>>[vector<16xi32>], vector<16xf32>,
          %sub3A_570 = arith.subf %gather3A_568, %gather3A_104 : vector<16xf32>
          %sub3A_571 = arith.subf %gather3A_569, %gather3A_105 : vector<16xf32>
          %mul3A_572 = arith.mulf %sub3A_570, %sub3A_570 : vector<16xf32>
          %mul3A_573 = arith.mulf %sub3A_571, %sub3A_571 : vector<16xf32>
          %add3A_574 = arith.addf %mul3A_572, %mul3A_573 : vector<16xf32>
          %le3A_575 = arith.cmpf ole, %add3A_574, %gather3A : vector<16xf32>
          %and3A_576 = arith.andi %le3A_575, %lt3A_161 : vector<16xi1>
          %ne3A_577 = vector.broadcast %add3A_96 : i32 to vector<16xi32>
          %ne3A_578 = arith.cmpi ne, %add3A_567, %ne3A_577 : vector<16xi32>
          %and3A_579 = arith.andi %and3A_576, %ne3A_578 : vector<16xi1>
          %jit3A_580 = arith.constant 1 : i32
          %jit3A_581 = arith.constant 0 : i32
          %broadcast_in_dim3A_582 = vector.broadcast %jit3A_580 : i32 to vector<16xi32>
          %broadcast_in_dim3A_583 = vector.broadcast %jit3A_581 : i32 to vector<16xi32>
          %select_n3A_584 = arith.select %and3A_579, %broadcast_in_dim3A_582, %broadcast_in_dim3A_583 : vector<16xi1>, vector<16xi32>
          %broadcast_in_dim3A_585 = arith.constant true
          %broadcast_in_dim3A_586 = vector.broadcast %broadcast_in_dim3A_585 : i1 to vector<16xi1>
          %masked_cumsum3A_587 = tpu.scan <sum>, %select_n3A_584 masked %broadcast_in_dim3A_586 : vector<16xi32>, vector<16xi1> -> vector<16xi32>
          %sub3A_588 = arith.constant 1 : i32
          %sub3A_589 = vector.broadcast %sub3A_588 : i32 to vector<16xi32>
          %sub3A_590 = arith.subi %masked_cumsum3A_587, %sub3A_589 : vector<16xi32>
          %add3A_591 = vector.broadcast %add3A_564 : i32 to vector<16xi32>
          %add3A_592 = arith.addi %sub3A_590, %add3A_591 : vector<16xi32>
          %lt3A_593 = arith.constant 64 : i32
          %lt3A_594 = vector.broadcast %lt3A_593 : i32 to vector<16xi32>
          %lt3A_595 = arith.cmpi slt, %add3A_592, %lt3A_594 : vector<16xi32>
          %and3A_596 = arith.andi %and3A_579, %lt3A_595 : vector<16xi1>
          %mul3A_597 = arith.constant 64 : i32
          %mul3A_598 = arith.muli %scan3A_91, %mul3A_597 : i32
          %add3A_599 = vector.broadcast %mul3A_598 : i32 to vector<16xi32>
          %add3A_600 = arith.addi %add3A_599, %add3A_592 : vector<16xi32>
          tpu.vector_store_idx %arg16[%add3A_600], %add3A_567 masked %and3A_596 : memref<512xi32, #tpu.memory_space<vmem>>[vector<16xi32>], vector<16xi32>, vector<16xi1>
          %reduce_sum3A_601 = arith.constant true
          %reduce_sum3A_602 = vector.broadcast %reduce_sum3A_601 : i1 to vector<16xi1>
          %reduce_sum3A_603 = tpu.scan <sum>, %select_n3A_584 masked %reduce_sum3A_602 : vector<16xi32>, vector<16xi1> -> vector<16xi32>
          %reduce_sum3A_604 = vector.extract %reduce_sum3A_603[15] : i32 from vector<16xi32>
          %add3A_605 = arith.addi %add3A_564, %reduce_sum3A_604 : i32
          %add3A_606 = arith.constant 5632 : i32
          %add3A_607 = vector.broadcast %add3A_606 : i32 to vector<16xi32>
          %add3A_608 = arith.addi %get3A_156, %add3A_607 : vector<16xi32>
          %gather3A_609 = tpu.vector_load_idx %arg9[%add3A_608] : memref<8192xf32, #tpu.memory_space<vmem>>[vector<16xi32>], vector<16xf32>,
          %gather3A_610 = tpu.vector_load_idx %arg10[%add3A_608] : memref<8192xf32, #tpu.memory_space<vmem>>[vector<16xi32>], vector<16xf32>,
          %sub3A_611 = arith.subf %gather3A_609, %gather3A_104 : vector<16xf32>
          %sub3A_612 = arith.subf %gather3A_610, %gather3A_105 : vector<16xf32>
          %mul3A_613 = arith.mulf %sub3A_611, %sub3A_611 : vector<16xf32>
          %mul3A_614 = arith.mulf %sub3A_612, %sub3A_612 : vector<16xf32>
          %add3A_615 = arith.addf %mul3A_613, %mul3A_614 : vector<16xf32>
          %le3A_616 = arith.cmpf ole, %add3A_615, %gather3A : vector<16xf32>
          %and3A_617 = arith.andi %le3A_616, %lt3A_161 : vector<16xi1>
          %ne3A_618 = vector.broadcast %add3A_96 : i32 to vector<16xi32>
          %ne3A_619 = arith.cmpi ne, %add3A_608, %ne3A_618 : vector<16xi32>
          %and3A_620 = arith.andi %and3A_617, %ne3A_619 : vector<16xi1>
          %jit3A_621 = arith.constant 1 : i32
          %jit3A_622 = arith.constant 0 : i32
          %broadcast_in_dim3A_623 = vector.broadcast %jit3A_621 : i32 to vector<16xi32>
          %broadcast_in_dim3A_624 = vector.broadcast %jit3A_622 : i32 to vector<16xi32>
          %select_n3A_625 = arith.select %and3A_620, %broadcast_in_dim3A_623, %broadcast_in_dim3A_624 : vector<16xi1>, vector<16xi32>
          %broadcast_in_dim3A_626 = arith.constant true
          %broadcast_in_dim3A_627 = vector.broadcast %broadcast_in_dim3A_626 : i1 to vector<16xi1>
          %masked_cumsum3A_628 = tpu.scan <sum>, %select_n3A_625 masked %broadcast_in_dim3A_627 : vector<16xi32>, vector<16xi1> -> vector<16xi32>
          %sub3A_629 = arith.constant 1 : i32
          %sub3A_630 = vector.broadcast %sub3A_629 : i32 to vector<16xi32>
          %sub3A_631 = arith.subi %masked_cumsum3A_628, %sub3A_630 : vector<16xi32>
          %add3A_632 = vector.broadcast %add3A_605 : i32 to vector<16xi32>
          %add3A_633 = arith.addi %sub3A_631, %add3A_632 : vector<16xi32>
          %lt3A_634 = arith.constant 64 : i32
          %lt3A_635 = vector.broadcast %lt3A_634 : i32 to vector<16xi32>
          %lt3A_636 = arith.cmpi slt, %add3A_633, %lt3A_635 : vector<16xi32>
          %and3A_637 = arith.andi %and3A_620, %lt3A_636 : vector<16xi1>
          %mul3A_638 = arith.constant 64 : i32
          %mul3A_639 = arith.muli %scan3A_91, %mul3A_638 : i32
          %add3A_640 = vector.broadcast %mul3A_639 : i32 to vector<16xi32>
          %add3A_641 = arith.addi %add3A_640, %add3A_633 : vector<16xi32>
          tpu.vector_store_idx %arg16[%add3A_641], %add3A_608 masked %and3A_637 : memref<512xi32, #tpu.memory_space<vmem>>[vector<16xi32>], vector<16xi32>, vector<16xi1>
          %reduce_sum3A_642 = arith.constant true
          %reduce_sum3A_643 = vector.broadcast %reduce_sum3A_642 : i1 to vector<16xi1>
          %reduce_sum3A_644 = tpu.scan <sum>, %select_n3A_625 masked %reduce_sum3A_643 : vector<16xi32>, vector<16xi1> -> vector<16xi32>
          %reduce_sum3A_645 = vector.extract %reduce_sum3A_644[15] : i32 from vector<16xi32>
          %add3A_646 = arith.addi %add3A_605, %reduce_sum3A_645 : i32
          %add3A_647 = arith.constant 6144 : i32
          %add3A_648 = vector.broadcast %add3A_647 : i32 to vector<16xi32>
          %add3A_649 = arith.addi %get3A_156, %add3A_648 : vector<16xi32>
          %gather3A_650 = tpu.vector_load_idx %arg9[%add3A_649] : memref<8192xf32, #tpu.memory_space<vmem>>[vector<16xi32>], vector<16xf32>,
          %gather3A_651 = tpu.vector_load_idx %arg10[%add3A_649] : memref<8192xf32, #tpu.memory_space<vmem>>[vector<16xi32>], vector<16xf32>,
          %sub3A_652 = arith.subf %gather3A_650, %gather3A_104 : vector<16xf32>
          %sub3A_653 = arith.subf %gather3A_651, %gather3A_105 : vector<16xf32>
          %mul3A_654 = arith.mulf %sub3A_652, %sub3A_652 : vector<16xf32>
          %mul3A_655 = arith.mulf %sub3A_653, %sub3A_653 : vector<16xf32>
          %add3A_656 = arith.addf %mul3A_654, %mul3A_655 : vector<16xf32>
          %le3A_657 = arith.cmpf ole, %add3A_656, %gather3A : vector<16xf32>
          %and3A_658 = arith.andi %le3A_657, %lt3A_161 : vector<16xi1>
          %ne3A_659 = vector.broadcast %add3A_96 : i32 to vector<16xi32>
          %ne3A_660 = arith.cmpi ne, %add3A_649, %ne3A_659 : vector<16xi32>
          %and3A_661 = arith.andi %and3A_658, %ne3A_660 : vector<16xi1>
          %jit3A_662 = arith.constant 1 : i32
          %jit3A_663 = arith.constant 0 : i32
          %broadcast_in_dim3A_664 = vector.broadcast %jit3A_662 : i32 to vector<16xi32>
          %broadcast_in_dim3A_665 = vector.broadcast %jit3A_663 : i32 to vector<16xi32>
          %select_n3A_666 = arith.select %and3A_661, %broadcast_in_dim3A_664, %broadcast_in_dim3A_665 : vector<16xi1>, vector<16xi32>
          %broadcast_in_dim3A_667 = arith.constant true
          %broadcast_in_dim3A_668 = vector.broadcast %broadcast_in_dim3A_667 : i1 to vector<16xi1>
          %masked_cumsum3A_669 = tpu.scan <sum>, %select_n3A_666 masked %broadcast_in_dim3A_668 : vector<16xi32>, vector<16xi1> -> vector<16xi32>
          %sub3A_670 = arith.constant 1 : i32
          %sub3A_671 = vector.broadcast %sub3A_670 : i32 to vector<16xi32>
          %sub3A_672 = arith.subi %masked_cumsum3A_669, %sub3A_671 : vector<16xi32>
          %add3A_673 = vector.broadcast %add3A_646 : i32 to vector<16xi32>
          %add3A_674 = arith.addi %sub3A_672, %add3A_673 : vector<16xi32>
          %lt3A_675 = arith.constant 64 : i32
          %lt3A_676 = vector.broadcast %lt3A_675 : i32 to vector<16xi32>
          %lt3A_677 = arith.cmpi slt, %add3A_674, %lt3A_676 : vector<16xi32>
          %and3A_678 = arith.andi %and3A_661, %lt3A_677 : vector<16xi1>
          %mul3A_679 = arith.constant 64 : i32
          %mul3A_680 = arith.muli %scan3A_91, %mul3A_679 : i32
          %add3A_681 = vector.broadcast %mul3A_680 : i32 to vector<16xi32>
          %add3A_682 = arith.addi %add3A_681, %add3A_674 : vector<16xi32>
          tpu.vector_store_idx %arg16[%add3A_682], %add3A_649 masked %and3A_678 : memref<512xi32, #tpu.memory_space<vmem>>[vector<16xi32>], vector<16xi32>, vector<16xi1>
          %reduce_sum3A_683 = arith.constant true
          %reduce_sum3A_684 = vector.broadcast %reduce_sum3A_683 : i1 to vector<16xi1>
          %reduce_sum3A_685 = tpu.scan <sum>, %select_n3A_666 masked %reduce_sum3A_684 : vector<16xi32>, vector<16xi1> -> vector<16xi32>
          %reduce_sum3A_686 = vector.extract %reduce_sum3A_685[15] : i32 from vector<16xi32>
          %add3A_687 = arith.addi %add3A_646, %reduce_sum3A_686 : i32
          %add3A_688 = arith.constant 6656 : i32
          %add3A_689 = vector.broadcast %add3A_688 : i32 to vector<16xi32>
          %add3A_690 = arith.addi %get3A_156, %add3A_689 : vector<16xi32>
          %gather3A_691 = tpu.vector_load_idx %arg9[%add3A_690] : memref<8192xf32, #tpu.memory_space<vmem>>[vector<16xi32>], vector<16xf32>,
          %gather3A_692 = tpu.vector_load_idx %arg10[%add3A_690] : memref<8192xf32, #tpu.memory_space<vmem>>[vector<16xi32>], vector<16xf32>,
          %sub3A_693 = arith.subf %gather3A_691, %gather3A_104 : vector<16xf32>
          %sub3A_694 = arith.subf %gather3A_692, %gather3A_105 : vector<16xf32>
          %mul3A_695 = arith.mulf %sub3A_693, %sub3A_693 : vector<16xf32>
          %mul3A_696 = arith.mulf %sub3A_694, %sub3A_694 : vector<16xf32>
          %add3A_697 = arith.addf %mul3A_695, %mul3A_696 : vector<16xf32>
          %le3A_698 = arith.cmpf ole, %add3A_697, %gather3A : vector<16xf32>
          %and3A_699 = arith.andi %le3A_698, %lt3A_161 : vector<16xi1>
          %ne3A_700 = vector.broadcast %add3A_96 : i32 to vector<16xi32>
          %ne3A_701 = arith.cmpi ne, %add3A_690, %ne3A_700 : vector<16xi32>
          %and3A_702 = arith.andi %and3A_699, %ne3A_701 : vector<16xi1>
          %jit3A_703 = arith.constant 1 : i32
          %jit3A_704 = arith.constant 0 : i32
          %broadcast_in_dim3A_705 = vector.broadcast %jit3A_703 : i32 to vector<16xi32>
          %broadcast_in_dim3A_706 = vector.broadcast %jit3A_704 : i32 to vector<16xi32>
          %select_n3A_707 = arith.select %and3A_702, %broadcast_in_dim3A_705, %broadcast_in_dim3A_706 : vector<16xi1>, vector<16xi32>
          %broadcast_in_dim3A_708 = arith.constant true
          %broadcast_in_dim3A_709 = vector.broadcast %broadcast_in_dim3A_708 : i1 to vector<16xi1>
          %masked_cumsum3A_710 = tpu.scan <sum>, %select_n3A_707 masked %broadcast_in_dim3A_709 : vector<16xi32>, vector<16xi1> -> vector<16xi32>
          %sub3A_711 = arith.constant 1 : i32
          %sub3A_712 = vector.broadcast %sub3A_711 : i32 to vector<16xi32>
          %sub3A_713 = arith.subi %masked_cumsum3A_710, %sub3A_712 : vector<16xi32>
          %add3A_714 = vector.broadcast %add3A_687 : i32 to vector<16xi32>
          %add3A_715 = arith.addi %sub3A_713, %add3A_714 : vector<16xi32>
          %lt3A_716 = arith.constant 64 : i32
          %lt3A_717 = vector.broadcast %lt3A_716 : i32 to vector<16xi32>
          %lt3A_718 = arith.cmpi slt, %add3A_715, %lt3A_717 : vector<16xi32>
          %and3A_719 = arith.andi %and3A_702, %lt3A_718 : vector<16xi1>
          %mul3A_720 = arith.constant 64 : i32
          %mul3A_721 = arith.muli %scan3A_91, %mul3A_720 : i32
          %add3A_722 = vector.broadcast %mul3A_721 : i32 to vector<16xi32>
          %add3A_723 = arith.addi %add3A_722, %add3A_715 : vector<16xi32>
          tpu.vector_store_idx %arg16[%add3A_723], %add3A_690 masked %and3A_719 : memref<512xi32, #tpu.memory_space<vmem>>[vector<16xi32>], vector<16xi32>, vector<16xi1>
          %reduce_sum3A_724 = arith.constant true
          %reduce_sum3A_725 = vector.broadcast %reduce_sum3A_724 : i1 to vector<16xi1>
          %reduce_sum3A_726 = tpu.scan <sum>, %select_n3A_707 masked %reduce_sum3A_725 : vector<16xi32>, vector<16xi1> -> vector<16xi32>
          %reduce_sum3A_727 = vector.extract %reduce_sum3A_726[15] : i32 from vector<16xi32>
          %add3A_728 = arith.addi %add3A_687, %reduce_sum3A_727 : i32
          %add3A_729 = arith.constant 7168 : i32
          %add3A_730 = vector.broadcast %add3A_729 : i32 to vector<16xi32>
          %add3A_731 = arith.addi %get3A_156, %add3A_730 : vector<16xi32>
          %gather3A_732 = tpu.vector_load_idx %arg9[%add3A_731] : memref<8192xf32, #tpu.memory_space<vmem>>[vector<16xi32>], vector<16xf32>,
          %gather3A_733 = tpu.vector_load_idx %arg10[%add3A_731] : memref<8192xf32, #tpu.memory_space<vmem>>[vector<16xi32>], vector<16xf32>,
          %sub3A_734 = arith.subf %gather3A_732, %gather3A_104 : vector<16xf32>
          %sub3A_735 = arith.subf %gather3A_733, %gather3A_105 : vector<16xf32>
          %mul3A_736 = arith.mulf %sub3A_734, %sub3A_734 : vector<16xf32>
          %mul3A_737 = arith.mulf %sub3A_735, %sub3A_735 : vector<16xf32>
          %add3A_738 = arith.addf %mul3A_736, %mul3A_737 : vector<16xf32>
          %le3A_739 = arith.cmpf ole, %add3A_738, %gather3A : vector<16xf32>
          %and3A_740 = arith.andi %le3A_739, %lt3A_161 : vector<16xi1>
          %ne3A_741 = vector.broadcast %add3A_96 : i32 to vector<16xi32>
          %ne3A_742 = arith.cmpi ne, %add3A_731, %ne3A_741 : vector<16xi32>
          %and3A_743 = arith.andi %and3A_740, %ne3A_742 : vector<16xi1>
          %jit3A_744 = arith.constant 1 : i32
          %jit3A_745 = arith.constant 0 : i32
          %broadcast_in_dim3A_746 = vector.broadcast %jit3A_744 : i32 to vector<16xi32>
          %broadcast_in_dim3A_747 = vector.broadcast %jit3A_745 : i32 to vector<16xi32>
          %select_n3A_748 = arith.select %and3A_743, %broadcast_in_dim3A_746, %broadcast_in_dim3A_747 : vector<16xi1>, vector<16xi32>
          %broadcast_in_dim3A_749 = arith.constant true
          %broadcast_in_dim3A_750 = vector.broadcast %broadcast_in_dim3A_749 : i1 to vector<16xi1>
          %masked_cumsum3A_751 = tpu.scan <sum>, %select_n3A_748 masked %broadcast_in_dim3A_750 : vector<16xi32>, vector<16xi1> -> vector<16xi32>
          %sub3A_752 = arith.constant 1 : i32
          %sub3A_753 = vector.broadcast %sub3A_752 : i32 to vector<16xi32>
          %sub3A_754 = arith.subi %masked_cumsum3A_751, %sub3A_753 : vector<16xi32>
          %add3A_755 = vector.broadcast %add3A_728 : i32 to vector<16xi32>
          %add3A_756 = arith.addi %sub3A_754, %add3A_755 : vector<16xi32>
          %lt3A_757 = arith.constant 64 : i32
          %lt3A_758 = vector.broadcast %lt3A_757 : i32 to vector<16xi32>
          %lt3A_759 = arith.cmpi slt, %add3A_756, %lt3A_758 : vector<16xi32>
          %and3A_760 = arith.andi %and3A_743, %lt3A_759 : vector<16xi1>
          %mul3A_761 = arith.constant 64 : i32
          %mul3A_762 = arith.muli %scan3A_91, %mul3A_761 : i32
          %add3A_763 = vector.broadcast %mul3A_762 : i32 to vector<16xi32>
          %add3A_764 = arith.addi %add3A_763, %add3A_756 : vector<16xi32>
          tpu.vector_store_idx %arg16[%add3A_764], %add3A_731 masked %and3A_760 : memref<512xi32, #tpu.memory_space<vmem>>[vector<16xi32>], vector<16xi32>, vector<16xi1>
          %reduce_sum3A_765 = arith.constant true
          %reduce_sum3A_766 = vector.broadcast %reduce_sum3A_765 : i1 to vector<16xi1>
          %reduce_sum3A_767 = tpu.scan <sum>, %select_n3A_748 masked %reduce_sum3A_766 : vector<16xi32>, vector<16xi1> -> vector<16xi32>
          %reduce_sum3A_768 = vector.extract %reduce_sum3A_767[15] : i32 from vector<16xi32>
          %add3A_769 = arith.addi %add3A_728, %reduce_sum3A_768 : i32
          %add3A_770 = arith.constant 7680 : i32
          %add3A_771 = vector.broadcast %add3A_770 : i32 to vector<16xi32>
          %add3A_772 = arith.addi %get3A_156, %add3A_771 : vector<16xi32>
          %gather3A_773 = tpu.vector_load_idx %arg9[%add3A_772] : memref<8192xf32, #tpu.memory_space<vmem>>[vector<16xi32>], vector<16xf32>,
          %gather3A_774 = tpu.vector_load_idx %arg10[%add3A_772] : memref<8192xf32, #tpu.memory_space<vmem>>[vector<16xi32>], vector<16xf32>,
          %sub3A_775 = arith.subf %gather3A_773, %gather3A_104 : vector<16xf32>
          %sub3A_776 = arith.subf %gather3A_774, %gather3A_105 : vector<16xf32>
          %mul3A_777 = arith.mulf %sub3A_775, %sub3A_775 : vector<16xf32>
          %mul3A_778 = arith.mulf %sub3A_776, %sub3A_776 : vector<16xf32>
          %add3A_779 = arith.addf %mul3A_777, %mul3A_778 : vector<16xf32>
          %le3A_780 = arith.cmpf ole, %add3A_779, %gather3A : vector<16xf32>
          %and3A_781 = arith.andi %le3A_780, %lt3A_161 : vector<16xi1>
          %ne3A_782 = vector.broadcast %add3A_96 : i32 to vector<16xi32>
          %ne3A_783 = arith.cmpi ne, %add3A_772, %ne3A_782 : vector<16xi32>
          %and3A_784 = arith.andi %and3A_781, %ne3A_783 : vector<16xi1>
          %jit3A_785 = arith.constant 1 : i32
          %jit3A_786 = arith.constant 0 : i32
          %broadcast_in_dim3A_787 = vector.broadcast %jit3A_785 : i32 to vector<16xi32>
          %broadcast_in_dim3A_788 = vector.broadcast %jit3A_786 : i32 to vector<16xi32>
          %select_n3A_789 = arith.select %and3A_784, %broadcast_in_dim3A_787, %broadcast_in_dim3A_788 : vector<16xi1>, vector<16xi32>
          %broadcast_in_dim3A_790 = arith.constant true
          %broadcast_in_dim3A_791 = vector.broadcast %broadcast_in_dim3A_790 : i1 to vector<16xi1>
          %masked_cumsum3A_792 = tpu.scan <sum>, %select_n3A_789 masked %broadcast_in_dim3A_791 : vector<16xi32>, vector<16xi1> -> vector<16xi32>
          %sub3A_793 = arith.constant 1 : i32
          %sub3A_794 = vector.broadcast %sub3A_793 : i32 to vector<16xi32>
          %sub3A_795 = arith.subi %masked_cumsum3A_792, %sub3A_794 : vector<16xi32>
          %add3A_796 = vector.broadcast %add3A_769 : i32 to vector<16xi32>
          %add3A_797 = arith.addi %sub3A_795, %add3A_796 : vector<16xi32>
          %lt3A_798 = arith.constant 64 : i32
          %lt3A_799 = vector.broadcast %lt3A_798 : i32 to vector<16xi32>
          %lt3A_800 = arith.cmpi slt, %add3A_797, %lt3A_799 : vector<16xi32>
          %and3A_801 = arith.andi %and3A_784, %lt3A_800 : vector<16xi1>
          %mul3A_802 = arith.constant 64 : i32
          %mul3A_803 = arith.muli %scan3A_91, %mul3A_802 : i32
          %add3A_804 = vector.broadcast %mul3A_803 : i32 to vector<16xi32>
          %add3A_805 = arith.addi %add3A_804, %add3A_797 : vector<16xi32>
          tpu.vector_store_idx %arg16[%add3A_805], %add3A_772 masked %and3A_801 : memref<512xi32, #tpu.memory_space<vmem>>[vector<16xi32>], vector<16xi32>, vector<16xi1>
          %reduce_sum3A_806 = arith.constant true
          %reduce_sum3A_807 = vector.broadcast %reduce_sum3A_806 : i1 to vector<16xi1>
          %reduce_sum3A_808 = tpu.scan <sum>, %select_n3A_789 masked %reduce_sum3A_807 : vector<16xi32>, vector<16xi1> -> vector<16xi32>
          %reduce_sum3A_809 = vector.extract %reduce_sum3A_808[15] : i32 from vector<16xi32>
          %add3A_810 = arith.addi %add3A_769, %reduce_sum3A_809 : i32
          scf.yield %add3A_810 : i32
        }
        %while3A_149 = arith.constant 1 : i32
        %while3A_150 = scf.for %while3A_152 = %while3A_146 to %while3A_142 step %while3A_149 iter_args(%while3A_153 = %while3A_148) -> (i32)  : i32 {
          %mul3A_154 = arith.constant 16 : i32
          %mul3A_155 = arith.muli %while3A_152, %mul3A_154 : i32
          %get3A = arith.index_cast %mul3A_155 : i32 to index
          %get3A_156 = tpu.vector_load %arg15[%get3A] {strides = array<i32>} : memref<64xi32, #tpu.memory_space<vmem>>, vector<16xi32>,
          %mul3A_157 = arith.constant 16 : i32
          %mul3A_158 = arith.muli %while3A_152, %mul3A_157 : i32
          %add3A_159 = vector.broadcast %mul3A_158 : i32 to vector<16xi32>
          %add3A_160 = arith.addi %add3A_159, %iota3A : vector<16xi32>
          %lt3A = vector.broadcast %min3A_135 : i32 to vector<16xi32>
          %lt3A_161 = arith.cmpi slt, %add3A_160, %lt3A : vector<16xi32>
          %add3A_162 = arith.constant 0 : i32
          %add3A_163 = vector.broadcast %add3A_162 : i32 to vector<16xi32>
          %add3A_164 = arith.addi %get3A_156, %add3A_163 : vector<16xi32>
          %gather3A_165 = tpu.vector_load_idx %arg9[%add3A_164] : memref<8192xf32, #tpu.memory_space<vmem>>[vector<16xi32>], vector<16xf32>,
          %gather3A_166 = tpu.vector_load_idx %arg10[%add3A_164] : memref<8192xf32, #tpu.memory_space<vmem>>[vector<16xi32>], vector<16xf32>,
          %sub3A_167 = arith.subf %gather3A_165, %gather3A_104 : vector<16xf32>
          %sub3A_168 = arith.subf %gather3A_166, %gather3A_105 : vector<16xf32>
          %mul3A_169 = arith.mulf %sub3A_167, %sub3A_167 : vector<16xf32>
          %mul3A_170 = arith.mulf %sub3A_168, %sub3A_168 : vector<16xf32>
          %add3A_171 = arith.addf %mul3A_169, %mul3A_170 : vector<16xf32>
          %le3A = arith.cmpf ole, %add3A_171, %gather3A : vector<16xf32>
          %and3A = arith.andi %le3A, %lt3A_161 : vector<16xi1>
          %ne3A = vector.broadcast %add3A_96 : i32 to vector<16xi32>
          %ne3A_172 = arith.cmpi ne, %add3A_164, %ne3A : vector<16xi32>
          %and3A_173 = arith.andi %and3A, %ne3A_172 : vector<16xi1>
          %jit3A = arith.constant 1 : i32
          %jit3A_174 = arith.constant 0 : i32
          %broadcast_in_dim3A_175 = vector.broadcast %jit3A : i32 to vector<16xi32>
          %broadcast_in_dim3A_176 = vector.broadcast %jit3A_174 : i32 to vector<16xi32>
          %select_n3A = arith.select %and3A_173, %broadcast_in_dim3A_175, %broadcast_in_dim3A_176 : vector<16xi1>, vector<16xi32>
          %broadcast_in_dim3A_177 = arith.constant true
          %broadcast_in_dim3A_178 = vector.broadcast %broadcast_in_dim3A_177 : i1 to vector<16xi1>
          %masked_cumsum3A = tpu.scan <sum>, %select_n3A masked %broadcast_in_dim3A_178 : vector<16xi32>, vector<16xi1> -> vector<16xi32>
          %sub3A_179 = arith.constant 1 : i32
          %sub3A_180 = vector.broadcast %sub3A_179 : i32 to vector<16xi32>
          %sub3A_181 = arith.subi %masked_cumsum3A, %sub3A_180 : vector<16xi32>
          %add3A_182 = vector.broadcast %while3A_153 : i32 to vector<16xi32>
          %add3A_183 = arith.addi %sub3A_181, %add3A_182 : vector<16xi32>
          %lt3A_184 = arith.constant 64 : i32
          %lt3A_185 = vector.broadcast %lt3A_184 : i32 to vector<16xi32>
          %lt3A_186 = arith.cmpi slt, %add3A_183, %lt3A_185 : vector<16xi32>
          %and3A_187 = arith.andi %and3A_173, %lt3A_186 : vector<16xi1>
          %mul3A_188 = arith.constant 64 : i32
          %mul3A_189 = arith.muli %scan3A_91, %mul3A_188 : i32
          %add3A_190 = vector.broadcast %mul3A_189 : i32 to vector<16xi32>
          %add3A_191 = arith.addi %add3A_190, %add3A_183 : vector<16xi32>
          tpu.vector_store_idx %arg16[%add3A_191], %add3A_164 masked %and3A_187 : memref<512xi32, #tpu.memory_space<vmem>>[vector<16xi32>], vector<16xi32>, vector<16xi1>
          %reduce_sum3A = arith.constant true
          %reduce_sum3A_192 = vector.broadcast %reduce_sum3A : i1 to vector<16xi1>
          %reduce_sum3A_193 = tpu.scan <sum>, %select_n3A masked %reduce_sum3A_192 : vector<16xi32>, vector<16xi1> -> vector<16xi32>
          %reduce_sum3A_194 = vector.extract %reduce_sum3A_193[15] : i32 from vector<16xi32>
          %add3A_195 = arith.addi %while3A_153, %reduce_sum3A_194 : i32
          %add3A_196 = arith.constant 512 : i32
          %add3A_197 = vector.broadcast %add3A_196 : i32 to vector<16xi32>
          %add3A_198 = arith.addi %get3A_156, %add3A_197 : vector<16xi32>
          %gather3A_199 = tpu.vector_load_idx %arg9[%add3A_198] : memref<8192xf32, #tpu.memory_space<vmem>>[vector<16xi32>], vector<16xf32>,
          %gather3A_200 = tpu.vector_load_idx %arg10[%add3A_198] : memref<8192xf32, #tpu.memory_space<vmem>>[vector<16xi32>], vector<16xf32>,
          %sub3A_201 = arith.subf %gather3A_199, %gather3A_104 : vector<16xf32>
          %sub3A_202 = arith.subf %gather3A_200, %gather3A_105 : vector<16xf32>
          %mul3A_203 = arith.mulf %sub3A_201, %sub3A_201 : vector<16xf32>
          %mul3A_204 = arith.mulf %sub3A_202, %sub3A_202 : vector<16xf32>
          %add3A_205 = arith.addf %mul3A_203, %mul3A_204 : vector<16xf32>
          %le3A_206 = arith.cmpf ole, %add3A_205, %gather3A : vector<16xf32>
          %and3A_207 = arith.andi %le3A_206, %lt3A_161 : vector<16xi1>
          %ne3A_208 = vector.broadcast %add3A_96 : i32 to vector<16xi32>
          %ne3A_209 = arith.cmpi ne, %add3A_198, %ne3A_208 : vector<16xi32>
          %and3A_210 = arith.andi %and3A_207, %ne3A_209 : vector<16xi1>
          %jit3A_211 = arith.constant 1 : i32
          %jit3A_212 = arith.constant 0 : i32
          %broadcast_in_dim3A_213 = vector.broadcast %jit3A_211 : i32 to vector<16xi32>
          %broadcast_in_dim3A_214 = vector.broadcast %jit3A_212 : i32 to vector<16xi32>
          %select_n3A_215 = arith.select %and3A_210, %broadcast_in_dim3A_213, %broadcast_in_dim3A_214 : vector<16xi1>, vector<16xi32>
          %broadcast_in_dim3A_216 = arith.constant true
          %broadcast_in_dim3A_217 = vector.broadcast %broadcast_in_dim3A_216 : i1 to vector<16xi1>
          %masked_cumsum3A_218 = tpu.scan <sum>, %select_n3A_215 masked %broadcast_in_dim3A_217 : vector<16xi32>, vector<16xi1> -> vector<16xi32>
          %sub3A_219 = arith.constant 1 : i32
          %sub3A_220 = vector.broadcast %sub3A_219 : i32 to vector<16xi32>
          %sub3A_221 = arith.subi %masked_cumsum3A_218, %sub3A_220 : vector<16xi32>
          %add3A_222 = vector.broadcast %add3A_195 : i32 to vector<16xi32>
          %add3A_223 = arith.addi %sub3A_221, %add3A_222 : vector<16xi32>
          %lt3A_224 = arith.constant 64 : i32
          %lt3A_225 = vector.broadcast %lt3A_224 : i32 to vector<16xi32>
          %lt3A_226 = arith.cmpi slt, %add3A_223, %lt3A_225 : vector<16xi32>
          %and3A_227 = arith.andi %and3A_210, %lt3A_226 : vector<16xi1>
          %mul3A_228 = arith.constant 64 : i32
          %mul3A_229 = arith.muli %scan3A_91, %mul3A_228 : i32
          %add3A_230 = vector.broadcast %mul3A_229 : i32 to vector<16xi32>
          %add3A_231 = arith.addi %add3A_230, %add3A_223 : vector<16xi32>
          tpu.vector_store_idx %arg16[%add3A_231], %add3A_198 masked %and3A_227 : memref<512xi32, #tpu.memory_space<vmem>>[vector<16xi32>], vector<16xi32>, vector<16xi1>
          %reduce_sum3A_232 = arith.constant true
          %reduce_sum3A_233 = vector.broadcast %reduce_sum3A_232 : i1 to vector<16xi1>
          %reduce_sum3A_234 = tpu.scan <sum>, %select_n3A_215 masked %reduce_sum3A_233 : vector<16xi32>, vector<16xi1> -> vector<16xi32>
          %reduce_sum3A_235 = vector.extract %reduce_sum3A_234[15] : i32 from vector<16xi32>
          %add3A_236 = arith.addi %add3A_195, %reduce_sum3A_235 : i32
          %add3A_237 = arith.constant 1024 : i32
          %add3A_238 = vector.broadcast %add3A_237 : i32 to vector<16xi32>
          %add3A_239 = arith.addi %get3A_156, %add3A_238 : vector<16xi32>
          %gather3A_240 = tpu.vector_load_idx %arg9[%add3A_239] : memref<8192xf32, #tpu.memory_space<vmem>>[vector<16xi32>], vector<16xf32>,
          %gather3A_241 = tpu.vector_load_idx %arg10[%add3A_239] : memref<8192xf32, #tpu.memory_space<vmem>>[vector<16xi32>], vector<16xf32>,
          %sub3A_242 = arith.subf %gather3A_240, %gather3A_104 : vector<16xf32>
          %sub3A_243 = arith.subf %gather3A_241, %gather3A_105 : vector<16xf32>
          %mul3A_244 = arith.mulf %sub3A_242, %sub3A_242 : vector<16xf32>
          %mul3A_245 = arith.mulf %sub3A_243, %sub3A_243 : vector<16xf32>
          %add3A_246 = arith.addf %mul3A_244, %mul3A_245 : vector<16xf32>
          %le3A_247 = arith.cmpf ole, %add3A_246, %gather3A : vector<16xf32>
          %and3A_248 = arith.andi %le3A_247, %lt3A_161 : vector<16xi1>
          %ne3A_249 = vector.broadcast %add3A_96 : i32 to vector<16xi32>
          %ne3A_250 = arith.cmpi ne, %add3A_239, %ne3A_249 : vector<16xi32>
          %and3A_251 = arith.andi %and3A_248, %ne3A_250 : vector<16xi1>
          %jit3A_252 = arith.constant 1 : i32
          %jit3A_253 = arith.constant 0 : i32
          %broadcast_in_dim3A_254 = vector.broadcast %jit3A_252 : i32 to vector<16xi32>
          %broadcast_in_dim3A_255 = vector.broadcast %jit3A_253 : i32 to vector<16xi32>
          %select_n3A_256 = arith.select %and3A_251, %broadcast_in_dim3A_254, %broadcast_in_dim3A_255 : vector<16xi1>, vector<16xi32>
          %broadcast_in_dim3A_257 = arith.constant true
          %broadcast_in_dim3A_258 = vector.broadcast %broadcast_in_dim3A_257 : i1 to vector<16xi1>
          %masked_cumsum3A_259 = tpu.scan <sum>, %select_n3A_256 masked %broadcast_in_dim3A_258 : vector<16xi32>, vector<16xi1> -> vector<16xi32>
          %sub3A_260 = arith.constant 1 : i32
          %sub3A_261 = vector.broadcast %sub3A_260 : i32 to vector<16xi32>
          %sub3A_262 = arith.subi %masked_cumsum3A_259, %sub3A_261 : vector<16xi32>
          %add3A_263 = vector.broadcast %add3A_236 : i32 to vector<16xi32>
          %add3A_264 = arith.addi %sub3A_262, %add3A_263 : vector<16xi32>
          %lt3A_265 = arith.constant 64 : i32
          %lt3A_266 = vector.broadcast %lt3A_265 : i32 to vector<16xi32>
          %lt3A_267 = arith.cmpi slt, %add3A_264, %lt3A_266 : vector<16xi32>
          %and3A_268 = arith.andi %and3A_251, %lt3A_267 : vector<16xi1>
          %mul3A_269 = arith.constant 64 : i32
          %mul3A_270 = arith.muli %scan3A_91, %mul3A_269 : i32
          %add3A_271 = vector.broadcast %mul3A_270 : i32 to vector<16xi32>
          %add3A_272 = arith.addi %add3A_271, %add3A_264 : vector<16xi32>
          tpu.vector_store_idx %arg16[%add3A_272], %add3A_239 masked %and3A_268 : memref<512xi32, #tpu.memory_space<vmem>>[vector<16xi32>], vector<16xi32>, vector<16xi1>
          %reduce_sum3A_273 = arith.constant true
          %reduce_sum3A_274 = vector.broadcast %reduce_sum3A_273 : i1 to vector<16xi1>
          %reduce_sum3A_275 = tpu.scan <sum>, %select_n3A_256 masked %reduce_sum3A_274 : vector<16xi32>, vector<16xi1> -> vector<16xi32>
          %reduce_sum3A_276 = vector.extract %reduce_sum3A_275[15] : i32 from vector<16xi32>
          %add3A_277 = arith.addi %add3A_236, %reduce_sum3A_276 : i32
          %add3A_278 = arith.constant 1536 : i32
          %add3A_279 = vector.broadcast %add3A_278 : i32 to vector<16xi32>
          %add3A_280 = arith.addi %get3A_156, %add3A_279 : vector<16xi32>
          %gather3A_281 = tpu.vector_load_idx %arg9[%add3A_280] : memref<8192xf32, #tpu.memory_space<vmem>>[vector<16xi32>], vector<16xf32>,
          %gather3A_282 = tpu.vector_load_idx %arg10[%add3A_280] : memref<8192xf32, #tpu.memory_space<vmem>>[vector<16xi32>], vector<16xf32>,
          %sub3A_283 = arith.subf %gather3A_281, %gather3A_104 : vector<16xf32>
          %sub3A_284 = arith.subf %gather3A_282, %gather3A_105 : vector<16xf32>
          %mul3A_285 = arith.mulf %sub3A_283, %sub3A_283 : vector<16xf32>
          %mul3A_286 = arith.mulf %sub3A_284, %sub3A_284 : vector<16xf32>
          %add3A_287 = arith.addf %mul3A_285, %mul3A_286 : vector<16xf32>
          %le3A_288 = arith.cmpf ole, %add3A_287, %gather3A : vector<16xf32>
          %and3A_289 = arith.andi %le3A_288, %lt3A_161 : vector<16xi1>
          %ne3A_290 = vector.broadcast %add3A_96 : i32 to vector<16xi32>
          %ne3A_291 = arith.cmpi ne, %add3A_280, %ne3A_290 : vector<16xi32>
          %and3A_292 = arith.andi %and3A_289, %ne3A_291 : vector<16xi1>
          %jit3A_293 = arith.constant 1 : i32
          %jit3A_294 = arith.constant 0 : i32
          %broadcast_in_dim3A_295 = vector.broadcast %jit3A_293 : i32 to vector<16xi32>
          %broadcast_in_dim3A_296 = vector.broadcast %jit3A_294 : i32 to vector<16xi32>
          %select_n3A_297 = arith.select %and3A_292, %broadcast_in_dim3A_295, %broadcast_in_dim3A_296 : vector<16xi1>, vector<16xi32>
          %broadcast_in_dim3A_298 = arith.constant true
          %broadcast_in_dim3A_299 = vector.broadcast %broadcast_in_dim3A_298 : i1 to vector<16xi1>
          %masked_cumsum3A_300 = tpu.scan <sum>, %select_n3A_297 masked %broadcast_in_dim3A_299 : vector<16xi32>, vector<16xi1> -> vector<16xi32>
          %sub3A_301 = arith.constant 1 : i32
          %sub3A_302 = vector.broadcast %sub3A_301 : i32 to vector<16xi32>
          %sub3A_303 = arith.subi %masked_cumsum3A_300, %sub3A_302 : vector<16xi32>
          %add3A_304 = vector.broadcast %add3A_277 : i32 to vector<16xi32>
          %add3A_305 = arith.addi %sub3A_303, %add3A_304 : vector<16xi32>
          %lt3A_306 = arith.constant 64 : i32
          %lt3A_307 = vector.broadcast %lt3A_306 : i32 to vector<16xi32>
          %lt3A_308 = arith.cmpi slt, %add3A_305, %lt3A_307 : vector<16xi32>
          %and3A_309 = arith.andi %and3A_292, %lt3A_308 : vector<16xi1>
          %mul3A_310 = arith.constant 64 : i32
          %mul3A_311 = arith.muli %scan3A_91, %mul3A_310 : i32
          %add3A_312 = vector.broadcast %mul3A_311 : i32 to vector<16xi32>
          %add3A_313 = arith.addi %add3A_312, %add3A_305 : vector<16xi32>
          tpu.vector_store_idx %arg16[%add3A_313], %add3A_280 masked %and3A_309 : memref<512xi32, #tpu.memory_space<vmem>>[vector<16xi32>], vector<16xi32>, vector<16xi1>
          %reduce_sum3A_314 = arith.constant true
          %reduce_sum3A_315 = vector.broadcast %reduce_sum3A_314 : i1 to vector<16xi1>
          %reduce_sum3A_316 = tpu.scan <sum>, %select_n3A_297 masked %reduce_sum3A_315 : vector<16xi32>, vector<16xi1> -> vector<16xi32>
          %reduce_sum3A_317 = vector.extract %reduce_sum3A_316[15] : i32 from vector<16xi32>
          %add3A_318 = arith.addi %add3A_277, %reduce_sum3A_317 : i32
          %add3A_319 = arith.constant 2048 : i32
          %add3A_320 = vector.broadcast %add3A_319 : i32 to vector<16xi32>
          %add3A_321 = arith.addi %get3A_156, %add3A_320 : vector<16xi32>
          %gather3A_322 = tpu.vector_load_idx %arg9[%add3A_321] : memref<8192xf32, #tpu.memory_space<vmem>>[vector<16xi32>], vector<16xf32>,
          %gather3A_323 = tpu.vector_load_idx %arg10[%add3A_321] : memref<8192xf32, #tpu.memory_space<vmem>>[vector<16xi32>], vector<16xf32>,
          %sub3A_324 = arith.subf %gather3A_322, %gather3A_104 : vector<16xf32>
          %sub3A_325 = arith.subf %gather3A_323, %gather3A_105 : vector<16xf32>
          %mul3A_326 = arith.mulf %sub3A_324, %sub3A_324 : vector<16xf32>
          %mul3A_327 = arith.mulf %sub3A_325, %sub3A_325 : vector<16xf32>
          %add3A_328 = arith.addf %mul3A_326, %mul3A_327 : vector<16xf32>
          %le3A_329 = arith.cmpf ole, %add3A_328, %gather3A : vector<16xf32>
          %and3A_330 = arith.andi %le3A_329, %lt3A_161 : vector<16xi1>
          %ne3A_331 = vector.broadcast %add3A_96 : i32 to vector<16xi32>
          %ne3A_332 = arith.cmpi ne, %add3A_321, %ne3A_331 : vector<16xi32>
          %and3A_333 = arith.andi %and3A_330, %ne3A_332 : vector<16xi1>
          %jit3A_334 = arith.constant 1 : i32
          %jit3A_335 = arith.constant 0 : i32
          %broadcast_in_dim3A_336 = vector.broadcast %jit3A_334 : i32 to vector<16xi32>
          %broadcast_in_dim3A_337 = vector.broadcast %jit3A_335 : i32 to vector<16xi32>
          %select_n3A_338 = arith.select %and3A_333, %broadcast_in_dim3A_336, %broadcast_in_dim3A_337 : vector<16xi1>, vector<16xi32>
          %broadcast_in_dim3A_339 = arith.constant true
          %broadcast_in_dim3A_340 = vector.broadcast %broadcast_in_dim3A_339 : i1 to vector<16xi1>
          %masked_cumsum3A_341 = tpu.scan <sum>, %select_n3A_338 masked %broadcast_in_dim3A_340 : vector<16xi32>, vector<16xi1> -> vector<16xi32>
          %sub3A_342 = arith.constant 1 : i32
          %sub3A_343 = vector.broadcast %sub3A_342 : i32 to vector<16xi32>
          %sub3A_344 = arith.subi %masked_cumsum3A_341, %sub3A_343 : vector<16xi32>
          %add3A_345 = vector.broadcast %add3A_318 : i32 to vector<16xi32>
          %add3A_346 = arith.addi %sub3A_344, %add3A_345 : vector<16xi32>
          %lt3A_347 = arith.constant 64 : i32
          %lt3A_348 = vector.broadcast %lt3A_347 : i32 to vector<16xi32>
          %lt3A_349 = arith.cmpi slt, %add3A_346, %lt3A_348 : vector<16xi32>
          %and3A_350 = arith.andi %and3A_333, %lt3A_349 : vector<16xi1>
          %mul3A_351 = arith.constant 64 : i32
          %mul3A_352 = arith.muli %scan3A_91, %mul3A_351 : i32
          %add3A_353 = vector.broadcast %mul3A_352 : i32 to vector<16xi32>
          %add3A_354 = arith.addi %add3A_353, %add3A_346 : vector<16xi32>
          tpu.vector_store_idx %arg16[%add3A_354], %add3A_321 masked %and3A_350 : memref<512xi32, #tpu.memory_space<vmem>>[vector<16xi32>], vector<16xi32>, vector<16xi1>
          %reduce_sum3A_355 = arith.constant true
          %reduce_sum3A_356 = vector.broadcast %reduce_sum3A_355 : i1 to vector<16xi1>
          %reduce_sum3A_357 = tpu.scan <sum>, %select_n3A_338 masked %reduce_sum3A_356 : vector<16xi32>, vector<16xi1> -> vector<16xi32>
          %reduce_sum3A_358 = vector.extract %reduce_sum3A_357[15] : i32 from vector<16xi32>
          %add3A_359 = arith.addi %add3A_318, %reduce_sum3A_358 : i32
          %add3A_360 = arith.constant 2560 : i32
          %add3A_361 = vector.broadcast %add3A_360 : i32 to vector<16xi32>
          %add3A_362 = arith.addi %get3A_156, %add3A_361 : vector<16xi32>
          %gather3A_363 = tpu.vector_load_idx %arg9[%add3A_362] : memref<8192xf32, #tpu.memory_space<vmem>>[vector<16xi32>], vector<16xf32>,
          %gather3A_364 = tpu.vector_load_idx %arg10[%add3A_362] : memref<8192xf32, #tpu.memory_space<vmem>>[vector<16xi32>], vector<16xf32>,
          %sub3A_365 = arith.subf %gather3A_363, %gather3A_104 : vector<16xf32>
          %sub3A_366 = arith.subf %gather3A_364, %gather3A_105 : vector<16xf32>
          %mul3A_367 = arith.mulf %sub3A_365, %sub3A_365 : vector<16xf32>
          %mul3A_368 = arith.mulf %sub3A_366, %sub3A_366 : vector<16xf32>
          %add3A_369 = arith.addf %mul3A_367, %mul3A_368 : vector<16xf32>
          %le3A_370 = arith.cmpf ole, %add3A_369, %gather3A : vector<16xf32>
          %and3A_371 = arith.andi %le3A_370, %lt3A_161 : vector<16xi1>
          %ne3A_372 = vector.broadcast %add3A_96 : i32 to vector<16xi32>
          %ne3A_373 = arith.cmpi ne, %add3A_362, %ne3A_372 : vector<16xi32>
          %and3A_374 = arith.andi %and3A_371, %ne3A_373 : vector<16xi1>
          %jit3A_375 = arith.constant 1 : i32
          %jit3A_376 = arith.constant 0 : i32
          %broadcast_in_dim3A_377 = vector.broadcast %jit3A_375 : i32 to vector<16xi32>
          %broadcast_in_dim3A_378 = vector.broadcast %jit3A_376 : i32 to vector<16xi32>
          %select_n3A_379 = arith.select %and3A_374, %broadcast_in_dim3A_377, %broadcast_in_dim3A_378 : vector<16xi1>, vector<16xi32>
          %broadcast_in_dim3A_380 = arith.constant true
          %broadcast_in_dim3A_381 = vector.broadcast %broadcast_in_dim3A_380 : i1 to vector<16xi1>
          %masked_cumsum3A_382 = tpu.scan <sum>, %select_n3A_379 masked %broadcast_in_dim3A_381 : vector<16xi32>, vector<16xi1> -> vector<16xi32>
          %sub3A_383 = arith.constant 1 : i32
          %sub3A_384 = vector.broadcast %sub3A_383 : i32 to vector<16xi32>
          %sub3A_385 = arith.subi %masked_cumsum3A_382, %sub3A_384 : vector<16xi32>
          %add3A_386 = vector.broadcast %add3A_359 : i32 to vector<16xi32>
          %add3A_387 = arith.addi %sub3A_385, %add3A_386 : vector<16xi32>
          %lt3A_388 = arith.constant 64 : i32
          %lt3A_389 = vector.broadcast %lt3A_388 : i32 to vector<16xi32>
          %lt3A_390 = arith.cmpi slt, %add3A_387, %lt3A_389 : vector<16xi32>
          %and3A_391 = arith.andi %and3A_374, %lt3A_390 : vector<16xi1>
          %mul3A_392 = arith.constant 64 : i32
          %mul3A_393 = arith.muli %scan3A_91, %mul3A_392 : i32
          %add3A_394 = vector.broadcast %mul3A_393 : i32 to vector<16xi32>
          %add3A_395 = arith.addi %add3A_394, %add3A_387 : vector<16xi32>
          tpu.vector_store_idx %arg16[%add3A_395], %add3A_362 masked %and3A_391 : memref<512xi32, #tpu.memory_space<vmem>>[vector<16xi32>], vector<16xi32>, vector<16xi1>
          %reduce_sum3A_396 = arith.constant true
          %reduce_sum3A_397 = vector.broadcast %reduce_sum3A_396 : i1 to vector<16xi1>
          %reduce_sum3A_398 = tpu.scan <sum>, %select_n3A_379 masked %reduce_sum3A_397 : vector<16xi32>, vector<16xi1> -> vector<16xi32>
          %reduce_sum3A_399 = vector.extract %reduce_sum3A_398[15] : i32 from vector<16xi32>
          %add3A_400 = arith.addi %add3A_359, %reduce_sum3A_399 : i32
          %add3A_401 = arith.constant 3072 : i32
          %add3A_402 = vector.broadcast %add3A_401 : i32 to vector<16xi32>
          %add3A_403 = arith.addi %get3A_156, %add3A_402 : vector<16xi32>
          %gather3A_404 = tpu.vector_load_idx %arg9[%add3A_403] : memref<8192xf32, #tpu.memory_space<vmem>>[vector<16xi32>], vector<16xf32>,
          %gather3A_405 = tpu.vector_load_idx %arg10[%add3A_403] : memref<8192xf32, #tpu.memory_space<vmem>>[vector<16xi32>], vector<16xf32>,
          %sub3A_406 = arith.subf %gather3A_404, %gather3A_104 : vector<16xf32>
          %sub3A_407 = arith.subf %gather3A_405, %gather3A_105 : vector<16xf32>
          %mul3A_408 = arith.mulf %sub3A_406, %sub3A_406 : vector<16xf32>
          %mul3A_409 = arith.mulf %sub3A_407, %sub3A_407 : vector<16xf32>
          %add3A_410 = arith.addf %mul3A_408, %mul3A_409 : vector<16xf32>
          %le3A_411 = arith.cmpf ole, %add3A_410, %gather3A : vector<16xf32>
          %and3A_412 = arith.andi %le3A_411, %lt3A_161 : vector<16xi1>
          %ne3A_413 = vector.broadcast %add3A_96 : i32 to vector<16xi32>
          %ne3A_414 = arith.cmpi ne, %add3A_403, %ne3A_413 : vector<16xi32>
          %and3A_415 = arith.andi %and3A_412, %ne3A_414 : vector<16xi1>
          %jit3A_416 = arith.constant 1 : i32
          %jit3A_417 = arith.constant 0 : i32
          %broadcast_in_dim3A_418 = vector.broadcast %jit3A_416 : i32 to vector<16xi32>
          %broadcast_in_dim3A_419 = vector.broadcast %jit3A_417 : i32 to vector<16xi32>
          %select_n3A_420 = arith.select %and3A_415, %broadcast_in_dim3A_418, %broadcast_in_dim3A_419 : vector<16xi1>, vector<16xi32>
          %broadcast_in_dim3A_421 = arith.constant true
          %broadcast_in_dim3A_422 = vector.broadcast %broadcast_in_dim3A_421 : i1 to vector<16xi1>
          %masked_cumsum3A_423 = tpu.scan <sum>, %select_n3A_420 masked %broadcast_in_dim3A_422 : vector<16xi32>, vector<16xi1> -> vector<16xi32>
          %sub3A_424 = arith.constant 1 : i32
          %sub3A_425 = vector.broadcast %sub3A_424 : i32 to vector<16xi32>
          %sub3A_426 = arith.subi %masked_cumsum3A_423, %sub3A_425 : vector<16xi32>
          %add3A_427 = vector.broadcast %add3A_400 : i32 to vector<16xi32>
          %add3A_428 = arith.addi %sub3A_426, %add3A_427 : vector<16xi32>
          %lt3A_429 = arith.constant 64 : i32
          %lt3A_430 = vector.broadcast %lt3A_429 : i32 to vector<16xi32>
          %lt3A_431 = arith.cmpi slt, %add3A_428, %lt3A_430 : vector<16xi32>
          %and3A_432 = arith.andi %and3A_415, %lt3A_431 : vector<16xi1>
          %mul3A_433 = arith.constant 64 : i32
          %mul3A_434 = arith.muli %scan3A_91, %mul3A_433 : i32
          %add3A_435 = vector.broadcast %mul3A_434 : i32 to vector<16xi32>
          %add3A_436 = arith.addi %add3A_435, %add3A_428 : vector<16xi32>
          tpu.vector_store_idx %arg16[%add3A_436], %add3A_403 masked %and3A_432 : memref<512xi32, #tpu.memory_space<vmem>>[vector<16xi32>], vector<16xi32>, vector<16xi1>
          %reduce_sum3A_437 = arith.constant true
          %reduce_sum3A_438 = vector.broadcast %reduce_sum3A_437 : i1 to vector<16xi1>
          %reduce_sum3A_439 = tpu.scan <sum>, %select_n3A_420 masked %reduce_sum3A_438 : vector<16xi32>, vector<16xi1> -> vector<16xi32>
          %reduce_sum3A_440 = vector.extract %reduce_sum3A_439[15] : i32 from vector<16xi32>
          %add3A_441 = arith.addi %add3A_400, %reduce_sum3A_440 : i32
          %add3A_442 = arith.constant 3584 : i32
          %add3A_443 = vector.broadcast %add3A_442 : i32 to vector<16xi32>
          %add3A_444 = arith.addi %get3A_156, %add3A_443 : vector<16xi32>
          %gather3A_445 = tpu.vector_load_idx %arg9[%add3A_444] : memref<8192xf32, #tpu.memory_space<vmem>>[vector<16xi32>], vector<16xf32>,
          %gather3A_446 = tpu.vector_load_idx %arg10[%add3A_444] : memref<8192xf32, #tpu.memory_space<vmem>>[vector<16xi32>], vector<16xf32>,
          %sub3A_447 = arith.subf %gather3A_445, %gather3A_104 : vector<16xf32>
          %sub3A_448 = arith.subf %gather3A_446, %gather3A_105 : vector<16xf32>
          %mul3A_449 = arith.mulf %sub3A_447, %sub3A_447 : vector<16xf32>
          %mul3A_450 = arith.mulf %sub3A_448, %sub3A_448 : vector<16xf32>
          %add3A_451 = arith.addf %mul3A_449, %mul3A_450 : vector<16xf32>
          %le3A_452 = arith.cmpf ole, %add3A_451, %gather3A : vector<16xf32>
          %and3A_453 = arith.andi %le3A_452, %lt3A_161 : vector<16xi1>
          %ne3A_454 = vector.broadcast %add3A_96 : i32 to vector<16xi32>
          %ne3A_455 = arith.cmpi ne, %add3A_444, %ne3A_454 : vector<16xi32>
          %and3A_456 = arith.andi %and3A_453, %ne3A_455 : vector<16xi1>
          %jit3A_457 = arith.constant 1 : i32
          %jit3A_458 = arith.constant 0 : i32
          %broadcast_in_dim3A_459 = vector.broadcast %jit3A_457 : i32 to vector<16xi32>
          %broadcast_in_dim3A_460 = vector.broadcast %jit3A_458 : i32 to vector<16xi32>
          %select_n3A_461 = arith.select %and3A_456, %broadcast_in_dim3A_459, %broadcast_in_dim3A_460 : vector<16xi1>, vector<16xi32>
          %broadcast_in_dim3A_462 = arith.constant true
          %broadcast_in_dim3A_463 = vector.broadcast %broadcast_in_dim3A_462 : i1 to vector<16xi1>
          %masked_cumsum3A_464 = tpu.scan <sum>, %select_n3A_461 masked %broadcast_in_dim3A_463 : vector<16xi32>, vector<16xi1> -> vector<16xi32>
          %sub3A_465 = arith.constant 1 : i32
          %sub3A_466 = vector.broadcast %sub3A_465 : i32 to vector<16xi32>
          %sub3A_467 = arith.subi %masked_cumsum3A_464, %sub3A_466 : vector<16xi32>
          %add3A_468 = vector.broadcast %add3A_441 : i32 to vector<16xi32>
          %add3A_469 = arith.addi %sub3A_467, %add3A_468 : vector<16xi32>
          %lt3A_470 = arith.constant 64 : i32
          %lt3A_471 = vector.broadcast %lt3A_470 : i32 to vector<16xi32>
          %lt3A_472 = arith.cmpi slt, %add3A_469, %lt3A_471 : vector<16xi32>
          %and3A_473 = arith.andi %and3A_456, %lt3A_472 : vector<16xi1>
          %mul3A_474 = arith.constant 64 : i32
          %mul3A_475 = arith.muli %scan3A_91, %mul3A_474 : i32
          %add3A_476 = vector.broadcast %mul3A_475 : i32 to vector<16xi32>
          %add3A_477 = arith.addi %add3A_476, %add3A_469 : vector<16xi32>
          tpu.vector_store_idx %arg16[%add3A_477], %add3A_444 masked %and3A_473 : memref<512xi32, #tpu.memory_space<vmem>>[vector<16xi32>], vector<16xi32>, vector<16xi1>
          %reduce_sum3A_478 = arith.constant true
          %reduce_sum3A_479 = vector.broadcast %reduce_sum3A_478 : i1 to vector<16xi1>
          %reduce_sum3A_480 = tpu.scan <sum>, %select_n3A_461 masked %reduce_sum3A_479 : vector<16xi32>, vector<16xi1> -> vector<16xi32>
          %reduce_sum3A_481 = vector.extract %reduce_sum3A_480[15] : i32 from vector<16xi32>
          %add3A_482 = arith.addi %add3A_441, %reduce_sum3A_481 : i32
          %add3A_483 = arith.constant 4096 : i32
          %add3A_484 = vector.broadcast %add3A_483 : i32 to vector<16xi32>
          %add3A_485 = arith.addi %get3A_156, %add3A_484 : vector<16xi32>
          %gather3A_486 = tpu.vector_load_idx %arg9[%add3A_485] : memref<8192xf32, #tpu.memory_space<vmem>>[vector<16xi32>], vector<16xf32>,
          %gather3A_487 = tpu.vector_load_idx %arg10[%add3A_485] : memref<8192xf32, #tpu.memory_space<vmem>>[vector<16xi32>], vector<16xf32>,
          %sub3A_488 = arith.subf %gather3A_486, %gather3A_104 : vector<16xf32>
          %sub3A_489 = arith.subf %gather3A_487, %gather3A_105 : vector<16xf32>
          %mul3A_490 = arith.mulf %sub3A_488, %sub3A_488 : vector<16xf32>
          %mul3A_491 = arith.mulf %sub3A_489, %sub3A_489 : vector<16xf32>
          %add3A_492 = arith.addf %mul3A_490, %mul3A_491 : vector<16xf32>
          %le3A_493 = arith.cmpf ole, %add3A_492, %gather3A : vector<16xf32>
          %and3A_494 = arith.andi %le3A_493, %lt3A_161 : vector<16xi1>
          %ne3A_495 = vector.broadcast %add3A_96 : i32 to vector<16xi32>
          %ne3A_496 = arith.cmpi ne, %add3A_485, %ne3A_495 : vector<16xi32>
          %and3A_497 = arith.andi %and3A_494, %ne3A_496 : vector<16xi1>
          %jit3A_498 = arith.constant 1 : i32
          %jit3A_499 = arith.constant 0 : i32
          %broadcast_in_dim3A_500 = vector.broadcast %jit3A_498 : i32 to vector<16xi32>
          %broadcast_in_dim3A_501 = vector.broadcast %jit3A_499 : i32 to vector<16xi32>
          %select_n3A_502 = arith.select %and3A_497, %broadcast_in_dim3A_500, %broadcast_in_dim3A_501 : vector<16xi1>, vector<16xi32>
          %broadcast_in_dim3A_503 = arith.constant true
          %broadcast_in_dim3A_504 = vector.broadcast %broadcast_in_dim3A_503 : i1 to vector<16xi1>
          %masked_cumsum3A_505 = tpu.scan <sum>, %select_n3A_502 masked %broadcast_in_dim3A_504 : vector<16xi32>, vector<16xi1> -> vector<16xi32>
          %sub3A_506 = arith.constant 1 : i32
          %sub3A_507 = vector.broadcast %sub3A_506 : i32 to vector<16xi32>
          %sub3A_508 = arith.subi %masked_cumsum3A_505, %sub3A_507 : vector<16xi32>
          %add3A_509 = vector.broadcast %add3A_482 : i32 to vector<16xi32>
          %add3A_510 = arith.addi %sub3A_508, %add3A_509 : vector<16xi32>
          %lt3A_511 = arith.constant 64 : i32
          %lt3A_512 = vector.broadcast %lt3A_511 : i32 to vector<16xi32>
          %lt3A_513 = arith.cmpi slt, %add3A_510, %lt3A_512 : vector<16xi32>
          %and3A_514 = arith.andi %and3A_497, %lt3A_513 : vector<16xi1>
          %mul3A_515 = arith.constant 64 : i32
          %mul3A_516 = arith.muli %scan3A_91, %mul3A_515 : i32
          %add3A_517 = vector.broadcast %mul3A_516 : i32 to vector<16xi32>
          %add3A_518 = arith.addi %add3A_517, %add3A_510 : vector<16xi32>
          tpu.vector_store_idx %arg16[%add3A_518], %add3A_485 masked %and3A_514 : memref<512xi32, #tpu.memory_space<vmem>>[vector<16xi32>], vector<16xi32>, vector<16xi1>
          %reduce_sum3A_519 = arith.constant true
          %reduce_sum3A_520 = vector.broadcast %reduce_sum3A_519 : i1 to vector<16xi1>
          %reduce_sum3A_521 = tpu.scan <sum>, %select_n3A_502 masked %reduce_sum3A_520 : vector<16xi32>, vector<16xi1> -> vector<16xi32>
          %reduce_sum3A_522 = vector.extract %reduce_sum3A_521[15] : i32 from vector<16xi32>
          %add3A_523 = arith.addi %add3A_482, %reduce_sum3A_522 : i32
          %add3A_524 = arith.constant 4608 : i32
          %add3A_525 = vector.broadcast %add3A_524 : i32 to vector<16xi32>
          %add3A_526 = arith.addi %get3A_156, %add3A_525 : vector<16xi32>
          %gather3A_527 = tpu.vector_load_idx %arg9[%add3A_526] : memref<8192xf32, #tpu.memory_space<vmem>>[vector<16xi32>], vector<16xf32>,
          %gather3A_528 = tpu.vector_load_idx %arg10[%add3A_526] : memref<8192xf32, #tpu.memory_space<vmem>>[vector<16xi32>], vector<16xf32>,
          %sub3A_529 = arith.subf %gather3A_527, %gather3A_104 : vector<16xf32>
          %sub3A_530 = arith.subf %gather3A_528, %gather3A_105 : vector<16xf32>
          %mul3A_531 = arith.mulf %sub3A_529, %sub3A_529 : vector<16xf32>
          %mul3A_532 = arith.mulf %sub3A_530, %sub3A_530 : vector<16xf32>
          %add3A_533 = arith.addf %mul3A_531, %mul3A_532 : vector<16xf32>
          %le3A_534 = arith.cmpf ole, %add3A_533, %gather3A : vector<16xf32>
          %and3A_535 = arith.andi %le3A_534, %lt3A_161 : vector<16xi1>
          %ne3A_536 = vector.broadcast %add3A_96 : i32 to vector<16xi32>
          %ne3A_537 = arith.cmpi ne, %add3A_526, %ne3A_536 : vector<16xi32>
          %and3A_538 = arith.andi %and3A_535, %ne3A_537 : vector<16xi1>
          %jit3A_539 = arith.constant 1 : i32
          %jit3A_540 = arith.constant 0 : i32
          %broadcast_in_dim3A_541 = vector.broadcast %jit3A_539 : i32 to vector<16xi32>
          %broadcast_in_dim3A_542 = vector.broadcast %jit3A_540 : i32 to vector<16xi32>
          %select_n3A_543 = arith.select %and3A_538, %broadcast_in_dim3A_541, %broadcast_in_dim3A_542 : vector<16xi1>, vector<16xi32>
          %broadcast_in_dim3A_544 = arith.constant true
          %broadcast_in_dim3A_545 = vector.broadcast %broadcast_in_dim3A_544 : i1 to vector<16xi1>
          %masked_cumsum3A_546 = tpu.scan <sum>, %select_n3A_543 masked %broadcast_in_dim3A_545 : vector<16xi32>, vector<16xi1> -> vector<16xi32>
          %sub3A_547 = arith.constant 1 : i32
          %sub3A_548 = vector.broadcast %sub3A_547 : i32 to vector<16xi32>
          %sub3A_549 = arith.subi %masked_cumsum3A_546, %sub3A_548 : vector<16xi32>
          %add3A_550 = vector.broadcast %add3A_523 : i32 to vector<16xi32>
          %add3A_551 = arith.addi %sub3A_549, %add3A_550 : vector<16xi32>
          %lt3A_552 = arith.constant 64 : i32
          %lt3A_553 = vector.broadcast %lt3A_552 : i32 to vector<16xi32>
          %lt3A_554 = arith.cmpi slt, %add3A_551, %lt3A_553 : vector<16xi32>
          %and3A_555 = arith.andi %and3A_538, %lt3A_554 : vector<16xi1>
          %mul3A_556 = arith.constant 64 : i32
          %mul3A_557 = arith.muli %scan3A_91, %mul3A_556 : i32
          %add3A_558 = vector.broadcast %mul3A_557 : i32 to vector<16xi32>
          %add3A_559 = arith.addi %add3A_558, %add3A_551 : vector<16xi32>
          tpu.vector_store_idx %arg16[%add3A_559], %add3A_526 masked %and3A_555 : memref<512xi32, #tpu.memory_space<vmem>>[vector<16xi32>], vector<16xi32>, vector<16xi1>
          %reduce_sum3A_560 = arith.constant true
          %reduce_sum3A_561 = vector.broadcast %reduce_sum3A_560 : i1 to vector<16xi1>
          %reduce_sum3A_562 = tpu.scan <sum>, %select_n3A_543 masked %reduce_sum3A_561 : vector<16xi32>, vector<16xi1> -> vector<16xi32>
          %reduce_sum3A_563 = vector.extract %reduce_sum3A_562[15] : i32 from vector<16xi32>
          %add3A_564 = arith.addi %add3A_523, %reduce_sum3A_563 : i32
          %add3A_565 = arith.constant 5120 : i32
          %add3A_566 = vector.broadcast %add3A_565 : i32 to vector<16xi32>
          %add3A_567 = arith.addi %get3A_156, %add3A_566 : vector<16xi32>
          %gather3A_568 = tpu.vector_load_idx %arg9[%add3A_567] : memref<8192xf32, #tpu.memory_space<vmem>>[vector<16xi32>], vector<16xf32>,
          %gather3A_569 = tpu.vector_load_idx %arg10[%add3A_567] : memref<8192xf32, #tpu.memory_space<vmem>>[vector<16xi32>], vector<16xf32>,
          %sub3A_570 = arith.subf %gather3A_568, %gather3A_104 : vector<16xf32>
          %sub3A_571 = arith.subf %gather3A_569, %gather3A_105 : vector<16xf32>
          %mul3A_572 = arith.mulf %sub3A_570, %sub3A_570 : vector<16xf32>
          %mul3A_573 = arith.mulf %sub3A_571, %sub3A_571 : vector<16xf32>
          %add3A_574 = arith.addf %mul3A_572, %mul3A_573 : vector<16xf32>
          %le3A_575 = arith.cmpf ole, %add3A_574, %gather3A : vector<16xf32>
          %and3A_576 = arith.andi %le3A_575, %lt3A_161 : vector<16xi1>
          %ne3A_577 = vector.broadcast %add3A_96 : i32 to vector<16xi32>
          %ne3A_578 = arith.cmpi ne, %add3A_567, %ne3A_577 : vector<16xi32>
          %and3A_579 = arith.andi %and3A_576, %ne3A_578 : vector<16xi1>
          %jit3A_580 = arith.constant 1 : i32
          %jit3A_581 = arith.constant 0 : i32
          %broadcast_in_dim3A_582 = vector.broadcast %jit3A_580 : i32 to vector<16xi32>
          %broadcast_in_dim3A_583 = vector.broadcast %jit3A_581 : i32 to vector<16xi32>
          %select_n3A_584 = arith.select %and3A_579, %broadcast_in_dim3A_582, %broadcast_in_dim3A_583 : vector<16xi1>, vector<16xi32>
          %broadcast_in_dim3A_585 = arith.constant true
          %broadcast_in_dim3A_586 = vector.broadcast %broadcast_in_dim3A_585 : i1 to vector<16xi1>
          %masked_cumsum3A_587 = tpu.scan <sum>, %select_n3A_584 masked %broadcast_in_dim3A_586 : vector<16xi32>, vector<16xi1> -> vector<16xi32>
          %sub3A_588 = arith.constant 1 : i32
          %sub3A_589 = vector.broadcast %sub3A_588 : i32 to vector<16xi32>
          %sub3A_590 = arith.subi %masked_cumsum3A_587, %sub3A_589 : vector<16xi32>
          %add3A_591 = vector.broadcast %add3A_564 : i32 to vector<16xi32>
          %add3A_592 = arith.addi %sub3A_590, %add3A_591 : vector<16xi32>
          %lt3A_593 = arith.constant 64 : i32
          %lt3A_594 = vector.broadcast %lt3A_593 : i32 to vector<16xi32>
          %lt3A_595 = arith.cmpi slt, %add3A_592, %lt3A_594 : vector<16xi32>
          %and3A_596 = arith.andi %and3A_579, %lt3A_595 : vector<16xi1>
          %mul3A_597 = arith.constant 64 : i32
          %mul3A_598 = arith.muli %scan3A_91, %mul3A_597 : i32
          %add3A_599 = vector.broadcast %mul3A_598 : i32 to vector<16xi32>
          %add3A_600 = arith.addi %add3A_599, %add3A_592 : vector<16xi32>
          tpu.vector_store_idx %arg16[%add3A_600], %add3A_567 masked %and3A_596 : memref<512xi32, #tpu.memory_space<vmem>>[vector<16xi32>], vector<16xi32>, vector<16xi1>
          %reduce_sum3A_601 = arith.constant true
          %reduce_sum3A_602 = vector.broadcast %reduce_sum3A_601 : i1 to vector<16xi1>
          %reduce_sum3A_603 = tpu.scan <sum>, %select_n3A_584 masked %reduce_sum3A_602 : vector<16xi32>, vector<16xi1> -> vector<16xi32>
          %reduce_sum3A_604 = vector.extract %reduce_sum3A_603[15] : i32 from vector<16xi32>
          %add3A_605 = arith.addi %add3A_564, %reduce_sum3A_604 : i32
          %add3A_606 = arith.constant 5632 : i32
          %add3A_607 = vector.broadcast %add3A_606 : i32 to vector<16xi32>
          %add3A_608 = arith.addi %get3A_156, %add3A_607 : vector<16xi32>
          %gather3A_609 = tpu.vector_load_idx %arg9[%add3A_608] : memref<8192xf32, #tpu.memory_space<vmem>>[vector<16xi32>], vector<16xf32>,
          %gather3A_610 = tpu.vector_load_idx %arg10[%add3A_608] : memref<8192xf32, #tpu.memory_space<vmem>>[vector<16xi32>], vector<16xf32>,
          %sub3A_611 = arith.subf %gather3A_609, %gather3A_104 : vector<16xf32>
          %sub3A_612 = arith.subf %gather3A_610, %gather3A_105 : vector<16xf32>
          %mul3A_613 = arith.mulf %sub3A_611, %sub3A_611 : vector<16xf32>
          %mul3A_614 = arith.mulf %sub3A_612, %sub3A_612 : vector<16xf32>
          %add3A_615 = arith.addf %mul3A_613, %mul3A_614 : vector<16xf32>
          %le3A_616 = arith.cmpf ole, %add3A_615, %gather3A : vector<16xf32>
          %and3A_617 = arith.andi %le3A_616, %lt3A_161 : vector<16xi1>
          %ne3A_618 = vector.broadcast %add3A_96 : i32 to vector<16xi32>
          %ne3A_619 = arith.cmpi ne, %add3A_608, %ne3A_618 : vector<16xi32>
          %and3A_620 = arith.andi %and3A_617, %ne3A_619 : vector<16xi1>
          %jit3A_621 = arith.constant 1 : i32
          %jit3A_622 = arith.constant 0 : i32
          %broadcast_in_dim3A_623 = vector.broadcast %jit3A_621 : i32 to vector<16xi32>
          %broadcast_in_dim3A_624 = vector.broadcast %jit3A_622 : i32 to vector<16xi32>
          %select_n3A_625 = arith.select %and3A_620, %broadcast_in_dim3A_623, %broadcast_in_dim3A_624 : vector<16xi1>, vector<16xi32>
          %broadcast_in_dim3A_626 = arith.constant true
          %broadcast_in_dim3A_627 = vector.broadcast %broadcast_in_dim3A_626 : i1 to vector<16xi1>
          %masked_cumsum3A_628 = tpu.scan <sum>, %select_n3A_625 masked %broadcast_in_dim3A_627 : vector<16xi32>, vector<16xi1> -> vector<16xi32>
          %sub3A_629 = arith.constant 1 : i32
          %sub3A_630 = vector.broadcast %sub3A_629 : i32 to vector<16xi32>
          %sub3A_631 = arith.subi %masked_cumsum3A_628, %sub3A_630 : vector<16xi32>
          %add3A_632 = vector.broadcast %add3A_605 : i32 to vector<16xi32>
          %add3A_633 = arith.addi %sub3A_631, %add3A_632 : vector<16xi32>
          %lt3A_634 = arith.constant 64 : i32
          %lt3A_635 = vector.broadcast %lt3A_634 : i32 to vector<16xi32>
          %lt3A_636 = arith.cmpi slt, %add3A_633, %lt3A_635 : vector<16xi32>
          %and3A_637 = arith.andi %and3A_620, %lt3A_636 : vector<16xi1>
          %mul3A_638 = arith.constant 64 : i32
          %mul3A_639 = arith.muli %scan3A_91, %mul3A_638 : i32
          %add3A_640 = vector.broadcast %mul3A_639 : i32 to vector<16xi32>
          %add3A_641 = arith.addi %add3A_640, %add3A_633 : vector<16xi32>
          tpu.vector_store_idx %arg16[%add3A_641], %add3A_608 masked %and3A_637 : memref<512xi32, #tpu.memory_space<vmem>>[vector<16xi32>], vector<16xi32>, vector<16xi1>
          %reduce_sum3A_642 = arith.constant true
          %reduce_sum3A_643 = vector.broadcast %reduce_sum3A_642 : i1 to vector<16xi1>
          %reduce_sum3A_644 = tpu.scan <sum>, %select_n3A_625 masked %reduce_sum3A_643 : vector<16xi32>, vector<16xi1> -> vector<16xi32>
          %reduce_sum3A_645 = vector.extract %reduce_sum3A_644[15] : i32 from vector<16xi32>
          %add3A_646 = arith.addi %add3A_605, %reduce_sum3A_645 : i32
          %add3A_647 = arith.constant 6144 : i32
          %add3A_648 = vector.broadcast %add3A_647 : i32 to vector<16xi32>
          %add3A_649 = arith.addi %get3A_156, %add3A_648 : vector<16xi32>
          %gather3A_650 = tpu.vector_load_idx %arg9[%add3A_649] : memref<8192xf32, #tpu.memory_space<vmem>>[vector<16xi32>], vector<16xf32>,
          %gather3A_651 = tpu.vector_load_idx %arg10[%add3A_649] : memref<8192xf32, #tpu.memory_space<vmem>>[vector<16xi32>], vector<16xf32>,
          %sub3A_652 = arith.subf %gather3A_650, %gather3A_104 : vector<16xf32>
          %sub3A_653 = arith.subf %gather3A_651, %gather3A_105 : vector<16xf32>
          %mul3A_654 = arith.mulf %sub3A_652, %sub3A_652 : vector<16xf32>
          %mul3A_655 = arith.mulf %sub3A_653, %sub3A_653 : vector<16xf32>
          %add3A_656 = arith.addf %mul3A_654, %mul3A_655 : vector<16xf32>
          %le3A_657 = arith.cmpf ole, %add3A_656, %gather3A : vector<16xf32>
          %and3A_658 = arith.andi %le3A_657, %lt3A_161 : vector<16xi1>
          %ne3A_659 = vector.broadcast %add3A_96 : i32 to vector<16xi32>
          %ne3A_660 = arith.cmpi ne, %add3A_649, %ne3A_659 : vector<16xi32>
          %and3A_661 = arith.andi %and3A_658, %ne3A_660 : vector<16xi1>
          %jit3A_662 = arith.constant 1 : i32
          %jit3A_663 = arith.constant 0 : i32
          %broadcast_in_dim3A_664 = vector.broadcast %jit3A_662 : i32 to vector<16xi32>
          %broadcast_in_dim3A_665 = vector.broadcast %jit3A_663 : i32 to vector<16xi32>
          %select_n3A_666 = arith.select %and3A_661, %broadcast_in_dim3A_664, %broadcast_in_dim3A_665 : vector<16xi1>, vector<16xi32>
          %broadcast_in_dim3A_667 = arith.constant true
          %broadcast_in_dim3A_668 = vector.broadcast %broadcast_in_dim3A_667 : i1 to vector<16xi1>
          %masked_cumsum3A_669 = tpu.scan <sum>, %select_n3A_666 masked %broadcast_in_dim3A_668 : vector<16xi32>, vector<16xi1> -> vector<16xi32>
          %sub3A_670 = arith.constant 1 : i32
          %sub3A_671 = vector.broadcast %sub3A_670 : i32 to vector<16xi32>
          %sub3A_672 = arith.subi %masked_cumsum3A_669, %sub3A_671 : vector<16xi32>
          %add3A_673 = vector.broadcast %add3A_646 : i32 to vector<16xi32>
          %add3A_674 = arith.addi %sub3A_672, %add3A_673 : vector<16xi32>
          %lt3A_675 = arith.constant 64 : i32
          %lt3A_676 = vector.broadcast %lt3A_675 : i32 to vector<16xi32>
          %lt3A_677 = arith.cmpi slt, %add3A_674, %lt3A_676 : vector<16xi32>
          %and3A_678 = arith.andi %and3A_661, %lt3A_677 : vector<16xi1>
          %mul3A_679 = arith.constant 64 : i32
          %mul3A_680 = arith.muli %scan3A_91, %mul3A_679 : i32
          %add3A_681 = vector.broadcast %mul3A_680 : i32 to vector<16xi32>
          %add3A_682 = arith.addi %add3A_681, %add3A_674 : vector<16xi32>
          tpu.vector_store_idx %arg16[%add3A_682], %add3A_649 masked %and3A_678 : memref<512xi32, #tpu.memory_space<vmem>>[vector<16xi32>], vector<16xi32>, vector<16xi1>
          %reduce_sum3A_683 = arith.constant true
          %reduce_sum3A_684 = vector.broadcast %reduce_sum3A_683 : i1 to vector<16xi1>
          %reduce_sum3A_685 = tpu.scan <sum>, %select_n3A_666 masked %reduce_sum3A_684 : vector<16xi32>, vector<16xi1> -> vector<16xi32>
          %reduce_sum3A_686 = vector.extract %reduce_sum3A_685[15] : i32 from vector<16xi32>
          %add3A_687 = arith.addi %add3A_646, %reduce_sum3A_686 : i32
          %add3A_688 = arith.constant 6656 : i32
          %add3A_689 = vector.broadcast %add3A_688 : i32 to vector<16xi32>
          %add3A_690 = arith.addi %get3A_156, %add3A_689 : vector<16xi32>
          %gather3A_691 = tpu.vector_load_idx %arg9[%add3A_690] : memref<8192xf32, #tpu.memory_space<vmem>>[vector<16xi32>], vector<16xf32>,
          %gather3A_692 = tpu.vector_load_idx %arg10[%add3A_690] : memref<8192xf32, #tpu.memory_space<vmem>>[vector<16xi32>], vector<16xf32>,
          %sub3A_693 = arith.subf %gather3A_691, %gather3A_104 : vector<16xf32>
          %sub3A_694 = arith.subf %gather3A_692, %gather3A_105 : vector<16xf32>
          %mul3A_695 = arith.mulf %sub3A_693, %sub3A_693 : vector<16xf32>
          %mul3A_696 = arith.mulf %sub3A_694, %sub3A_694 : vector<16xf32>
          %add3A_697 = arith.addf %mul3A_695, %mul3A_696 : vector<16xf32>
          %le3A_698 = arith.cmpf ole, %add3A_697, %gather3A : vector<16xf32>
          %and3A_699 = arith.andi %le3A_698, %lt3A_161 : vector<16xi1>
          %ne3A_700 = vector.broadcast %add3A_96 : i32 to vector<16xi32>
          %ne3A_701 = arith.cmpi ne, %add3A_690, %ne3A_700 : vector<16xi32>
          %and3A_702 = arith.andi %and3A_699, %ne3A_701 : vector<16xi1>
          %jit3A_703 = arith.constant 1 : i32
          %jit3A_704 = arith.constant 0 : i32
          %broadcast_in_dim3A_705 = vector.broadcast %jit3A_703 : i32 to vector<16xi32>
          %broadcast_in_dim3A_706 = vector.broadcast %jit3A_704 : i32 to vector<16xi32>
          %select_n3A_707 = arith.select %and3A_702, %broadcast_in_dim3A_705, %broadcast_in_dim3A_706 : vector<16xi1>, vector<16xi32>
          %broadcast_in_dim3A_708 = arith.constant true
          %broadcast_in_dim3A_709 = vector.broadcast %broadcast_in_dim3A_708 : i1 to vector<16xi1>
          %masked_cumsum3A_710 = tpu.scan <sum>, %select_n3A_707 masked %broadcast_in_dim3A_709 : vector<16xi32>, vector<16xi1> -> vector<16xi32>
          %sub3A_711 = arith.constant 1 : i32
          %sub3A_712 = vector.broadcast %sub3A_711 : i32 to vector<16xi32>
          %sub3A_713 = arith.subi %masked_cumsum3A_710, %sub3A_712 : vector<16xi32>
          %add3A_714 = vector.broadcast %add3A_687 : i32 to vector<16xi32>
          %add3A_715 = arith.addi %sub3A_713, %add3A_714 : vector<16xi32>
          %lt3A_716 = arith.constant 64 : i32
          %lt3A_717 = vector.broadcast %lt3A_716 : i32 to vector<16xi32>
          %lt3A_718 = arith.cmpi slt, %add3A_715, %lt3A_717 : vector<16xi32>
          %and3A_719 = arith.andi %and3A_702, %lt3A_718 : vector<16xi1>
          %mul3A_720 = arith.constant 64 : i32
          %mul3A_721 = arith.muli %scan3A_91, %mul3A_720 : i32
          %add3A_722 = vector.broadcast %mul3A_721 : i32 to vector<16xi32>
          %add3A_723 = arith.addi %add3A_722, %add3A_715 : vector<16xi32>
          tpu.vector_store_idx %arg16[%add3A_723], %add3A_690 masked %and3A_719 : memref<512xi32, #tpu.memory_space<vmem>>[vector<16xi32>], vector<16xi32>, vector<16xi1>
          %reduce_sum3A_724 = arith.constant true
          %reduce_sum3A_725 = vector.broadcast %reduce_sum3A_724 : i1 to vector<16xi1>
          %reduce_sum3A_726 = tpu.scan <sum>, %select_n3A_707 masked %reduce_sum3A_725 : vector<16xi32>, vector<16xi1> -> vector<16xi32>
          %reduce_sum3A_727 = vector.extract %reduce_sum3A_726[15] : i32 from vector<16xi32>
          %add3A_728 = arith.addi %add3A_687, %reduce_sum3A_727 : i32
          %add3A_729 = arith.constant 7168 : i32
          %add3A_730 = vector.broadcast %add3A_729 : i32 to vector<16xi32>
          %add3A_731 = arith.addi %get3A_156, %add3A_730 : vector<16xi32>
          %gather3A_732 = tpu.vector_load_idx %arg9[%add3A_731] : memref<8192xf32, #tpu.memory_space<vmem>>[vector<16xi32>], vector<16xf32>,
          %gather3A_733 = tpu.vector_load_idx %arg10[%add3A_731] : memref<8192xf32, #tpu.memory_space<vmem>>[vector<16xi32>], vector<16xf32>,
          %sub3A_734 = arith.subf %gather3A_732, %gather3A_104 : vector<16xf32>
          %sub3A_735 = arith.subf %gather3A_733, %gather3A_105 : vector<16xf32>
          %mul3A_736 = arith.mulf %sub3A_734, %sub3A_734 : vector<16xf32>
          %mul3A_737 = arith.mulf %sub3A_735, %sub3A_735 : vector<16xf32>
          %add3A_738 = arith.addf %mul3A_736, %mul3A_737 : vector<16xf32>
          %le3A_739 = arith.cmpf ole, %add3A_738, %gather3A : vector<16xf32>
          %and3A_740 = arith.andi %le3A_739, %lt3A_161 : vector<16xi1>
          %ne3A_741 = vector.broadcast %add3A_96 : i32 to vector<16xi32>
          %ne3A_742 = arith.cmpi ne, %add3A_731, %ne3A_741 : vector<16xi32>
          %and3A_743 = arith.andi %and3A_740, %ne3A_742 : vector<16xi1>
          %jit3A_744 = arith.constant 1 : i32
          %jit3A_745 = arith.constant 0 : i32
          %broadcast_in_dim3A_746 = vector.broadcast %jit3A_744 : i32 to vector<16xi32>
          %broadcast_in_dim3A_747 = vector.broadcast %jit3A_745 : i32 to vector<16xi32>
          %select_n3A_748 = arith.select %and3A_743, %broadcast_in_dim3A_746, %broadcast_in_dim3A_747 : vector<16xi1>, vector<16xi32>
          %broadcast_in_dim3A_749 = arith.constant true
          %broadcast_in_dim3A_750 = vector.broadcast %broadcast_in_dim3A_749 : i1 to vector<16xi1>
          %masked_cumsum3A_751 = tpu.scan <sum>, %select_n3A_748 masked %broadcast_in_dim3A_750 : vector<16xi32>, vector<16xi1> -> vector<16xi32>
          %sub3A_752 = arith.constant 1 : i32
          %sub3A_753 = vector.broadcast %sub3A_752 : i32 to vector<16xi32>
          %sub3A_754 = arith.subi %masked_cumsum3A_751, %sub3A_753 : vector<16xi32>
          %add3A_755 = vector.broadcast %add3A_728 : i32 to vector<16xi32>
          %add3A_756 = arith.addi %sub3A_754, %add3A_755 : vector<16xi32>
          %lt3A_757 = arith.constant 64 : i32
          %lt3A_758 = vector.broadcast %lt3A_757 : i32 to vector<16xi32>
          %lt3A_759 = arith.cmpi slt, %add3A_756, %lt3A_758 : vector<16xi32>
          %and3A_760 = arith.andi %and3A_743, %lt3A_759 : vector<16xi1>
          %mul3A_761 = arith.constant 64 : i32
          %mul3A_762 = arith.muli %scan3A_91, %mul3A_761 : i32
          %add3A_763 = vector.broadcast %mul3A_762 : i32 to vector<16xi32>
          %add3A_764 = arith.addi %add3A_763, %add3A_756 : vector<16xi32>
          tpu.vector_store_idx %arg16[%add3A_764], %add3A_731 masked %and3A_760 : memref<512xi32, #tpu.memory_space<vmem>>[vector<16xi32>], vector<16xi32>, vector<16xi1>
          %reduce_sum3A_765 = arith.constant true
          %reduce_sum3A_766 = vector.broadcast %reduce_sum3A_765 : i1 to vector<16xi1>
          %reduce_sum3A_767 = tpu.scan <sum>, %select_n3A_748 masked %reduce_sum3A_766 : vector<16xi32>, vector<16xi1> -> vector<16xi32>
          %reduce_sum3A_768 = vector.extract %reduce_sum3A_767[15] : i32 from vector<16xi32>
          %add3A_769 = arith.addi %add3A_728, %reduce_sum3A_768 : i32
          %add3A_770 = arith.constant 7680 : i32
          %add3A_771 = vector.broadcast %add3A_770 : i32 to vector<16xi32>
          %add3A_772 = arith.addi %get3A_156, %add3A_771 : vector<16xi32>
          %gather3A_773 = tpu.vector_load_idx %arg9[%add3A_772] : memref<8192xf32, #tpu.memory_space<vmem>>[vector<16xi32>], vector<16xf32>,
          %gather3A_774 = tpu.vector_load_idx %arg10[%add3A_772] : memref<8192xf32, #tpu.memory_space<vmem>>[vector<16xi32>], vector<16xf32>,
          %sub3A_775 = arith.subf %gather3A_773, %gather3A_104 : vector<16xf32>
          %sub3A_776 = arith.subf %gather3A_774, %gather3A_105 : vector<16xf32>
          %mul3A_777 = arith.mulf %sub3A_775, %sub3A_775 : vector<16xf32>
          %mul3A_778 = arith.mulf %sub3A_776, %sub3A_776 : vector<16xf32>
          %add3A_779 = arith.addf %mul3A_777, %mul3A_778 : vector<16xf32>
          %le3A_780 = arith.cmpf ole, %add3A_779, %gather3A : vector<16xf32>
          %and3A_781 = arith.andi %le3A_780, %lt3A_161 : vector<16xi1>
          %ne3A_782 = vector.broadcast %add3A_96 : i32 to vector<16xi32>
          %ne3A_783 = arith.cmpi ne, %add3A_772, %ne3A_782 : vector<16xi32>
          %and3A_784 = arith.andi %and3A_781, %ne3A_783 : vector<16xi1>
          %jit3A_785 = arith.constant 1 : i32
          %jit3A_786 = arith.constant 0 : i32
          %broadcast_in_dim3A_787 = vector.broadcast %jit3A_785 : i32 to vector<16xi32>
          %broadcast_in_dim3A_788 = vector.broadcast %jit3A_786 : i32 to vector<16xi32>
          %select_n3A_789 = arith.select %and3A_784, %broadcast_in_dim3A_787, %broadcast_in_dim3A_788 : vector<16xi1>, vector<16xi32>
          %broadcast_in_dim3A_790 = arith.constant true
          %broadcast_in_dim3A_791 = vector.broadcast %broadcast_in_dim3A_790 : i1 to vector<16xi1>
          %masked_cumsum3A_792 = tpu.scan <sum>, %select_n3A_789 masked %broadcast_in_dim3A_791 : vector<16xi32>, vector<16xi1> -> vector<16xi32>
          %sub3A_793 = arith.constant 1 : i32
          %sub3A_794 = vector.broadcast %sub3A_793 : i32 to vector<16xi32>
          %sub3A_795 = arith.subi %masked_cumsum3A_792, %sub3A_794 : vector<16xi32>
          %add3A_796 = vector.broadcast %add3A_769 : i32 to vector<16xi32>
          %add3A_797 = arith.addi %sub3A_795, %add3A_796 : vector<16xi32>
          %lt3A_798 = arith.constant 64 : i32
          %lt3A_799 = vector.broadcast %lt3A_798 : i32 to vector<16xi32>
          %lt3A_800 = arith.cmpi slt, %add3A_797, %lt3A_799 : vector<16xi32>
          %and3A_801 = arith.andi %and3A_784, %lt3A_800 : vector<16xi1>
          %mul3A_802 = arith.constant 64 : i32
          %mul3A_803 = arith.muli %scan3A_91, %mul3A_802 : i32
          %add3A_804 = vector.broadcast %mul3A_803 : i32 to vector<16xi32>
          %add3A_805 = arith.addi %add3A_804, %add3A_797 : vector<16xi32>
          tpu.vector_store_idx %arg16[%add3A_805], %add3A_772 masked %and3A_801 : memref<512xi32, #tpu.memory_space<vmem>>[vector<16xi32>], vector<16xi32>, vector<16xi1>
          %reduce_sum3A_806 = arith.constant true
          %reduce_sum3A_807 = vector.broadcast %reduce_sum3A_806 : i1 to vector<16xi1>
          %reduce_sum3A_808 = tpu.scan <sum>, %select_n3A_789 masked %reduce_sum3A_807 : vector<16xi32>, vector<16xi1> -> vector<16xi32>
          %reduce_sum3A_809 = vector.extract %reduce_sum3A_808[15] : i32 from vector<16xi32>
          %add3A_810 = arith.addi %add3A_769, %reduce_sum3A_809 : i32
          scf.yield %add3A_810 : i32
        }
        %scan3A_151 = arith.constant 0 : i32
        scf.yield %scan3A_151 : i32
      }
      %scan3A_20 = arith.constant 8 : i32
      %dma_start3A = arith.constant 0 : i32
      %dma_start3A_21 = arith.constant 0 : i32
      %dma_start3A_22 = tpu.memref_slice %arg17[%dma_start3A, %dma_start3A_21] : memref<512x16xf32, #tpu.memory_space<vmem>> -> memref<128x16xf32, #tpu.memory_space<vmem>>
      %dma_start3A_23 = arith.constant 0 : i32
      %dma_start3A_24 = tpu.memref_slice %arg16[%dma_start3A_23] : memref<512xi32, #tpu.memory_space<vmem>> -> memref<128xi32, #tpu.memory_space<vmem>>
      %dma_start3A_25 = arith.constant 0 : i32
      %dma_start3A_26 = arith.constant 0 : i32
      %dma_start3A_27 = tpu.memref_slice %arg6[%dma_start3A_25, %dma_start3A_26] : memref<8192x16xf32, #tpu.memory_space<hbm>> -> memref<8192x16xf32, #tpu.memory_space<hbm>>
      tpu.enqueue_indirect_dma source(%dma_start3A_27 : memref<8192x16xf32, #tpu.memory_space<hbm>>) target(%dma_start3A_22 : memref<128x16xf32, #tpu.memory_space<vmem>>) offsets(%dma_start3A_24 : memref<128xi32, #tpu.memory_space<vmem>>) semaphore(%arg19 : memref<!tpu.dma_semaphore, #tpu.memory_space<semaphore_mem>>)
      %dma_start3A_28 = arith.constant 128 : i32
      %dma_start3A_29 = arith.constant 0 : i32
      %dma_start3A_30 = tpu.memref_slice %arg17[%dma_start3A_28, %dma_start3A_29] : memref<512x16xf32, #tpu.memory_space<vmem>> -> memref<128x16xf32, #tpu.memory_space<vmem>>
      %dma_start3A_31 = arith.constant 128 : i32
      %dma_start3A_32 = tpu.memref_slice %arg16[%dma_start3A_31] : memref<512xi32, #tpu.memory_space<vmem>> -> memref<128xi32, #tpu.memory_space<vmem>>
      %dma_start3A_33 = arith.constant 0 : i32
      %dma_start3A_34 = arith.constant 0 : i32
      %dma_start3A_35 = tpu.memref_slice %arg6[%dma_start3A_33, %dma_start3A_34] : memref<8192x16xf32, #tpu.memory_space<hbm>> -> memref<8192x16xf32, #tpu.memory_space<hbm>>
      tpu.enqueue_indirect_dma source(%dma_start3A_35 : memref<8192x16xf32, #tpu.memory_space<hbm>>) target(%dma_start3A_30 : memref<128x16xf32, #tpu.memory_space<vmem>>) offsets(%dma_start3A_32 : memref<128xi32, #tpu.memory_space<vmem>>) semaphore(%arg19 : memref<!tpu.dma_semaphore, #tpu.memory_space<semaphore_mem>>)
      %dma_start3A_36 = arith.constant 256 : i32
      %dma_start3A_37 = arith.constant 0 : i32
      %dma_start3A_38 = tpu.memref_slice %arg17[%dma_start3A_36, %dma_start3A_37] : memref<512x16xf32, #tpu.memory_space<vmem>> -> memref<128x16xf32, #tpu.memory_space<vmem>>
      %dma_start3A_39 = arith.constant 256 : i32
      %dma_start3A_40 = tpu.memref_slice %arg16[%dma_start3A_39] : memref<512xi32, #tpu.memory_space<vmem>> -> memref<128xi32, #tpu.memory_space<vmem>>
      %dma_start3A_41 = arith.constant 0 : i32
      %dma_start3A_42 = arith.constant 0 : i32
      %dma_start3A_43 = tpu.memref_slice %arg6[%dma_start3A_41, %dma_start3A_42] : memref<8192x16xf32, #tpu.memory_space<hbm>> -> memref<8192x16xf32, #tpu.memory_space<hbm>>
      tpu.enqueue_indirect_dma source(%dma_start3A_43 : memref<8192x16xf32, #tpu.memory_space<hbm>>) target(%dma_start3A_38 : memref<128x16xf32, #tpu.memory_space<vmem>>) offsets(%dma_start3A_40 : memref<128xi32, #tpu.memory_space<vmem>>) semaphore(%arg19 : memref<!tpu.dma_semaphore, #tpu.memory_space<semaphore_mem>>)
      %dma_start3A_44 = arith.constant 384 : i32
      %dma_start3A_45 = arith.constant 0 : i32
      %dma_start3A_46 = tpu.memref_slice %arg17[%dma_start3A_44, %dma_start3A_45] : memref<512x16xf32, #tpu.memory_space<vmem>> -> memref<128x16xf32, #tpu.memory_space<vmem>>
      %dma_start3A_47 = arith.constant 384 : i32
      %dma_start3A_48 = tpu.memref_slice %arg16[%dma_start3A_47] : memref<512xi32, #tpu.memory_space<vmem>> -> memref<128xi32, #tpu.memory_space<vmem>>
      %dma_start3A_49 = arith.constant 0 : i32
      %dma_start3A_50 = arith.constant 0 : i32
      %dma_start3A_51 = tpu.memref_slice %arg6[%dma_start3A_49, %dma_start3A_50] : memref<8192x16xf32, #tpu.memory_space<hbm>> -> memref<8192x16xf32, #tpu.memory_space<hbm>>
      tpu.enqueue_indirect_dma source(%dma_start3A_51 : memref<8192x16xf32, #tpu.memory_space<hbm>>) target(%dma_start3A_46 : memref<128x16xf32, #tpu.memory_space<vmem>>) offsets(%dma_start3A_48 : memref<128xi32, #tpu.memory_space<vmem>>) semaphore(%arg19 : memref<!tpu.dma_semaphore, #tpu.memory_space<semaphore_mem>>)
      %dma_wait3A = arith.constant 0 : i32
      %dma_wait3A_52 = arith.constant 0 : i32
      %dma_wait3A_53 = tpu.memref_slice %arg17[%dma_wait3A, %dma_wait3A_52] : memref<512x16xf32, #tpu.memory_space<vmem>> -> memref<128x16xf32, #tpu.memory_space<vmem>>
      %dma_wait3A_54 = arith.constant 0 : i32
      %dma_wait3A_55 = tpu.memref_slice %arg16[%dma_wait3A_54] : memref<512xi32, #tpu.memory_space<vmem>> -> memref<128xi32, #tpu.memory_space<vmem>>
      %dma_wait3A_56 = arith.constant 0 : i32
      %dma_wait3A_57 = arith.constant 0 : i32
      %dma_wait3A_58 = tpu.memref_slice %arg6[%dma_wait3A_56, %dma_wait3A_57] : memref<8192x16xf32, #tpu.memory_space<hbm>> -> memref<8192x16xf32, #tpu.memory_space<hbm>>
      tpu.wait_indirect_dma semaphore(%arg19 : memref<!tpu.dma_semaphore, #tpu.memory_space<semaphore_mem>>) src(%dma_wait3A_58 : memref<8192x16xf32, #tpu.memory_space<hbm>>) dst(%dma_wait3A_53 : memref<128x16xf32, #tpu.memory_space<vmem>>)
      %dma_wait3A_59 = arith.constant 128 : i32
      %dma_wait3A_60 = arith.constant 0 : i32
      %dma_wait3A_61 = tpu.memref_slice %arg17[%dma_wait3A_59, %dma_wait3A_60] : memref<512x16xf32, #tpu.memory_space<vmem>> -> memref<128x16xf32, #tpu.memory_space<vmem>>
      %dma_wait3A_62 = arith.constant 128 : i32
      %dma_wait3A_63 = tpu.memref_slice %arg16[%dma_wait3A_62] : memref<512xi32, #tpu.memory_space<vmem>> -> memref<128xi32, #tpu.memory_space<vmem>>
      %dma_wait3A_64 = arith.constant 0 : i32
      %dma_wait3A_65 = arith.constant 0 : i32
      %dma_wait3A_66 = tpu.memref_slice %arg6[%dma_wait3A_64, %dma_wait3A_65] : memref<8192x16xf32, #tpu.memory_space<hbm>> -> memref<8192x16xf32, #tpu.memory_space<hbm>>
      tpu.wait_indirect_dma semaphore(%arg19 : memref<!tpu.dma_semaphore, #tpu.memory_space<semaphore_mem>>) src(%dma_wait3A_66 : memref<8192x16xf32, #tpu.memory_space<hbm>>) dst(%dma_wait3A_61 : memref<128x16xf32, #tpu.memory_space<vmem>>)
      %dma_wait3A_67 = arith.constant 256 : i32
      %dma_wait3A_68 = arith.constant 0 : i32
      %dma_wait3A_69 = tpu.memref_slice %arg17[%dma_wait3A_67, %dma_wait3A_68] : memref<512x16xf32, #tpu.memory_space<vmem>> -> memref<128x16xf32, #tpu.memory_space<vmem>>
      %dma_wait3A_70 = arith.constant 256 : i32
      %dma_wait3A_71 = tpu.memref_slice %arg16[%dma_wait3A_70] : memref<512xi32, #tpu.memory_space<vmem>> -> memref<128xi32, #tpu.memory_space<vmem>>
      %dma_wait3A_72 = arith.constant 0 : i32
      %dma_wait3A_73 = arith.constant 0 : i32
      %dma_wait3A_74 = tpu.memref_slice %arg6[%dma_wait3A_72, %dma_wait3A_73] : memref<8192x16xf32, #tpu.memory_space<hbm>> -> memref<8192x16xf32, #tpu.memory_space<hbm>>
      tpu.wait_indirect_dma semaphore(%arg19 : memref<!tpu.dma_semaphore, #tpu.memory_space<semaphore_mem>>) src(%dma_wait3A_74 : memref<8192x16xf32, #tpu.memory_space<hbm>>) dst(%dma_wait3A_69 : memref<128x16xf32, #tpu.memory_space<vmem>>)
      %dma_wait3A_75 = arith.constant 384 : i32
      %dma_wait3A_76 = arith.constant 0 : i32
      %dma_wait3A_77 = tpu.memref_slice %arg17[%dma_wait3A_75, %dma_wait3A_76] : memref<512x16xf32, #tpu.memory_space<vmem>> -> memref<128x16xf32, #tpu.memory_space<vmem>>
      %dma_wait3A_78 = arith.constant 384 : i32
      %dma_wait3A_79 = tpu.memref_slice %arg16[%dma_wait3A_78] : memref<512xi32, #tpu.memory_space<vmem>> -> memref<128xi32, #tpu.memory_space<vmem>>
      %dma_wait3A_80 = arith.constant 0 : i32
      %dma_wait3A_81 = arith.constant 0 : i32
      %dma_wait3A_82 = tpu.memref_slice %arg6[%dma_wait3A_80, %dma_wait3A_81] : memref<8192x16xf32, #tpu.memory_space<hbm>> -> memref<8192x16xf32, #tpu.memory_space<hbm>>
      tpu.wait_indirect_dma semaphore(%arg19 : memref<!tpu.dma_semaphore, #tpu.memory_space<semaphore_mem>>) src(%dma_wait3A_82 : memref<8192x16xf32, #tpu.memory_space<hbm>>) dst(%dma_wait3A_77 : memref<128x16xf32, #tpu.memory_space<vmem>>)
      %scan3A_83 = arith.constant 0 : i32
      %scan3A_84 = arith.constant 0 : i32
      %scan3A_85 = arith.constant 8 : i32
      %scan3A_86 = arith.addi %scan3A_84, %scan3A_85 : i32
      %scan3A_87 = arith.constant 1 : i32
      %scan3A_88 = scf.for %scan3A_91 = %scan3A_84 to %scan3A_86 step %scan3A_87 iter_args(%scan3A_92 = %scan3A_83) -> (i32)  : i32 {
        %mul3A_93 = arith.constant 8 : i32
        %mul3A_94 = arith.muli %scan3A_9, %mul3A_93 : i32
        %add3A_95 = arith.addi %mul3A_94, %scan3A_91 : i32
        %add3A_96 = arith.addi %mul3A_2, %add3A_95 : i32
        %get3A = arith.index_cast %add3A_95 : i32 to index
        %get3A_97 = arith.constant 0 : index
        %get3A_98 = tpu.vector_load %arg11[%get3A, %get3A_97] {strides = array<i32>} : memref<256x16xf32, #tpu.memory_space<vmem>>, vector<16xf32>,
        %get3A_99 = arith.index_cast %add3A_95 : i32 to index
        %get3A_100 = arith.constant 0 : index
        %get3A_101 = tpu.vector_load %arg12[%get3A_99, %get3A_100] {strides = array<i32>} : memref<256x16xf32, #tpu.memory_space<vmem>>, vector<16xf32>,
        %broadcast_in_dim3A = arith.constant -3.000000e+38 : f32
        %broadcast_in_dim3A_102 = vector.broadcast %broadcast_in_dim3A : f32 to vector<16xf32>
        %mul3A_103 = arith.constant 64 : i32
        %mul3A_104 = arith.muli %scan3A_91, %mul3A_103 : i32
        %add3A_105 = arith.constant 0 : i32
        %add3A_106 = arith.addi %mul3A_104, %add3A_105 : i32
        %add3A_107 = vector.broadcast %add3A_106 : i32 to vector<16xi32>
        %add3A_108 = arith.addi %add3A_107, %iota3A : vector<16xi32>
        %gather3A = tpu.vector_load_idx %arg16[%add3A_108] : memref<512xi32, #tpu.memory_space<vmem>>[vector<16xi32>], vector<16xi32>,
        %ne3A = vector.broadcast %add3A_96 : i32 to vector<16xi32>
        %ne3A_109 = arith.cmpi ne, %gather3A, %ne3A : vector<16xi32>
        %broadcast_in_dim3A_110 = arith.constant 0.000000e+00 : f32
        %broadcast_in_dim3A_111 = vector.broadcast %broadcast_in_dim3A_110 : f32 to vector<16xf32>
        %broadcast_in_dim3A_112 = arith.constant 0.000000e+00 : f32
        %broadcast_in_dim3A_113 = vector.broadcast %broadcast_in_dim3A_112 : f32 to vector<16xf32>
        %broadcast_in_dim3A_114 = arith.constant 0 : i32
        %broadcast_in_dim3A_115 = vector.broadcast %broadcast_in_dim3A_114 : i32 to vector<16xi32>
        %gather3A_116 = tpu.vector_load_idx %arg17[%add3A_108, %broadcast_in_dim3A_115] : memref<512x16xf32, #tpu.memory_space<vmem>>[vector<16xi32>, vector<16xi32>], vector<16xf32>,
        %slice3A = vector.extract_strided_slice %get3A_98 {offsets = [0], sizes = [1], strides = [1]} : vector<16xf32> to vector<1xf32>
        %squeeze3A = vector.extract %slice3A[0] : f32 from vector<1xf32>
        %sub3A = vector.broadcast %squeeze3A : f32 to vector<16xf32>
        %sub3A_117 = arith.subf %gather3A_116, %sub3A : vector<16xf32>
        %mul3A_118 = arith.mulf %sub3A_117, %sub3A_117 : vector<16xf32>
        %add3A_119 = arith.addf %broadcast_in_dim3A_111, %mul3A_118 : vector<16xf32>
        %slice3A_120 = vector.extract_strided_slice %get3A_101 {offsets = [0], sizes = [1], strides = [1]} : vector<16xf32> to vector<1xf32>
        %squeeze3A_121 = vector.extract %slice3A_120[0] : f32 from vector<1xf32>
        %mul3A_122 = vector.broadcast %squeeze3A_121 : f32 to vector<16xf32>
        %mul3A_123 = arith.mulf %mul3A_122, %sub3A_117 : vector<16xf32>
        %add3A_124 = arith.addf %broadcast_in_dim3A_113, %mul3A_123 : vector<16xf32>
        %broadcast_in_dim3A_125 = arith.constant 1 : i32
        %broadcast_in_dim3A_126 = vector.broadcast %broadcast_in_dim3A_125 : i32 to vector<16xi32>
        %gather3A_127 = tpu.vector_load_idx %arg17[%add3A_108, %broadcast_in_dim3A_126] : memref<512x16xf32, #tpu.memory_space<vmem>>[vector<16xi32>, vector<16xi32>], vector<16xf32>,
        %slice3A_128 = vector.extract_strided_slice %get3A_98 {offsets = [1], sizes = [1], strides = [1]} : vector<16xf32> to vector<1xf32>
        %squeeze3A_129 = vector.extract %slice3A_128[0] : f32 from vector<1xf32>
        %sub3A_130 = vector.broadcast %squeeze3A_129 : f32 to vector<16xf32>
        %sub3A_131 = arith.subf %gather3A_127, %sub3A_130 : vector<16xf32>
        %mul3A_132 = arith.mulf %sub3A_131, %sub3A_131 : vector<16xf32>
        %add3A_133 = arith.addf %add3A_119, %mul3A_132 : vector<16xf32>
        %slice3A_134 = vector.extract_strided_slice %get3A_101 {offsets = [1], sizes = [1], strides = [1]} : vector<16xf32> to vector<1xf32>
        %squeeze3A_135 = vector.extract %slice3A_134[0] : f32 from vector<1xf32>
        %mul3A_136 = vector.broadcast %squeeze3A_135 : f32 to vector<16xf32>
        %mul3A_137 = arith.mulf %mul3A_136, %sub3A_131 : vector<16xf32>
        %add3A_138 = arith.addf %add3A_124, %mul3A_137 : vector<16xf32>
        %broadcast_in_dim3A_139 = arith.constant 2 : i32
        %broadcast_in_dim3A_140 = vector.broadcast %broadcast_in_dim3A_139 : i32 to vector<16xi32>
        %gather3A_141 = tpu.vector_load_idx %arg17[%add3A_108, %broadcast_in_dim3A_140] : memref<512x16xf32, #tpu.memory_space<vmem>>[vector<16xi32>, vector<16xi32>], vector<16xf32>,
        %slice3A_142 = vector.extract_strided_slice %get3A_98 {offsets = [2], sizes = [1], strides = [1]} : vector<16xf32> to vector<1xf32>
        %squeeze3A_143 = vector.extract %slice3A_142[0] : f32 from vector<1xf32>
        %sub3A_144 = vector.broadcast %squeeze3A_143 : f32 to vector<16xf32>
        %sub3A_145 = arith.subf %gather3A_141, %sub3A_144 : vector<16xf32>
        %mul3A_146 = arith.mulf %sub3A_145, %sub3A_145 : vector<16xf32>
        %add3A_147 = arith.addf %add3A_133, %mul3A_146 : vector<16xf32>
        %slice3A_148 = vector.extract_strided_slice %get3A_101 {offsets = [2], sizes = [1], strides = [1]} : vector<16xf32> to vector<1xf32>
        %squeeze3A_149 = vector.extract %slice3A_148[0] : f32 from vector<1xf32>
        %mul3A_150 = vector.broadcast %squeeze3A_149 : f32 to vector<16xf32>
        %mul3A_151 = arith.mulf %mul3A_150, %sub3A_145 : vector<16xf32>
        %add3A_152 = arith.addf %add3A_138, %mul3A_151 : vector<16xf32>
        %broadcast_in_dim3A_153 = arith.constant 3 : i32
        %broadcast_in_dim3A_154 = vector.broadcast %broadcast_in_dim3A_153 : i32 to vector<16xi32>
        %gather3A_155 = tpu.vector_load_idx %arg17[%add3A_108, %broadcast_in_dim3A_154] : memref<512x16xf32, #tpu.memory_space<vmem>>[vector<16xi32>, vector<16xi32>], vector<16xf32>,
        %slice3A_156 = vector.extract_strided_slice %get3A_98 {offsets = [3], sizes = [1], strides = [1]} : vector<16xf32> to vector<1xf32>
        %squeeze3A_157 = vector.extract %slice3A_156[0] : f32 from vector<1xf32>
        %sub3A_158 = vector.broadcast %squeeze3A_157 : f32 to vector<16xf32>
        %sub3A_159 = arith.subf %gather3A_155, %sub3A_158 : vector<16xf32>
        %mul3A_160 = arith.mulf %sub3A_159, %sub3A_159 : vector<16xf32>
        %add3A_161 = arith.addf %add3A_147, %mul3A_160 : vector<16xf32>
        %slice3A_162 = vector.extract_strided_slice %get3A_101 {offsets = [3], sizes = [1], strides = [1]} : vector<16xf32> to vector<1xf32>
        %squeeze3A_163 = vector.extract %slice3A_162[0] : f32 from vector<1xf32>
        %mul3A_164 = vector.broadcast %squeeze3A_163 : f32 to vector<16xf32>
        %mul3A_165 = arith.mulf %mul3A_164, %sub3A_159 : vector<16xf32>
        %add3A_166 = arith.addf %add3A_152, %mul3A_165 : vector<16xf32>
        %broadcast_in_dim3A_167 = arith.constant 4 : i32
        %broadcast_in_dim3A_168 = vector.broadcast %broadcast_in_dim3A_167 : i32 to vector<16xi32>
        %gather3A_169 = tpu.vector_load_idx %arg17[%add3A_108, %broadcast_in_dim3A_168] : memref<512x16xf32, #tpu.memory_space<vmem>>[vector<16xi32>, vector<16xi32>], vector<16xf32>,
        %slice3A_170 = vector.extract_strided_slice %get3A_98 {offsets = [4], sizes = [1], strides = [1]} : vector<16xf32> to vector<1xf32>
        %squeeze3A_171 = vector.extract %slice3A_170[0] : f32 from vector<1xf32>
        %sub3A_172 = vector.broadcast %squeeze3A_171 : f32 to vector<16xf32>
        %sub3A_173 = arith.subf %gather3A_169, %sub3A_172 : vector<16xf32>
        %mul3A_174 = arith.mulf %sub3A_173, %sub3A_173 : vector<16xf32>
        %add3A_175 = arith.addf %add3A_161, %mul3A_174 : vector<16xf32>
        %slice3A_176 = vector.extract_strided_slice %get3A_101 {offsets = [4], sizes = [1], strides = [1]} : vector<16xf32> to vector<1xf32>
        %squeeze3A_177 = vector.extract %slice3A_176[0] : f32 from vector<1xf32>
        %mul3A_178 = vector.broadcast %squeeze3A_177 : f32 to vector<16xf32>
        %mul3A_179 = arith.mulf %mul3A_178, %sub3A_173 : vector<16xf32>
        %add3A_180 = arith.addf %add3A_166, %mul3A_179 : vector<16xf32>
        %broadcast_in_dim3A_181 = arith.constant 5 : i32
        %broadcast_in_dim3A_182 = vector.broadcast %broadcast_in_dim3A_181 : i32 to vector<16xi32>
        %gather3A_183 = tpu.vector_load_idx %arg17[%add3A_108, %broadcast_in_dim3A_182] : memref<512x16xf32, #tpu.memory_space<vmem>>[vector<16xi32>, vector<16xi32>], vector<16xf32>,
        %slice3A_184 = vector.extract_strided_slice %get3A_98 {offsets = [5], sizes = [1], strides = [1]} : vector<16xf32> to vector<1xf32>
        %squeeze3A_185 = vector.extract %slice3A_184[0] : f32 from vector<1xf32>
        %sub3A_186 = vector.broadcast %squeeze3A_185 : f32 to vector<16xf32>
        %sub3A_187 = arith.subf %gather3A_183, %sub3A_186 : vector<16xf32>
        %mul3A_188 = arith.mulf %sub3A_187, %sub3A_187 : vector<16xf32>
        %add3A_189 = arith.addf %add3A_175, %mul3A_188 : vector<16xf32>
        %slice3A_190 = vector.extract_strided_slice %get3A_101 {offsets = [5], sizes = [1], strides = [1]} : vector<16xf32> to vector<1xf32>
        %squeeze3A_191 = vector.extract %slice3A_190[0] : f32 from vector<1xf32>
        %mul3A_192 = vector.broadcast %squeeze3A_191 : f32 to vector<16xf32>
        %mul3A_193 = arith.mulf %mul3A_192, %sub3A_187 : vector<16xf32>
        %add3A_194 = arith.addf %add3A_180, %mul3A_193 : vector<16xf32>
        %broadcast_in_dim3A_195 = arith.constant 6 : i32
        %broadcast_in_dim3A_196 = vector.broadcast %broadcast_in_dim3A_195 : i32 to vector<16xi32>
        %gather3A_197 = tpu.vector_load_idx %arg17[%add3A_108, %broadcast_in_dim3A_196] : memref<512x16xf32, #tpu.memory_space<vmem>>[vector<16xi32>, vector<16xi32>], vector<16xf32>,
        %slice3A_198 = vector.extract_strided_slice %get3A_98 {offsets = [6], sizes = [1], strides = [1]} : vector<16xf32> to vector<1xf32>
        %squeeze3A_199 = vector.extract %slice3A_198[0] : f32 from vector<1xf32>
        %sub3A_200 = vector.broadcast %squeeze3A_199 : f32 to vector<16xf32>
        %sub3A_201 = arith.subf %gather3A_197, %sub3A_200 : vector<16xf32>
        %mul3A_202 = arith.mulf %sub3A_201, %sub3A_201 : vector<16xf32>
        %add3A_203 = arith.addf %add3A_189, %mul3A_202 : vector<16xf32>
        %slice3A_204 = vector.extract_strided_slice %get3A_101 {offsets = [6], sizes = [1], strides = [1]} : vector<16xf32> to vector<1xf32>
        %squeeze3A_205 = vector.extract %slice3A_204[0] : f32 from vector<1xf32>
        %mul3A_206 = vector.broadcast %squeeze3A_205 : f32 to vector<16xf32>
        %mul3A_207 = arith.mulf %mul3A_206, %sub3A_201 : vector<16xf32>
        %add3A_208 = arith.addf %add3A_194, %mul3A_207 : vector<16xf32>
        %broadcast_in_dim3A_209 = arith.constant 7 : i32
        %broadcast_in_dim3A_210 = vector.broadcast %broadcast_in_dim3A_209 : i32 to vector<16xi32>
        %gather3A_211 = tpu.vector_load_idx %arg17[%add3A_108, %broadcast_in_dim3A_210] : memref<512x16xf32, #tpu.memory_space<vmem>>[vector<16xi32>, vector<16xi32>], vector<16xf32>,
        %slice3A_212 = vector.extract_strided_slice %get3A_98 {offsets = [7], sizes = [1], strides = [1]} : vector<16xf32> to vector<1xf32>
        %squeeze3A_213 = vector.extract %slice3A_212[0] : f32 from vector<1xf32>
        %sub3A_214 = vector.broadcast %squeeze3A_213 : f32 to vector<16xf32>
        %sub3A_215 = arith.subf %gather3A_211, %sub3A_214 : vector<16xf32>
        %mul3A_216 = arith.mulf %sub3A_215, %sub3A_215 : vector<16xf32>
        %add3A_217 = arith.addf %add3A_203, %mul3A_216 : vector<16xf32>
        %slice3A_218 = vector.extract_strided_slice %get3A_101 {offsets = [7], sizes = [1], strides = [1]} : vector<16xf32> to vector<1xf32>
        %squeeze3A_219 = vector.extract %slice3A_218[0] : f32 from vector<1xf32>
        %mul3A_220 = vector.broadcast %squeeze3A_219 : f32 to vector<16xf32>
        %mul3A_221 = arith.mulf %mul3A_220, %sub3A_215 : vector<16xf32>
        %add3A_222 = arith.addf %add3A_208, %mul3A_221 : vector<16xf32>
        %broadcast_in_dim3A_223 = arith.constant 8 : i32
        %broadcast_in_dim3A_224 = vector.broadcast %broadcast_in_dim3A_223 : i32 to vector<16xi32>
        %gather3A_225 = tpu.vector_load_idx %arg17[%add3A_108, %broadcast_in_dim3A_224] : memref<512x16xf32, #tpu.memory_space<vmem>>[vector<16xi32>, vector<16xi32>], vector<16xf32>,
        %slice3A_226 = vector.extract_strided_slice %get3A_98 {offsets = [8], sizes = [1], strides = [1]} : vector<16xf32> to vector<1xf32>
        %squeeze3A_227 = vector.extract %slice3A_226[0] : f32 from vector<1xf32>
        %sub3A_228 = vector.broadcast %squeeze3A_227 : f32 to vector<16xf32>
        %sub3A_229 = arith.subf %gather3A_225, %sub3A_228 : vector<16xf32>
        %mul3A_230 = arith.mulf %sub3A_229, %sub3A_229 : vector<16xf32>
        %add3A_231 = arith.addf %add3A_217, %mul3A_230 : vector<16xf32>
        %slice3A_232 = vector.extract_strided_slice %get3A_101 {offsets = [8], sizes = [1], strides = [1]} : vector<16xf32> to vector<1xf32>
        %squeeze3A_233 = vector.extract %slice3A_232[0] : f32 from vector<1xf32>
        %mul3A_234 = vector.broadcast %squeeze3A_233 : f32 to vector<16xf32>
        %mul3A_235 = arith.mulf %mul3A_234, %sub3A_229 : vector<16xf32>
        %add3A_236 = arith.addf %add3A_222, %mul3A_235 : vector<16xf32>
        %le3A = arith.constant 0.000000e+00 : f32
        %le3A_237 = vector.broadcast %le3A : f32 to vector<16xf32>
        %le3A_238 = arith.cmpf ole, %add3A_231, %le3A_237 : vector<16xf32>
        %jit3A = arith.constant 1.000000e+00 : f32
        %broadcast_in_dim3A_239 = vector.broadcast %jit3A : f32 to vector<16xf32>
        %select_n3A = arith.select %le3A_238, %broadcast_in_dim3A_239, %add3A_231 : vector<16xi1>, vector<16xf32>
        %abs3A = math.absf %add3A_236 : vector<16xf32>
        %mul3A_240 = arith.mulf %add3A_236, %abs3A : vector<16xf32>
        %div3A = arith.divf %mul3A_240, %select_n3A : vector<16xf32>
        %jit3A_241 = arith.constant -3.000000e+38 : f32
        %broadcast_in_dim3A_242 = vector.broadcast %jit3A_241 : f32 to vector<16xf32>
        %select_n3A_243 = arith.select %ne3A_109, %div3A, %broadcast_in_dim3A_242 : vector<16xi1>, vector<16xf32>
        %max3A = arith.maximumf %broadcast_in_dim3A_102, %select_n3A_243 : vector<16xf32>
        %mul3A_244 = arith.constant 64 : i32
        %mul3A_245 = arith.muli %scan3A_91, %mul3A_244 : i32
        %add3A_246 = arith.constant 16 : i32
        %add3A_247 = arith.addi %mul3A_245, %add3A_246 : i32
        %add3A_248 = vector.broadcast %add3A_247 : i32 to vector<16xi32>
        %add3A_249 = arith.addi %add3A_248, %iota3A : vector<16xi32>
        %gather3A_250 = tpu.vector_load_idx %arg16[%add3A_249] : memref<512xi32, #tpu.memory_space<vmem>>[vector<16xi32>], vector<16xi32>,
        %ne3A_251 = vector.broadcast %add3A_96 : i32 to vector<16xi32>
        %ne3A_252 = arith.cmpi ne, %gather3A_250, %ne3A_251 : vector<16xi32>
        %broadcast_in_dim3A_253 = arith.constant 0.000000e+00 : f32
        %broadcast_in_dim3A_254 = vector.broadcast %broadcast_in_dim3A_253 : f32 to vector<16xf32>
        %broadcast_in_dim3A_255 = arith.constant 0.000000e+00 : f32
        %broadcast_in_dim3A_256 = vector.broadcast %broadcast_in_dim3A_255 : f32 to vector<16xf32>
        %broadcast_in_dim3A_257 = arith.constant 0 : i32
        %broadcast_in_dim3A_258 = vector.broadcast %broadcast_in_dim3A_257 : i32 to vector<16xi32>
        %gather3A_259 = tpu.vector_load_idx %arg17[%add3A_249, %broadcast_in_dim3A_258] : memref<512x16xf32, #tpu.memory_space<vmem>>[vector<16xi32>, vector<16xi32>], vector<16xf32>,
        %slice3A_260 = vector.extract_strided_slice %get3A_98 {offsets = [0], sizes = [1], strides = [1]} : vector<16xf32> to vector<1xf32>
        %squeeze3A_261 = vector.extract %slice3A_260[0] : f32 from vector<1xf32>
        %sub3A_262 = vector.broadcast %squeeze3A_261 : f32 to vector<16xf32>
        %sub3A_263 = arith.subf %gather3A_259, %sub3A_262 : vector<16xf32>
        %mul3A_264 = arith.mulf %sub3A_263, %sub3A_263 : vector<16xf32>
        %add3A_265 = arith.addf %broadcast_in_dim3A_254, %mul3A_264 : vector<16xf32>
        %slice3A_266 = vector.extract_strided_slice %get3A_101 {offsets = [0], sizes = [1], strides = [1]} : vector<16xf32> to vector<1xf32>
        %squeeze3A_267 = vector.extract %slice3A_266[0] : f32 from vector<1xf32>
        %mul3A_268 = vector.broadcast %squeeze3A_267 : f32 to vector<16xf32>
        %mul3A_269 = arith.mulf %mul3A_268, %sub3A_263 : vector<16xf32>
        %add3A_270 = arith.addf %broadcast_in_dim3A_256, %mul3A_269 : vector<16xf32>
        %broadcast_in_dim3A_271 = arith.constant 1 : i32
        %broadcast_in_dim3A_272 = vector.broadcast %broadcast_in_dim3A_271 : i32 to vector<16xi32>
        %gather3A_273 = tpu.vector_load_idx %arg17[%add3A_249, %broadcast_in_dim3A_272] : memref<512x16xf32, #tpu.memory_space<vmem>>[vector<16xi32>, vector<16xi32>], vector<16xf32>,
        %slice3A_274 = vector.extract_strided_slice %get3A_98 {offsets = [1], sizes = [1], strides = [1]} : vector<16xf32> to vector<1xf32>
        %squeeze3A_275 = vector.extract %slice3A_274[0] : f32 from vector<1xf32>
        %sub3A_276 = vector.broadcast %squeeze3A_275 : f32 to vector<16xf32>
        %sub3A_277 = arith.subf %gather3A_273, %sub3A_276 : vector<16xf32>
        %mul3A_278 = arith.mulf %sub3A_277, %sub3A_277 : vector<16xf32>
        %add3A_279 = arith.addf %add3A_265, %mul3A_278 : vector<16xf32>
        %slice3A_280 = vector.extract_strided_slice %get3A_101 {offsets = [1], sizes = [1], strides = [1]} : vector<16xf32> to vector<1xf32>
        %squeeze3A_281 = vector.extract %slice3A_280[0] : f32 from vector<1xf32>
        %mul3A_282 = vector.broadcast %squeeze3A_281 : f32 to vector<16xf32>
        %mul3A_283 = arith.mulf %mul3A_282, %sub3A_277 : vector<16xf32>
        %add3A_284 = arith.addf %add3A_270, %mul3A_283 : vector<16xf32>
        %broadcast_in_dim3A_285 = arith.constant 2 : i32
        %broadcast_in_dim3A_286 = vector.broadcast %broadcast_in_dim3A_285 : i32 to vector<16xi32>
        %gather3A_287 = tpu.vector_load_idx %arg17[%add3A_249, %broadcast_in_dim3A_286] : memref<512x16xf32, #tpu.memory_space<vmem>>[vector<16xi32>, vector<16xi32>], vector<16xf32>,
        %slice3A_288 = vector.extract_strided_slice %get3A_98 {offsets = [2], sizes = [1], strides = [1]} : vector<16xf32> to vector<1xf32>
        %squeeze3A_289 = vector.extract %slice3A_288[0] : f32 from vector<1xf32>
        %sub3A_290 = vector.broadcast %squeeze3A_289 : f32 to vector<16xf32>
        %sub3A_291 = arith.subf %gather3A_287, %sub3A_290 : vector<16xf32>
        %mul3A_292 = arith.mulf %sub3A_291, %sub3A_291 : vector<16xf32>
        %add3A_293 = arith.addf %add3A_279, %mul3A_292 : vector<16xf32>
        %slice3A_294 = vector.extract_strided_slice %get3A_101 {offsets = [2], sizes = [1], strides = [1]} : vector<16xf32> to vector<1xf32>
        %squeeze3A_295 = vector.extract %slice3A_294[0] : f32 from vector<1xf32>
        %mul3A_296 = vector.broadcast %squeeze3A_295 : f32 to vector<16xf32>
        %mul3A_297 = arith.mulf %mul3A_296, %sub3A_291 : vector<16xf32>
        %add3A_298 = arith.addf %add3A_284, %mul3A_297 : vector<16xf32>
        %broadcast_in_dim3A_299 = arith.constant 3 : i32
        %broadcast_in_dim3A_300 = vector.broadcast %broadcast_in_dim3A_299 : i32 to vector<16xi32>
        %gather3A_301 = tpu.vector_load_idx %arg17[%add3A_249, %broadcast_in_dim3A_300] : memref<512x16xf32, #tpu.memory_space<vmem>>[vector<16xi32>, vector<16xi32>], vector<16xf32>,
        %slice3A_302 = vector.extract_strided_slice %get3A_98 {offsets = [3], sizes = [1], strides = [1]} : vector<16xf32> to vector<1xf32>
        %squeeze3A_303 = vector.extract %slice3A_302[0] : f32 from vector<1xf32>
        %sub3A_304 = vector.broadcast %squeeze3A_303 : f32 to vector<16xf32>
        %sub3A_305 = arith.subf %gather3A_301, %sub3A_304 : vector<16xf32>
        %mul3A_306 = arith.mulf %sub3A_305, %sub3A_305 : vector<16xf32>
        %add3A_307 = arith.addf %add3A_293, %mul3A_306 : vector<16xf32>
        %slice3A_308 = vector.extract_strided_slice %get3A_101 {offsets = [3], sizes = [1], strides = [1]} : vector<16xf32> to vector<1xf32>
        %squeeze3A_309 = vector.extract %slice3A_308[0] : f32 from vector<1xf32>
        %mul3A_310 = vector.broadcast %squeeze3A_309 : f32 to vector<16xf32>
        %mul3A_311 = arith.mulf %mul3A_310, %sub3A_305 : vector<16xf32>
        %add3A_312 = arith.addf %add3A_298, %mul3A_311 : vector<16xf32>
        %broadcast_in_dim3A_313 = arith.constant 4 : i32
        %broadcast_in_dim3A_314 = vector.broadcast %broadcast_in_dim3A_313 : i32 to vector<16xi32>
        %gather3A_315 = tpu.vector_load_idx %arg17[%add3A_249, %broadcast_in_dim3A_314] : memref<512x16xf32, #tpu.memory_space<vmem>>[vector<16xi32>, vector<16xi32>], vector<16xf32>,
        %slice3A_316 = vector.extract_strided_slice %get3A_98 {offsets = [4], sizes = [1], strides = [1]} : vector<16xf32> to vector<1xf32>
        %squeeze3A_317 = vector.extract %slice3A_316[0] : f32 from vector<1xf32>
        %sub3A_318 = vector.broadcast %squeeze3A_317 : f32 to vector<16xf32>
        %sub3A_319 = arith.subf %gather3A_315, %sub3A_318 : vector<16xf32>
        %mul3A_320 = arith.mulf %sub3A_319, %sub3A_319 : vector<16xf32>
        %add3A_321 = arith.addf %add3A_307, %mul3A_320 : vector<16xf32>
        %slice3A_322 = vector.extract_strided_slice %get3A_101 {offsets = [4], sizes = [1], strides = [1]} : vector<16xf32> to vector<1xf32>
        %squeeze3A_323 = vector.extract %slice3A_322[0] : f32 from vector<1xf32>
        %mul3A_324 = vector.broadcast %squeeze3A_323 : f32 to vector<16xf32>
        %mul3A_325 = arith.mulf %mul3A_324, %sub3A_319 : vector<16xf32>
        %add3A_326 = arith.addf %add3A_312, %mul3A_325 : vector<16xf32>
        %broadcast_in_dim3A_327 = arith.constant 5 : i32
        %broadcast_in_dim3A_328 = vector.broadcast %broadcast_in_dim3A_327 : i32 to vector<16xi32>
        %gather3A_329 = tpu.vector_load_idx %arg17[%add3A_249, %broadcast_in_dim3A_328] : memref<512x16xf32, #tpu.memory_space<vmem>>[vector<16xi32>, vector<16xi32>], vector<16xf32>,
        %slice3A_330 = vector.extract_strided_slice %get3A_98 {offsets = [5], sizes = [1], strides = [1]} : vector<16xf32> to vector<1xf32>
        %squeeze3A_331 = vector.extract %slice3A_330[0] : f32 from vector<1xf32>
        %sub3A_332 = vector.broadcast %squeeze3A_331 : f32 to vector<16xf32>
        %sub3A_333 = arith.subf %gather3A_329, %sub3A_332 : vector<16xf32>
        %mul3A_334 = arith.mulf %sub3A_333, %sub3A_333 : vector<16xf32>
        %add3A_335 = arith.addf %add3A_321, %mul3A_334 : vector<16xf32>
        %slice3A_336 = vector.extract_strided_slice %get3A_101 {offsets = [5], sizes = [1], strides = [1]} : vector<16xf32> to vector<1xf32>
        %squeeze3A_337 = vector.extract %slice3A_336[0] : f32 from vector<1xf32>
        %mul3A_338 = vector.broadcast %squeeze3A_337 : f32 to vector<16xf32>
        %mul3A_339 = arith.mulf %mul3A_338, %sub3A_333 : vector<16xf32>
        %add3A_340 = arith.addf %add3A_326, %mul3A_339 : vector<16xf32>
        %broadcast_in_dim3A_341 = arith.constant 6 : i32
        %broadcast_in_dim3A_342 = vector.broadcast %broadcast_in_dim3A_341 : i32 to vector<16xi32>
        %gather3A_343 = tpu.vector_load_idx %arg17[%add3A_249, %broadcast_in_dim3A_342] : memref<512x16xf32, #tpu.memory_space<vmem>>[vector<16xi32>, vector<16xi32>], vector<16xf32>,
        %slice3A_344 = vector.extract_strided_slice %get3A_98 {offsets = [6], sizes = [1], strides = [1]} : vector<16xf32> to vector<1xf32>
        %squeeze3A_345 = vector.extract %slice3A_344[0] : f32 from vector<1xf32>
        %sub3A_346 = vector.broadcast %squeeze3A_345 : f32 to vector<16xf32>
        %sub3A_347 = arith.subf %gather3A_343, %sub3A_346 : vector<16xf32>
        %mul3A_348 = arith.mulf %sub3A_347, %sub3A_347 : vector<16xf32>
        %add3A_349 = arith.addf %add3A_335, %mul3A_348 : vector<16xf32>
        %slice3A_350 = vector.extract_strided_slice %get3A_101 {offsets = [6], sizes = [1], strides = [1]} : vector<16xf32> to vector<1xf32>
        %squeeze3A_351 = vector.extract %slice3A_350[0] : f32 from vector<1xf32>
        %mul3A_352 = vector.broadcast %squeeze3A_351 : f32 to vector<16xf32>
        %mul3A_353 = arith.mulf %mul3A_352, %sub3A_347 : vector<16xf32>
        %add3A_354 = arith.addf %add3A_340, %mul3A_353 : vector<16xf32>
        %broadcast_in_dim3A_355 = arith.constant 7 : i32
        %broadcast_in_dim3A_356 = vector.broadcast %broadcast_in_dim3A_355 : i32 to vector<16xi32>
        %gather3A_357 = tpu.vector_load_idx %arg17[%add3A_249, %broadcast_in_dim3A_356] : memref<512x16xf32, #tpu.memory_space<vmem>>[vector<16xi32>, vector<16xi32>], vector<16xf32>,
        %slice3A_358 = vector.extract_strided_slice %get3A_98 {offsets = [7], sizes = [1], strides = [1]} : vector<16xf32> to vector<1xf32>
        %squeeze3A_359 = vector.extract %slice3A_358[0] : f32 from vector<1xf32>
        %sub3A_360 = vector.broadcast %squeeze3A_359 : f32 to vector<16xf32>
        %sub3A_361 = arith.subf %gather3A_357, %sub3A_360 : vector<16xf32>
        %mul3A_362 = arith.mulf %sub3A_361, %sub3A_361 : vector<16xf32>
        %add3A_363 = arith.addf %add3A_349, %mul3A_362 : vector<16xf32>
        %slice3A_364 = vector.extract_strided_slice %get3A_101 {offsets = [7], sizes = [1], strides = [1]} : vector<16xf32> to vector<1xf32>
        %squeeze3A_365 = vector.extract %slice3A_364[0] : f32 from vector<1xf32>
        %mul3A_366 = vector.broadcast %squeeze3A_365 : f32 to vector<16xf32>
        %mul3A_367 = arith.mulf %mul3A_366, %sub3A_361 : vector<16xf32>
        %add3A_368 = arith.addf %add3A_354, %mul3A_367 : vector<16xf32>
        %broadcast_in_dim3A_369 = arith.constant 8 : i32
        %broadcast_in_dim3A_370 = vector.broadcast %broadcast_in_dim3A_369 : i32 to vector<16xi32>
        %gather3A_371 = tpu.vector_load_idx %arg17[%add3A_249, %broadcast_in_dim3A_370] : memref<512x16xf32, #tpu.memory_space<vmem>>[vector<16xi32>, vector<16xi32>], vector<16xf32>,
        %slice3A_372 = vector.extract_strided_slice %get3A_98 {offsets = [8], sizes = [1], strides = [1]} : vector<16xf32> to vector<1xf32>
        %squeeze3A_373 = vector.extract %slice3A_372[0] : f32 from vector<1xf32>
        %sub3A_374 = vector.broadcast %squeeze3A_373 : f32 to vector<16xf32>
        %sub3A_375 = arith.subf %gather3A_371, %sub3A_374 : vector<16xf32>
        %mul3A_376 = arith.mulf %sub3A_375, %sub3A_375 : vector<16xf32>
        %add3A_377 = arith.addf %add3A_363, %mul3A_376 : vector<16xf32>
        %slice3A_378 = vector.extract_strided_slice %get3A_101 {offsets = [8], sizes = [1], strides = [1]} : vector<16xf32> to vector<1xf32>
        %squeeze3A_379 = vector.extract %slice3A_378[0] : f32 from vector<1xf32>
        %mul3A_380 = vector.broadcast %squeeze3A_379 : f32 to vector<16xf32>
        %mul3A_381 = arith.mulf %mul3A_380, %sub3A_375 : vector<16xf32>
        %add3A_382 = arith.addf %add3A_368, %mul3A_381 : vector<16xf32>
        %le3A_383 = arith.constant 0.000000e+00 : f32
        %le3A_384 = vector.broadcast %le3A_383 : f32 to vector<16xf32>
        %le3A_385 = arith.cmpf ole, %add3A_377, %le3A_384 : vector<16xf32>
        %jit3A_386 = arith.constant 1.000000e+00 : f32
        %broadcast_in_dim3A_387 = vector.broadcast %jit3A_386 : f32 to vector<16xf32>
        %select_n3A_388 = arith.select %le3A_385, %broadcast_in_dim3A_387, %add3A_377 : vector<16xi1>, vector<16xf32>
        %abs3A_389 = math.absf %add3A_382 : vector<16xf32>
        %mul3A_390 = arith.mulf %add3A_382, %abs3A_389 : vector<16xf32>
        %div3A_391 = arith.divf %mul3A_390, %select_n3A_388 : vector<16xf32>
        %jit3A_392 = arith.constant -3.000000e+38 : f32
        %broadcast_in_dim3A_393 = vector.broadcast %jit3A_392 : f32 to vector<16xf32>
        %select_n3A_394 = arith.select %ne3A_252, %div3A_391, %broadcast_in_dim3A_393 : vector<16xi1>, vector<16xf32>
        %max3A_395 = arith.maximumf %max3A, %select_n3A_394 : vector<16xf32>
        %mul3A_396 = arith.constant 64 : i32
        %mul3A_397 = arith.muli %scan3A_91, %mul3A_396 : i32
        %add3A_398 = arith.constant 32 : i32
        %add3A_399 = arith.addi %mul3A_397, %add3A_398 : i32
        %add3A_400 = vector.broadcast %add3A_399 : i32 to vector<16xi32>
        %add3A_401 = arith.addi %add3A_400, %iota3A : vector<16xi32>
        %gather3A_402 = tpu.vector_load_idx %arg16[%add3A_401] : memref<512xi32, #tpu.memory_space<vmem>>[vector<16xi32>], vector<16xi32>,
        %ne3A_403 = vector.broadcast %add3A_96 : i32 to vector<16xi32>
        %ne3A_404 = arith.cmpi ne, %gather3A_402, %ne3A_403 : vector<16xi32>
        %broadcast_in_dim3A_405 = arith.constant 0.000000e+00 : f32
        %broadcast_in_dim3A_406 = vector.broadcast %broadcast_in_dim3A_405 : f32 to vector<16xf32>
        %broadcast_in_dim3A_407 = arith.constant 0.000000e+00 : f32
        %broadcast_in_dim3A_408 = vector.broadcast %broadcast_in_dim3A_407 : f32 to vector<16xf32>
        %broadcast_in_dim3A_409 = arith.constant 0 : i32
        %broadcast_in_dim3A_410 = vector.broadcast %broadcast_in_dim3A_409 : i32 to vector<16xi32>
        %gather3A_411 = tpu.vector_load_idx %arg17[%add3A_401, %broadcast_in_dim3A_410] : memref<512x16xf32, #tpu.memory_space<vmem>>[vector<16xi32>, vector<16xi32>], vector<16xf32>,
        %slice3A_412 = vector.extract_strided_slice %get3A_98 {offsets = [0], sizes = [1], strides = [1]} : vector<16xf32> to vector<1xf32>
        %squeeze3A_413 = vector.extract %slice3A_412[0] : f32 from vector<1xf32>
        %sub3A_414 = vector.broadcast %squeeze3A_413 : f32 to vector<16xf32>
        %sub3A_415 = arith.subf %gather3A_411, %sub3A_414 : vector<16xf32>
        %mul3A_416 = arith.mulf %sub3A_415, %sub3A_415 : vector<16xf32>
        %add3A_417 = arith.addf %broadcast_in_dim3A_406, %mul3A_416 : vector<16xf32>
        %slice3A_418 = vector.extract_strided_slice %get3A_101 {offsets = [0], sizes = [1], strides = [1]} : vector<16xf32> to vector<1xf32>
        %squeeze3A_419 = vector.extract %slice3A_418[0] : f32 from vector<1xf32>
        %mul3A_420 = vector.broadcast %squeeze3A_419 : f32 to vector<16xf32>
        %mul3A_421 = arith.mulf %mul3A_420, %sub3A_415 : vector<16xf32>
        %add3A_422 = arith.addf %broadcast_in_dim3A_408, %mul3A_421 : vector<16xf32>
        %broadcast_in_dim3A_423 = arith.constant 1 : i32
        %broadcast_in_dim3A_424 = vector.broadcast %broadcast_in_dim3A_423 : i32 to vector<16xi32>
        %gather3A_425 = tpu.vector_load_idx %arg17[%add3A_401, %broadcast_in_dim3A_424] : memref<512x16xf32, #tpu.memory_space<vmem>>[vector<16xi32>, vector<16xi32>], vector<16xf32>,
        %slice3A_426 = vector.extract_strided_slice %get3A_98 {offsets = [1], sizes = [1], strides = [1]} : vector<16xf32> to vector<1xf32>
        %squeeze3A_427 = vector.extract %slice3A_426[0] : f32 from vector<1xf32>
        %sub3A_428 = vector.broadcast %squeeze3A_427 : f32 to vector<16xf32>
        %sub3A_429 = arith.subf %gather3A_425, %sub3A_428 : vector<16xf32>
        %mul3A_430 = arith.mulf %sub3A_429, %sub3A_429 : vector<16xf32>
        %add3A_431 = arith.addf %add3A_417, %mul3A_430 : vector<16xf32>
        %slice3A_432 = vector.extract_strided_slice %get3A_101 {offsets = [1], sizes = [1], strides = [1]} : vector<16xf32> to vector<1xf32>
        %squeeze3A_433 = vector.extract %slice3A_432[0] : f32 from vector<1xf32>
        %mul3A_434 = vector.broadcast %squeeze3A_433 : f32 to vector<16xf32>
        %mul3A_435 = arith.mulf %mul3A_434, %sub3A_429 : vector<16xf32>
        %add3A_436 = arith.addf %add3A_422, %mul3A_435 : vector<16xf32>
        %broadcast_in_dim3A_437 = arith.constant 2 : i32
        %broadcast_in_dim3A_438 = vector.broadcast %broadcast_in_dim3A_437 : i32 to vector<16xi32>
        %gather3A_439 = tpu.vector_load_idx %arg17[%add3A_401, %broadcast_in_dim3A_438] : memref<512x16xf32, #tpu.memory_space<vmem>>[vector<16xi32>, vector<16xi32>], vector<16xf32>,
        %slice3A_440 = vector.extract_strided_slice %get3A_98 {offsets = [2], sizes = [1], strides = [1]} : vector<16xf32> to vector<1xf32>
        %squeeze3A_441 = vector.extract %slice3A_440[0] : f32 from vector<1xf32>
        %sub3A_442 = vector.broadcast %squeeze3A_441 : f32 to vector<16xf32>
        %sub3A_443 = arith.subf %gather3A_439, %sub3A_442 : vector<16xf32>
        %mul3A_444 = arith.mulf %sub3A_443, %sub3A_443 : vector<16xf32>
        %add3A_445 = arith.addf %add3A_431, %mul3A_444 : vector<16xf32>
        %slice3A_446 = vector.extract_strided_slice %get3A_101 {offsets = [2], sizes = [1], strides = [1]} : vector<16xf32> to vector<1xf32>
        %squeeze3A_447 = vector.extract %slice3A_446[0] : f32 from vector<1xf32>
        %mul3A_448 = vector.broadcast %squeeze3A_447 : f32 to vector<16xf32>
        %mul3A_449 = arith.mulf %mul3A_448, %sub3A_443 : vector<16xf32>
        %add3A_450 = arith.addf %add3A_436, %mul3A_449 : vector<16xf32>
        %broadcast_in_dim3A_451 = arith.constant 3 : i32
        %broadcast_in_dim3A_452 = vector.broadcast %broadcast_in_dim3A_451 : i32 to vector<16xi32>
        %gather3A_453 = tpu.vector_load_idx %arg17[%add3A_401, %broadcast_in_dim3A_452] : memref<512x16xf32, #tpu.memory_space<vmem>>[vector<16xi32>, vector<16xi32>], vector<16xf32>,
        %slice3A_454 = vector.extract_strided_slice %get3A_98 {offsets = [3], sizes = [1], strides = [1]} : vector<16xf32> to vector<1xf32>
        %squeeze3A_455 = vector.extract %slice3A_454[0] : f32 from vector<1xf32>
        %sub3A_456 = vector.broadcast %squeeze3A_455 : f32 to vector<16xf32>
        %sub3A_457 = arith.subf %gather3A_453, %sub3A_456 : vector<16xf32>
        %mul3A_458 = arith.mulf %sub3A_457, %sub3A_457 : vector<16xf32>
        %add3A_459 = arith.addf %add3A_445, %mul3A_458 : vector<16xf32>
        %slice3A_460 = vector.extract_strided_slice %get3A_101 {offsets = [3], sizes = [1], strides = [1]} : vector<16xf32> to vector<1xf32>
        %squeeze3A_461 = vector.extract %slice3A_460[0] : f32 from vector<1xf32>
        %mul3A_462 = vector.broadcast %squeeze3A_461 : f32 to vector<16xf32>
        %mul3A_463 = arith.mulf %mul3A_462, %sub3A_457 : vector<16xf32>
        %add3A_464 = arith.addf %add3A_450, %mul3A_463 : vector<16xf32>
        %broadcast_in_dim3A_465 = arith.constant 4 : i32
        %broadcast_in_dim3A_466 = vector.broadcast %broadcast_in_dim3A_465 : i32 to vector<16xi32>
        %gather3A_467 = tpu.vector_load_idx %arg17[%add3A_401, %broadcast_in_dim3A_466] : memref<512x16xf32, #tpu.memory_space<vmem>>[vector<16xi32>, vector<16xi32>], vector<16xf32>,
        %slice3A_468 = vector.extract_strided_slice %get3A_98 {offsets = [4], sizes = [1], strides = [1]} : vector<16xf32> to vector<1xf32>
        %squeeze3A_469 = vector.extract %slice3A_468[0] : f32 from vector<1xf32>
        %sub3A_470 = vector.broadcast %squeeze3A_469 : f32 to vector<16xf32>
        %sub3A_471 = arith.subf %gather3A_467, %sub3A_470 : vector<16xf32>
        %mul3A_472 = arith.mulf %sub3A_471, %sub3A_471 : vector<16xf32>
        %add3A_473 = arith.addf %add3A_459, %mul3A_472 : vector<16xf32>
        %slice3A_474 = vector.extract_strided_slice %get3A_101 {offsets = [4], sizes = [1], strides = [1]} : vector<16xf32> to vector<1xf32>
        %squeeze3A_475 = vector.extract %slice3A_474[0] : f32 from vector<1xf32>
        %mul3A_476 = vector.broadcast %squeeze3A_475 : f32 to vector<16xf32>
        %mul3A_477 = arith.mulf %mul3A_476, %sub3A_471 : vector<16xf32>
        %add3A_478 = arith.addf %add3A_464, %mul3A_477 : vector<16xf32>
        %broadcast_in_dim3A_479 = arith.constant 5 : i32
        %broadcast_in_dim3A_480 = vector.broadcast %broadcast_in_dim3A_479 : i32 to vector<16xi32>
        %gather3A_481 = tpu.vector_load_idx %arg17[%add3A_401, %broadcast_in_dim3A_480] : memref<512x16xf32, #tpu.memory_space<vmem>>[vector<16xi32>, vector<16xi32>], vector<16xf32>,
        %slice3A_482 = vector.extract_strided_slice %get3A_98 {offsets = [5], sizes = [1], strides = [1]} : vector<16xf32> to vector<1xf32>
        %squeeze3A_483 = vector.extract %slice3A_482[0] : f32 from vector<1xf32>
        %sub3A_484 = vector.broadcast %squeeze3A_483 : f32 to vector<16xf32>
        %sub3A_485 = arith.subf %gather3A_481, %sub3A_484 : vector<16xf32>
        %mul3A_486 = arith.mulf %sub3A_485, %sub3A_485 : vector<16xf32>
        %add3A_487 = arith.addf %add3A_473, %mul3A_486 : vector<16xf32>
        %slice3A_488 = vector.extract_strided_slice %get3A_101 {offsets = [5], sizes = [1], strides = [1]} : vector<16xf32> to vector<1xf32>
        %squeeze3A_489 = vector.extract %slice3A_488[0] : f32 from vector<1xf32>
        %mul3A_490 = vector.broadcast %squeeze3A_489 : f32 to vector<16xf32>
        %mul3A_491 = arith.mulf %mul3A_490, %sub3A_485 : vector<16xf32>
        %add3A_492 = arith.addf %add3A_478, %mul3A_491 : vector<16xf32>
        %broadcast_in_dim3A_493 = arith.constant 6 : i32
        %broadcast_in_dim3A_494 = vector.broadcast %broadcast_in_dim3A_493 : i32 to vector<16xi32>
        %gather3A_495 = tpu.vector_load_idx %arg17[%add3A_401, %broadcast_in_dim3A_494] : memref<512x16xf32, #tpu.memory_space<vmem>>[vector<16xi32>, vector<16xi32>], vector<16xf32>,
        %slice3A_496 = vector.extract_strided_slice %get3A_98 {offsets = [6], sizes = [1], strides = [1]} : vector<16xf32> to vector<1xf32>
        %squeeze3A_497 = vector.extract %slice3A_496[0] : f32 from vector<1xf32>
        %sub3A_498 = vector.broadcast %squeeze3A_497 : f32 to vector<16xf32>
        %sub3A_499 = arith.subf %gather3A_495, %sub3A_498 : vector<16xf32>
        %mul3A_500 = arith.mulf %sub3A_499, %sub3A_499 : vector<16xf32>
        %add3A_501 = arith.addf %add3A_487, %mul3A_500 : vector<16xf32>
        %slice3A_502 = vector.extract_strided_slice %get3A_101 {offsets = [6], sizes = [1], strides = [1]} : vector<16xf32> to vector<1xf32>
        %squeeze3A_503 = vector.extract %slice3A_502[0] : f32 from vector<1xf32>
        %mul3A_504 = vector.broadcast %squeeze3A_503 : f32 to vector<16xf32>
        %mul3A_505 = arith.mulf %mul3A_504, %sub3A_499 : vector<16xf32>
        %add3A_506 = arith.addf %add3A_492, %mul3A_505 : vector<16xf32>
        %broadcast_in_dim3A_507 = arith.constant 7 : i32
        %broadcast_in_dim3A_508 = vector.broadcast %broadcast_in_dim3A_507 : i32 to vector<16xi32>
        %gather3A_509 = tpu.vector_load_idx %arg17[%add3A_401, %broadcast_in_dim3A_508] : memref<512x16xf32, #tpu.memory_space<vmem>>[vector<16xi32>, vector<16xi32>], vector<16xf32>,
        %slice3A_510 = vector.extract_strided_slice %get3A_98 {offsets = [7], sizes = [1], strides = [1]} : vector<16xf32> to vector<1xf32>
        %squeeze3A_511 = vector.extract %slice3A_510[0] : f32 from vector<1xf32>
        %sub3A_512 = vector.broadcast %squeeze3A_511 : f32 to vector<16xf32>
        %sub3A_513 = arith.subf %gather3A_509, %sub3A_512 : vector<16xf32>
        %mul3A_514 = arith.mulf %sub3A_513, %sub3A_513 : vector<16xf32>
        %add3A_515 = arith.addf %add3A_501, %mul3A_514 : vector<16xf32>
        %slice3A_516 = vector.extract_strided_slice %get3A_101 {offsets = [7], sizes = [1], strides = [1]} : vector<16xf32> to vector<1xf32>
        %squeeze3A_517 = vector.extract %slice3A_516[0] : f32 from vector<1xf32>
        %mul3A_518 = vector.broadcast %squeeze3A_517 : f32 to vector<16xf32>
        %mul3A_519 = arith.mulf %mul3A_518, %sub3A_513 : vector<16xf32>
        %add3A_520 = arith.addf %add3A_506, %mul3A_519 : vector<16xf32>
        %broadcast_in_dim3A_521 = arith.constant 8 : i32
        %broadcast_in_dim3A_522 = vector.broadcast %broadcast_in_dim3A_521 : i32 to vector<16xi32>
        %gather3A_523 = tpu.vector_load_idx %arg17[%add3A_401, %broadcast_in_dim3A_522] : memref<512x16xf32, #tpu.memory_space<vmem>>[vector<16xi32>, vector<16xi32>], vector<16xf32>,
        %slice3A_524 = vector.extract_strided_slice %get3A_98 {offsets = [8], sizes = [1], strides = [1]} : vector<16xf32> to vector<1xf32>
        %squeeze3A_525 = vector.extract %slice3A_524[0] : f32 from vector<1xf32>
        %sub3A_526 = vector.broadcast %squeeze3A_525 : f32 to vector<16xf32>
        %sub3A_527 = arith.subf %gather3A_523, %sub3A_526 : vector<16xf32>
        %mul3A_528 = arith.mulf %sub3A_527, %sub3A_527 : vector<16xf32>
        %add3A_529 = arith.addf %add3A_515, %mul3A_528 : vector<16xf32>
        %slice3A_530 = vector.extract_strided_slice %get3A_101 {offsets = [8], sizes = [1], strides = [1]} : vector<16xf32> to vector<1xf32>
        %squeeze3A_531 = vector.extract %slice3A_530[0] : f32 from vector<1xf32>
        %mul3A_532 = vector.broadcast %squeeze3A_531 : f32 to vector<16xf32>
        %mul3A_533 = arith.mulf %mul3A_532, %sub3A_527 : vector<16xf32>
        %add3A_534 = arith.addf %add3A_520, %mul3A_533 : vector<16xf32>
        %le3A_535 = arith.constant 0.000000e+00 : f32
        %le3A_536 = vector.broadcast %le3A_535 : f32 to vector<16xf32>
        %le3A_537 = arith.cmpf ole, %add3A_529, %le3A_536 : vector<16xf32>
        %jit3A_538 = arith.constant 1.000000e+00 : f32
        %broadcast_in_dim3A_539 = vector.broadcast %jit3A_538 : f32 to vector<16xf32>
        %select_n3A_540 = arith.select %le3A_537, %broadcast_in_dim3A_539, %add3A_529 : vector<16xi1>, vector<16xf32>
        %abs3A_541 = math.absf %add3A_534 : vector<16xf32>
        %mul3A_542 = arith.mulf %add3A_534, %abs3A_541 : vector<16xf32>
        %div3A_543 = arith.divf %mul3A_542, %select_n3A_540 : vector<16xf32>
        %jit3A_544 = arith.constant -3.000000e+38 : f32
        %broadcast_in_dim3A_545 = vector.broadcast %jit3A_544 : f32 to vector<16xf32>
        %select_n3A_546 = arith.select %ne3A_404, %div3A_543, %broadcast_in_dim3A_545 : vector<16xi1>, vector<16xf32>
        %max3A_547 = arith.maximumf %max3A_395, %select_n3A_546 : vector<16xf32>
        %mul3A_548 = arith.constant 64 : i32
        %mul3A_549 = arith.muli %scan3A_91, %mul3A_548 : i32
        %add3A_550 = arith.constant 48 : i32
        %add3A_551 = arith.addi %mul3A_549, %add3A_550 : i32
        %add3A_552 = vector.broadcast %add3A_551 : i32 to vector<16xi32>
        %add3A_553 = arith.addi %add3A_552, %iota3A : vector<16xi32>
        %gather3A_554 = tpu.vector_load_idx %arg16[%add3A_553] : memref<512xi32, #tpu.memory_space<vmem>>[vector<16xi32>], vector<16xi32>,
        %ne3A_555 = vector.broadcast %add3A_96 : i32 to vector<16xi32>
        %ne3A_556 = arith.cmpi ne, %gather3A_554, %ne3A_555 : vector<16xi32>
        %broadcast_in_dim3A_557 = arith.constant 0.000000e+00 : f32
        %broadcast_in_dim3A_558 = vector.broadcast %broadcast_in_dim3A_557 : f32 to vector<16xf32>
        %broadcast_in_dim3A_559 = arith.constant 0.000000e+00 : f32
        %broadcast_in_dim3A_560 = vector.broadcast %broadcast_in_dim3A_559 : f32 to vector<16xf32>
        %broadcast_in_dim3A_561 = arith.constant 0 : i32
        %broadcast_in_dim3A_562 = vector.broadcast %broadcast_in_dim3A_561 : i32 to vector<16xi32>
        %gather3A_563 = tpu.vector_load_idx %arg17[%add3A_553, %broadcast_in_dim3A_562] : memref<512x16xf32, #tpu.memory_space<vmem>>[vector<16xi32>, vector<16xi32>], vector<16xf32>,
        %slice3A_564 = vector.extract_strided_slice %get3A_98 {offsets = [0], sizes = [1], strides = [1]} : vector<16xf32> to vector<1xf32>
        %squeeze3A_565 = vector.extract %slice3A_564[0] : f32 from vector<1xf32>
        %sub3A_566 = vector.broadcast %squeeze3A_565 : f32 to vector<16xf32>
        %sub3A_567 = arith.subf %gather3A_563, %sub3A_566 : vector<16xf32>
        %mul3A_568 = arith.mulf %sub3A_567, %sub3A_567 : vector<16xf32>
        %add3A_569 = arith.addf %broadcast_in_dim3A_558, %mul3A_568 : vector<16xf32>
        %slice3A_570 = vector.extract_strided_slice %get3A_101 {offsets = [0], sizes = [1], strides = [1]} : vector<16xf32> to vector<1xf32>
        %squeeze3A_571 = vector.extract %slice3A_570[0] : f32 from vector<1xf32>
        %mul3A_572 = vector.broadcast %squeeze3A_571 : f32 to vector<16xf32>
        %mul3A_573 = arith.mulf %mul3A_572, %sub3A_567 : vector<16xf32>
        %add3A_574 = arith.addf %broadcast_in_dim3A_560, %mul3A_573 : vector<16xf32>
        %broadcast_in_dim3A_575 = arith.constant 1 : i32
        %broadcast_in_dim3A_576 = vector.broadcast %broadcast_in_dim3A_575 : i32 to vector<16xi32>
        %gather3A_577 = tpu.vector_load_idx %arg17[%add3A_553, %broadcast_in_dim3A_576] : memref<512x16xf32, #tpu.memory_space<vmem>>[vector<16xi32>, vector<16xi32>], vector<16xf32>,
        %slice3A_578 = vector.extract_strided_slice %get3A_98 {offsets = [1], sizes = [1], strides = [1]} : vector<16xf32> to vector<1xf32>
        %squeeze3A_579 = vector.extract %slice3A_578[0] : f32 from vector<1xf32>
        %sub3A_580 = vector.broadcast %squeeze3A_579 : f32 to vector<16xf32>
        %sub3A_581 = arith.subf %gather3A_577, %sub3A_580 : vector<16xf32>
        %mul3A_582 = arith.mulf %sub3A_581, %sub3A_581 : vector<16xf32>
        %add3A_583 = arith.addf %add3A_569, %mul3A_582 : vector<16xf32>
        %slice3A_584 = vector.extract_strided_slice %get3A_101 {offsets = [1], sizes = [1], strides = [1]} : vector<16xf32> to vector<1xf32>
        %squeeze3A_585 = vector.extract %slice3A_584[0] : f32 from vector<1xf32>
        %mul3A_586 = vector.broadcast %squeeze3A_585 : f32 to vector<16xf32>
        %mul3A_587 = arith.mulf %mul3A_586, %sub3A_581 : vector<16xf32>
        %add3A_588 = arith.addf %add3A_574, %mul3A_587 : vector<16xf32>
        %broadcast_in_dim3A_589 = arith.constant 2 : i32
        %broadcast_in_dim3A_590 = vector.broadcast %broadcast_in_dim3A_589 : i32 to vector<16xi32>
        %gather3A_591 = tpu.vector_load_idx %arg17[%add3A_553, %broadcast_in_dim3A_590] : memref<512x16xf32, #tpu.memory_space<vmem>>[vector<16xi32>, vector<16xi32>], vector<16xf32>,
        %slice3A_592 = vector.extract_strided_slice %get3A_98 {offsets = [2], sizes = [1], strides = [1]} : vector<16xf32> to vector<1xf32>
        %squeeze3A_593 = vector.extract %slice3A_592[0] : f32 from vector<1xf32>
        %sub3A_594 = vector.broadcast %squeeze3A_593 : f32 to vector<16xf32>
        %sub3A_595 = arith.subf %gather3A_591, %sub3A_594 : vector<16xf32>
        %mul3A_596 = arith.mulf %sub3A_595, %sub3A_595 : vector<16xf32>
        %add3A_597 = arith.addf %add3A_583, %mul3A_596 : vector<16xf32>
        %slice3A_598 = vector.extract_strided_slice %get3A_101 {offsets = [2], sizes = [1], strides = [1]} : vector<16xf32> to vector<1xf32>
        %squeeze3A_599 = vector.extract %slice3A_598[0] : f32 from vector<1xf32>
        %mul3A_600 = vector.broadcast %squeeze3A_599 : f32 to vector<16xf32>
        %mul3A_601 = arith.mulf %mul3A_600, %sub3A_595 : vector<16xf32>
        %add3A_602 = arith.addf %add3A_588, %mul3A_601 : vector<16xf32>
        %broadcast_in_dim3A_603 = arith.constant 3 : i32
        %broadcast_in_dim3A_604 = vector.broadcast %broadcast_in_dim3A_603 : i32 to vector<16xi32>
        %gather3A_605 = tpu.vector_load_idx %arg17[%add3A_553, %broadcast_in_dim3A_604] : memref<512x16xf32, #tpu.memory_space<vmem>>[vector<16xi32>, vector<16xi32>], vector<16xf32>,
        %slice3A_606 = vector.extract_strided_slice %get3A_98 {offsets = [3], sizes = [1], strides = [1]} : vector<16xf32> to vector<1xf32>
        %squeeze3A_607 = vector.extract %slice3A_606[0] : f32 from vector<1xf32>
        %sub3A_608 = vector.broadcast %squeeze3A_607 : f32 to vector<16xf32>
        %sub3A_609 = arith.subf %gather3A_605, %sub3A_608 : vector<16xf32>
        %mul3A_610 = arith.mulf %sub3A_609, %sub3A_609 : vector<16xf32>
        %add3A_611 = arith.addf %add3A_597, %mul3A_610 : vector<16xf32>
        %slice3A_612 = vector.extract_strided_slice %get3A_101 {offsets = [3], sizes = [1], strides = [1]} : vector<16xf32> to vector<1xf32>
        %squeeze3A_613 = vector.extract %slice3A_612[0] : f32 from vector<1xf32>
        %mul3A_614 = vector.broadcast %squeeze3A_613 : f32 to vector<16xf32>
        %mul3A_615 = arith.mulf %mul3A_614, %sub3A_609 : vector<16xf32>
        %add3A_616 = arith.addf %add3A_602, %mul3A_615 : vector<16xf32>
        %broadcast_in_dim3A_617 = arith.constant 4 : i32
        %broadcast_in_dim3A_618 = vector.broadcast %broadcast_in_dim3A_617 : i32 to vector<16xi32>
        %gather3A_619 = tpu.vector_load_idx %arg17[%add3A_553, %broadcast_in_dim3A_618] : memref<512x16xf32, #tpu.memory_space<vmem>>[vector<16xi32>, vector<16xi32>], vector<16xf32>,
        %slice3A_620 = vector.extract_strided_slice %get3A_98 {offsets = [4], sizes = [1], strides = [1]} : vector<16xf32> to vector<1xf32>
        %squeeze3A_621 = vector.extract %slice3A_620[0] : f32 from vector<1xf32>
        %sub3A_622 = vector.broadcast %squeeze3A_621 : f32 to vector<16xf32>
        %sub3A_623 = arith.subf %gather3A_619, %sub3A_622 : vector<16xf32>
        %mul3A_624 = arith.mulf %sub3A_623, %sub3A_623 : vector<16xf32>
        %add3A_625 = arith.addf %add3A_611, %mul3A_624 : vector<16xf32>
        %slice3A_626 = vector.extract_strided_slice %get3A_101 {offsets = [4], sizes = [1], strides = [1]} : vector<16xf32> to vector<1xf32>
        %squeeze3A_627 = vector.extract %slice3A_626[0] : f32 from vector<1xf32>
        %mul3A_628 = vector.broadcast %squeeze3A_627 : f32 to vector<16xf32>
        %mul3A_629 = arith.mulf %mul3A_628, %sub3A_623 : vector<16xf32>
        %add3A_630 = arith.addf %add3A_616, %mul3A_629 : vector<16xf32>
        %broadcast_in_dim3A_631 = arith.constant 5 : i32
        %broadcast_in_dim3A_632 = vector.broadcast %broadcast_in_dim3A_631 : i32 to vector<16xi32>
        %gather3A_633 = tpu.vector_load_idx %arg17[%add3A_553, %broadcast_in_dim3A_632] : memref<512x16xf32, #tpu.memory_space<vmem>>[vector<16xi32>, vector<16xi32>], vector<16xf32>,
        %slice3A_634 = vector.extract_strided_slice %get3A_98 {offsets = [5], sizes = [1], strides = [1]} : vector<16xf32> to vector<1xf32>
        %squeeze3A_635 = vector.extract %slice3A_634[0] : f32 from vector<1xf32>
        %sub3A_636 = vector.broadcast %squeeze3A_635 : f32 to vector<16xf32>
        %sub3A_637 = arith.subf %gather3A_633, %sub3A_636 : vector<16xf32>
        %mul3A_638 = arith.mulf %sub3A_637, %sub3A_637 : vector<16xf32>
        %add3A_639 = arith.addf %add3A_625, %mul3A_638 : vector<16xf32>
        %slice3A_640 = vector.extract_strided_slice %get3A_101 {offsets = [5], sizes = [1], strides = [1]} : vector<16xf32> to vector<1xf32>
        %squeeze3A_641 = vector.extract %slice3A_640[0] : f32 from vector<1xf32>
        %mul3A_642 = vector.broadcast %squeeze3A_641 : f32 to vector<16xf32>
        %mul3A_643 = arith.mulf %mul3A_642, %sub3A_637 : vector<16xf32>
        %add3A_644 = arith.addf %add3A_630, %mul3A_643 : vector<16xf32>
        %broadcast_in_dim3A_645 = arith.constant 6 : i32
        %broadcast_in_dim3A_646 = vector.broadcast %broadcast_in_dim3A_645 : i32 to vector<16xi32>
        %gather3A_647 = tpu.vector_load_idx %arg17[%add3A_553, %broadcast_in_dim3A_646] : memref<512x16xf32, #tpu.memory_space<vmem>>[vector<16xi32>, vector<16xi32>], vector<16xf32>,
        %slice3A_648 = vector.extract_strided_slice %get3A_98 {offsets = [6], sizes = [1], strides = [1]} : vector<16xf32> to vector<1xf32>
        %squeeze3A_649 = vector.extract %slice3A_648[0] : f32 from vector<1xf32>
        %sub3A_650 = vector.broadcast %squeeze3A_649 : f32 to vector<16xf32>
        %sub3A_651 = arith.subf %gather3A_647, %sub3A_650 : vector<16xf32>
        %mul3A_652 = arith.mulf %sub3A_651, %sub3A_651 : vector<16xf32>
        %add3A_653 = arith.addf %add3A_639, %mul3A_652 : vector<16xf32>
        %slice3A_654 = vector.extract_strided_slice %get3A_101 {offsets = [6], sizes = [1], strides = [1]} : vector<16xf32> to vector<1xf32>
        %squeeze3A_655 = vector.extract %slice3A_654[0] : f32 from vector<1xf32>
        %mul3A_656 = vector.broadcast %squeeze3A_655 : f32 to vector<16xf32>
        %mul3A_657 = arith.mulf %mul3A_656, %sub3A_651 : vector<16xf32>
        %add3A_658 = arith.addf %add3A_644, %mul3A_657 : vector<16xf32>
        %broadcast_in_dim3A_659 = arith.constant 7 : i32
        %broadcast_in_dim3A_660 = vector.broadcast %broadcast_in_dim3A_659 : i32 to vector<16xi32>
        %gather3A_661 = tpu.vector_load_idx %arg17[%add3A_553, %broadcast_in_dim3A_660] : memref<512x16xf32, #tpu.memory_space<vmem>>[vector<16xi32>, vector<16xi32>], vector<16xf32>,
        %slice3A_662 = vector.extract_strided_slice %get3A_98 {offsets = [7], sizes = [1], strides = [1]} : vector<16xf32> to vector<1xf32>
        %squeeze3A_663 = vector.extract %slice3A_662[0] : f32 from vector<1xf32>
        %sub3A_664 = vector.broadcast %squeeze3A_663 : f32 to vector<16xf32>
        %sub3A_665 = arith.subf %gather3A_661, %sub3A_664 : vector<16xf32>
        %mul3A_666 = arith.mulf %sub3A_665, %sub3A_665 : vector<16xf32>
        %add3A_667 = arith.addf %add3A_653, %mul3A_666 : vector<16xf32>
        %slice3A_668 = vector.extract_strided_slice %get3A_101 {offsets = [7], sizes = [1], strides = [1]} : vector<16xf32> to vector<1xf32>
        %squeeze3A_669 = vector.extract %slice3A_668[0] : f32 from vector<1xf32>
        %mul3A_670 = vector.broadcast %squeeze3A_669 : f32 to vector<16xf32>
        %mul3A_671 = arith.mulf %mul3A_670, %sub3A_665 : vector<16xf32>
        %add3A_672 = arith.addf %add3A_658, %mul3A_671 : vector<16xf32>
        %broadcast_in_dim3A_673 = arith.constant 8 : i32
        %broadcast_in_dim3A_674 = vector.broadcast %broadcast_in_dim3A_673 : i32 to vector<16xi32>
        %gather3A_675 = tpu.vector_load_idx %arg17[%add3A_553, %broadcast_in_dim3A_674] : memref<512x16xf32, #tpu.memory_space<vmem>>[vector<16xi32>, vector<16xi32>], vector<16xf32>,
        %slice3A_676 = vector.extract_strided_slice %get3A_98 {offsets = [8], sizes = [1], strides = [1]} : vector<16xf32> to vector<1xf32>
        %squeeze3A_677 = vector.extract %slice3A_676[0] : f32 from vector<1xf32>
        %sub3A_678 = vector.broadcast %squeeze3A_677 : f32 to vector<16xf32>
        %sub3A_679 = arith.subf %gather3A_675, %sub3A_678 : vector<16xf32>
        %mul3A_680 = arith.mulf %sub3A_679, %sub3A_679 : vector<16xf32>
        %add3A_681 = arith.addf %add3A_667, %mul3A_680 : vector<16xf32>
        %slice3A_682 = vector.extract_strided_slice %get3A_101 {offsets = [8], sizes = [1], strides = [1]} : vector<16xf32> to vector<1xf32>
        %squeeze3A_683 = vector.extract %slice3A_682[0] : f32 from vector<1xf32>
        %mul3A_684 = vector.broadcast %squeeze3A_683 : f32 to vector<16xf32>
        %mul3A_685 = arith.mulf %mul3A_684, %sub3A_679 : vector<16xf32>
        %add3A_686 = arith.addf %add3A_672, %mul3A_685 : vector<16xf32>
        %le3A_687 = arith.constant 0.000000e+00 : f32
        %le3A_688 = vector.broadcast %le3A_687 : f32 to vector<16xf32>
        %le3A_689 = arith.cmpf ole, %add3A_681, %le3A_688 : vector<16xf32>
        %jit3A_690 = arith.constant 1.000000e+00 : f32
        %broadcast_in_dim3A_691 = vector.broadcast %jit3A_690 : f32 to vector<16xf32>
        %select_n3A_692 = arith.select %le3A_689, %broadcast_in_dim3A_691, %add3A_681 : vector<16xi1>, vector<16xf32>
        %abs3A_693 = math.absf %add3A_686 : vector<16xf32>
        %mul3A_694 = arith.mulf %add3A_686, %abs3A_693 : vector<16xf32>
        %div3A_695 = arith.divf %mul3A_694, %select_n3A_692 : vector<16xf32>
        %jit3A_696 = arith.constant -3.000000e+38 : f32
        %broadcast_in_dim3A_697 = vector.broadcast %jit3A_696 : f32 to vector<16xf32>
        %select_n3A_698 = arith.select %ne3A_556, %div3A_695, %broadcast_in_dim3A_697 : vector<16xi1>, vector<16xf32>
        %max3A_699 = arith.maximumf %max3A_547, %select_n3A_698 : vector<16xf32>
        %reduce_max3A = arith.constant true
        %reduce_max3A_700 = vector.broadcast %reduce_max3A : i1 to vector<16xi1>
        %reduce_max3A_701 = tpu.scan <max>, %max3A_699 masked %reduce_max3A_700 : vector<16xf32>, vector<16xi1> -> vector<16xf32>
        %reduce_max3A_702 = vector.extract %reduce_max3A_701[15] : f32 from vector<16xf32>
        %broadcast_in_dim3A_703 = arith.constant 0.000000e+00 : f32
        %broadcast_in_dim3A_704 = vector.broadcast %broadcast_in_dim3A_703 : f32 to vector<16xf32>
        %add3A_705 = vector.broadcast %reduce_max3A_702 : f32 to vector<16xf32>
        %add3A_706 = arith.addf %add3A_705, %broadcast_in_dim3A_704 : vector<16xf32>
        %broadcast_in_dim3A_707 = arith.constant 0 : i32
        %broadcast_in_dim3A_708 = vector.broadcast %broadcast_in_dim3A_707 : i32 to vector<16xi32>
        %add3A_709 = vector.broadcast %add3A_95 : i32 to vector<16xi32>
        %add3A_710 = arith.addi %broadcast_in_dim3A_708, %add3A_709 : vector<16xi32>
        %eq3A = arith.constant 0 : i32
        %eq3A_711 = vector.broadcast %eq3A : i32 to vector<16xi32>
        %eq3A_712 = arith.cmpi eq, %iota3A, %eq3A_711 : vector<16xi32>
        tpu.vector_store_idx %arg18[%add3A_710], %add3A_706 masked %eq3A_712 : memref<256xf32, #tpu.memory_space<vmem>>[vector<16xi32>], vector<16xf32>, vector<16xi1>
        %scan3A_713 = arith.constant 0 : i32
        scf.yield %scan3A_713 : i32
      }
      %scan3A_89 = arith.constant 8 : i32
      %scan3A_90 = arith.constant 0 : i32
      scf.yield %scan3A_90 : i32
    }
    %scan3A_8 = arith.constant 32 : i32
    "tpu.region"() ({
      %run_scoped3A = tpu.sem_alloc : memref<!tpu.dma_semaphore, #tpu.memory_space<semaphore_mem>>
      %dma_start3A = tpu.memref_slice %arg8[%mul3A_2] : memref<8192xf32, #tpu.memory_space<hbm>> -> memref<256xf32, #tpu.memory_space<hbm>>
      %dma_start3A_9 = tpu.memref_slice %arg8[%mul3A_2] : memref<8192xf32, #tpu.memory_space<hbm>> -> memref<256xf32, #tpu.memory_space<hbm>>
      tpu.enqueue_dma source(%arg18 : memref<256xf32, #tpu.memory_space<vmem>>) target(%dma_start3A_9 : memref<256xf32, #tpu.memory_space<hbm>>) target_semaphore(%run_scoped3A : memref<!tpu.dma_semaphore, #tpu.memory_space<semaphore_mem>>)
      %dma_wait3A = tpu.memref_slice %arg8[%mul3A_2] : memref<8192xf32, #tpu.memory_space<hbm>> -> memref<256xf32, #tpu.memory_space<hbm>>
      %dma_wait3A_10 = tpu.memref_slice %arg8[%mul3A_2] : memref<8192xf32, #tpu.memory_space<hbm>> -> memref<256xf32, #tpu.memory_space<hbm>>
      tpu.wait_dma2 semaphore(%run_scoped3A : memref<!tpu.dma_semaphore, #tpu.memory_space<semaphore_mem>>) src(%arg18 : memref<256xf32, #tpu.memory_space<vmem>>) dst(%dma_wait3A_10 : memref<256xf32, #tpu.memory_space<hbm>>)
      tpu.yield
    }) : () -> ()
    return
  }
}

module attributes {stable_mosaic.version = 14 : i64} {
  func.func @_tc_main(%arg0: i32, %arg1: memref<256x16xf32, #tpu.memory_space<vmem>>, %arg2: memref<256x1xf32, #tpu.memory_space<vmem>>, %arg3: memref<1x8192xf32, #tpu.memory_space<vmem>>, %arg4: memref<256x1xf32, #tpu.memory_space<vmem>>, %arg5: memref<1x8192xf32, #tpu.memory_space<vmem>>, %arg6: memref<16x128xf32, #tpu.memory_space<vmem>>, %arg7: memref<1x128xf32, #tpu.memory_space<vmem>>, %arg8: memref<128x32xf32, #tpu.memory_space<vmem>>, %arg9: memref<1x32xf32, #tpu.memory_space<vmem>>, %arg10: memref<1x8xf32, #tpu.memory_space<vmem>>, %arg11: memref<1x8xf32, #tpu.memory_space<vmem>>, %arg12: memref<1x1xf32, #tpu.memory_space<vmem>>, %arg13: memref<1x1xf32, #tpu.memory_space<vmem>>, %arg14: memref<256x1xf32, #tpu.memory_space<vmem>>, %arg15: memref<256x8xf32, #tpu.memory_space<vmem>>, %arg16: memref<256x1xf32, #tpu.memory_space<vmem>>, %arg17: memref<256x8xf32, #tpu.memory_space<vmem>>, %arg18: memref<256x8xf32, #tpu.memory_space<vmem>>, %arg19: memref<256x16xf32, #tpu.memory_space<vmem>>, %arg20: memref<256x1xf32, #tpu.memory_space<vmem>>, %arg21: memref<256x1xf32, #tpu.memory_space<vmem>>, %arg22: memref<256x512xf32, #tpu.memory_space<vmem>>) attributes {dimension_semantics = [#tpu.dimension_semantics<arbitrary>], iteration_bounds = array<i64: 32>, scalar_prefetch = 0 : i64, scratch_operands = 0 : i64, tpu.core_type = #tpu.core_type<tc>, window_params = [{transform_indices = @transform_0, window_bounds = array<i64: 256, 16>}, {transform_indices = @transform_1, window_bounds = array<i64: 256, 1>}, {pipeline_mode = #tpu.pipeline_mode<synchronous>, transform_indices = @transform_2, window_bounds = array<i64: 1, 8192>}, {transform_indices = @transform_3, window_bounds = array<i64: 256, 1>}, {pipeline_mode = #tpu.pipeline_mode<synchronous>, transform_indices = @transform_4, window_bounds = array<i64: 1, 8192>}, {pipeline_mode = #tpu.pipeline_mode<synchronous>, transform_indices = @transform_5, window_bounds = array<i64: 16, 128>}, {pipeline_mode = #tpu.pipeline_mode<synchronous>, transform_indices = @transform_6, window_bounds = array<i64: 1, 128>}, {pipeline_mode = #tpu.pipeline_mode<synchronous>, transform_indices = @transform_7, window_bounds = array<i64: 128, 32>}, {pipeline_mode = #tpu.pipeline_mode<synchronous>, transform_indices = @transform_8, window_bounds = array<i64: 1, 32>}, {pipeline_mode = #tpu.pipeline_mode<synchronous>, transform_indices = @transform_9, window_bounds = array<i64: 1, 8>}, {pipeline_mode = #tpu.pipeline_mode<synchronous>, transform_indices = @transform_10, window_bounds = array<i64: 1, 8>}, {pipeline_mode = #tpu.pipeline_mode<synchronous>, transform_indices = @transform_11, window_bounds = array<i64: 1, 1>}, {pipeline_mode = #tpu.pipeline_mode<synchronous>, transform_indices = @transform_12, window_bounds = array<i64: 1, 1>}, {transform_indices = @transform_13, window_bounds = array<i64: 256, 1>}, {transform_indices = @transform_14, window_bounds = array<i64: 256, 8>}, {transform_indices = @transform_15, window_bounds = array<i64: 256, 1>}, {transform_indices = @transform_16, window_bounds = array<i64: 256, 8>}, {transform_indices = @transform_17, window_bounds = array<i64: 256, 8>}, {transform_indices = @transform_18, window_bounds = array<i64: 256, 16>}, {transform_indices = @transform_19, window_bounds = array<i64: 256, 1>}, {transform_indices = @transform_20, window_bounds = array<i64: 256, 1>}, {transform_indices = @transform_21, window_bounds = array<i64: 256, 512>}]} {
    %get3A = arith.constant 0 : index
    %get3A_0 = arith.constant 0 : index
    %get3A_1 = vector.load %arg1[%get3A, %get3A_0] : memref<256x16xf32, #tpu.memory_space<vmem>>, vector<256x16xf32>
    %get3A_2 = arith.constant 0 : index
    %get3A_3 = arith.constant 0 : index
    %get3A_4 = vector.load %arg6[%get3A_2, %get3A_3] : memref<16x128xf32, #tpu.memory_space<vmem>>, vector<16x128xf32>
    %dot_general3A = arith.constant dense<0.000000e+00> : vector<256x128xf32>
    %dot_general3A_5 = tpu.matmul %get3A_1, %get3A_4, %dot_general3A {dimension_numbers = #tpu.dot_dimension_numbers<[1], [0], [0], [1], [0, 0, 1, 1], [], []>, transpose_lhs_hint = false} : vector<256x16xf32>, vector<16x128xf32>, vector<256x128xf32> -> vector<256x128xf32>
    %get3A_6 = arith.constant 0 : index
    %get3A_7 = arith.constant 0 : index
    %get3A_8 = vector.load %arg7[%get3A_6, %get3A_7] : memref<1x128xf32, #tpu.memory_space<vmem>>, vector<1x128xf32>
    %add3A = vector.broadcast %get3A_8 : vector<1x128xf32> to vector<256x128xf32>
    %add3A_9 = arith.addf %dot_general3A_5, %add3A : vector<256x128xf32>
    %ge3A = arith.constant 0.000000e+00 : f32
    %ge3A_10 = vector.broadcast %ge3A : f32 to vector<256x128xf32>
    %ge3A_11 = arith.cmpf oge, %add3A_9, %ge3A_10 : vector<256x128xf32>
    %mul3A = arith.constant 0.00999999977 : f32
    %mul3A_12 = vector.broadcast %mul3A : f32 to vector<256x128xf32>
    %mul3A_13 = arith.mulf %mul3A_12, %add3A_9 : vector<256x128xf32>
    %select_n3A = arith.select %ge3A_11, %add3A_9, %mul3A_13 : vector<256x128xi1>, vector<256x128xf32>
    %get3A_14 = arith.constant 0 : index
    %get3A_15 = arith.constant 0 : index
    %get3A_16 = vector.load %arg8[%get3A_14, %get3A_15] : memref<128x32xf32, #tpu.memory_space<vmem>>, vector<128x32xf32>
    %dot_general3A_17 = arith.constant dense<0.000000e+00> : vector<256x32xf32>
    %dot_general3A_18 = tpu.matmul %select_n3A, %get3A_16, %dot_general3A_17 {dimension_numbers = #tpu.dot_dimension_numbers<[1], [0], [0], [1], [0, 0, 1, 1], [], []>, transpose_lhs_hint = false} : vector<256x128xf32>, vector<128x32xf32>, vector<256x32xf32> -> vector<256x32xf32>
    %get3A_19 = arith.constant 0 : index
    %get3A_20 = arith.constant 0 : index
    %get3A_21 = vector.load %arg9[%get3A_19, %get3A_20] : memref<1x32xf32, #tpu.memory_space<vmem>>, vector<1x32xf32>
    %add3A_22 = vector.broadcast %get3A_21 : vector<1x32xf32> to vector<256x32xf32>
    %add3A_23 = arith.addf %dot_general3A_18, %add3A_22 : vector<256x32xf32>
    %get3A_24 = arith.constant 0 : index
    %get3A_25 = arith.constant 0 : index
    %get3A_26 = vector.load %arg12[%get3A_24, %get3A_25] : memref<1x1xf32, #tpu.memory_space<vmem>>, vector<1x1xf32>
    %slice3A = vector.extract_strided_slice %add3A_23 {offsets = [0, 0], sizes = [256, 1], strides = [1, 1]} : vector<256x32xf32> to vector<256x1xf32>
    %logistic3A = arith.negf %slice3A : vector<256x1xf32>
    %logistic3A_27 = math.exp %logistic3A : vector<256x1xf32>
    %logistic3A_28 = arith.constant 1.000000e+00 : f32
    %logistic3A_29 = vector.broadcast %logistic3A_28 : f32 to vector<256x1xf32>
    %logistic3A_30 = arith.addf %logistic3A_29, %logistic3A_27 : vector<256x1xf32>
    %logistic3A_31 = arith.divf %logistic3A_29, %logistic3A_30 : vector<256x1xf32>
    %mul3A_32 = vector.broadcast %get3A_26 : vector<1x1xf32> to vector<256x1xf32>
    %mul3A_33 = arith.mulf %mul3A_32, %logistic3A_31 : vector<256x1xf32>
    %get3A_34 = arith.constant 0 : index
    %get3A_35 = arith.constant 0 : index
    %get3A_36 = vector.load %arg10[%get3A_34, %get3A_35] : memref<1x8xf32, #tpu.memory_space<vmem>>, vector<1x8xf32>
    %slice3A_37 = vector.extract_strided_slice %add3A_23 {offsets = [0, 1], sizes = [256, 8], strides = [1, 1]} : vector<256x32xf32> to vector<256x8xf32>
    %logistic3A_38 = arith.negf %slice3A_37 : vector<256x8xf32>
    %logistic3A_39 = math.exp %logistic3A_38 : vector<256x8xf32>
    %logistic3A_40 = arith.constant 1.000000e+00 : f32
    %logistic3A_41 = vector.broadcast %logistic3A_40 : f32 to vector<256x8xf32>
    %logistic3A_42 = arith.addf %logistic3A_41, %logistic3A_39 : vector<256x8xf32>
    %logistic3A_43 = arith.divf %logistic3A_41, %logistic3A_42 : vector<256x8xf32>
    %mul3A_44 = vector.broadcast %get3A_36 : vector<1x8xf32> to vector<256x8xf32>
    %mul3A_45 = arith.mulf %mul3A_44, %logistic3A_43 : vector<256x8xf32>
    %get3A_46 = arith.constant 0 : index
    %get3A_47 = arith.constant 0 : index
    %get3A_48 = vector.load %arg11[%get3A_46, %get3A_47] : memref<1x8xf32, #tpu.memory_space<vmem>>, vector<1x8xf32>
    %slice3A_49 = vector.extract_strided_slice %add3A_23 {offsets = [0, 9], sizes = [256, 8], strides = [1, 1]} : vector<256x32xf32> to vector<256x8xf32>
    %logistic3A_50 = arith.negf %slice3A_49 : vector<256x8xf32>
    %logistic3A_51 = math.exp %logistic3A_50 : vector<256x8xf32>
    %logistic3A_52 = arith.constant 1.000000e+00 : f32
    %logistic3A_53 = vector.broadcast %logistic3A_52 : f32 to vector<256x8xf32>
    %logistic3A_54 = arith.addf %logistic3A_53, %logistic3A_51 : vector<256x8xf32>
    %logistic3A_55 = arith.divf %logistic3A_53, %logistic3A_54 : vector<256x8xf32>
    %mul3A_56 = vector.broadcast %get3A_48 : vector<1x8xf32> to vector<256x8xf32>
    %mul3A_57 = arith.mulf %mul3A_56, %logistic3A_55 : vector<256x8xf32>
    %get3A_58 = arith.constant 0 : index
    %get3A_59 = arith.constant 0 : index
    %get3A_60 = vector.load %arg13[%get3A_58, %get3A_59] : memref<1x1xf32, #tpu.memory_space<vmem>>, vector<1x1xf32>
    %slice3A_61 = vector.extract_strided_slice %get3A_1 {offsets = [0, 0], sizes = [256, 1], strides = [1, 1]} : vector<256x16xf32> to vector<256x1xf32>
    %slice3A_62 = vector.extract_strided_slice %get3A_1 {offsets = [0, 1], sizes = [256, 8], strides = [1, 1]} : vector<256x16xf32> to vector<256x8xf32>
    %reduce_sum3A = arith.constant dense<0.000000e+00> : vector<256xf32>
    %reduce_sum3A_63 = vector.multi_reduction <add>, %mul3A_45, %reduce_sum3A [1] : vector<256x8xf32> to vector<256xf32>
    %broadcast_in_dim3A = vector.shape_cast %reduce_sum3A_63 : vector<256xf32> to vector<256x1xf32>
    %mul3A_64 = arith.mulf %slice3A_61, %broadcast_in_dim3A : vector<256x1xf32>
    %sub3A = arith.subf %mul3A_33, %mul3A_64 : vector<256x1xf32>
    %mul3A_65 = vector.broadcast %get3A_60 : vector<1x1xf32> to vector<256x1xf32>
    %mul3A_66 = arith.mulf %sub3A, %mul3A_65 : vector<256x1xf32>
    %add3A_67 = arith.addf %slice3A_61, %mul3A_66 : vector<256x1xf32>
    %mul3A_68 = vector.broadcast %slice3A_61 : vector<256x1xf32> to vector<256x8xf32>
    %mul3A_69 = arith.mulf %mul3A_45, %mul3A_68 : vector<256x8xf32>
    %mul3A_70 = arith.mulf %mul3A_57, %slice3A_62 : vector<256x8xf32>
    %sub3A_71 = arith.subf %mul3A_69, %mul3A_70 : vector<256x8xf32>
    %mul3A_72 = vector.broadcast %get3A_60 : vector<1x1xf32> to vector<256x8xf32>
    %mul3A_73 = arith.mulf %sub3A_71, %mul3A_72 : vector<256x8xf32>
    %add3A_74 = arith.addf %slice3A_62, %mul3A_73 : vector<256x8xf32>
    %swap3A = arith.constant 0 : index
    %swap3A_75 = arith.constant 0 : index
    %swap3A_76 = vector.load %arg14[%swap3A, %swap3A_75] : memref<256x1xf32, #tpu.memory_space<vmem>>, vector<256x1xf32>
    tpu.vector_store %arg14[%swap3A, %swap3A_75], %add3A_67 {strides = array<i32>} : memref<256x1xf32, #tpu.memory_space<vmem>>, vector<256x1xf32>,
    %swap3A_77 = arith.constant 0 : index
    %swap3A_78 = arith.constant 0 : index
    %swap3A_79 = vector.load %arg15[%swap3A_77, %swap3A_78] : memref<256x8xf32, #tpu.memory_space<vmem>>, vector<256x8xf32>
    tpu.vector_store %arg15[%swap3A_77, %swap3A_78], %add3A_74 {strides = array<i32>} : memref<256x8xf32, #tpu.memory_space<vmem>>, vector<256x8xf32>,
    %swap3A_80 = arith.constant 0 : index
    %swap3A_81 = arith.constant 0 : index
    %swap3A_82 = vector.load %arg16[%swap3A_80, %swap3A_81] : memref<256x1xf32, #tpu.memory_space<vmem>>, vector<256x1xf32>
    tpu.vector_store %arg16[%swap3A_80, %swap3A_81], %mul3A_33 {strides = array<i32>} : memref<256x1xf32, #tpu.memory_space<vmem>>, vector<256x1xf32>,
    %swap3A_83 = arith.constant 0 : index
    %swap3A_84 = arith.constant 0 : index
    %swap3A_85 = vector.load %arg17[%swap3A_83, %swap3A_84] : memref<256x8xf32, #tpu.memory_space<vmem>>, vector<256x8xf32>
    tpu.vector_store %arg17[%swap3A_83, %swap3A_84], %mul3A_45 {strides = array<i32>} : memref<256x8xf32, #tpu.memory_space<vmem>>, vector<256x8xf32>,
    %swap3A_86 = arith.constant 0 : index
    %swap3A_87 = arith.constant 0 : index
    %swap3A_88 = vector.load %arg18[%swap3A_86, %swap3A_87] : memref<256x8xf32, #tpu.memory_space<vmem>>, vector<256x8xf32>
    tpu.vector_store %arg18[%swap3A_86, %swap3A_87], %mul3A_57 {strides = array<i32>} : memref<256x8xf32, #tpu.memory_space<vmem>>, vector<256x8xf32>,
    %sub3A_89 = arith.subf %add3A_67, %slice3A_61 : vector<256x1xf32>
    %sub3A_90 = arith.subf %add3A_74, %slice3A_62 : vector<256x8xf32>
    %broadcast_in_dim3A_91 = arith.constant 0.000000e+00 : f32
    %broadcast_in_dim3A_92 = vector.broadcast %broadcast_in_dim3A_91 : f32 to vector<256x7xf32>
    %concatenate3A = tpu.concatenate %sub3A_89, %sub3A_90, %broadcast_in_dim3A_92 in 1 : vector<256x1xf32>, vector<256x8xf32>, vector<256x7xf32> -> vector<256x16xf32>
    %swap3A_93 = arith.constant 0 : index
    %swap3A_94 = arith.constant 0 : index
    %swap3A_95 = vector.load %arg19[%swap3A_93, %swap3A_94] : memref<256x16xf32, #tpu.memory_space<vmem>>, vector<256x16xf32>
    tpu.vector_store %arg19[%swap3A_93, %swap3A_94], %concatenate3A {strides = array<i32>} : memref<256x16xf32, #tpu.memory_space<vmem>>, vector<256x16xf32>,
    %mul3A_96 = arith.mulf %concatenate3A, %concatenate3A : vector<256x16xf32>
    %reduce_sum3A_97 = arith.constant dense<0.000000e+00> : vector<256xf32>
    %reduce_sum3A_98 = vector.multi_reduction <add>, %mul3A_96, %reduce_sum3A_97 [1] : vector<256x16xf32> to vector<256xf32>
    %broadcast_in_dim3A_99 = vector.shape_cast %reduce_sum3A_98 : vector<256xf32> to vector<256x1xf32>
    %swap3A_100 = arith.constant 0 : index
    %swap3A_101 = arith.constant 0 : index
    %swap3A_102 = vector.load %arg20[%swap3A_100, %swap3A_101] : memref<256x1xf32, #tpu.memory_space<vmem>>, vector<256x1xf32>
    tpu.vector_store %arg20[%swap3A_100, %swap3A_101], %broadcast_in_dim3A_99 {strides = array<i32>} : memref<256x1xf32, #tpu.memory_space<vmem>>, vector<256x1xf32>,
    %get3A_103 = arith.constant 0 : index
    %get3A_104 = arith.constant 0 : index
    %get3A_105 = vector.load %arg2[%get3A_103, %get3A_104] : memref<256x1xf32, #tpu.memory_space<vmem>>, vector<256x1xf32>
    %get3A_106 = arith.constant 0 : index
    %get3A_107 = arith.constant 0 : index
    %get3A_108 = vector.load %arg3[%get3A_106, %get3A_107] : memref<1x8192xf32, #tpu.memory_space<vmem>>, vector<1x8192xf32>
    %sub3A_109 = vector.broadcast %get3A_105 : vector<256x1xf32> to vector<256x8192xf32>
    %sub3A_110 = vector.broadcast %get3A_108 : vector<1x8192xf32> to vector<256x8192xf32>
    %sub3A_111 = arith.subf %sub3A_109, %sub3A_110 : vector<256x8192xf32>
    %integer_pow3A = arith.mulf %sub3A_111, %sub3A_111 : vector<256x8192xf32>
    %get3A_112 = arith.constant 0 : index
    %get3A_113 = arith.constant 0 : index
    %get3A_114 = vector.load %arg4[%get3A_112, %get3A_113] : memref<256x1xf32, #tpu.memory_space<vmem>>, vector<256x1xf32>
    %get3A_115 = arith.constant 0 : index
    %get3A_116 = arith.constant 0 : index
    %get3A_117 = vector.load %arg5[%get3A_115, %get3A_116] : memref<1x8192xf32, #tpu.memory_space<vmem>>, vector<1x8192xf32>
    %sub3A_118 = vector.broadcast %get3A_114 : vector<256x1xf32> to vector<256x8192xf32>
    %sub3A_119 = vector.broadcast %get3A_117 : vector<1x8192xf32> to vector<256x8192xf32>
    %sub3A_120 = arith.subf %sub3A_118, %sub3A_119 : vector<256x8192xf32>
    %integer_pow3A_121 = arith.mulf %sub3A_120, %sub3A_120 : vector<256x8192xf32>
    %add3A_122 = arith.addf %integer_pow3A, %integer_pow3A_121 : vector<256x8192xf32>
    %reduce_max3A = arith.constant dense<0xFF800000> : vector<256xf32>
    %reduce_max3A_123 = vector.multi_reduction <maximumf>, %add3A_122, %reduce_max3A [1] : vector<256x8192xf32> to vector<256xf32>
    %broadcast_in_dim3A_124 = vector.shape_cast %reduce_max3A_123 : vector<256xf32> to vector<256x1xf32>
    %mul3A_125 = arith.constant 256 : i32
    %mul3A_126 = arith.muli %arg0, %mul3A_125 : i32
    %iota3A = tpu.iota {dimensions = array<i32: 0>} : vector<256x8192xi32>
    %add3A_127 = vector.broadcast %mul3A_126 : i32 to vector<256x8192xi32>
    %add3A_128 = arith.addi %add3A_127, %iota3A : vector<256x8192xi32>
    %iota3A_129 = tpu.iota {dimensions = array<i32: 1>} : vector<256x8192xi32>
    %eq3A = arith.cmpi eq, %add3A_128, %iota3A_129 : vector<256x8192xi32>
    %jit3A = arith.constant 3.000000e+38 : f32
    %broadcast_in_dim3A_130 = vector.broadcast %jit3A : f32 to vector<256x8192xf32>
    %select_n3A_131 = arith.select %eq3A, %broadcast_in_dim3A_130, %add3A_122 : vector<256x8192xi1>, vector<256x8192xf32>
    %broadcast_in_dim3A_132 = arith.constant 0.000000e+00 : f32
    %broadcast_in_dim3A_133 = vector.broadcast %broadcast_in_dim3A_132 : f32 to vector<256x1xf32>
    %broadcast_in_dim3A_134 = arith.constant 8.191000e+03 : f32
    %broadcast_in_dim3A_135 = vector.broadcast %broadcast_in_dim3A_134 : f32 to vector<256x1xf32>
    %scan3A = arith.constant 0 : i32
    %scan3A_136 = arith.constant 14 : i32
    %scan3A_137 = arith.addi %scan3A, %scan3A_136 : i32
    %scan3A_138 = arith.constant 1 : i32
    %scan3A_139:4 = scf.for %scan3A_176 = %scan3A to %scan3A_137 step %scan3A_138 iter_args(%scan3A_177 = %broadcast_in_dim3A_133, %scan3A_178 = %broadcast_in_dim3A_133, %scan3A_179 = %broadcast_in_dim3A_124, %scan3A_180 = %broadcast_in_dim3A_135) -> (vector<256x1xf32>, vector<256x1xf32>, vector<256x1xf32>, vector<256x1xf32>)  : i32 {
      %sub3A_181 = arith.constant 2.900000e+01 : f32
      %sub3A_182 = vector.broadcast %sub3A_181 : f32 to vector<256x1xf32>
      %sub3A_183 = arith.subf %sub3A_182, %scan3A_178 : vector<256x1xf32>
      %sub3A_184 = arith.subf %scan3A_180, %scan3A_178 : vector<256x1xf32>
      %max3A = arith.constant 9.99999971E-10 : f32
      %max3A_185 = vector.broadcast %max3A : f32 to vector<256x1xf32>
      %max3A_186 = arith.maximumf %sub3A_184, %max3A_185 : vector<256x1xf32>
      %div3A = arith.divf %sub3A_183, %max3A_186 : vector<256x1xf32>
      %jit3A_187 = arith.constant 0.00999999977 : f32
      %jit3A_188 = arith.constant 9.900000e-01 : f32
      %max3A_189 = vector.broadcast %jit3A_187 : f32 to vector<256x1xf32>
      %max3A_190 = arith.maximumf %max3A_189, %div3A : vector<256x1xf32>
      %min3A_191 = vector.broadcast %jit3A_188 : f32 to vector<256x1xf32>
      %min3A_192 = arith.minimumf %min3A_191, %max3A_190 : vector<256x1xf32>
      %sub3A_193 = arith.subf %scan3A_179, %scan3A_177 : vector<256x1xf32>
      %mul3A_194 = arith.mulf %sub3A_193, %min3A_192 : vector<256x1xf32>
      %add3A_195 = arith.addf %scan3A_177, %mul3A_194 : vector<256x1xf32>
      %le3A = vector.broadcast %add3A_195 : vector<256x1xf32> to vector<256x8192xf32>
      %le3A_196 = arith.cmpf ole, %select_n3A_131, %le3A : vector<256x8192xf32>
      %jit3A_197 = arith.constant 1.000000e+00 : f32
      %jit3A_198 = arith.constant 0.000000e+00 : f32
      %broadcast_in_dim3A_199 = vector.broadcast %jit3A_197 : f32 to vector<256x8192xf32>
      %broadcast_in_dim3A_200 = vector.broadcast %jit3A_198 : f32 to vector<256x8192xf32>
      %select_n3A_201 = arith.select %le3A_196, %broadcast_in_dim3A_199, %broadcast_in_dim3A_200 : vector<256x8192xi1>, vector<256x8192xf32>
      %reduce_sum3A_202 = arith.constant dense<0.000000e+00> : vector<256xf32>
      %reduce_sum3A_203 = vector.multi_reduction <add>, %select_n3A_201, %reduce_sum3A_202 [1] : vector<256x8192xf32> to vector<256xf32>
      %broadcast_in_dim3A_204 = vector.shape_cast %reduce_sum3A_203 : vector<256xf32> to vector<256x1xf32>
      %ge3A_205 = arith.constant 2.900000e+01 : f32
      %ge3A_206 = vector.broadcast %ge3A_205 : f32 to vector<256x1xf32>
      %ge3A_207 = arith.cmpf oge, %broadcast_in_dim3A_204, %ge3A_206 : vector<256x1xf32>
      %select_n3A_208 = arith.select %ge3A_207, %scan3A_177, %add3A_195 : vector<256x1xi1>, vector<256x1xf32>
      %select_n3A_209 = arith.select %ge3A_207, %scan3A_178, %broadcast_in_dim3A_204 : vector<256x1xi1>, vector<256x1xf32>
      %select_n3A_210 = arith.select %ge3A_207, %add3A_195, %scan3A_179 : vector<256x1xi1>, vector<256x1xf32>
      %select_n3A_211 = arith.select %ge3A_207, %broadcast_in_dim3A_204, %scan3A_180 : vector<256x1xi1>, vector<256x1xf32>
      scf.yield %select_n3A_208, %select_n3A_209, %select_n3A_210, %select_n3A_211 : vector<256x1xf32>, vector<256x1xf32>, vector<256x1xf32>, vector<256x1xf32>
    }
    %swap3A_140 = arith.constant 0 : index
    %swap3A_141 = arith.constant 0 : index
    %swap3A_142 = vector.load %arg21[%swap3A_140, %swap3A_141] : memref<256x1xf32, #tpu.memory_space<vmem>>, vector<256x1xf32>
    tpu.vector_store %arg21[%swap3A_140, %swap3A_141], %scan3A_139#2 {strides = array<i32>} : memref<256x1xf32, #tpu.memory_space<vmem>>, vector<256x1xf32>,
    %slice3A_143 = vector.extract_strided_slice %select_n3A_131 {offsets = [0, 0], sizes = [256, 512], strides = [1, 1]} : vector<256x8192xf32> to vector<256x512xf32>
    %slice3A_144 = vector.extract_strided_slice %select_n3A_131 {offsets = [0, 512], sizes = [256, 512], strides = [1, 1]} : vector<256x8192xf32> to vector<256x512xf32>
    %min3A = arith.minimumf %slice3A_143, %slice3A_144 : vector<256x512xf32>
    %slice3A_145 = vector.extract_strided_slice %select_n3A_131 {offsets = [0, 1024], sizes = [256, 512], strides = [1, 1]} : vector<256x8192xf32> to vector<256x512xf32>
    %min3A_146 = arith.minimumf %min3A, %slice3A_145 : vector<256x512xf32>
    %slice3A_147 = vector.extract_strided_slice %select_n3A_131 {offsets = [0, 1536], sizes = [256, 512], strides = [1, 1]} : vector<256x8192xf32> to vector<256x512xf32>
    %min3A_148 = arith.minimumf %min3A_146, %slice3A_147 : vector<256x512xf32>
    %slice3A_149 = vector.extract_strided_slice %select_n3A_131 {offsets = [0, 2048], sizes = [256, 512], strides = [1, 1]} : vector<256x8192xf32> to vector<256x512xf32>
    %min3A_150 = arith.minimumf %min3A_148, %slice3A_149 : vector<256x512xf32>
    %slice3A_151 = vector.extract_strided_slice %select_n3A_131 {offsets = [0, 2560], sizes = [256, 512], strides = [1, 1]} : vector<256x8192xf32> to vector<256x512xf32>
    %min3A_152 = arith.minimumf %min3A_150, %slice3A_151 : vector<256x512xf32>
    %slice3A_153 = vector.extract_strided_slice %select_n3A_131 {offsets = [0, 3072], sizes = [256, 512], strides = [1, 1]} : vector<256x8192xf32> to vector<256x512xf32>
    %min3A_154 = arith.minimumf %min3A_152, %slice3A_153 : vector<256x512xf32>
    %slice3A_155 = vector.extract_strided_slice %select_n3A_131 {offsets = [0, 3584], sizes = [256, 512], strides = [1, 1]} : vector<256x8192xf32> to vector<256x512xf32>
    %min3A_156 = arith.minimumf %min3A_154, %slice3A_155 : vector<256x512xf32>
    %slice3A_157 = vector.extract_strided_slice %select_n3A_131 {offsets = [0, 4096], sizes = [256, 512], strides = [1, 1]} : vector<256x8192xf32> to vector<256x512xf32>
    %min3A_158 = arith.minimumf %min3A_156, %slice3A_157 : vector<256x512xf32>
    %slice3A_159 = vector.extract_strided_slice %select_n3A_131 {offsets = [0, 4608], sizes = [256, 512], strides = [1, 1]} : vector<256x8192xf32> to vector<256x512xf32>
    %min3A_160 = arith.minimumf %min3A_158, %slice3A_159 : vector<256x512xf32>
    %slice3A_161 = vector.extract_strided_slice %select_n3A_131 {offsets = [0, 5120], sizes = [256, 512], strides = [1, 1]} : vector<256x8192xf32> to vector<256x512xf32>
    %min3A_162 = arith.minimumf %min3A_160, %slice3A_161 : vector<256x512xf32>
    %slice3A_163 = vector.extract_strided_slice %select_n3A_131 {offsets = [0, 5632], sizes = [256, 512], strides = [1, 1]} : vector<256x8192xf32> to vector<256x512xf32>
    %min3A_164 = arith.minimumf %min3A_162, %slice3A_163 : vector<256x512xf32>
    %slice3A_165 = vector.extract_strided_slice %select_n3A_131 {offsets = [0, 6144], sizes = [256, 512], strides = [1, 1]} : vector<256x8192xf32> to vector<256x512xf32>
    %min3A_166 = arith.minimumf %min3A_164, %slice3A_165 : vector<256x512xf32>
    %slice3A_167 = vector.extract_strided_slice %select_n3A_131 {offsets = [0, 6656], sizes = [256, 512], strides = [1, 1]} : vector<256x8192xf32> to vector<256x512xf32>
    %min3A_168 = arith.minimumf %min3A_166, %slice3A_167 : vector<256x512xf32>
    %slice3A_169 = vector.extract_strided_slice %select_n3A_131 {offsets = [0, 7168], sizes = [256, 512], strides = [1, 1]} : vector<256x8192xf32> to vector<256x512xf32>
    %min3A_170 = arith.minimumf %min3A_168, %slice3A_169 : vector<256x512xf32>
    %slice3A_171 = vector.extract_strided_slice %select_n3A_131 {offsets = [0, 7680], sizes = [256, 512], strides = [1, 1]} : vector<256x8192xf32> to vector<256x512xf32>
    %min3A_172 = arith.minimumf %min3A_170, %slice3A_171 : vector<256x512xf32>
    %swap3A_173 = arith.constant 0 : index
    %swap3A_174 = arith.constant 0 : index
    %swap3A_175 = vector.load %arg22[%swap3A_173, %swap3A_174] : memref<256x512xf32, #tpu.memory_space<vmem>>, vector<256x512xf32>
    tpu.vector_store %arg22[%swap3A_173, %swap3A_174], %min3A_172 {strides = array<i32>} : memref<256x512xf32, #tpu.memory_space<vmem>>, vector<256x512xf32>,
    return
  }
  func.func @transform_0(%arg0: i32) -> (i32, i32) {
    %c0_i32 = arith.constant 0 : i32
    %c0_i32_0 = arith.constant 0 : i32
    return %arg0, %c0_i32 : i32, i32
  }
  func.func @transform_1(%arg0: i32) -> (i32, i32) {
    %c0_i32 = arith.constant 0 : i32
    %c0_i32_0 = arith.constant 0 : i32
    return %arg0, %c0_i32 : i32, i32
  }
  func.func @transform_2(%arg0: i32) -> (i32, i32) {
    %c0_i32 = arith.constant 0 : i32
    %c0_i32_0 = arith.constant 0 : i32
    %c0_i32_1 = arith.constant 0 : i32
    return %c0_i32, %c0_i32_0 : i32, i32
  }
  func.func @transform_3(%arg0: i32) -> (i32, i32) {
    %c0_i32 = arith.constant 0 : i32
    %c0_i32_0 = arith.constant 0 : i32
    return %arg0, %c0_i32 : i32, i32
  }
  func.func @transform_4(%arg0: i32) -> (i32, i32) {
    %c0_i32 = arith.constant 0 : i32
    %c0_i32_0 = arith.constant 0 : i32
    %c0_i32_1 = arith.constant 0 : i32
    return %c0_i32, %c0_i32_0 : i32, i32
  }
  func.func @transform_5(%arg0: i32) -> (i32, i32) {
    %c0_i32 = arith.constant 0 : i32
    %c0_i32_0 = arith.constant 0 : i32
    %c0_i32_1 = arith.constant 0 : i32
    return %c0_i32, %c0_i32_0 : i32, i32
  }
  func.func @transform_6(%arg0: i32) -> (i32, i32) {
    %c0_i32 = arith.constant 0 : i32
    %c0_i32_0 = arith.constant 0 : i32
    %c0_i32_1 = arith.constant 0 : i32
    return %c0_i32, %c0_i32_0 : i32, i32
  }
  func.func @transform_7(%arg0: i32) -> (i32, i32) {
    %c0_i32 = arith.constant 0 : i32
    %c0_i32_0 = arith.constant 0 : i32
    %c0_i32_1 = arith.constant 0 : i32
    return %c0_i32, %c0_i32_0 : i32, i32
  }
  func.func @transform_8(%arg0: i32) -> (i32, i32) {
    %c0_i32 = arith.constant 0 : i32
    %c0_i32_0 = arith.constant 0 : i32
    %c0_i32_1 = arith.constant 0 : i32
    return %c0_i32, %c0_i32_0 : i32, i32
  }
  func.func @transform_9(%arg0: i32) -> (i32, i32) {
    %c0_i32 = arith.constant 0 : i32
    %c0_i32_0 = arith.constant 0 : i32
    %c0_i32_1 = arith.constant 0 : i32
    return %c0_i32, %c0_i32_0 : i32, i32
  }
  func.func @transform_10(%arg0: i32) -> (i32, i32) {
    %c0_i32 = arith.constant 0 : i32
    %c0_i32_0 = arith.constant 0 : i32
    %c0_i32_1 = arith.constant 0 : i32
    return %c0_i32, %c0_i32_0 : i32, i32
  }
  func.func @transform_11(%arg0: i32) -> (i32, i32) {
    %c0_i32 = arith.constant 0 : i32
    %c0_i32_0 = arith.constant 0 : i32
    %c0_i32_1 = arith.constant 0 : i32
    return %c0_i32, %c0_i32_0 : i32, i32
  }
  func.func @transform_12(%arg0: i32) -> (i32, i32) {
    %c0_i32 = arith.constant 0 : i32
    %c0_i32_0 = arith.constant 0 : i32
    %c0_i32_1 = arith.constant 0 : i32
    return %c0_i32, %c0_i32_0 : i32, i32
  }
  func.func @transform_13(%arg0: i32) -> (i32, i32) {
    %c0_i32 = arith.constant 0 : i32
    %c0_i32_0 = arith.constant 0 : i32
    return %arg0, %c0_i32 : i32, i32
  }
  func.func @transform_14(%arg0: i32) -> (i32, i32) {
    %c0_i32 = arith.constant 0 : i32
    %c0_i32_0 = arith.constant 0 : i32
    return %arg0, %c0_i32 : i32, i32
  }
  func.func @transform_15(%arg0: i32) -> (i32, i32) {
    %c0_i32 = arith.constant 0 : i32
    %c0_i32_0 = arith.constant 0 : i32
    return %arg0, %c0_i32 : i32, i32
  }
  func.func @transform_16(%arg0: i32) -> (i32, i32) {
    %c0_i32 = arith.constant 0 : i32
    %c0_i32_0 = arith.constant 0 : i32
    return %arg0, %c0_i32 : i32, i32
  }
  func.func @transform_17(%arg0: i32) -> (i32, i32) {
    %c0_i32 = arith.constant 0 : i32
    %c0_i32_0 = arith.constant 0 : i32
    return %arg0, %c0_i32 : i32, i32
  }
  func.func @transform_18(%arg0: i32) -> (i32, i32) {
    %c0_i32 = arith.constant 0 : i32
    %c0_i32_0 = arith.constant 0 : i32
    return %arg0, %c0_i32 : i32, i32
  }
  func.func @transform_19(%arg0: i32) -> (i32, i32) {
    %c0_i32 = arith.constant 0 : i32
    %c0_i32_0 = arith.constant 0 : i32
    return %arg0, %c0_i32 : i32, i32
  }
  func.func @transform_20(%arg0: i32) -> (i32, i32) {
    %c0_i32 = arith.constant 0 : i32
    %c0_i32_0 = arith.constant 0 : i32
    return %arg0, %c0_i32 : i32, i32
  }
  func.func @transform_21(%arg0: i32) -> (i32, i32) {
    %c0_i32 = arith.constant 0 : i32
    %c0_i32_0 = arith.constant 0 : i32
    return %arg0, %c0_i32 : i32, i32
  }
}

module attributes {stable_mosaic.version = 14 : i64} {
  func.func @_tc_finish(%arg0: memref<8192x1xf32, #tpu.memory_space<vmem>>, %arg1: memref<8192x1xf32, #tpu.memory_space<vmem>>, %arg2: memref<1x1xf32, #tpu.memory_space<vmem>>) attributes {dimension_semantics = [], scalar_prefetch = 0 : i64, scratch_operands = 0 : i64, tpu.core_type = #tpu.core_type<tc>} {
    %get3A = arith.constant 0 : index
    %get3A_0 = arith.constant 0 : index
    %get3A_1 = vector.load %arg0[%get3A, %get3A_0] : memref<8192x1xf32, #tpu.memory_space<vmem>>, vector<8192x1xf32>
    %get3A_2 = arith.constant 0 : index
    %get3A_3 = arith.constant 0 : index
    %get3A_4 = vector.load %arg1[%get3A_2, %get3A_3] : memref<8192x1xf32, #tpu.memory_space<vmem>>, vector<8192x1xf32>
    %lt3A = arith.constant 0.000000e+00 : f32
    %lt3A_5 = vector.broadcast %lt3A : f32 to vector<8192x1xf32>
    %lt3A_6 = arith.cmpf olt, %get3A_1, %lt3A_5 : vector<8192x1xf32>
    %neg3A = arith.constant 0.000000e+00 : f32
    %neg3A_7 = vector.broadcast %neg3A : f32 to vector<8192x1xf32>
    %neg3A_8 = arith.subf %neg3A_7, %get3A_1 : vector<8192x1xf32>
    %max3A = arith.constant 0.000000e+00 : f32
    %max3A_9 = vector.broadcast %max3A : f32 to vector<8192x1xf32>
    %max3A_10 = arith.maximumf %neg3A_8, %max3A_9 : vector<8192x1xf32>
    %div3A = arith.divf %max3A_10, %get3A_4 : vector<8192x1xf32>
    %sqrt3A = math.sqrt %div3A : vector<8192x1xf32>
    %neg3A_11 = arith.constant 0.000000e+00 : f32
    %neg3A_12 = vector.broadcast %neg3A_11 : f32 to vector<8192x1xf32>
    %neg3A_13 = arith.subf %neg3A_12, %sqrt3A : vector<8192x1xf32>
    %max3A_14 = arith.constant 0.000000e+00 : f32
    %max3A_15 = vector.broadcast %max3A_14 : f32 to vector<8192x1xf32>
    %max3A_16 = arith.maximumf %get3A_1, %max3A_15 : vector<8192x1xf32>
    %div3A_17 = arith.divf %max3A_16, %get3A_4 : vector<8192x1xf32>
    %sqrt3A_18 = math.sqrt %div3A_17 : vector<8192x1xf32>
    %select_n3A = arith.select %lt3A_6, %neg3A_13, %sqrt3A_18 : vector<8192x1xi1>, vector<8192x1xf32>
    %le3A = arith.constant 0.000000e+00 : f32
    %le3A_19 = vector.broadcast %le3A : f32 to vector<8192x1xf32>
    %le3A_20 = arith.cmpf ole, %get3A_4, %le3A_19 : vector<8192x1xf32>
    %jit3A = arith.constant 0.000000e+00 : f32
    %broadcast_in_dim3A = vector.broadcast %jit3A : f32 to vector<8192x1xf32>
    %select_n3A_21 = arith.select %le3A_20, %broadcast_in_dim3A, %select_n3A : vector<8192x1xi1>, vector<8192x1xf32>
    %sub3A = arith.constant 1.000000e+00 : f32
    %sub3A_22 = vector.broadcast %sub3A : f32 to vector<8192x1xf32>
    %sub3A_23 = arith.subf %sub3A_22, %select_n3A_21 : vector<8192x1xf32>
    %reduce_sum3A = vector.shape_cast %sub3A_23 : vector<8192x1xf32> to vector<1x8192x1xf32>
    %reduce_sum3A_24 = arith.constant dense<0.000000e+00> : vector<1xf32>
    %reduce_sum3A_25 = vector.multi_reduction <add>, %reduce_sum3A, %reduce_sum3A_24 [1, 2] : vector<1x8192x1xf32> to vector<1xf32>
    %reduce_sum3A_26 = vector.shape_cast %reduce_sum3A_25 : vector<1xf32> to vector<1x1x1xf32>
    %reduce_sum3A_27 = vector.extract %reduce_sum3A_26[0, 0, 0] : f32 from vector<1x1x1xf32>
    %div3A_28 = arith.constant 8.192000e+03 : f32
    %div3A_29 = arith.divf %reduce_sum3A_27, %div3A_28 : f32
    %reshape3A = vector.broadcast %div3A_29 : f32 to vector<1x1xf32>
    %swap3A = arith.constant 0 : index
    %swap3A_30 = arith.constant 0 : index
    %swap3A_31 = vector.load %arg2[%swap3A, %swap3A_30] : memref<1x1xf32, #tpu.memory_space<vmem>>, vector<1x1xf32>
    tpu.vector_store %arg2[%swap3A, %swap3A_30], %reshape3A {strides = array<i32>} : memref<1x1xf32, #tpu.memory_space<vmem>>, vector<1x1xf32>,
    return
  }
}

</mosaic_0001>

<sc_bundles>
// kernel: kernel.5.cloned.1.call-start
scs
__scs_entry_jumppad:
0x0: {  	(pc) =	sbr.rel $0x88, $3  }
0x1: {  	(tag) =	ssettag $0x0;
	lr =	simm.s32 $0x1  }
0x2: {  	[smem:$0x3F95] =	sst lr;
	_ =	strace $0xD0000000  }
0x3: {  	_ = 	snop  }
0x4: {  	_ = 	snop  }
0x5: {  	_ = 	snop  }
0x6: {  	_ = 	snop  }
0x7: {  	_ = 	snop  }
__scs_overlays_trampoline_lowered:
0x8: {  	[smem:$0x3FA4] =	sst s0  }
0x9: {  	[smem:$0x3FA5] =	sst s1  }
0xa: {  	[smem:$0x3FA6] =	sst s2  }
0xb: {  	[smem:$0x3FA7] =	sst s3  }
0xc: {  	[smem:$0x3FA8] =	sst s4  }
0xd: {  	[smem:$0x3FA9] =	sst s5  }
0xe: {  	[smem:$0x3FAA] =	sst s6  }
0xf: {  	[smem:$0x3FAB] =	sst s7  }
0x10: {  	[smem:$0x3FAC] =	sst s8  }
0x11: {  	[smem:$0x3FAD] =	sst s9;
	s0 =	simm.s32 @!p0 $0x0  }
0x12: {  	s1 =	sld [smem:$0x3F93];
	s0 =	simm.s32 @p0 $0x1  }
0x13: {  	[smem:$0x3FAE] =	sst s0;
	s0 =	simm.s32 @!p1 $0x0  }
0x14: {  	s2 =	sld [smem:$0x3F92];
	s0 =	simm.s32 @p1 $0x1  }
0x15: {  	[smem:$0x3FAF] =	sst s0;
	s0 =	simm.s32 @!p2 $0x0  }
0x16: {  	s3 =	sld [smem:$0x3FDB];
	s0 =	simm.s32 @p2 $0x1  }
0x17: {  	s4 =	simm.s32 $0x1BF5;
	[smem:$0x3FB1] =	sst s0  }
0x18: {  	s0 =	sld [smem:$0x3F94];
	_ =	swait.ge [sflag:s4], $0x0  }
0x19: {  	s7 =	sld [smem:$0x3F95]  }
0x1a: {  	s8 =	sadd.s32 $0xFFFFE003, lr  }
0x1b: {  	s9 =	sadd.s32 $0xFFFFFEF7, lr;
	s5 =	simm.s32 $0xFFFFFFFF;
	p2 =	slt.u32 s8, $0xFFFFF086  }
0x1c: {  	p1 =	slt.u32 s9, $0xF7A;
	s5 =	simm.s32 @!p2 $0x0  }
0x1d: {  	s5 =	simm.s32 @p1 $0x1;
	p0 =	seq.s32 s7, s2  }
0x1e: {  	s7 =	smul.u32 @!p0 $0xF7A, s2;
	p2 =	seq.s32 @!p0 s5, $0x0  }
0x1f: {  	s9 =	smul.u32 $0xF7A, s1;
	s8 =	simm.s32 @!p0 $0x1BF5;
	p2 =	por !p2, p0  }
0x20: {  	[sflag:s8] =	ssyncset.s32 @!p0 $0xFFFFF086;
	s6 =	sadd.s32 @!p0 s3, s7;
	s7 =	simm.s32 @!p0 $0x108  }
0x21: {  	s3 =	sadd.s32 s3, s9;
	s6 =	sadd.s32 @!p0 $0x88, s6;
	s7 =	simm.s32 @p2 $0x1082  }
0x22: {  	[simem:s7], [sflag:s8] =	dma.local @!p0 [hbm:s6], $0xF7A  }
0x23: {  	s9 =	sor.u32 $0xD0000000, s2;
	s6 =	simm.s32 $0x108;
	_ =	swait.ge @!p0 [sflag:s8], $0x0  }
0x24: {  	s3 =	sadd.s32 $0x88, s3;
	s6 =	simm.s32 @!p1 $0x1082;
	[sflag:s4] =	ssyncset.s32 $0xFFFFF086  }
0x25: {  	[simem:s6], [sflag:s4] =	dma.local [hbm:s3], $0xF7A  }
0x26: {  	[smem:$0x3F95] =	sst s1;
	(tag) =	ssettag s2;
	_ =	strace s9  }
0x27: {  	s1 =	sld [smem:$0x3FA5]  }
0x28: {  	s2 =	sld [smem:$0x3FA6]  }
0x29: {  	s4 =	sld [smem:$0x3FA8]  }
0x2a: {  	p0 =	seq.s32 s5, $0x0;
	s5 =	sld [smem:$0x3FA9]  }
0x2b: {  	s6 =	sld [smem:$0x3FAA]  }
0x2c: {  	s7 =	sld [smem:$0x3FAB]  }
0x2d: {  	s3 =	simm.s32 $0x108;
	s8 =	sld [smem:$0x3FAC]  }
0x2e: {  	s3 =	simm.s32 @!p0 $0x1082;
	s9 =	sld [smem:$0x3FAD]  }
0x2f: {  	lr =	sadd.s32 s0, s3;
	s0 =	sld [smem:$0x3FA4]  }
0x30: {  	s3 =	sld [smem:$0x3FA7]  }
0x31: {  	[smem:$0x3FB0] =	sst s10  }
0x32: {  	s10 =	sld [smem:$0x3FAE];
	_ =	sdelay $0x3  }
0x33: {  	p0 =	seq.s32 s10, $0x1;
	s10 =	sld [smem:$0x3FB0];
	_ =	sdelay $0x3  }
0x34: {  	[smem:$0x3FB0] =	sst s10  }
0x35: {  	s10 =	sld [smem:$0x3FAF];
	_ =	sdelay $0x3  }
0x36: {  	p1 =	seq.s32 s10, $0x1;
	s10 =	sld [smem:$0x3FB0];
	_ =	sdelay $0x3  }
0x37: {  	[smem:$0x3FB0] =	sst s10  }
0x38: {  	s10 =	sld [smem:$0x3FB1]  }
0x39: {  	_ = 	snop;
	(pc) =	sbr.ind lr, $3  }
0x3a: {  	_ = 	snop  }
0x3b: {  	_ = 	snop  }
0x3c: {  	p2 =	seq.s32 s10, $0x1;
	s10 =	sld [smem:$0x3FB0]  }
0x3d: {  	_ =	shalt  }
0x3e: {  	_ =	shalt  }
0x3f: {  	_ =	shalt  }
0x40: {  	_ =	shalt  }
0x41: {  	_ =	shalt  }
0x42: {  	_ =	shalt  }
0x43: {  	_ =	shalt  }
0x44: {  	_ =	shalt  }
0x45: {  	_ =	shalt  }
0x46: {  	_ =	shalt  }
0x47: {  	_ =	shalt  }
0x48: {  	_ =	shalt  }
0x49: {  	_ =	shalt  }
0x4a: {  	_ =	shalt  }
0x4b: {  	_ =	shalt  }
0x4c: {  	_ =	shalt  }
0x4d: {  	_ =	shalt  }
0x4e: {  	_ =	shalt  }
0x4f: {  	_ =	shalt  }
0x50: {  	_ =	shalt  }
0x51: {  	_ =	shalt  }
0x52: {  	_ =	shalt  }
0x53: {  	_ =	shalt  }
0x54: {  	_ =	shalt  }
0x55: {  	_ =	shalt  }
0x56: {  	_ =	shalt  }
0x57: {  	_ =	shalt  }
0x58: {  	_ =	shalt  }
0x59: {  	_ =	shalt  }
0x5a: {  	_ =	shalt  }
0x5b: {  	_ =	shalt  }
0x5c: {  	_ =	shalt  }
0x5d: {  	_ =	shalt  }
0x5e: {  	_ =	shalt  }
0x5f: {  	_ =	shalt  }
0x60: {  	_ =	shalt  }
0x61: {  	_ =	shalt  }
0x62: {  	_ =	shalt  }
0x63: {  	_ =	shalt  }
0x64: {  	_ =	shalt  }
0x65: {  	_ =	shalt  }
0x66: {  	_ =	shalt  }
0x67: {  	_ =	shalt  }
0x68: {  	_ =	shalt  }
0x69: {  	_ =	shalt  }
0x6a: {  	_ =	shalt  }
0x6b: {  	_ =	shalt  }
0x6c: {  	_ =	shalt  }
0x6d: {  	_ =	shalt  }
0x6e: {  	_ =	shalt  }
0x6f: {  	_ =	shalt  }
0x70: {  	_ =	shalt  }
0x71: {  	_ =	shalt  }
0x72: {  	_ =	shalt  }
0x73: {  	_ =	shalt  }
0x74: {  	_ =	shalt  }
0x75: {  	_ =	shalt  }
0x76: {  	_ =	shalt  }
0x77: {  	_ =	shalt  }
0x78: {  	_ =	shalt  }
0x79: {  	_ =	shalt  }
0x7a: {  	_ =	shalt  }
0x7b: {  	_ =	shalt  }
0x7c: {  	_ =	shalt  }
0x7d: {  	_ =	shalt  }
0x7e: {  	_ =	shalt  }
0x7f: {  	_ =	shalt  }
0x80: {  	_ =	shalt  }
0x81: {  	_ =	shalt  }
0x82: {  	_ =	shalt  }
0x83: {  	_ =	shalt  }
0x84: {  	_ =	shalt  }
0x85: {  	_ =	shalt  }
0x86: {  	_ =	shalt  }
0x87: {  	_ =	shalt  }
.Lfunc_end0:
.L_simem_size_0:
called_computation_lowered:
.L_overlay_start_0:
0x88: {  	s2 =	sld [smem:$0x3FD9]  }
0x89: {  	s3 =	sld [smem:$0x3FFE];
	_ =	sdelay $0x1  }
0x8a: {  	s1 =	srdreg.scid  }
0x8b: {  	s0 =	sand.u32 $0x1, s1  }
0x8c: {  	s17 =	sshll.u32 s0, $0xA;
	s2 =	sadd.s32 s3, s2  }
0x8d: {  	s2 =	sadd.s32 s2, s17  }
0x8e: {  	[smem:$0x3FBC] =	sst s2  }
0x8f: {  	_ = 	snop  }
0x90: {  	s2 =	sld [smem:$0x3FC3]  }
0x91: {  	s18 =	sld [smem:$0x3FC2];
	(tm) =	ssettm $0x1  }
0x92: {  	s4 =	sld [smem:$0x3FFB];
	_ =	sdelay $0x3  }
0x93: {  	_ =	strace s4  }
0x94: {  	s4 =	sld [smem:$0x3FFC];
	_ =	sdelay $0x3  }
0x95: {  	_ =	strace s4  }
0x96: {  	s4 =	sld [smem:$0x3FFD];
	_ =	sdelay $0x3  }
0x97: {  	_ =	strace s4  }
0x98: {  	_ =	strace $0x8FFFFFFF  }
0x99: {  	s19 =	sld [smem:$0x3FDB];
	_ =	sdelay $0x1  }
0x9a: {  	s5 =	simm.s32 $_scs_section_size  }
0x9b: {  	s6 =	simm.s32 $_size__tile_overlayer_lowered;
	s7 =	simm.s32 $_tile_overlayer_lowered  }
0x9c: {  	s22 =	simm.s32 $0x1BFF;
	s21 =	sshll.u32 s7, $0x1;
	s4 =	sadd.s32 s5, s19  }
0x9d: {  	s8 =	simm.s32 $0x0;
	s20 =	sshll.u32 s6, $0x1;
	s6 =	sadd.s32 s21, s4  }
0x9e: {  	[timem:s8], [sflag:s22] =	dma.local [hbm:s6], s20  }
0x9f: {  	_ =	swait.ge [sflag:s22], s20  }
0xa0: {  	s5 =	ssub.s32 $0x0, s20;
	[sflag:s22] =	ssyncset.done $0x0  }
0xa1: {  	[sflag:s22] =	ssyncadd.s32 s5;
	_ =	sdelay $0x1  }
0xa2: {  	s23 =	simm.s32 $0x1B8B  }
0xa3: {  	_ =	swait.ge [sflag:s23], $0x1  }
0xa4: {  	[sflag:s23] =	ssyncset.done $0x0  }
0xa5: {  	s25 =	simm.s32 $0x1B8E;
	s24 =	sld [smem:$0x3FFE];
	[sflag:s23] =	ssyncadd.s32 $0xFFFFFFFF  }
0xa6: {  	s26 =	simm.s32 $execute0_lowered;
	[smem:$0x3FD2] =	sst s25  }
0xa7: {  	s6 =	sshll.u32 s26, $0x1;
	_ =	strace $0x80000046;
	[dreg:$0x1] =	wrdreg $0xFFFFFFFF  }
0xa8: {  	s28 =	simm.s32 $_size_execute0_lowered;
	s4 =	sadd.s32 s4, s6;
	[dreg:$0x0] =	wrdreg $0x0  }
0xa9: {  	s6 =	sshll.u32 s28, $0x1;
	[dreg:$0x2] =	wrdreg s4  }
0xaa: {  	[dreg:$0x3] =	wrdreg s6  }
0xab: {  	[dreg:$0x4] =	wrdreg $0xC0  }
0xac: {  	_ =	task [dreg:s8], $0x5FFFF  }
0xad: {  	[dreg:$0x1] =	wrdreg $0xFFFFFFFF  }
0xae: {  	[dreg:$0x0] =	wrdreg $0x60  }
0xaf: {  	[dreg:$0x2] =	wrdreg s24  }
0xb0: {  	[dreg:$0x3] =	wrdreg s2  }
0xb1: {  	[dreg:$0x4] =	wrdreg s18  }
0xb2: {  	[dreg:$0x5] =	wrdreg $0x9  }
0xb3: {  	_ =	task.clear_ibuf [dreg:s8], $0x6FFFF;
	_ =	strace $0x90000046  }
0xb4: {  	s29 =	simm.s32 $0x9;
	_ =	strace $0x80000048  }
0xb5: {  	_ =	swait.ge [sflag:s29], $0x1  }
0xb6: {  	[sflag:s29] =	ssyncadd.s32 $0xFFFFFFFF  }
0xb7: {  	_ =	strace $0x90000048  }
0xb8: {  	_ =	sfence  }
0xb9: {  	s30 =	sld [smem:$0x0];
	_ =	sdelay $0x2  }
0xba: {  	s31 =	sshll.u32 s1, $0xD;
	s1 =	sshrl.u32 s1, $0x2  }
0xbb: {  	s3 =	sand.u32 $0x4000, s31;
	s1 =	sadd.s32 s1, s30  }
0xbc: {  	s0 =	sor.u32 s3, s0;
	s1 =	sshll.u32 s1, $0x11  }
0xbd: {  	s0 =	sor.u32 s1, s0  }
0xbe: {  	s0 =	sadd.s32 $0x8F2B, s0  }
0xbf: {  	[sflag:s0] =	ssyncadd.remote.s32 $0x1  }
0xc0: {  	_ =	sfence.sel $0xFFFF  }
0xc1: {  	[dreg:$0x0] =	wrdreg $0xFFFFFFFF;
	(pc) =	sbr.abs _section_cstart, $3  }
0xc2: {  	[dreg:$0x1] =	wrdreg $0xFFFFFFFF  }
0xc3: {  	_ =	task.clear_ibuf [dreg:s8], $0x2FFFF;
	_ =	strace $0x9FFFFFFF  }
0xc4: {  	(tm) =	ssettm $0x7FFFFFFF  }
0xc5: {  	_ =	shalt  }
tec
execute0_lowered:
.L_overlay_start_1:
0x0: {  	(tag) =	ssettag $0x1  }
0x1: {  	s0 =	rddreg [dreg:$0x0];
	s4 =	simm.s32 $0x0;
	s1 =	srdreg.scid  }
0x2: {  	s2 =	stileid.u32;
	s13 =	simm.s32 $0x2;
	s14 =	simm.s32 $0x2000  }
0x3: {  	s15 =	simm.s32 $0x6000;
	s16 =	simm.s32 $0x7100;
	s17 =	simm.s32 $0x7140  }
0x4: {  	s18 =	simm.s32 $0x80;
	s19 =	simm.s32 $0x7340;
	s22 =	simm.s32 $0x7240  }
0x5: {  	s23 =	simm.s32 $0x8340;
	[smem:$0x7FF] =	sst s4;
	s1 =	sand.u32 $0x1, s1  }
0x6: {  	s2 =	sshll.u32 s2, $0x9;
	s5 =	sadd.s32 $0x144000, s0;
	s3 =	sshll.u32 s1, $0x8  }
0x7: {  	s7 =	sadd.s32 $0x20000, s0;
	s1 =	ssub.s32 $0x2, s1;
	s6 =	sor.u32 s3, s2  }
0x8: {  	_ =	strace $0x80000047;
	s25 =	sshrl.u32 s1, $0x1;
	s26 =	sshll.u32 s6, $0x1  }
0x9: {  	s2 =	sshrl.u32 s6, $0x3;
	s1 =	ssub.s32 s1, s25;
	s8 =	sadd.s32 s7, s26  }
0xa: {  	s2 =	sadd.s32 s2, s0;
	s0 =	sadd.s32 s0, s26;
	[dreg:$0x4] =	wrdreg s8  }
0xb: {  	s24 =	simm.s32 $0x72C0;
	s31 =	smax.u32 s1, $0x1;
	[dreg:$0x5] =	wrdreg s0  }
0xc: {  	s28 =	simm.s32 $0x9340;
	s29 =	sadd.s32 $0x4000, s2;
	[dreg:$0x8] =	wrdreg s31  }
0xd: {  	s25 =	simm.s32 $0x8B40;
	s30 =	sadd.s32 $0x4400, s2;
	[dreg:$0x6] =	wrdreg s29  }
0xe: {  	v0 =	vimm.s32 $0x0;
	v1 =	vlaneseq.u32;
	s26 =	simm.s32 $0x1;
	s1 =	simm.s32 $0x0;
	[dreg:$0x7] =	wrdreg s30  }
.LBB2_1:
0xf: {  	[dreg:$0x9] =	wrdreg s1  }
0x10: {  	s0 =	rddreg [dreg:$0x1]  }
0x11: {  	[tilespmem:s4], [sflag:$0x2] =	stream.linear.gather [hbm4b:s0+s4], $0x2000, $0x38;
	[tilespmem:$0x9440] =	vst v63  }
0x12: {  	_ =	swait.ge [sflag:s13], $0x2000  }
0x13: {  	[sflag:s13] =	ssyncset.done $0x0  }
0x14: {  	[sflag:s13] =	ssyncadd.s32 $0xFFFFE000  }
0x15: {  	s12 =	rddreg [dreg:$0x2]  }
0x16: {  	[tilespmem:s14], [sflag:$0x2] =	stream.linear.gather [hbm4b:s12+s4], $0x2000, $0x38;
	[tilespmem:$0x9440] =	vst v63  }
0x17: {  	_ =	swait.ge [sflag:s13], $0x2000  }
0x18: {  	[sflag:s13] =	ssyncset.done $0x0  }
0x19: {  	s30 =	simm.s32 $0x4000;
	s20 =	rddreg [dreg:$0x4];
	[sflag:s13] =	ssyncadd.s32 $0xFFFFE000  }
0x1a: {  	[tilespmem:s30], [sflag:$0x2] =	stream.linear.gather [hbm4b:s20+s4], $0x1000, $0x38;
	[tilespmem:$0x9440] =	vst v63  }
0x1b: {  	_ =	swait.ge [sflag:s13], $0x1000  }
0x1c: {  	[sflag:s13] =	ssyncset.done $0x0  }
0x1d: {  	s31 =	simm.s32 $0x5000;
	s21 =	rddreg [dreg:$0x5];
	[sflag:s13] =	ssyncadd.s32 $0xFFFFF000  }
0x1e: {  	[tilespmem:s31], [sflag:$0x2] =	stream.linear.gather [hbm4b:s21+s4], $0x1000, $0x38;
	[tilespmem:$0x9440] =	vst v63  }
0x1f: {  	_ =	swait.ge [sflag:s13], $0x1000  }
0x20: {  	[sflag:s13] =	ssyncset.done $0x0  }
0x21: {  	s29 =	rddreg [dreg:$0x6];
	[sflag:s13] =	ssyncadd.s32 $0xFFFFF000  }
0x22: {  	[tilespmem:s15], [sflag:$0x2] =	stream.linear.gather [hbm4b:s29+s4], $0x100, $0x38;
	[tilespmem:$0x9440] =	vst v63  }
0x23: {  	_ =	swait.ge [sflag:s13], $0x100  }
0x24: {  	[sflag:s13] =	ssyncset.done $0x0  }
0x25: {  	s1 =	simm.s32 $0x0;
	s3 =	simm.s32 $0x0;
	[sflag:s13] =	ssyncadd.s32 $0xFFFFFF00  }
.LBB2_2:
0x26: {  	s0 =	sshll.u32 s3, $0x3  }
0x27: {  	s2 =	sadd.s32 s6, s0  }
0x28: {  	s8 =	simm.s32 $0x6100;
	s2 =	sshll.u32 s2, $0x6  }
.Ltmp0:
0x29: {  	s9 =	sadd.s32 s5, s2;
	s2 =	simm.s32 $0x0;
	(pc) =	sbr.rel .LBB2_3-.Ltmp0, $4  }
0x2a: {  	[tilespmem:s8], [sflag:$0x2] =	stream.linear.gather [hbm4b:s9+s2], $0x1000, $0x38;
	[tilespmem:$0x9440] =	vst v63  }
0x2b: {  	_ =	swait.ge [sflag:s13], $0x1000  }
0x2c: {  	[sflag:s13] =	ssyncset.done $0x0  }
0x2d: {  	s9 =	simm.s32 $0x0;
	[sflag:s13] =	ssyncadd.s32 $0xFFFFF000  }
.LBB2_8:
0x2e: {  	s9 =	sadd.s32 $0x1, s9  }
0x2f: {  	p0 =	sne.s32 s9, $0x8  }
.Ltmp1:
0x30: {  	_ = 	snop;
	(pc) =	sbr.rel @!p0 .LBB2_9-.Ltmp1, $2  }
0x31: {  	_ =	sdelay $0x2  }
0x32: {  	s8 =	sadd.s32 $0x200, s8  }
.LBB2_3:
0x33: {  	s10 =	sor.u32 s0, s9  }
0x34: {  	s11 =	sor.u32 s6, s10;
	v3 =	vmov s10  }
0x35: {  	v2 =	vmov s11;
	_ =	sdelay $0x3  }
0x36: {  	v3 =	vld.idx.msk [tilespmem:v3+s15+$0x0], $0xffff  }
0x37: {  	v4 =	vld.idx.msk [tilespmem:v2+s2+$0x0], $0xffff  }
0x38: {  	v5 =	vld.idx.msk [tilespmem:v2+s14+$0x0], $0xffff;
	[tilespmem:$0x7100] =	vst v0  }
0x39: {  	[tilespmem:$0x7110] =	vst v0  }
0x3a: {  	s11 =	sshll.u32 s9, $0x6;
	[tilespmem:$0x7120] =	vst v0  }
0x3b: {  	s21 =	sand.u32 $0x3FFFFFC0, s11;
	[tilespmem:$0x7130] =	vst v0  }
0x3c: {  	[tilespmem:s21+$0x7140] =	vst v2  }
0x3d: {  	[tilespmem:s21+$0x7150] =	vst v2  }
0x3e: {  	[tilespmem:s21+$0x7160] =	vst v2  }
0x3f: {  	[tilespmem:s21+$0x7170] =	vst v2  }
0x40: {  	v6 =	vld [tilespmem:s8+$0x0];
	_ =	sdelay $0x4  }
0x41: {  	vm0 =	vle.f32 v6, v3  }
0x42: {  	v6 =	vsel vm0, $0x1, v0  }
0x43: {  	(xrf0) =	vadd.scan.msk.s32 $0xffff, v6;
	_ =	sdelay $0x2  }
0x44: {  	v6 =	vmov s2  }
0x45: {  	v6 =	vadd.s32 $0xFFFFFFFF, v6  }
0x46: {  	v6 =	vbroadcast v6, $0x0  }
0x47: {  	v7, _, _ =	vpop (xrf0)  }
0x48: {  	v6 =	vadd.s32 v6, v7;
	(v2sf) =	vpush v7, $0xF  }
0x49: {  	vm1 =	vlt.s32 v6, $0x40  }
0x4a: {  	vm0 =	vmand vm0, vm1;
	_ =	sdelay $0x4  }
0x4b: {  	v8 =	vor.u32 s2, v1  }
0x4c: {  	s29 =	sadd.s32 $0x10, s8;
	[tilespmem:v6+s16+$0x0] =	vst.idx.msk vm0, v8  }
0x4d: {  	s12 =	simm.s32 $0x10;
	s20 =	simm.s32 $0x20;
	s10 =	simm.s32 $0x0;
	v6 =	vld [tilespmem:s29+$0x0]  }
.LBB2_4:
0x4e: {  	p0 =	sne.s32 s20, $0x1F0;
	_ =	sdelay $0x3  }
0x4f: {  	vm0 =	vle.f32 v6, v3  }
0x50: {  	v6 =	vsel vm0, $0x1, v0;
	s21 =	spop (v2sf)  }
0x51: {  	(xrf0) =	vadd.scan.msk.s32 $0xffff, v6;
	s10 =	sadd.s32 s10, s21  }
0x52: {  	v6 =	vmov s10  }
0x53: {  	v6 =	vadd.s32 $0xFFFFFFFF, v6  }
0x54: {  	v6 =	vbroadcast v6, $0x0;
	_ =	sdelay $0x2  }
0x55: {  	v7, _, _ =	vpop (xrf0)  }
0x56: {  	v6 =	vadd.s32 v6, v7;
	(v2sf) =	vpush v7, $0xF  }
0x57: {  	vm1 =	vlt.s32 v6, $0x40  }
0x58: {  	vm0 =	vmand vm0, vm1;
	_ =	sdelay $0x2  }
.Ltmp2:
0x59: {  	(pc) =	sbr.rel @p0 .LBB2_4-.Ltmp2, $4  }
0x5a: {  	_ = 	snop  }
0x5b: {  	v7 =	vor.u32 s12, v1;
	s12 =	smov.u32 s20  }
0x5c: {  	s29 =	sadd.s32 $0x10, s29;
	[tilespmem:v6+s16+$0x0] =	vst.idx.msk vm0, v7  }
0x5d: {  	s20 =	sadd.s32 $0x10, s20;
	v6 =	vld [tilespmem:s29+$0x0]  }
0x5e: {  	_ =	sdelay $0x3  }
0x5f: {  	vm0 =	vle.f32 v6, v3  }
0x60: {  	v6 =	vsel vm0, $0x1, v0  }
0x61: {  	(xrf0) =	vadd.scan.msk.s32 $0xffff, v6;
	_ =	sdelay $0x5  }
0x62: {  	v6, _, _ =	vpop (xrf0)  }
0x63: {  	(v2sf) =	vpush v6, $0xF;
	_ =	sdelay $0xb  }
0x64: {  	s20 =	spop (v2sf)  }
0x65: {  	s10 =	sadd.s32 s10, s20  }
0x66: {  	v7 =	vmov s10  }
0x67: {  	v7 =	vadd.s32 $0xFFFFFFFF, v7;
	s21 =	spop (v2sf)  }
0x68: {  	v7 =	vbroadcast v7, $0x0;
	s20 =	sadd.s32 s10, s21  }
0x69: {  	p0 =	slt.s32 s20, $0x40  }
0x6a: {  	v6 =	vadd.s32 v7, v6;
	s20 =	simm.s32 @!p0 $0x40  }
0x6b: {  	vm1 =	vlt.s32 v6, $0x40;
	s29 =	sadd.s32 $0xF, s20  }
0x6c: {  	vm0 =	vmand vm0, vm1;
	s10 =	sshra.s32 s29, $0x4  }
0x6d: {  	p0 =	slt.s32 s10, $0x1  }
.Ltmp3:
0x6e: {  	_ = 	snop;
	(pc) =	sbr.rel @p0 .LBB2_8-.Ltmp3, $3  }
0x6f: {  	_ =	sdelay $0x1  }
0x70: {  	v7 =	vor.u32 s12, v1  }
0x71: {  	[tilespmem:v6+s16+$0x0] =	vst.idx.msk vm0, v7  }
0x72: {  	v6 =	vmov s20;
	v7 =	vmov s11;
	s11 =	simm.s32 $0x7100;
	s12 =	simm.s32 $0x0;
	s29 =	simm.s32 $0x0  }
.LBB2_7:
0x73: {  	v8 =	vld [tilespmem:s11+$0x0];
	_ =	sdelay $0x7  }
0x74: {  	v9 =	vld.idx.msk [tilespmem:v8+s4+$0x0], $0xffff  }
0x75: {  	v10 =	vld.idx.msk [tilespmem:v8+s14+$0x0], $0xffff;
	_ =	sdelay $0x4  }
0x76: {  	v9 =	vsub.f32 v9, v4;
	v10 =	vsub.f32 v10, v5;
	_ =	sdelay $0x1  }
0x77: {  	v9 =	vmul.f32 v9, v9;
	v10 =	vmul.f32 v10, v10;
	_ =	sdelay $0x1  }
0x78: {  	v9 =	vadd.f32 v10, v9;
	_ =	sdelay $0x1  }
0x79: {  	v36 =	vor.u32 s12, v1;
	vm2 =	vne.s32 v8, v2;
	vm1 =	vle.f32 v9, v3  }
0x7a: {  	vm0 =	vlt.s32 v36, v6;
	vm1 =	vmand vm2, vm1  }
0x7b: {  	vm1 =	vmand vm0, vm1  }
0x7c: {  	v37 =	vsel vm1, $0x1, v0  }
0x7d: {  	(xrf0) =	vadd.scan.msk.s32 $0xffff, v37;
	_ =	sdelay $0x2  }
0x7e: {  	v38 =	vmov s29  }
0x7f: {  	v9 =	vadd.s32 $0xFFFFFFFF, v38  }
0x80: {  	v9 =	vbroadcast v9, $0x0  }
0x81: {  	v39, _, _ =	vpop (xrf0)  }
0x82: {  	v9 =	vadd.s32 v9, v39  }
0x83: {  	vm6 =	vlt.s32 v9, $0x40  }
0x84: {  	vm1 =	vmand vm1, vm6  }
0x85: {  	v9 =	vadd.s32 v7, v9  }
0x86: {  	v11 =	vadd.s32 $0x200, v8;
	_ =	sdelay $0x3  }
0x87: {  	[tilespmem:v9+s17+$0x0] =	vst.idx.msk vm1, v8  }
0x88: {  	v9 =	vld.idx.msk [tilespmem:v11+s4+$0x0], $0xffff  }
0x89: {  	v12 =	vld.idx.msk [tilespmem:v11+s14+$0x0], $0xffff  }
0x8a: {  	(v2sf) =	vpush v39, $0xF;
	_ =	sdelay $0x3  }
0x8b: {  	v9 =	vsub.f32 v9, v4;
	v40 =	vsub.f32 v12, v5;
	_ =	sdelay $0x1  }
0x8c: {  	v9 =	vmul.f32 v9, v9;
	v10 =	vmul.f32 v40, v40;
	_ =	sdelay $0x1  }
0x8d: {  	v9 =	vadd.f32 v10, v9;
	_ =	sdelay $0x1  }
0x8e: {  	vm8 =	vne.s32 v11, v2;
	vm7 =	vle.f32 v9, v3  }
0x8f: {  	vm1 =	vmand vm8, vm7  }
0x90: {  	vm1 =	vmand vm0, vm1  }
0x91: {  	v41 =	vsel vm1, $0x1, v0  }
0x92: {  	(xrf0) =	vadd.scan.msk.s32 $0xffff, v41  }
0x93: {  	s20 =	spop (v2sf)  }
0x94: {  	s20 =	sadd.s32 s29, s20  }
0x95: {  	v42 =	vmov s20  }
0x96: {  	v9 =	vadd.s32 $0xFFFFFFFF, v42  }
0x97: {  	v9 =	vbroadcast v9, $0x0  }
0x98: {  	v43, _, _ =	vpop (xrf0)  }
0x99: {  	v9 =	vadd.s32 v43, v9  }
0x9a: {  	vm9 =	vlt.s32 v9, $0x40  }
0x9b: {  	vm1 =	vmand vm1, vm9  }
0x9c: {  	v9 =	vadd.s32 v7, v9  }
0x9d: {  	v44 =	vadd.s32 $0x400, v8;
	_ =	sdelay $0x3  }
0x9e: {  	[tilespmem:v9+s17+$0x0] =	vst.idx.msk vm1, v11  }
0x9f: {  	v9 =	vld.idx.msk [tilespmem:v44+s4+$0x0], $0xffff  }
0xa0: {  	v11 =	vld.idx.msk [tilespmem:v44+s14+$0x0], $0xffff  }
0xa1: {  	(v2sf) =	vpush v43, $0xF;
	_ =	sdelay $0x3  }
0xa2: {  	v9 =	vsub.f32 v9, v4;
	v45 =	vsub.f32 v11, v5;
	_ =	sdelay $0x1  }
0xa3: {  	v9 =	vmul.f32 v9, v9;
	v10 =	vmul.f32 v45, v45;
	_ =	sdelay $0x1  }
0xa4: {  	v9 =	vadd.f32 v10, v9;
	_ =	sdelay $0x1  }
0xa5: {  	vm11 =	vne.s32 v44, v2;
	vm10 =	vle.f32 v9, v3  }
0xa6: {  	vm1 =	vmand vm11, vm10  }
0xa7: {  	vm1 =	vmand vm0, vm1  }
0xa8: {  	v46 =	vsel vm1, $0x1, v0  }
0xa9: {  	(xrf0) =	vadd.scan.msk.s32 $0xffff, v46  }
0xaa: {  	s21 =	spop (v2sf)  }
0xab: {  	s20 =	sadd.s32 s20, s21  }
0xac: {  	v47 =	vmov s20  }
0xad: {  	v9 =	vadd.s32 $0xFFFFFFFF, v47  }
0xae: {  	v9 =	vbroadcast v9, $0x0  }
0xaf: {  	v48, _, _ =	vpop (xrf0)  }
0xb0: {  	v9 =	vadd.s32 v48, v9  }
0xb1: {  	vm12 =	vlt.s32 v9, $0x40  }
0xb2: {  	vm1 =	vmand vm1, vm12  }
0xb3: {  	v9 =	vadd.s32 v7, v9  }
0xb4: {  	v49 =	vadd.s32 $0x600, v8;
	_ =	sdelay $0x3  }
0xb5: {  	[tilespmem:v9+s17+$0x0] =	vst.idx.msk vm1, v44  }
0xb6: {  	v9 =	vld.idx.msk [tilespmem:v49+s4+$0x0], $0xffff  }
0xb7: {  	v12 =	vld.idx.msk [tilespmem:v49+s14+$0x0], $0xffff  }
0xb8: {  	(v2sf) =	vpush v48, $0xF;
	_ =	sdelay $0x3  }
0xb9: {  	v9 =	vsub.f32 v9, v4;
	v50 =	vsub.f32 v12, v5;
	_ =	sdelay $0x1  }
0xba: {  	v9 =	vmul.f32 v9, v9;
	v10 =	vmul.f32 v50, v50;
	_ =	sdelay $0x1  }
0xbb: {  	v9 =	vadd.f32 v10, v9;
	_ =	sdelay $0x1  }
0xbc: {  	vm14 =	vne.s32 v49, v2;
	vm13 =	vle.f32 v9, v3  }
0xbd: {  	vm1 =	vmand vm14, vm13  }
0xbe: {  	vm1 =	vmand vm0, vm1  }
0xbf: {  	v51 =	vsel vm1, $0x1, v0  }
0xc0: {  	(xrf0) =	vadd.scan.msk.s32 $0xffff, v51  }
0xc1: {  	s21 =	spop (v2sf)  }
0xc2: {  	s20 =	sadd.s32 s20, s21  }
0xc3: {  	v52 =	vmov s20  }
0xc4: {  	v9 =	vadd.s32 $0xFFFFFFFF, v52  }
0xc5: {  	v9 =	vbroadcast v9, $0x0  }
0xc6: {  	v53, _, _ =	vpop (xrf0)  }
0xc7: {  	v9 =	vadd.s32 v53, v9  }
0xc8: {  	vm15 =	vlt.s32 v9, $0x40  }
0xc9: {  	vm1 =	vmand vm1, vm15  }
0xca: {  	v9 =	vadd.s32 v7, v9  }
0xcb: {  	v54 =	vadd.s32 $0x800, v8;
	_ =	sdelay $0x3  }
0xcc: {  	[tilespmem:v9+s17+$0x0] =	vst.idx.msk vm1, v49  }
0xcd: {  	v9 =	vld.idx.msk [tilespmem:v54+s4+$0x0], $0xffff  }
0xce: {  	v11 =	vld.idx.msk [tilespmem:v54+s14+$0x0], $0xffff  }
0xcf: {  	(v2sf) =	vpush v53, $0xF;
	_ =	sdelay $0x3  }
0xd0: {  	v9 =	vsub.f32 v9, v4;
	v55 =	vsub.f32 v11, v5;
	_ =	sdelay $0x1  }
0xd1: {  	v9 =	vmul.f32 v9, v9;
	v10 =	vmul.f32 v55, v55;
	_ =	sdelay $0x1  }
0xd2: {  	v9 =	vadd.f32 v10, v9;
	_ =	sdelay $0x1  }
0xd3: {  	vm5 =	vne.s32 v54, v2;
	vm4 =	vle.f32 v9, v3  }
0xd4: {  	vm1 =	vmand vm5, vm4  }
0xd5: {  	vm1 =	vmand vm0, vm1  }
0xd6: {  	v56 =	vsel vm1, $0x1, v0  }
0xd7: {  	(xrf0) =	vadd.scan.msk.s32 $0xffff, v56  }
0xd8: {  	s21 =	spop (v2sf)  }
0xd9: {  	s20 =	sadd.s32 s20, s21  }
0xda: {  	v57 =	vmov s20  }
0xdb: {  	v9 =	vadd.s32 $0xFFFFFFFF, v57  }
0xdc: {  	v9 =	vbroadcast v9, $0x0  }
0xdd: {  	v58, _, _ =	vpop (xrf0)  }
0xde: {  	v9 =	vadd.s32 v58, v9  }
0xdf: {  	vm6 =	vlt.s32 v9, $0x40  }
0xe0: {  	vm1 =	vmand vm1, vm6  }
0xe1: {  	v9 =	vadd.s32 v7, v9  }
0xe2: {  	v59 =	vadd.s32 $0xA00, v8;
	_ =	sdelay $0x3  }
0xe3: {  	[tilespmem:v9+s17+$0x0] =	vst.idx.msk vm1, v54  }
0xe4: {  	v9 =	vld.idx.msk [tilespmem:v59+s4+$0x0], $0xffff  }
0xe5: {  	v12 =	vld.idx.msk [tilespmem:v59+s14+$0x0], $0xffff  }
0xe6: {  	(v2sf) =	vpush v58, $0xF;
	_ =	sdelay $0x3  }
0xe7: {  	v9 =	vsub.f32 v9, v4;
	v60 =	vsub.f32 v12, v5;
	_ =	sdelay $0x1  }
0xe8: {  	v9 =	vmul.f32 v9, v9;
	v10 =	vmul.f32 v60, v60;
	_ =	sdelay $0x1  }
0xe9: {  	v9 =	vadd.f32 v10, v9;
	_ =	sdelay $0x1  }
0xea: {  	vm8 =	vne.s32 v59, v2;
	vm7 =	vle.f32 v9, v3  }
0xeb: {  	vm1 =	vmand vm8, vm7  }
0xec: {  	vm1 =	vmand vm0, vm1  }
0xed: {  	v61 =	vsel vm1, $0x1, v0  }
0xee: {  	(xrf0) =	vadd.scan.msk.s32 $0xffff, v61  }
0xef: {  	s21 =	spop (v2sf)  }
0xf0: {  	s20 =	sadd.s32 s20, s21  }
0xf1: {  	v62 =	vmov s20  }
0xf2: {  	v9 =	vadd.s32 $0xFFFFFFFF, v62  }
0xf3: {  	v9 =	vbroadcast v9, $0x0  }
0xf4: {  	v63, _, _ =	vpop (xrf0)  }
0xf5: {  	v9 =	vadd.s32 v63, v9  }
0xf6: {  	vm9 =	vlt.s32 v9, $0x40  }
0xf7: {  	vm1 =	vmand vm1, vm9  }
0xf8: {  	v9 =	vadd.s32 v7, v9  }
0xf9: {  	v16 =	vadd.s32 $0xC00, v8;
	_ =	sdelay $0x3  }
0xfa: {  	[tilespmem:v9+s17+$0x0] =	vst.idx.msk vm1, v59  }
0xfb: {  	v9 =	vld.idx.msk [tilespmem:v16+s4+$0x0], $0xffff  }
0xfc: {  	v11 =	vld.idx.msk [tilespmem:v16+s14+$0x0], $0xffff  }
0xfd: {  	(v2sf) =	vpush v63, $0xF;
	_ =	sdelay $0x3  }
0xfe: {  	v9 =	vsub.f32 v9, v4;
	v17 =	vsub.f32 v11, v5;
	_ =	sdelay $0x1  }
0xff: {  	v9 =	vmul.f32 v9, v9;
	v10 =	vmul.f32 v17, v17;
	_ =	sdelay $0x1  }
0x100: {  	v9 =	vadd.f32 v10, v9;
	_ =	sdelay $0x1  }
0x101: {  	vm11 =	vne.s32 v16, v2;
	vm10 =	vle.f32 v9, v3  }
0x102: {  	vm1 =	vmand vm11, vm10  }
0x103: {  	vm1 =	vmand vm0, vm1  }
0x104: {  	v18 =	vsel vm1, $0x1, v0  }
0x105: {  	(xrf0) =	vadd.scan.msk.s32 $0xffff, v18  }
0x106: {  	s21 =	spop (v2sf)  }
0x107: {  	s20 =	sadd.s32 s20, s21  }
0x108: {  	v19 =	vmov s20  }
0x109: {  	v9 =	vadd.s32 $0xFFFFFFFF, v19  }
0x10a: {  	v9 =	vbroadcast v9, $0x0  }
0x10b: {  	v20, _, _ =	vpop (xrf0)  }
0x10c: {  	v9 =	vadd.s32 v20, v9  }
0x10d: {  	vm12 =	vlt.s32 v9, $0x40  }
0x10e: {  	vm1 =	vmand vm1, vm12  }
0x10f: {  	v9 =	vadd.s32 v7, v9  }
0x110: {  	v21 =	vadd.s32 $0xE00, v8;
	_ =	sdelay $0x3  }
0x111: {  	[tilespmem:v9+s17+$0x0] =	vst.idx.msk vm1, v16  }
0x112: {  	v9 =	vld.idx.msk [tilespmem:v21+s4+$0x0], $0xffff  }
0x113: {  	v12 =	vld.idx.msk [tilespmem:v21+s14+$0x0], $0xffff  }
0x114: {  	(v2sf) =	vpush v20, $0xF;
	_ =	sdelay $0x3  }
0x115: {  	v9 =	vsub.f32 v9, v4;
	v22 =	vsub.f32 v12, v5;
	_ =	sdelay $0x1  }
0x116: {  	v9 =	vmul.f32 v9, v9;
	v10 =	vmul.f32 v22, v22;
	_ =	sdelay $0x1  }
0x117: {  	v9 =	vadd.f32 v10, v9;
	_ =	sdelay $0x1  }
0x118: {  	vm14 =	vne.s32 v21, v2;
	vm13 =	vle.f32 v9, v3  }
0x119: {  	vm1 =	vmand vm14, vm13  }
0x11a: {  	vm1 =	vmand vm0, vm1  }
0x11b: {  	v23 =	vsel vm1, $0x1, v0  }
0x11c: {  	(xrf0) =	vadd.scan.msk.s32 $0xffff, v23  }
0x11d: {  	s21 =	spop (v2sf)  }
0x11e: {  	s20 =	sadd.s32 s20, s21  }
0x11f: {  	v24 =	vmov s20  }
0x120: {  	v9 =	vadd.s32 $0xFFFFFFFF, v24  }
0x121: {  	v9 =	vbroadcast v9, $0x0  }
0x122: {  	v25, _, _ =	vpop (xrf0)  }
0x123: {  	v9 =	vadd.s32 v25, v9  }
0x124: {  	vm15 =	vlt.s32 v9, $0x40  }
0x125: {  	vm1 =	vmand vm1, vm15  }
0x126: {  	v9 =	vadd.s32 v7, v9  }
0x127: {  	v26 =	vadd.s32 $0x1000, v8;
	_ =	sdelay $0x3  }
0x128: {  	[tilespmem:v9+s17+$0x0] =	vst.idx.msk vm1, v21  }
0x129: {  	v9 =	vld.idx.msk [tilespmem:v26+s4+$0x0], $0xffff  }
0x12a: {  	v11 =	vld.idx.msk [tilespmem:v26+s14+$0x0], $0xffff  }
0x12b: {  	(v2sf) =	vpush v25, $0xF;
	_ =	sdelay $0x3  }
0x12c: {  	v9 =	vsub.f32 v9, v4;
	v27 =	vsub.f32 v11, v5;
	_ =	sdelay $0x1  }
0x12d: {  	v9 =	vmul.f32 v9, v9;
	v10 =	vmul.f32 v27, v27;
	_ =	sdelay $0x1  }
0x12e: {  	v9 =	vadd.f32 v10, v9;
	_ =	sdelay $0x1  }
0x12f: {  	vm5 =	vne.s32 v26, v2;
	vm4 =	vle.f32 v9, v3  }
0x130: {  	vm1 =	vmand vm5, vm4  }
0x131: {  	vm1 =	vmand vm0, vm1  }
0x132: {  	v28 =	vsel vm1, $0x1, v0  }
0x133: {  	(xrf0) =	vadd.scan.msk.s32 $0xffff, v28  }
0x134: {  	s21 =	spop (v2sf)  }
0x135: {  	s20 =	sadd.s32 s20, s21  }
0x136: {  	v29 =	vmov s20  }
0x137: {  	v9 =	vadd.s32 $0xFFFFFFFF, v29  }
0x138: {  	v9 =	vbroadcast v9, $0x0  }
0x139: {  	v30, _, _ =	vpop (xrf0)  }
0x13a: {  	v9 =	vadd.s32 v30, v9  }
0x13b: {  	vm6 =	vlt.s32 v9, $0x40  }
0x13c: {  	vm1 =	vmand vm1, vm6  }
0x13d: {  	v9 =	vadd.s32 v7, v9  }
0x13e: {  	v31 =	vadd.s32 $0x1200, v8;
	_ =	sdelay $0x3  }
0x13f: {  	[tilespmem:v9+s17+$0x0] =	vst.idx.msk vm1, v26  }
0x140: {  	v9 =	vld.idx.msk [tilespmem:v31+s4+$0x0], $0xffff  }
0x141: {  	v12 =	vld.idx.msk [tilespmem:v31+s14+$0x0], $0xffff  }
0x142: {  	(v2sf) =	vpush v30, $0xF;
	_ =	sdelay $0x3  }
0x143: {  	v9 =	vsub.f32 v9, v4;
	v32 =	vsub.f32 v12, v5;
	_ =	sdelay $0x1  }
0x144: {  	v9 =	vmul.f32 v9, v9;
	v10 =	vmul.f32 v32, v32;
	_ =	sdelay $0x1  }
0x145: {  	v9 =	vadd.f32 v10, v9;
	_ =	sdelay $0x1  }
0x146: {  	vm8 =	vne.s32 v31, v2;
	vm7 =	vle.f32 v9, v3  }
0x147: {  	vm1 =	vmand vm8, vm7  }
0x148: {  	vm1 =	vmand vm0, vm1  }
0x149: {  	v33 =	vsel vm1, $0x1, v0  }
0x14a: {  	(xrf0) =	vadd.scan.msk.s32 $0xffff, v33  }
0x14b: {  	s21 =	spop (v2sf)  }
0x14c: {  	s20 =	sadd.s32 s20, s21  }
0x14d: {  	v34 =	vmov s20  }
0x14e: {  	v9 =	vadd.s32 $0xFFFFFFFF, v34  }
0x14f: {  	v9 =	vbroadcast v9, $0x0  }
0x150: {  	v35, _, _ =	vpop (xrf0)  }
0x151: {  	v9 =	vadd.s32 v35, v9  }
0x152: {  	vm9 =	vlt.s32 v9, $0x40  }
0x153: {  	vm1 =	vmand vm1, vm9  }
0x154: {  	v9 =	vadd.s32 v7, v9  }
0x155: {  	v36 =	vadd.s32 $0x1400, v8;
	_ =	sdelay $0x3  }
0x156: {  	[tilespmem:v9+s17+$0x0] =	vst.idx.msk vm1, v31  }
0x157: {  	v9 =	vld.idx.msk [tilespmem:v36+s4+$0x0], $0xffff  }
0x158: {  	v11 =	vld.idx.msk [tilespmem:v36+s14+$0x0], $0xffff  }
0x159: {  	(v2sf) =	vpush v35, $0xF;
	_ =	sdelay $0x3  }
0x15a: {  	v9 =	vsub.f32 v9, v4;
	v37 =	vsub.f32 v11, v5;
	_ =	sdelay $0x1  }
0x15b: {  	v9 =	vmul.f32 v9, v9;
	v10 =	vmul.f32 v37, v37;
	_ =	sdelay $0x1  }
0x15c: {  	v9 =	vadd.f32 v10, v9;
	_ =	sdelay $0x1  }
0x15d: {  	vm11 =	vne.s32 v36, v2;
	vm10 =	vle.f32 v9, v3  }
0x15e: {  	vm1 =	vmand vm11, vm10  }
0x15f: {  	vm1 =	vmand vm0, vm1  }
0x160: {  	v38 =	vsel vm1, $0x1, v0  }
0x161: {  	(xrf0) =	vadd.scan.msk.s32 $0xffff, v38  }
0x162: {  	s21 =	spop (v2sf)  }
0x163: {  	s20 =	sadd.s32 s20, s21  }
0x164: {  	v39 =	vmov s20  }
0x165: {  	v9 =	vadd.s32 $0xFFFFFFFF, v39  }
0x166: {  	v9 =	vbroadcast v9, $0x0  }
0x167: {  	v40, _, _ =	vpop (xrf0)  }
0x168: {  	v9 =	vadd.s32 v40, v9  }
0x169: {  	vm12 =	vlt.s32 v9, $0x40  }
0x16a: {  	vm1 =	vmand vm1, vm12  }
0x16b: {  	v9 =	vadd.s32 v7, v9  }
0x16c: {  	v41 =	vadd.s32 $0x1600, v8;
	_ =	sdelay $0x3  }
0x16d: {  	[tilespmem:v9+s17+$0x0] =	vst.idx.msk vm1, v36  }
0x16e: {  	v9 =	vld.idx.msk [tilespmem:v41+s4+$0x0], $0xffff  }
0x16f: {  	v12 =	vld.idx.msk [tilespmem:v41+s14+$0x0], $0xffff  }
0x170: {  	(v2sf) =	vpush v40, $0xF;
	_ =	sdelay $0x3  }
0x171: {  	v9 =	vsub.f32 v9, v4;
	v42 =	vsub.f32 v12, v5;
	_ =	sdelay $0x1  }
0x172: {  	v9 =	vmul.f32 v9, v9;
	v10 =	vmul.f32 v42, v42;
	_ =	sdelay $0x1  }
0x173: {  	v9 =	vadd.f32 v10, v9;
	_ =	sdelay $0x1  }
0x174: {  	vm14 =	vne.s32 v41, v2;
	vm13 =	vle.f32 v9, v3  }
0x175: {  	vm1 =	vmand vm14, vm13  }
0x176: {  	vm1 =	vmand vm0, vm1  }
0x177: {  	v43 =	vsel vm1, $0x1, v0  }
0x178: {  	(xrf0) =	vadd.scan.msk.s32 $0xffff, v43  }
0x179: {  	s21 =	spop (v2sf)  }
0x17a: {  	s20 =	sadd.s32 s20, s21  }
0x17b: {  	v44 =	vmov s20  }
0x17c: {  	v9 =	vadd.s32 $0xFFFFFFFF, v44  }
0x17d: {  	v9 =	vbroadcast v9, $0x0  }
0x17e: {  	v45, _, _ =	vpop (xrf0)  }
0x17f: {  	v9 =	vadd.s32 v45, v9  }
0x180: {  	vm15 =	vlt.s32 v9, $0x40  }
0x181: {  	vm1 =	vmand vm1, vm15  }
0x182: {  	v9 =	vadd.s32 v7, v9  }
0x183: {  	v46 =	vadd.s32 $0x1800, v8;
	_ =	sdelay $0x3  }
0x184: {  	[tilespmem:v9+s17+$0x0] =	vst.idx.msk vm1, v41  }
0x185: {  	v9 =	vld.idx.msk [tilespmem:v46+s4+$0x0], $0xffff  }
0x186: {  	v11 =	vld.idx.msk [tilespmem:v46+s14+$0x0], $0xffff  }
0x187: {  	(v2sf) =	vpush v45, $0xF;
	_ =	sdelay $0x3  }
0x188: {  	v9 =	vsub.f32 v9, v4;
	v47 =	vsub.f32 v11, v5;
	_ =	sdelay $0x1  }
0x189: {  	v9 =	vmul.f32 v9, v9;
	v10 =	vmul.f32 v47, v47;
	_ =	sdelay $0x1  }
0x18a: {  	v9 =	vadd.f32 v10, v9;
	_ =	sdelay $0x1  }
0x18b: {  	vm5 =	vne.s32 v46, v2;
	vm4 =	vle.f32 v9, v3  }
0x18c: {  	vm1 =	vmand vm5, vm4  }
0x18d: {  	vm1 =	vmand vm0, vm1  }
0x18e: {  	v48 =	vsel vm1, $0x1, v0  }
0x18f: {  	(xrf0) =	vadd.scan.msk.s32 $0xffff, v48  }
0x190: {  	s21 =	spop (v2sf)  }
0x191: {  	s20 =	sadd.s32 s20, s21  }
0x192: {  	v49 =	vmov s20  }
0x193: {  	v9 =	vadd.s32 $0xFFFFFFFF, v49  }
0x194: {  	v9 =	vbroadcast v9, $0x0  }
0x195: {  	v50, _, _ =	vpop (xrf0)  }
0x196: {  	v9 =	vadd.s32 v50, v9  }
0x197: {  	vm6 =	vlt.s32 v9, $0x40  }
0x198: {  	vm1 =	vmand vm1, vm6  }
0x199: {  	v9 =	vadd.s32 v7, v9  }
0x19a: {  	v51 =	vadd.s32 $0x1A00, v8;
	_ =	sdelay $0x3  }
0x19b: {  	[tilespmem:v9+s17+$0x0] =	vst.idx.msk vm1, v46  }
0x19c: {  	v9 =	vld.idx.msk [tilespmem:v51+s4+$0x0], $0xffff  }
0x19d: {  	v12 =	vld.idx.msk [tilespmem:v51+s14+$0x0], $0xffff  }
0x19e: {  	(v2sf) =	vpush v50, $0xF;
	_ =	sdelay $0x3  }
0x19f: {  	v9 =	vsub.f32 v9, v4;
	v52 =	vsub.f32 v12, v5;
	_ =	sdelay $0x1  }
0x1a0: {  	v9 =	vmul.f32 v9, v9;
	v10 =	vmul.f32 v52, v52;
	_ =	sdelay $0x1  }
0x1a1: {  	v9 =	vadd.f32 v10, v9;
	_ =	sdelay $0x1  }
0x1a2: {  	vm8 =	vne.s32 v51, v2;
	vm7 =	vle.f32 v9, v3  }
0x1a3: {  	vm1 =	vmand vm8, vm7  }
0x1a4: {  	vm1 =	vmand vm0, vm1  }
0x1a5: {  	v53 =	vsel vm1, $0x1, v0  }
0x1a6: {  	(xrf0) =	vadd.scan.msk.s32 $0xffff, v53  }
0x1a7: {  	s21 =	spop (v2sf)  }
0x1a8: {  	s20 =	sadd.s32 s20, s21  }
0x1a9: {  	v54 =	vmov s20  }
0x1aa: {  	v9 =	vadd.s32 $0xFFFFFFFF, v54  }
0x1ab: {  	v9 =	vbroadcast v9, $0x0  }
0x1ac: {  	v55, _, _ =	vpop (xrf0)  }
0x1ad: {  	v9 =	vadd.s32 v55, v9  }
0x1ae: {  	vm9 =	vlt.s32 v9, $0x40  }
0x1af: {  	vm1 =	vmand vm1, vm9  }
0x1b0: {  	v9 =	vadd.s32 v7, v9  }
0x1b1: {  	v56 =	vadd.s32 $0x1C00, v8;
	_ =	sdelay $0x3  }
0x1b2: {  	[tilespmem:v9+s17+$0x0] =	vst.idx.msk vm1, v51  }
0x1b3: {  	v9 =	vld.idx.msk [tilespmem:v56+s4+$0x0], $0xffff  }
0x1b4: {  	v11 =	vld.idx.msk [tilespmem:v56+s14+$0x0], $0xffff  }
0x1b5: {  	(v2sf) =	vpush v55, $0xF;
	_ =	sdelay $0x3  }
0x1b6: {  	v9 =	vsub.f32 v9, v4;
	v57 =	vsub.f32 v11, v5;
	_ =	sdelay $0x1  }
0x1b7: {  	v9 =	vmul.f32 v9, v9;
	v10 =	vmul.f32 v57, v57;
	_ =	sdelay $0x1  }
0x1b8: {  	v9 =	vadd.f32 v10, v9;
	_ =	sdelay $0x1  }
0x1b9: {  	vm11 =	vne.s32 v56, v2;
	vm10 =	vle.f32 v9, v3  }
0x1ba: {  	vm1 =	vmand vm11, vm10  }
0x1bb: {  	vm1 =	vmand vm0, vm1  }
0x1bc: {  	v58 =	vsel vm1, $0x1, v0  }
0x1bd: {  	(xrf0) =	vadd.scan.msk.s32 $0xffff, v58  }
0x1be: {  	s21 =	spop (v2sf)  }
0x1bf: {  	s20 =	sadd.s32 s20, s21  }
0x1c0: {  	v59 =	vmov s20  }
0x1c1: {  	v9 =	vadd.s32 $0xFFFFFFFF, v59  }
0x1c2: {  	v9 =	vbroadcast v9, $0x0  }
0x1c3: {  	v60, _, _ =	vpop (xrf0)  }
0x1c4: {  	v9 =	vadd.s32 v60, v9  }
0x1c5: {  	vm12 =	vlt.s32 v9, $0x40  }
0x1c6: {  	vm1 =	vmand vm1, vm12  }
0x1c7: {  	v9 =	vadd.s32 v7, v9  }
0x1c8: {  	v8 =	vadd.s32 $0x1E00, v8;
	_ =	sdelay $0x3  }
0x1c9: {  	[tilespmem:v9+s17+$0x0] =	vst.idx.msk vm1, v56  }
0x1ca: {  	v9 =	vld.idx.msk [tilespmem:v8+s4+$0x0], $0xffff  }
0x1cb: {  	v61 =	vld.idx.msk [tilespmem:v8+s14+$0x0], $0xffff;
	_ =	sdelay $0x4  }
0x1cc: {  	v9 =	vsub.f32 v9, v4;
	v11 =	vsub.f32 v61, v5;
	_ =	sdelay $0x1  }
0x1cd: {  	v9 =	vmul.f32 v9, v9;
	v11 =	vmul.f32 v11, v11;
	_ =	sdelay $0x1  }
0x1ce: {  	(v2sf) =	vpush v60, $0xF;
	v9 =	vadd.f32 v11, v9;
	_ =	sdelay $0x1  }
0x1cf: {  	vm14 =	vne.s32 v8, v2;
	vm13 =	vle.f32 v9, v3  }
0x1d0: {  	vm1 =	vmand vm14, vm13  }
0x1d1: {  	vm0 =	vmand vm0, vm1  }
0x1d2: {  	v62 =	vsel vm0, $0x1, v0  }
0x1d3: {  	(xrf0) =	vadd.scan.msk.s32 $0xffff, v62;
	_ =	sdelay $0x5  }
0x1d4: {  	v9, _, _ =	vpop (xrf0)  }
0x1d5: {  	(v2sf) =	vpush v9, $0xF;
	_ =	sdelay $0x1  }
0x1d6: {  	s21 =	spop (v2sf)  }
0x1d7: {  	s20 =	sadd.s32 s20, s21  }
0x1d8: {  	v63 =	vmov s20  }
0x1d9: {  	v10 =	vadd.s32 $0xFFFFFFFF, v63  }
0x1da: {  	v10 =	vbroadcast v10, $0x0;
	_ =	sdelay $0x1  }
0x1db: {  	v9 =	vadd.s32 v9, v10  }
0x1dc: {  	vm15 =	vlt.s32 v9, $0x40  }
0x1dd: {  	vm0 =	vmand vm0, vm15  }
0x1de: {  	p0 =	sne.s32 s10, $0x1;
	v9 =	vadd.s32 v7, v9  }
.Ltmp4:
0x1df: {  	_ = 	snop;
	(pc) =	sbr.rel @p0 .LBB2_7-.Ltmp4, $3  }
0x1e0: {  	_ =	sdelay $0x1  }
0x1e1: {  	s11 =	sadd.s32 $0x10, s11;
	s21 =	spop (v2sf)  }
0x1e2: {  	s12 =	sadd.s32 $0x10, s12;
	s10 =	sadd.s32 $0xFFFFFFFF, s10;
	[tilespmem:v9+s17+$0x0] =	vst.idx.msk vm0, v8;
	s29 =	sadd.s32 s20, s21  }
.Ltmp5:
0x1e3: {  	_ = 	snop;
	(pc) =	sbr.rel .LBB2_8-.Ltmp5, $1  }
0x1e4: {  	_ =	sdelay $0x3  }
.LBB2_9:
0x1e5: {  	[tilespmem:s19], [sflag:$0x1] =	stream.indirect.gather [hbm4b:s7+s18], $0x10, s17, s18, $0xb8;
	[tilespmem:$0x9440] =	vst v63  }
0x1e6: {  	s0 =	simm.s32 $0x71C0;
	s2 =	simm.s32 $0x7B40  }
0x1e7: {  	[tilespmem:s2], [sflag:$0x1] =	stream.indirect.gather [hbm4b:s7+s18], $0x10, s0, s18, $0xb8;
	[tilespmem:$0x9440] =	vst v63  }
0x1e8: {  	_ = 	snop  }
0x1e9: {  	[tilespmem:s23], [sflag:$0x1] =	stream.indirect.gather [hbm4b:s7+s18], $0x10, s22, s18, $0xb8;
	[tilespmem:$0x9440] =	vst v63  }
0x1ea: {  	_ = 	snop  }
0x1eb: {  	[tilespmem:s25], [sflag:$0x1] =	stream.indirect.gather [hbm4b:s7+s18], $0x10, s24, s18, $0xb8;
	[tilespmem:$0x9440] =	vst v63  }
0x1ec: {  	_ =	swait.ge [sflag:s26], $0x800  }
0x1ed: {  	[sflag:s26] =	ssyncset.done $0x0  }
0x1ee: {  	[sflag:s26] =	ssyncadd.s32 $0xFFFFF800  }
0x1ef: {  	_ =	swait.ge [sflag:s26], $0x800  }
0x1f0: {  	s21 =	simm.s32 $0x30;
	[sflag:s26] =	ssyncset.done $0x0  }
0x1f1: {  	s29 =	simm.s32 $0x20;
	v17 =	vor.u32 s21, v1;
	[sflag:s26] =	ssyncadd.s32 $0xFFFFF800  }
0x1f2: {  	s8 =	simm.s32 $0x10;
	v2 =	vor.u32 s29, v1;
	v3 =	vshll.u32 v17, $0x4;
	_ =	swait.ge [sflag:s26], $0x800  }
0x1f3: {  	v0 =	vor.u32 s8, v1;
	v4 =	vshll.u32 v2, $0x4;
	v5 =	vor.u32 $0x8, v3;
	[sflag:s26] =	ssyncset.done $0x0  }
0x1f4: {  	v6 =	vshll.u32 v0, $0x4;
	v7 =	vor.u32 $0x8, v4;
	[tilespmem:$0x1FE80] =	vst v0;
	[sflag:s26] =	ssyncadd.s32 $0xFFFFF800  }
0x1f5: {  	v8 =	vor.u32 $0x8, v6;
	_ =	swait.ge [sflag:s26], $0x800  }
0x1f6: {  	v9 =	vor.u32 $0x7, v3;
	[sflag:s26] =	ssyncset.done $0x0  }
0x1f7: {  	v15 =	vmov s31;
	[sflag:s26] =	ssyncadd.s32 $0xFFFFF800  }
0x1f8: {  	v10 =	vor.u32 $0x6, v3;
	v5 =	vld.idx.msk [tilespmem:v5+s19+$0x0], $0xffff  }
0x1f9: {  	v0 =	vmov s30;
	v12 =	vld.idx.msk [tilespmem:v7+s19+$0x0], $0xffff  }
0x1fa: {  	v11 =	vor.u32 $0x4, v3;
	v14 =	vld.idx.msk [tilespmem:v8+s19+$0x0], $0xffff  }
0x1fb: {  	s9 =	simm.s32 $0xC;
	v16 =	vor.u32 $0x2, v3;
	v13 =	vld.idx.msk [tilespmem:v9+s19+$0x0], $0xffff  }
0x1fc: {  	[tilespmem:$0x1FEA0] =	vst v15;
	v15 =	vld.idx.msk [tilespmem:v15+s9+$0xFFFFFFF4 ss:$0x1], $0xffff  }
0x1fd: {  	s10 =	simm.s32 $0x0;
	v18 =	vld.idx.msk [tilespmem:v10+s19+$0x0], $0xffff  }
0x1fe: {  	v24 =	vor.u32 s10, v1;
	v19 =	vld.idx.msk [tilespmem:v0+s9+$0xFFFFFFF4 ss:$0x1], $0xffff  }
0x1ff: {  	v25 =	vshll.u32 v24, $0x4;
	v22 =	vld.idx.msk [tilespmem:v11+s19+$0x0], $0xffff  }
0x200: {  	v27 =	vor.u32 $0x7, v25;
	v31 =	vor.u32 $0x6, v4;
	v16 =	vld.idx.msk [tilespmem:v16+s19+$0x0], $0xffff  }
0x201: {  	v8 =	vor.u32 $0x5, v3;
	v9 =	vor.u32 $0x3, v3;
	v10 =	vor.u32 $0x1, v3;
	v3 =	vld.idx.msk [tilespmem:v3+s19+$0x0], $0xffff  }
0x202: {  	v30 =	vor.u32 $0x6, v6;
	v28 =	vld.idx.msk [tilespmem:v4+s19+$0x0], $0xffff  }
0x203: {  	v29 =	vor.u32 $0x6, v25;
	v32 =	vld.idx.msk [tilespmem:v6+s19+$0x0], $0xffff  }
0x204: {  	v33 =	vor.u32 $0x5, v25;
	v36 =	vld.idx.msk [tilespmem:v25+s19+$0x0], $0xffff  }
0x205: {  	v34 =	vor.u32 $0x5, v6;
	v35 =	vor.u32 $0x5, v4;
	v39 =	vor.u32 $0x4, v4;
	v27 =	vld.idx.msk [tilespmem:v27+s19+$0x0], $0xffff  }
0x206: {  	v37 =	vor.u32 $0x4, v25;
	v38 =	vor.u32 $0x4, v6;
	v41 =	vor.u32 $0x3, v25;
	v31 =	vld.idx.msk [tilespmem:v31+s19+$0x0], $0xffff  }
0x207: {  	v42 =	vor.u32 $0x3, v6;
	v43 =	vor.u32 $0x3, v4;
	v45 =	vor.u32 $0x2, v6;
	v30 =	vld.idx.msk [tilespmem:v30+s19+$0x0], $0xffff  }
0x208: {  	v47 =	vor.u32 $0x2, v4;
	v48 =	vor.u32 $0x2, v25;
	[tilespmem:$0x1FEB0] =	vst v0;
	v11 =	vor.u32 $0xFFFFFFE8, v1;
	v29 =	vld.idx.msk [tilespmem:v29+s19+$0x0], $0xffff  }
0x209: {  	v0 =	vor.u32 $0xFFFFFFF8, v1;
	v7 =	vor.u32 $0xFFFFFFC8, v1;
	v33 =	vld.idx.msk [tilespmem:v33+s19+$0x0], $0xffff;
	[tilespmem:$0x1FF40] =	vst v11;
	v2 =	vand.u32 v11, v2  }
0x20a: {  	v39 =	vld.idx.msk [tilespmem:v39+s19+$0x0], $0xffff;
	v17 =	vand.u32 v0, v17;
	[tilespmem:$0x1FE90] =	vst v2;
	v2 =	vor.u32 $0x7, v6;
	v11 =	vbroadcast v15, $0x6  }
0x20b: {  	v38 =	vld.idx.msk [tilespmem:v38+s19+$0x0], $0xffff;
	v6 =	vor.u32 $0x1, v6;
	v21 =	vbroadcast v15, $0x5;
	v49 =	vbroadcast v19, $0x8  }
0x20c: {  	v23 =	vld.idx.msk [tilespmem:v9+s19+$0x0], $0xffff;
	v9 =	vor.u32 $0x8, v25;
	v51 =	vbroadcast v19, $0x7;
	v52 =	vbroadcast v19, $0x4  }
0x20d: {  	v26 =	vld.idx.msk [tilespmem:v10+s19+$0x0], $0xffff;
	v10 =	vor.u32 $0x7, v4;
	v50 =	vbroadcast v19, $0x6;
	v54 =	vbroadcast v19, $0x2  }
0x20e: {  	v37 =	vld.idx.msk [tilespmem:v37+s19+$0x0], $0xffff;
	v4 =	vor.u32 $0x1, v4;
	v56 =	vsub.f32 v13, v51;
	v57 =	vsub.f32 v22, v52  }
0x20f: {  	v20 =	vld.idx.msk [tilespmem:v8+s19+$0x0], $0xffff;
	v53 =	vbroadcast v19, $0x5;
	v59 =	vsub.f32 v16, v54;
	v13 =	vsub.f32 v12, v49  }
0x210: {  	v35 =	vld.idx.msk [tilespmem:v35+s19+$0x0], $0xffff;
	v55 =	vbroadcast v19, $0x3;
	v14 =	vsub.f32 v14, v49;
	v27 =	vsub.f32 v27, v51  }
0x211: {  	v42 =	vld.idx.msk [tilespmem:v42+s19+$0x0], $0xffff;
	v25 =	vor.u32 $0x1, v25;
	v29 =	vsub.f32 v29, v50;
	v33 =	vsub.f32 v33, v53  }
0x212: {  	v61 =	vbroadcast v15, $0x4;
	v22 =	vld.idx.msk [tilespmem:v34+s19+$0x0], $0xffff;
	v39 =	vsub.f32 v39, v52;
	v38 =	vsub.f32 v38, v52  }
0x213: {  	v34 =	vbroadcast v19, $0x1;
	v37 =	vsub.f32 v37, v52;
	v44 =	vld.idx.msk [tilespmem:v10+s19+$0x0], $0xffff;
	v10 =	vsub.f32 v5, v49  }
0x214: {  	v62 =	vbroadcast v15, $0x3;
	v46 =	vld.idx.msk [tilespmem:v2+s19+$0x0], $0xffff;
	v5 =	vsub.f32 v18, v50;
	v58 =	vsub.f32 v20, v53  }
0x215: {  	v6 =	vld.idx.msk [tilespmem:v6+s19+$0x0], $0xffff;
	v18 =	vbroadcast v19, $0x0;
	v60 =	vsub.f32 v23, v55;
	v26 =	vsub.f32 v26, v34  }
0x216: {  	v63 =	vbroadcast v15, $0x2;
	v40 =	vld.idx.msk [tilespmem:v9+s19+$0x0], $0xffff;
	v23 =	vsub.f32 v31, v50;
	v19 =	vsub.f32 v30, v50  }
0x217: {  	v2 =	vbroadcast v15, $0x7;
	v31 =	vsub.f32 v35, v53;
	v35 =	vld.idx.msk [tilespmem:v45+s19+$0x0], $0xffff;
	v3 =	vsub.f32 v3, v18  }
0x218: {  	v9 =	vbroadcast v15, $0x8;
	v4 =	vld.idx.msk [tilespmem:v4+s19+$0x0], $0xffff;
	v32 =	vsub.f32 v32, v18;
	v28 =	vsub.f32 v28, v18  }
0x219: {  	v45 =	vmul.f32 v57, v61;
	v25 =	vld.idx.msk [tilespmem:v25+s19+$0x0], $0xffff;
	v36 =	vsub.f32 v36, v18;
	v20 =	vsub.f32 v46, v51  }
0x21a: {  	v30 =	vld.idx.msk [tilespmem:v47+s19+$0x0], $0xffff;
	v16 =	vmul.f32 v5, v11;
	v46 =	vsub.f32 v22, v53;
	v47 =	vmul.f32 v58, v21  }
0x21b: {  	v6 =	vsub.f32 v6, v34;
	v5 =	vmul.f32 v5, v5;
	v53 =	vmul.f32 v58, v58  }
0x21c: {  	v12 =	vsub.f32 v40, v49;
	v40 =	vld.idx.msk [tilespmem:v43+s19+$0x0], $0xffff;
	v43 =	vbroadcast v15, $0x1;
	v18 =	vsub.f32 v44, v51  }
0x21d: {  	v22 =	vld.idx.msk [tilespmem:v48+s19+$0x0], $0xffff;
	v44 =	vbroadcast v15, $0x0;
	v15 =	vmul.f32 v56, v2;
	v4 =	vsub.f32 v4, v34  }
0x21e: {  	v25 =	vsub.f32 v25, v34;
	v34 =	vmul.f32 v10, v10;
	v48 =	vmul.f32 v26, v43  }
0x21f: {  	v41 =	vld.idx.msk [tilespmem:v41+s19+$0x0], $0xffff;
	v42 =	vsub.f32 v42, v55;
	v49 =	vmul.f32 v3, v44;
	v50 =	vmul.f32 v28, v44  }
0x220: {  	v30 =	vsub.f32 v30, v54;
	v52 =	vmul.f32 v36, v44;
	v44 =	vmul.f32 v32, v44  }
0x221: {  	v35 =	vsub.f32 v35, v54;
	v3 =	vmul.f32 v3, v3;
	v26 =	vmul.f32 v26, v26  }
0x222: {  	v51 =	vsub.f32 v22, v54;
	v32 =	vmul.f32 v32, v32;
	v28 =	vmul.f32 v28, v28  }
0x223: {  	v54 =	vmul.f32 v4, v4;
	v22 =	vand.u32 v7, v24;
	v24 =	vmul.f32 v36, v36  }
0x224: {  	v41 =	vsub.f32 v41, v55;
	v36 =	vmul.f32 v6, v43;
	v6 =	vmul.f32 v6, v6  }
0x225: {  	[tilespmem:$0x1FFB0] =	vst v7;
	v4 =	vmul.f32 v4, v43;
	v7 =	vmul.f32 v12, v12;
	v28 =	vadd.f32 v54, v28  }
0x226: {  	v3 =	vadd.f32 v26, v3;
	v26 =	vmul.f32 v60, v62;
	v6 =	vadd.f32 v6, v32  }
0x227: {  	v32 =	vmul.f32 v59, v63;
	v54 =	vmul.f32 v57, v57;
	v49 =	vadd.f32 $0.0e+00, v49  }
0x228: {  	v40 =	vsub.f32 v40, v55;
	v55 =	vmul.f32 v25, v25;
	v25 =	vmul.f32 v25, v43  }
0x229: {  	v44 =	vadd.f32 $0.0e+00, v44;
	v43 =	vmul.f32 v56, v56;
	v56 =	vmul.f32 v60, v60  }
0x22a: {  	v60 =	vmul.f32 v35, v63;
	v35 =	vmul.f32 v35, v35;
	v48 =	vadd.f32 v48, v49  }
0x22b: {  	v49 =	vmul.f32 v20, v2;
	v36 =	vadd.f32 v36, v44;
	v44 =	vmul.f32 v18, v2  }
0x22c: {  	v50 =	vadd.f32 $0.0e+00, v50;
	v2 =	vmul.f32 v27, v2;
	v27 =	vmul.f32 v27, v27  }
0x22d: {  	v24 =	vadd.f32 v55, v24;
	v55 =	vmul.f32 v59, v59;
	v59 =	vmul.f32 v30, v30  }
0x22e: {  	v52 =	vadd.f32 $0.0e+00, v52;
	v30 =	vmul.f32 v30, v63;
	v63 =	vmul.f32 v51, v63  }
0x22f: {  	v51 =	vmul.f32 v51, v51;
	v6 =	vadd.f32 v35, v6;
	v35 =	vmul.f32 v31, v21  }
0x230: {  	v4 =	vadd.f32 v4, v50;
	v57 =	vmul.f32 v40, v62;
	v40 =	vmul.f32 v40, v40  }
0x231: {  	v25 =	vadd.f32 v25, v52;
	v52 =	vmul.f32 v42, v62;
	v42 =	vmul.f32 v42, v42  }
0x232: {  	v31 =	vmul.f32 v31, v31;
	v32 =	vadd.f32 v32, v48;
	v48 =	vmul.f32 v38, v61  }
0x233: {  	v36 =	vadd.f32 v60, v36;
	v60 =	vmul.f32 v41, v62;
	v41 =	vmul.f32 v41, v41  }
0x234: {  	v62 =	vmul.f32 v39, v61;
	v39 =	vmul.f32 v39, v39;
	v28 =	vadd.f32 v59, v28  }
0x235: {  	v38 =	vmul.f32 v38, v38;
	v3 =	vadd.f32 v55, v3;
	v24 =	vadd.f32 v51, v24  }
0x236: {  	v55 =	vmul.f32 v23, v11;
	v51 =	vmul.f32 v29, v11;
	v4 =	vadd.f32 v30, v4  }
0x237: {  	v6 =	vadd.f32 v42, v6;
	v42 =	vmul.f32 v37, v37;
	v24 =	vadd.f32 v41, v24  }
0x238: {  	v30 =	vmul.f32 v33, v21;
	v21 =	vmul.f32 v46, v21;
	v28 =	vadd.f32 v40, v28  }
0x239: {  	v33 =	vmul.f32 v33, v33;
	v3 =	vadd.f32 v56, v3;
	v24 =	vadd.f32 v42, v24  }
0x23a: {  	v46 =	vmul.f32 v46, v46;
	v6 =	vadd.f32 v38, v6;
	v28 =	vadd.f32 v39, v28  }
0x23b: {  	v29 =	vmul.f32 v29, v29;
	v3 =	vadd.f32 v54, v3;
	v24 =	vadd.f32 v33, v24  }
0x23c: {  	v6 =	vadd.f32 v46, v6;
	v28 =	vadd.f32 v31, v28;
	v31 =	vmul.f32 v19, v19  }
0x23d: {  	v25 =	vadd.f32 v63, v25;
	v23 =	vmul.f32 v23, v23;
	v24 =	vadd.f32 v29, v24  }
0x23e: {  	v20 =	vmul.f32 v20, v20;
	v3 =	vadd.f32 v53, v3;
	v6 =	vadd.f32 v31, v6  }
0x23f: {  	v18 =	vmul.f32 v18, v18;
	v23 =	vadd.f32 v23, v28;
	v24 =	vadd.f32 v27, v24  }
0x240: {  	v3 =	vadd.f32 v5, v3;
	v6 =	vadd.f32 v20, v6;
	v20 =	vmul.f32 v14, v14  }
0x241: {  	v5 =	vadd.f32 v7, v24;
	v7 =	vadd.f32 v18, v23;
	v18 =	vmul.f32 v13, v13  }
0x242: {  	v63 =	vmul.f32 v37, v61;
	v3 =	vadd.f32 v43, v3;
	v6 =	vadd.f32 v20, v6  }
0x243: {  	v36 =	vadd.f32 v52, v36;
	vm0 =	vle.f32 v5, $0.0e+00;
	v7 =	vadd.f32 v18, v7  }
0x244: {  	v3 =	vadd.f32 v34, v3;
	vm11 =	vle.f32 v6, $0.0e+00;
	v5 =	vsel vm0, $0x3F800000, v5  }
0x245: {  	v6 =	vsel vm11, $0x3F800000, v6;
	vm12 =	vle.f32 v7, $0.0e+00;
	(erf) = vrcp.f32 v5  }
0x246: {  	vm13 =	vle.f32 v3, $0.0e+00;
	v5 =	vsel vm12, $0x3F800000, v7;
	(erf) = vrcp.f32 v6  }
0x247: {  	[tilespmem:$0x1FF70] =	vst v0;
	v0 =	vld [tilespmem:$0x1FE80];
	v25 =	vadd.f32 v60, v25;
	v3 =	vsel vm13, $0x3F800000, v3;
	(erf) = vrcp.f32 v5  }
0x248: {  	v4 =	vadd.f32 v57, v4;
	v36 =	vadd.f32 v48, v36;
	(erf) = vrcp.f32 v3;
	v3 =	vld [tilespmem:$0x1FE90]  }
0x249: {  	v26 =	vadd.f32 v26, v32;
	v25 =	vadd.f32 v63, v25  }
0x24a: {  	v11 =	vmul.f32 v19, v11;
	v4 =	vadd.f32 v62, v4;
	v21 =	vadd.f32 v21, v36  }
0x24b: {  	v26 =	vadd.f32 v45, v26;
	v25 =	vadd.f32 v30, v25  }
0x24c: {  	v8 =	vor.u32 $0xFFFFFFD8, v1;
	v4 =	vadd.f32 v35, v4;
	v6 =	vadd.f32 v11, v21  }
0x24d: {  	v0 =	vand.u32 v8, v0;
	v26 =	vadd.f32 v47, v26;
	v19 =	vadd.f32 v51, v25  }
0x24e: {  	v4 =	vadd.f32 v55, v4;
	v5 =	vadd.f32 v49, v6;
	v6 =	vmul.f32 v14, v9  }
0x24f: {  	[tilespmem:$0x1FFD0] =	vst v8;
	v50 =	vmul.f32 v12, v9;
	v2 =	vadd.f32 v2, v19;
	v7 =	vadd.f32 v16, v26  }
0x250: {  	v8 =	vmul.f32 v13, v9;
	v4 =	vadd.f32 v44, v4;
	v5 =	vadd.f32 v6, v5;
	v3 =	vld.idx.msk [tilespmem:v3+s17+$0x0], $0xffff  }
0x251: {  	v2 =	vadd.f32 v50, v2;
	v6 =	vadd.f32 v15, v7;
	v7 =	vmul.f32 v10, v9  }
0x252: {  	v4 =	vadd.f32 v8, v4;
	v11 =	vld.idx.msk [tilespmem:v22+s17+$0x0], $0xffff;
	v8 =	vand.u32 $0x7FFFFFFF, v5  }
0x253: {  	v9 =	vld.idx.msk [tilespmem:v0+s17+$0x0], $0xffff;
	v10 =	vand.u32 $0x7FFFFFFF, v2;
	v6 =	vadd.f32 v7, v6  }
0x254: {  	s11 =	sadd.s32 s1, s6;
	v2 =	vmul.f32 v10, v2  }
0x255: {  	v7 =	vld.idx.msk [tilespmem:v17+s17+$0x0], $0xffff;
	v5 =	vmul.f32 v8, v5;
	v8 =	vpop (erf);
	vm14 =	veq.s32 v3, s11;
	v3 =	vand.u32 $0x7FFFFFFF, v4  }
0x256: {  	v2 =	vmul.f32 v8, v2;
	v8 =	vpop (erf);
	v3 =	vmul.f32 v3, v4;
	v4 =	vand.u32 $0x7FFFFFFF, v6  }
0x257: {  	vm1 =	veq.s32 v11, s11;
	v5 =	vmul.f32 v8, v5;
	v4 =	vmul.f32 v4, v6;
	v6 =	vpop (erf)  }
0x258: {  	vm2 =	veq.s32 v9, s11;
	v2 =	vmax.f32 v2, $-3.000000010e+38;
	v3 =	vmul.f32 v6, v3;
	v6 =	vpop (erf)  }
0x259: {  	v2 =	vsel vm1, $0xFF61B1E6, v2;
	v5 =	vsel vm2, $0xFF61B1E6, v5;
	v4 =	vmul.f32 v6, v4  }
0x25a: {  	vm15 =	veq.s32 v7, s11;
	v2 =	vmax.f32 v2, v5;
	v3 =	vsel vm14, $0xFF61B1E6, v3  }
0x25b: {  	v2 =	vmax.f32 v2, v3;
	v3 =	vsel vm15, $0xFF61B1E6, v4  }
0x25c: {  	v2 =	vmax.f32 v2, v3  }
0x25d: {  	(xrf0) =	vmax.scan.msk.f32 $0xffff, v2;
	_ =	sdelay $0x1  }
0x25e: {  	s20 =	simm.s32 $0x50  }
0x25f: {  	v0 =	vor.u32 s20, v1  }
0x260: {  	[tilespmem:$0x1FFE0] =	vst v0;
	v7 =	vshll.u32 v0, $0x4;
	v0 =	vld [tilespmem:$0x1FEA0];
	_ =	sdelay $0x1  }
0x261: {  	v2 =	vmov s1;
	v4, _, _ =	vpop (xrf0)  }
0x262: {  	v4 =	vadd.f32 $0.0e+00, v4  }
0x263: {  	s12 =	simm.s32 $0x70  }
0x264: {  	v3 =	vor.u32 s12, v1;
	v4 =	vbroadcast v4, $0xF  }
0x265: {  	s8 =	simm.s32 $0x60;
	[tilespmem:$0x1FF80] =	vst v3  }
0x266: {  	s21 =	simm.s32 $0x1C;
	v5 =	vor.u32 s8, v1;
	v3 =	vshll.u32 v3, $0x4;
	[tilespmem:v2+s28+$0x0] =	vst.idx.msk $0x1, v4  }
0x267: {  	[tilespmem:$0x1FF50] =	vst v5;
	v5 =	vshll.u32 v5, $0x4;
	v6 =	vor.u32 $0x8, v3;
	v16 =	vld.idx.msk [tilespmem:v0+s21+$0xFFFFFFF4 ss:$0x1], $0xffff  }
0x268: {  	v8 =	vor.u32 $0x8, v5;
	v0 =	vld [tilespmem:$0x1FEB0]  }
0x269: {  	v9 =	vor.u32 $0x8, v7  }
0x26a: {  	v10 =	vor.u32 $0x7, v3;
	_ =	sdelay $0x1  }
0x26b: {  	v11 =	vor.u32 $0x4, v3;
	v4 =	vld.idx.msk [tilespmem:v6+s19+$0x0], $0xffff  }
0x26c: {  	v14 =	vor.u32 $0x2, v3;
	v44 =	vld.idx.msk [tilespmem:v8+s19+$0x0], $0xffff  }
0x26d: {  	s29 =	simm.s32 $0x40;
	v2 =	vor.u32 $0x6, v3;
	v61 =	vld.idx.msk [tilespmem:v9+s19+$0x0], $0xffff  }
0x26e: {  	v30 =	vor.u32 s29, v1;
	v13 =	vld.idx.msk [tilespmem:v10+s19+$0x0], $0xffff  }
0x26f: {  	v18 =	vshll.u32 v30, $0x4;
	v15 =	vld.idx.msk [tilespmem:v0+s21+$0xFFFFFFF4 ss:$0x1], $0xffff  }
0x270: {  	v29 =	vor.u32 $0x6, v5;
	v11 =	vld.idx.msk [tilespmem:v11+s19+$0x0], $0xffff  }
0x271: {  	v31 =	vor.u32 $0x5, v18;
	v32 =	vld.idx.msk [tilespmem:v14+s19+$0x0], $0xffff  }
0x272: {  	v19 =	vor.u32 $0x8, v18;
	v8 =	vor.u32 $0x5, v3;
	v2 =	vld.idx.msk [tilespmem:v2+s19+$0x0], $0xffff  }
0x273: {  	v53 =	vor.u32 $0x3, v7;
	v22 =	vor.u32 $0x7, v5;
	v35 =	vor.u32 $0x5, v5;
	v42 =	vld.idx.msk [tilespmem:v7+s19+$0x0], $0xffff  }
0x274: {  	v10 =	vor.u32 $0x3, v3;
	v43 =	vld.idx.msk [tilespmem:v18+s19+$0x0], $0xffff;
	v0 =	vbroadcast v16, $0x8;
	v50 =	vbroadcast v15, $0x8  }
0x275: {  	v38 =	vor.u32 $0x4, v5;
	v46 =	vor.u32 $0x3, v5;
	v57 =	vld.idx.msk [tilespmem:v29+s19+$0x0], $0xffff;
	v51 =	vbroadcast v15, $0x6  }
0x276: {  	v31 =	vld.idx.msk [tilespmem:v31+s19+$0x0], $0xffff;
	v29 =	vmovc v0;
	v1 =	vsub.f32 v4, v50;
	v4 =	vbroadcast v15, $0x0;
	v0 =	vsub.f32 v44, v50  }
0x277: {  	v59 =	vor.u32 $0x2, v5;
	v17 =	vld.idx.msk [tilespmem:v8+s19+$0x0], $0xffff;
	v14 =	vbroadcast v16, $0x6;
	v2 =	vsub.f32 v2, v51  }
0x278: {  	v52 =	vbroadcast v15, $0x7;
	v6 =	vsub.f32 v42, v4;
	v42 =	vld.idx.msk [tilespmem:v35+s19+$0x0], $0xffff;
	[tilespmem:$0x1FEC0] =	vst v0;
	v0 =	vsub.f32 v61, v50  }
0x279: {  	v25 =	vld.idx.msk [tilespmem:v10+s19+$0x0], $0xffff;
	v54 =	vbroadcast v16, $0x7;
	v10 =	vor.u32 $0x1, v5;
	v55 =	vbroadcast v15, $0x4  }
0x27a: {  	v40 =	vld.idx.msk [tilespmem:v5+s19+$0x0], $0xffff;
	v5 =	vbroadcast v15, $0x5;
	v13 =	vsub.f32 v13, v52;
	[tilespmem:$0x1FED0] =	vst v0;
	v0 =	vmul.f32 v2, v14  }
0x27b: {  	v39 =	vbroadcast v16, $0x4  }
0x27c: {  	v11 =	vsub.f32 v11, v55;
	v60 =	vsub.f32 v17, v5;
	[tilespmem:$0x1FEE0] =	vst v0;
	v0 =	vmul.f32 v13, v54  }
0x27d: {  	v19 =	vld.idx.msk [tilespmem:v19+s19+$0x0], $0xffff;
	v26 =	vsub.f32 v43, v4;
	v43 =	vsub.f32 v42, v5  }
0x27e: {  	v24 =	vbroadcast v16, $0x5;
	v42 =	vsub.f32 v31, v5;
	v31 =	vld.idx.msk [tilespmem:v46+s19+$0x0], $0xffff;
	[tilespmem:$0x1FEF0] =	vst v0;
	v0 =	vmul.f32 v11, v39  }
0x27f: {  	v8 =	vor.u32 $0x2, v7;
	v46 =	vmul.f32 v11, v11;
	v11 =	vld.idx.msk [tilespmem:v53+s19+$0x0], $0xffff  }
0x280: {  	[tilespmem:$0x1FF00] =	vst v0;
	v0 =	vmul.f32 v60, v24  }
0x281: {  	v56 =	vor.u32 $0x1, v3;
	v3 =	vld.idx.msk [tilespmem:v3+s19+$0x0], $0xffff;
	v27 =	vbroadcast v15, $0x3  }
0x282: {  	v21 =	vor.u32 $0x7, v7;
	v28 =	vor.u32 $0x6, v7;
	v22 =	vld.idx.msk [tilespmem:v22+s19+$0x0], $0xffff;
	[tilespmem:$0x1FF10] =	vst v0;
	v0 =	vmul.f32 v13, v13  }
0x283: {  	v9 =	vsub.f32 v25, v27;
	v25 =	vsub.f32 v19, v50;
	v50 =	vld.idx.msk [tilespmem:v38+s19+$0x0], $0xffff;
	v38 =	vmul.f32 v60, v60  }
0x284: {  	v23 =	vor.u32 $0x6, v18;
	v60 =	vsub.f32 v11, v27;
	v11 =	vld.idx.msk [tilespmem:v8+s19+$0x0], $0xffff;
	[tilespmem:$0x1FF20] =	vst v0;
	v0 =	vmul.f32 v2, v2  }
0x285: {  	v36 =	vor.u32 $0x4, v18;
	v8 =	vld [tilespmem:$0x1FF50]  }
0x286: {  	[tilespmem:$0x1FF30] =	vst v0;
	v0 =	vld [tilespmem:$0x1FF40]  }
0x287: {  	v21 =	vld.idx.msk [tilespmem:v21+s19+$0x0], $0xffff  }
0x288: {  	v34 =	vor.u32 $0x5, v7;
	v58 =	vld.idx.msk [tilespmem:v28+s19+$0x0], $0xffff  }
0x289: {  	v63 =	vld.idx.msk [tilespmem:v23+s19+$0x0], $0xffff  }
0x28a: {  	v36 =	vld.idx.msk [tilespmem:v36+s19+$0x0], $0xffff  }
0x28b: {  	v20 =	vor.u32 $0x7, v18;
	v0 =	vand.u32 v0, v8;
	v8 =	vld [tilespmem:$0x1FF80]  }
0x28c: {  	v37 =	vor.u32 $0x4, v7;
	[tilespmem:$0x1FF60] =	vst v0;
	v0 =	vld [tilespmem:$0x1FF70]  }
0x28d: {  	v33 =	vbroadcast v16, $0x3;
	v3 =	vsub.f32 v3, v4;
	v12 =	vsub.f32 v40, v4;
	v4 =	vld.idx.msk [tilespmem:v34+s19+$0x0], $0xffff  }
0x28e: {  	v47 =	vor.u32 $0x3, v18;
	v41 =	vbroadcast v16, $0x2;
	v49 =	vbroadcast v16, $0x1;
	v13 =	vld.idx.msk [tilespmem:v56+s19+$0x0], $0xffff  }
0x28f: {  	v16 =	vbroadcast v16, $0x0;
	v45 =	vbroadcast v15, $0x2  }
0x290: {  	v20 =	vld.idx.msk [tilespmem:v20+s19+$0x0], $0xffff;
	v48 =	vbroadcast v15, $0x1;
	v19 =	vsub.f32 v22, v52;
	v22 =	vsub.f32 v21, v52  }
0x291: {  	v44 =	vld.idx.msk [tilespmem:v37+s19+$0x0], $0xffff;
	v28 =	vsub.f32 v57, v51;
	v21 =	vsub.f32 v58, v51;
	v0 =	vand.u32 v0, v8  }
0x292: {  	v37 =	vsub.f32 v63, v51;
	v51 =	vsub.f32 v36, v55;
	v36 =	vor.u32 $0x1, v7;
	[tilespmem:$0x1FF90] =	vst v0;
	v0 =	vld [tilespmem:$0x1FFB0]  }
0x293: {  	v7 =	vld.idx.msk [tilespmem:v47+s19+$0x0], $0xffff;
	v47 =	vmul.f32 v9, v33;
	v40 =	vsub.f32 v4, v5;
	v4 =	vsub.f32 v13, v48  }
0x294: {  	v17 =	vmul.f32 v19, v54;
	v63 =	vmul.f32 v26, v16  }
0x295: {  	v62 =	vsub.f32 v32, v45;
	v2 =	vmul.f32 v6, v16;
	v57 =	vmul.f32 v4, v49  }
0x296: {  	v32 =	vsub.f32 v20, v52;
	v5 =	vmul.f32 v4, v4;
	v4 =	vmul.f32 v6, v6  }
0x297: {  	[tilespmem:$0x1FFA0] =	vst v1;
	v6 =	vmul.f32 v26, v26;
	v26 =	vmul.f32 v1, v1;
	v1 =	vld [tilespmem:$0x1FFE0];
	v0 =	vand.u32 v0, v30  }
0x298: {  	v58 =	vmul.f32 v3, v16;
	v61 =	vmul.f32 v12, v16;
	v16 =	vor.u32 $0x2, v18;
	[tilespmem:$0x1FFC0] =	vst v0;
	v0 =	vld [tilespmem:$0x1FFD0]  }
0x299: {  	v34 =	vmul.f32 v32, v54;
	v3 =	vmul.f32 v3, v3;
	v18 =	vor.u32 $0x1, v18  }
0x29a: {  	v52 =	vsub.f32 v44, v55;
	v50 =	vsub.f32 v50, v55;
	v55 =	vmul.f32 v9, v9;
	v9 =	vld.idx.msk [tilespmem:v59+s19+$0x0], $0xffff  }
0x29b: {  	v44 =	vmul.f32 v37, v14;
	v59 =	vsub.f32 v7, v27;
	v7 =	vmul.f32 v12, v12;
	v12 =	vld.idx.msk [tilespmem:v10+s19+$0x0], $0xffff  }
0x29c: {  	v53 =	vmul.f32 v62, v41;
	v56 =	vmul.f32 v62, v62;
	v62 =	vsub.f32 v31, v27;
	v13 =	vld.idx.msk [tilespmem:v36+s19+$0x0], $0xffff  }
0x29d: {  	v31 =	vmul.f32 v22, v54;
	v54 =	vmul.f32 v43, v24;
	v16 =	vld.idx.msk [tilespmem:v16+s19+$0x0], $0xffff;
	v0 =	vand.u32 v0, v1  }
0x29e: {  	s2 =	simm.s32 $0xB0;
	s0 =	smov.u32 s1;
	v36 =	vmul.f32 v28, v14;
	v18 =	vld.idx.msk [tilespmem:v18+s19+$0x0], $0xffff;
	v30 =	vmul.f32 v25, v29;
	[tilespmem:$0x1FFF0] =	vst v0  }
.LBB2_10:
0x29f: {  	_ = 	snop  }
0x2a0: {  	v61 =	vadd.f32 $0.0e+00, v61  }
0x2a1: {  	v10 =	vmul.f32 v42, v24;
	v58 =	vadd.f32 $0.0e+00, v58;
	v3 =	vadd.f32 v5, v3  }
0x2a2: {  	v1 =	vmul.f32 v52, v39;
	v63 =	vadd.f32 $0.0e+00, v63;
	v2 =	vadd.f32 $0.0e+00, v2  }
0x2a3: {  	v15 =	vmul.f32 v50, v39;
	v3 =	vadd.f32 v56, v3;
	v12 =	vsub.f32 v12, v48  }
0x2a4: {  	v39 =	vmul.f32 v51, v39;
	v9 =	vsub.f32 v9, v45;
	v11 =	vsub.f32 v11, v45  }
0x2a5: {  	v35 =	vmovc v26;
	v13 =	vsub.f32 v13, v48;
	v26 =	vmul.f32 v12, v49;
	v12 =	vmul.f32 v12, v12  }
0x2a6: {  	v20 =	vmul.f32 v62, v33;
	v16 =	vsub.f32 v16, v45;
	v18 =	vsub.f32 v18, v48  }
0x2a7: {  	v23 =	vmul.f32 v9, v41;
	v7 =	vadd.f32 v12, v7;
	v12 =	vadd.f32 v57, v58  }
0x2a8: {  	v0 =	vld [tilespmem:$0x1FF00];
	v3 =	vadd.f32 v55, v3;
	v45 =	vmul.f32 v11, v41;
	v27 =	vmul.f32 v18, v18  }
0x2a9: {  	v48 =	vmul.f32 v13, v49;
	v13 =	vmul.f32 v13, v13;
	v12 =	vadd.f32 v53, v12  }
0x2aa: {  	v18 =	vmul.f32 v18, v49;
	v3 =	vadd.f32 v46, v3;
	v5 =	vadd.f32 v27, v6  }
0x2ab: {  	v4 =	vadd.f32 v13, v4;
	v6 =	vmul.f32 v9, v9;
	v12 =	vadd.f32 v47, v12  }
0x2ac: {  	v9 =	vmul.f32 v11, v11;
	v11 =	vadd.f32 v26, v61;
	v13 =	vadd.f32 v18, v63  }
0x2ad: {  	v18 =	vmul.f32 v16, v16;
	v2 =	vadd.f32 v48, v2;
	v12 =	vadd.f32 v0, v12;
	v0 =	vld [tilespmem:$0x1FF10]  }
0x2ae: {  	[tilespmem:$0x1FE70] =	vst v17;
	v17 =	vmul.f32 v60, v33;
	v3 =	vadd.f32 v38, v3;
	v6 =	vadd.f32 v6, v7  }
0x2af: {  	v16 =	vmul.f32 v16, v41;
	v5 =	vadd.f32 v18, v5;
	v4 =	vadd.f32 v9, v4  }
0x2b0: {  	v7 =	vmul.f32 v62, v62;
	v9 =	vmul.f32 v60, v60;
	v11 =	vadd.f32 v23, v11  }
0x2b1: {  	v13 =	vadd.f32 v16, v13;
	v16 =	vmul.f32 v59, v59;
	v2 =	vadd.f32 v45, v2  }
0x2b2: {  	v18 =	vmul.f32 v59, v33;
	v6 =	vadd.f32 v7, v6;
	v12 =	vadd.f32 v0, v12;
	v0 =	vld [tilespmem:$0x1FF30]  }
0x2b3: {  	v5 =	vadd.f32 v16, v5;
	v4 =	vadd.f32 v9, v4;
	v7 =	vmul.f32 v50, v50  }
0x2b4: {  	v11 =	vadd.f32 v20, v11;
	v13 =	vadd.f32 v18, v13;
	v16 =	vmul.f32 v51, v51  }
0x2b5: {  	v9 =	vmul.f32 v52, v52;
	v2 =	vadd.f32 v17, v2;
	v6 =	vadd.f32 v7, v6  }
0x2b6: {  	v5 =	vadd.f32 v16, v5;
	v7 =	vmul.f32 v43, v43;
	v11 =	vadd.f32 v15, v11  }
0x2b7: {  	v13 =	vadd.f32 v39, v13;
	v15 =	vmul.f32 v42, v42;
	v3 =	vadd.f32 v0, v3;
	v0 =	vld [tilespmem:$0x1FF20]  }
0x2b8: {  	v4 =	vadd.f32 v9, v4;
	v9 =	vmul.f32 v40, v40;
	v6 =	vadd.f32 v7, v6  }
0x2b9: {  	v5 =	vadd.f32 v15, v5;
	v7 =	vmul.f32 v37, v37;
	v10 =	vadd.f32 v10, v13;
	v13 =	vld [tilespmem:$0x1FED0]  }
0x2ba: {  	v1 =	vadd.f32 v1, v2;
	v4 =	vadd.f32 v9, v4;
	v9 =	vmul.f32 v21, v21  }
0x2bb: {  	v2 =	vmul.f32 v32, v32;
	v5 =	vadd.f32 v7, v5;
	v7 =	vmul.f32 v28, v28  }
0x2bc: {  	v4 =	vadd.f32 v9, v4;
	v9 =	vmul.f32 v22, v22;
	v3 =	vadd.f32 v0, v3;
	v0 =	vld [tilespmem:$0x1FF60]  }
0x2bd: {  	v17 =	vmul.f32 v25, v25;
	v2 =	vadd.f32 v2, v5  }
0x2be: {  	v5 =	vadd.f32 v7, v6;
	v4 =	vadd.f32 v9, v4;
	v7 =	vmul.f32 v13, v13  }
0x2bf: {  	v2 =	vadd.f32 v17, v2  }
0x2c0: {  	v4 =	vadd.f32 v7, v4  }
0x2c1: {  	vm0 =	vle.f32 v2, $0.0e+00  }
0x2c2: {  	v2 =	vsel vm0, $0x3F800000, v2;
	vm11 =	vle.f32 v4, $0.0e+00  }
0x2c3: {  	v8 =	vld [tilespmem:$0x1FEC0];
	v4 =	vsel vm11, $0x3F800000, v4;
	(erf) = vrcp.f32 v2  }
0x2c4: {  	(erf) = vrcp.f32 v4;
	v4 =	vld.idx.msk [tilespmem:v0+s17+$0x0], $0xffff  }
0x2c5: {  	v0 =	vld [tilespmem:$0x1FEE0]  }
0x2c6: {  	v6 =	vmul.f32 v19, v19;
	_ =	sdelay $0x1  }
0x2c7: {  	v5 =	vadd.f32 v6, v5;
	v6 =	vmul.f32 v8, v8;
	_ =	sdelay $0x1  }
0x2c8: {  	v5 =	vadd.f32 v6, v5;
	v6 =	vadd.f32 v0, v12;
	v0 =	vld [tilespmem:$0x1FFC0];
	_ =	sdelay $0x5  }
0x2c9: {  	v7 =	vadd.f32 v44, v10;
	vm12 =	vle.f32 v5, $0.0e+00  }
0x2ca: {  	v2 =	vsel vm12, $0x3F800000, v5  }
0x2cb: {  	(erf) = vrcp.f32 v2;
	v2 =	vadd.f32 v34, v7;
	v7 =	vld.idx.msk [tilespmem:v0+s17+$0x0], $0xffff  }
0x2cc: {  	v0 =	vld [tilespmem:$0x1FE70]  }
0x2cd: {  	v11 =	vadd.f32 v54, v11;
	_ =	sdelay $0x1  }
0x2ce: {  	v5 =	vadd.f32 v36, v11;
	_ =	sdelay $0x1  }
0x2cf: {  	v5 =	vadd.f32 v0, v5;
	v0 =	vld [tilespmem:$0x1FFF0];
	_ =	sdelay $0x5  }
0x2d0: {  	v24 =	vmul.f32 v40, v24;
	_ =	sdelay $0x1  }
0x2d1: {  	v1 =	vadd.f32 v24, v1;
	v9 =	vmul.f32 v21, v14;
	v3 =	vadd.f32 v35, v3;
	v10 =	vld.idx.msk [tilespmem:v0+s17+$0x0], $0xffff  }
0x2d2: {  	v0 =	vld [tilespmem:$0x1FEF0]  }
0x2d3: {  	v1 =	vadd.f32 v9, v1;
	vm13 =	vle.f32 v3, $0.0e+00  }
0x2d4: {  	v3 =	vsel vm13, $0x3F800000, v3  }
0x2d5: {  	v1 =	vadd.f32 v31, v1;
	(erf) = vrcp.f32 v3;
	v3 =	vmul.f32 v13, v29;
	_ =	sdelay $0x1  }
0x2d6: {  	v1 =	vadd.f32 v3, v1;
	v3 =	vadd.f32 v0, v6;
	v0 =	vld [tilespmem:$0x1FFA0];
	_ =	sdelay $0x4  }
0x2d7: {  	v11 =	vmul.f32 v0, v29;
	v0 =	vld [tilespmem:$0x1FF90];
	_ =	sdelay $0x3  }
0x2d8: {  	v9 =	vmul.f32 v8, v29;
	v2 =	vadd.f32 v30, v2;
	_ =	sdelay $0x1  }
0x2d9: {  	s0 =	sadd.s32 $0x1, s0;
	v8 =	vand.u32 $0x7FFFFFFF, v2;
	v5 =	vadd.f32 v9, v5  }
0x2da: {  	s8 =	sadd.s32 s0, s6;
	v2 =	vmul.f32 v8, v2;
	v8 =	vand.u32 $0x7FFFFFFF, v1;
	v3 =	vadd.f32 v11, v3  }
0x2db: {  	v1 =	vmul.f32 v8, v1;
	vm14 =	veq.s32 v4, s8;
	v4 =	vand.u32 $0x7FFFFFFF, v5;
	v6 =	vpop (erf);
	v9 =	vld.idx.msk [tilespmem:v0+s17+$0x0], $0xffff  }
0x2dc: {  	v4 =	vmul.f32 v4, v5;
	v2 =	vmul.f32 v6, v2;
	v6 =	vpop (erf);
	v0 =	vand.u32 $0x7FFFFFFF, v3  }
0x2dd: {  	vm1 =	veq.s32 v7, s8;
	v1 =	vmul.f32 v6, v1;
	v5 =	vpop (erf);
	v3 =	vmul.f32 v0, v3  }
0x2de: {  	vm2 =	veq.s32 v10, s8;
	v2 =	vmax.f32 v2, $-3.000000010e+38;
	v4 =	vmul.f32 v5, v4;
	v5 =	vpop (erf)  }
0x2df: {  	v2 =	vsel vm1, $0xFF61B1E6, v2;
	v1 =	vsel vm2, $0xFF61B1E6, v1;
	v3 =	vmul.f32 v5, v3  }
0x2e0: {  	v1 =	vmax.f32 v2, v1;
	v2 =	vsel vm14, $0xFF61B1E6, v4;
	vm15 =	veq.s32 v9, s8  }
0x2e1: {  	v1 =	vmax.f32 v1, v2;
	v2 =	vsel vm15, $0xFF61B1E6, v3  }
0x2e2: {  	v1 =	vmax.f32 v1, v2  }
0x2e3: {  	(xrf0) =	vmax.scan.msk.f32 $0xffff, v1;
	_ =	sdelay $0x3  }
0x2e4: {  	v0 =	vlaneseq.u32  }
0x2e5: {  	v1 =	vor.u32 s2, v0  }
0x2e6: {  	v2 =	vmov s0;
	v5 =	vshll.u32 v1, $0x4;
	v6, _, _ =	vpop (xrf0)  }
0x2e7: {  	v8 =	vor.u32 $0x8, v5;
	v6 =	vadd.f32 $0.0e+00, v6;
	_ =	sdelay $0x1  }
0x2e8: {  	v6 =	vbroadcast v6, $0xF;
	_ =	sdelay $0x1  }
0x2e9: {  	[tilespmem:v2+s28+$0x0] =	vst.idx.msk $0x1, v6  }
0x2ea: {  	s20 =	sadd.s32 $0xFFFFFFE0, s2;
	s9 =	sadd.s32 $0xFFFFFFF0, s2;
	s21 =	sadd.s32 $0xFFFFFFD0, s2;
	v6 =	vld.idx.msk [tilespmem:v8+s19+$0x0], $0xffff  }
0x2eb: {  	v4 =	vor.u32 s9, v0;
	v3 =	vor.u32 s20, v0;
	v8 =	vor.u32 s21, v0;
	v0 =	vld [tilespmem:$0x1FF40];
	_ =	sdelay $0x4  }
0x2ec: {  	v0 =	vand.u32 v0, v4  }
0x2ed: {  	[tilespmem:$0x1FF60] =	vst v0;
	v0 =	vld [tilespmem:$0x1FF70];
	_ =	sdelay $0x4  }
0x2ee: {  	v0 =	vand.u32 v0, v1  }
0x2ef: {  	[tilespmem:$0x1FF90] =	vst v0;
	v0 =	vld [tilespmem:$0x1FFB0];
	_ =	sdelay $0x4  }
0x2f0: {  	v0 =	vand.u32 v0, v8  }
0x2f1: {  	[tilespmem:$0x1FFC0] =	vst v0;
	v0 =	vld [tilespmem:$0x1FFD0];
	_ =	sdelay $0x4  }
0x2f2: {  	v0 =	vand.u32 v0, v3  }
0x2f3: {  	[tilespmem:$0x1FFF0] =	vst v0;
	v0 =	vld [tilespmem:$0x1FEA0];
	_ =	sdelay $0x5  }
0x2f4: {  	v12 =	vor.u32 $0x7, v5  }
0x2f5: {  	s29 =	sshra.s32 s2, $0x2;
	v14 =	vor.u32 $0x2, v5  }
0x2f6: {  	v16 =	vor.u32 $0x1, v5;
	v13 =	vld.idx.msk [tilespmem:v0+s29+$0xFFFFFFF4 ss:$0x1], $0xffff  }
0x2f7: {  	v7 =	vshll.u32 v4, $0x4;
	v9 =	vshll.u32 v3, $0x4;
	v0 =	vld [tilespmem:$0x1FEB0]  }
0x2f8: {  	v11 =	vor.u32 $0x8, v9  }
0x2f9: {  	v10 =	vor.u32 $0x8, v7;
	v12 =	vld.idx.msk [tilespmem:v12+s19+$0x0], $0xffff  }
0x2fa: {  	v19 =	vor.u32 $0x7, v7;
	v23 =	vor.u32 $0x6, v7;
	v29 =	vld.idx.msk [tilespmem:v14+s19+$0x0], $0xffff  }
0x2fb: {  	v28 =	vor.u32 $0x5, v7;
	v34 =	vor.u32 $0x4, v7;
	v42 =	vor.u32 $0x3, v7;
	v16 =	vld.idx.msk [tilespmem:v16+s19+$0x0], $0xffff  }
0x2fc: {  	v50 =	vor.u32 $0x2, v7;
	v60 =	vor.u32 $0x1, v7;
	v2 =	vor.u32 $0x6, v5;
	v7 =	vld.idx.msk [tilespmem:v7+s19+$0x0], $0xffff  }
0x2fd: {  	v18 =	vor.u32 $0x7, v9;
	v22 =	vor.u32 $0x6, v9;
	v1 =	vld.idx.msk [tilespmem:v11+s19+$0x0], $0xffff;
	v11 =	vor.u32 $0x4, v5  }
0x2fe: {  	v27 =	vor.u32 $0x5, v9;
	v31 =	vor.u32 $0x4, v9;
	v4 =	vld.idx.msk [tilespmem:v10+s19+$0x0], $0xffff;
	v3 =	vor.u32 $0x5, v5  }
0x2ff: {  	v40 =	vor.u32 $0x3, v9;
	v10 =	vshll.u32 v8, $0x4;
	v8 =	vor.u32 $0x3, v5;
	v20 =	vld.idx.msk [tilespmem:v0+s29+$0xFFFFFFF4 ss:$0x1], $0xffff  }
0x300: {  	v44 =	vor.u32 $0x2, v9;
	v62 =	vor.u32 $0x1, v9;
	v9 =	vld.idx.msk [tilespmem:v9+s19+$0x0], $0xffff;
	v15 =	vor.u32 $0x8, v10  }
0x301: {  	v2 =	vld.idx.msk [tilespmem:v2+s19+$0x0], $0xffff;
	v17 =	vor.u32 $0x7, v10;
	v21 =	vor.u32 $0x6, v10;
	v26 =	vor.u32 $0x5, v10  }
0x302: {  	v30 =	vor.u32 $0x4, v10;
	v11 =	vld.idx.msk [tilespmem:v11+s19+$0x0], $0xffff;
	v35 =	vbroadcast v13, $0x8;
	v14 =	vbroadcast v13, $0x6  }
0x303: {  	v36 =	vor.u32 $0x3, v10;
	v3 =	vld.idx.msk [tilespmem:v3+s19+$0x0], $0xffff;
	v59 =	vbroadcast v13, $0x7;
	v24 =	vbroadcast v13, $0x5  }
0x304: {  	v54 =	vor.u32 $0x2, v10;
	v25 =	vld.idx.msk [tilespmem:v8+s19+$0x0], $0xffff;
	v57 =	vbroadcast v20, $0x8;
	v37 =	vbroadcast v20, $0x6  }
0x305: {  	v19 =	vld.idx.msk [tilespmem:v19+s19+$0x0], $0xffff;
	v8 =	vor.u32 $0x1, v10;
	v58 =	vbroadcast v20, $0x7;
	v51 =	vbroadcast v20, $0x4  }
0x306: {  	v15 =	vld.idx.msk [tilespmem:v15+s19+$0x0], $0xffff;
	v52 =	vbroadcast v20, $0x5;
	v45 =	vbroadcast v20, $0x2;
	v63 =	vsub.f32 v6, v57  }
0x307: {  	v17 =	vld.idx.msk [tilespmem:v17+s19+$0x0], $0xffff;
	v0 =	vbroadcast v20, $0x3;
	v2 =	vsub.f32 v2, v37;
	v12 =	vsub.f32 v12, v58  }
0x308: {  	v5 =	vld.idx.msk [tilespmem:v5+s19+$0x0], $0xffff;
	v48 =	vbroadcast v20, $0x1;
	v11 =	vsub.f32 v11, v51;
	v3 =	vsub.f32 v3, v52  }
0x309: {  	v10 =	vld.idx.msk [tilespmem:v10+s19+$0x0], $0xffff;
	v6 =	vbroadcast v20, $0x0;
	v20 =	vsub.f32 v29, v45;
	v55 =	vsub.f32 v25, v0  }
0x30a: {  	v18 =	vld.idx.msk [tilespmem:v18+s19+$0x0], $0xffff;
	v39 =	vbroadcast v13, $0x4;
	v16 =	vsub.f32 v16, v48;
	v4 =	vsub.f32 v4, v57  }
0x30b: {  	v33 =	vbroadcast v13, $0x3;
	v25 =	vsub.f32 v15, v57;
	v1 =	vsub.f32 v1, v57  }
0x30c: {  	v41 =	vbroadcast v13, $0x2;
	v19 =	vsub.f32 v19, v58;
	v32 =	vsub.f32 v17, v58  }
0x30d: {  	v49 =	vbroadcast v13, $0x1;
	v17 =	vld.idx.msk [tilespmem:v34+s19+$0x0], $0xffff;
	v5 =	vsub.f32 v5, v6;
	v29 =	vsub.f32 v9, v6  }
0x30e: {  	v7 =	vsub.f32 v7, v6;
	v9 =	vld.idx.msk [tilespmem:v23+s19+$0x0], $0xffff;
	v6 =	vsub.f32 v10, v6;
	[tilespmem:$0x1FEC0] =	vst v4;
	v4 =	vbroadcast v13, $0x0  }
0x30f: {  	v10 =	vld.idx.msk [tilespmem:v22+s19+$0x0], $0xffff;
	v15 =	vmul.f32 v2, v14;
	v22 =	vsub.f32 v18, v58;
	v18 =	vmul.f32 v11, v39  }
0x310: {  	v13 =	vld.idx.msk [tilespmem:v21+s19+$0x0], $0xffff;
	[tilespmem:$0x1FED0] =	vst v1;
	v47 =	vmul.f32 v55, v33;
	v57 =	vmul.f32 v16, v49  }
0x311: {  	v1 =	vld.idx.msk [tilespmem:v28+s19+$0x0], $0xffff;
	[tilespmem:$0x1FFA0] =	vst v63;
	v2 =	vmul.f32 v2, v2;
	v38 =	vmul.f32 v3, v3  }
0x312: {  	v23 =	vld.idx.msk [tilespmem:v42+s19+$0x0], $0xffff;
	v46 =	vmul.f32 v11, v11;
	[tilespmem:$0x1FEE0] =	vst v15;
	v15 =	vmul.f32 v12, v59  }
0x313: {  	v11 =	vld.idx.msk [tilespmem:v44+s19+$0x0], $0xffff;
	[tilespmem:$0x1FF00] =	vst v18;
	v18 =	vmul.f32 v3, v24;
	v58 =	vmul.f32 v5, v4  }
0x314: {  	[tilespmem:$0x1FF30] =	vst v2;
	v3 =	vmul.f32 v5, v5;
	v5 =	vmul.f32 v16, v16;
	v16 =	vld.idx.msk [tilespmem:v54+s19+$0x0], $0xffff  }
0x315: {  	v53 =	vmul.f32 v20, v41;
	v56 =	vmul.f32 v20, v20;
	[tilespmem:$0x1FEF0] =	vst v15;
	v15 =	vld.idx.msk [tilespmem:v27+s19+$0x0], $0xffff  }
0x316: {  	v55 =	vmul.f32 v55, v55;
	v34 =	vmul.f32 v32, v59;
	[tilespmem:$0x1FF10] =	vst v18;
	v18 =	vld.idx.msk [tilespmem:v26+s19+$0x0], $0xffff  }
0x317: {  	v61 =	vmul.f32 v7, v4;
	v28 =	vsub.f32 v9, v37;
	v9 =	vmul.f32 v12, v12;
	v12 =	vld.idx.msk [tilespmem:v31+s19+$0x0], $0xffff  }
0x318: {  	v2 =	vmul.f32 v29, v4;
	v7 =	vmul.f32 v7, v7;
	v21 =	vsub.f32 v10, v37;
	v10 =	vld.idx.msk [tilespmem:v30+s19+$0x0], $0xffff  }
0x319: {  	v26 =	vmul.f32 v63, v63;
	v63 =	vmul.f32 v6, v4;
	v43 =	vsub.f32 v1, v52;
	v1 =	vld.idx.msk [tilespmem:v40+s19+$0x0], $0xffff  }
0x31a: {  	p0 =	sne.s32 s2, $0x1F0;
	v4 =	vmul.f32 v29, v29;
	v6 =	vmul.f32 v6, v6;
	v40 =	vsub.f32 v15, v52;
	v15 =	vld.idx.msk [tilespmem:v36+s19+$0x0], $0xffff  }
.Ltmp6:
0x31b: {  	v37 =	vsub.f32 v13, v37;
	v30 =	vmul.f32 v25, v35;
	v13 =	vld.idx.msk [tilespmem:v62+s19+$0x0], $0xffff;
	v31 =	vmul.f32 v22, v59;
	(pc) =	sbr.rel @p0 .LBB2_10-.Ltmp6, $4  }
0x31c: {  	v62 =	vsub.f32 v23, v0;
	[tilespmem:$0x1FF20] =	vst v9;
	v9 =	vld.idx.msk [tilespmem:v50+s19+$0x0], $0xffff;
	v50 =	vsub.f32 v17, v51  }
0x31d: {  	v29 =	vmovc v35;
	v17 =	vmul.f32 v19, v59;
	v44 =	vmul.f32 v37, v14;
	v42 =	vsub.f32 v18, v52  }
0x31e: {  	v54 =	vmul.f32 v43, v24;
	v18 =	vld.idx.msk [tilespmem:v8+s19+$0x0], $0xffff;
	v52 =	vsub.f32 v12, v51;
	v51 =	vsub.f32 v10, v51  }
0x31f: {  	s2 =	sadd.s32 $0x40, s2;
	v36 =	vmul.f32 v28, v14;
	v12 =	vld.idx.msk [tilespmem:v60+s19+$0x0], $0xffff;
	v60 =	vsub.f32 v1, v0;
	v59 =	vsub.f32 v15, v0  }
0x320: {  	v1 =	vsub.f32 v13, v48;
	v10 =	vsub.f32 v11, v45  }
0x321: {  	v3 =	vadd.f32 v5, v3;
	v20 =	vadd.f32 $0.0e+00, v63  }
0x322: {  	v63 =	vmul.f32 v51, v39;
	v32 =	vmul.f32 v32, v32;
	v9 =	vsub.f32 v9, v45  }
0x323: {  	v45 =	vsub.f32 v16, v45;
	v16 =	vadd.f32 $0.0e+00, v61;
	v61 =	vmul.f32 v50, v39  }
0x324: {  	v2 =	vadd.f32 $0.0e+00, v2;
	v13 =	vmul.f32 v1, v1;
	v1 =	vmul.f32 v1, v49  }
0x325: {  	v3 =	vadd.f32 v56, v3;
	v56 =	vmul.f32 v59, v33;
	v8 =	vsub.f32 v18, v48  }
0x326: {  	v18 =	vadd.f32 $0.0e+00, v58;
	v27 =	vmul.f32 v9, v9;
	v9 =	vmul.f32 v9, v41  }
0x327: {  	v58 =	vmul.f32 v50, v50;
	v1 =	vadd.f32 v1, v2;
	v2 =	vmul.f32 v10, v10  }
0x328: {  	v0 =	vsub.f32 v12, v48;
	v10 =	vmul.f32 v10, v41;
	v12 =	vmul.f32 v45, v41  }
0x329: {  	v4 =	vadd.f32 v13, v4;
	v13 =	vmul.f32 v43, v43;
	v15 =	vmul.f32 v8, v8  }
0x32a: {  	v8 =	vmul.f32 v8, v49;
	v23 =	vadd.f32 v57, v18;
	v57 =	vmul.f32 v60, v33  }
0x32b: {  	v3 =	vadd.f32 v55, v3;
	v18 =	vmul.f32 v40, v40;
	v35 =	vmul.f32 v0, v0  }
0x32c: {  	v0 =	vmul.f32 v0, v49;
	v2 =	vadd.f32 v2, v4;
	v1 =	vadd.f32 v10, v1  }
0x32d: {  	v49 =	vmul.f32 v62, v33;
	v3 =	vadd.f32 v46, v3;
	v48 =	vadd.f32 v15, v6  }
0x32e: {  	v8 =	vadd.f32 v8, v20;
	v41 =	vadd.f32 v53, v23;
	v53 =	vmul.f32 v60, v60  }
0x32f: {  	v60 =	vmul.f32 v51, v51;
	v20 =	vmul.f32 v42, v24;
	v7 =	vadd.f32 v35, v7  }
0x330: {  	v0 =	vadd.f32 v0, v16;
	v35 =	vmul.f32 v45, v45;
	v1 =	vadd.f32 v57, v1  }
0x331: {  	v45 =	vmul.f32 v62, v62;
	v3 =	vadd.f32 v38, v3;
	v8 =	vadd.f32 v12, v8  }
0x332: {  	v2 =	vadd.f32 v53, v2;
	v5 =	vadd.f32 v35, v48;
	v48 =	vmul.f32 v59, v59  }
0x333: {  	v62 =	vmul.f32 v52, v52;
	v4 =	vadd.f32 v47, v41;
	v7 =	vadd.f32 v27, v7  }
0x334: {  	v24 =	vmul.f32 v40, v24;
	v40 =	vld [tilespmem:$0x1FF30];
	v0 =	vadd.f32 v9, v0;
	v5 =	vadd.f32 v48, v5  }
0x335: {  	v59 =	vmul.f32 v52, v39;
	v8 =	vadd.f32 v56, v8;
	v2 =	vadd.f32 v62, v2  }
0x336: {  	v16 =	vmul.f32 v42, v42;
	v6 =	vadd.f32 v45, v7;
	v5 =	vadd.f32 v60, v5  }
0x337: {  	v33 =	vmul.f32 v21, v21;
	v0 =	vadd.f32 v49, v0;
	v1 =	vadd.f32 v59, v1  }
0x338: {  	v23 =	vmul.f32 v37, v37;
	v41 =	vld [tilespmem:$0x1FED0];
	v6 =	vadd.f32 v58, v6;
	v5 =	vadd.f32 v16, v5  }
0x339: {  	v43 =	vld [tilespmem:$0x1FEC0];
	v37 =	vmul.f32 v22, v22;
	v3 =	vadd.f32 v40, v3;
	v2 =	vadd.f32 v18, v2  }
0x33a: {  	v47 =	vld [tilespmem:$0x1FF20];
	v35 =	vmul.f32 v28, v28;
	v6 =	vadd.f32 v13, v6;
	v5 =	vadd.f32 v23, v5  }
0x33b: {  	v38 =	vmul.f32 v25, v25;
	v8 =	vadd.f32 v63, v8;
	v2 =	vadd.f32 v33, v2  }
0x33c: {  	v39 =	vmul.f32 v19, v19;
	v6 =	vadd.f32 v35, v6;
	v5 =	vadd.f32 v32, v5  }
0x33d: {  	v0 =	vadd.f32 v61, v0;
	v42 =	vmul.f32 v41, v41;
	v2 =	vadd.f32 v37, v2  }
0x33e: {  	v45 =	vmul.f32 v43, v43;
	v6 =	vadd.f32 v39, v6;
	v5 =	vadd.f32 v38, v5  }
0x33f: {  	v15 =	vld [tilespmem:$0x1FF00];
	v3 =	vadd.f32 v47, v3;
	v2 =	vadd.f32 v42, v2  }
0x340: {  	v51 =	vld [tilespmem:$0x1FEF0];
	v0 =	vadd.f32 v54, v0;
	v6 =	vadd.f32 v45, v6;
	vm0 =	vle.f32 v5, $0.0e+00  }
0x341: {  	v53 =	vld [tilespmem:$0x1FFC0];
	v3 =	vadd.f32 v26, v3;
	vm11 =	vle.f32 v2, $0.0e+00;
	v5 =	vsel vm0, $0x3F800000, v5  }
0x342: {  	v27 =	vld [tilespmem:$0x1FF10];
	v2 =	vsel vm11, $0x3F800000, v2;
	vm12 =	vle.f32 v6, $0.0e+00;
	(erf) = vrcp.f32 v5  }
0x343: {  	v54 =	vld [tilespmem:$0x1FFF0];
	vm13 =	vle.f32 v3, $0.0e+00;
	(erf) = vrcp.f32 v2;
	v2 =	vsel vm12, $0x3F800000, v6  }
0x344: {  	v46 =	vmul.f32 v21, v14;
	v48 =	vld [tilespmem:$0x1FF60];
	(erf) = vrcp.f32 v2;
	v2 =	vsel vm13, $0x3F800000, v3  }
0x345: {  	v1 =	vadd.f32 v24, v1;
	v7 =	vadd.f32 v20, v8;
	(erf) = vrcp.f32 v2;
	v2 =	vld [tilespmem:$0x1FEE0]  }
0x346: {  	v57 =	vld [tilespmem:$0x1FF90];
	v4 =	vadd.f32 v15, v4  }
0x347: {  	v52 =	vld [tilespmem:$0x1FFA0];
	v1 =	vadd.f32 v46, v1;
	v7 =	vadd.f32 v44, v7  }
0x348: {  	v4 =	vadd.f32 v27, v4;
	v0 =	vadd.f32 v36, v0  }
0x349: {  	v49 =	vmul.f32 v41, v29;
	v1 =	vadd.f32 v31, v1;
	v3 =	vadd.f32 v34, v7  }
0x34a: {  	v50 =	vmul.f32 v43, v29;
	v0 =	vadd.f32 v17, v0;
	v2 =	vadd.f32 v2, v4  }
0x34b: {  	v1 =	vadd.f32 v49, v1;
	v8 =	vld.idx.msk [tilespmem:v54+s17+$0x0], $0xffff;
	v3 =	vadd.f32 v30, v3  }
0x34c: {  	v0 =	vadd.f32 v50, v0;
	v5 =	vmul.f32 v52, v29;
	v7 =	vld.idx.msk [tilespmem:v53+s17+$0x0], $0xffff;
	v2 =	vadd.f32 v51, v2  }
0x34d: {  	v56 =	vand.u32 $0x7FFFFFFF, v1;
	v55 =	vand.u32 $0x7FFFFFFF, v3;
	v4 =	vld.idx.msk [tilespmem:v48+s17+$0x0], $0xffff  }
0x34e: {  	s0 =	sadd.s32 $0x1, s0;
	v58 =	vand.u32 $0x7FFFFFFF, v0;
	v3 =	vmul.f32 v55, v3;
	v2 =	vadd.f32 v5, v2  }
0x34f: {  	s2 =	sadd.s32 s0, s6;
	v1 =	vmul.f32 v56, v1;
	v0 =	vmul.f32 v58, v0;
	v6 =	vld.idx.msk [tilespmem:v57+s17+$0x0], $0xffff;
	v59 =	vpop (erf)  }
0x350: {  	vm2 =	veq.s32 v8, s2;
	v3 =	vmul.f32 v59, v3;
	v61 =	vpop (erf);
	v60 =	vand.u32 $0x7FFFFFFF, v2  }
0x351: {  	vm1 =	veq.s32 v7, s2;
	v1 =	vmul.f32 v61, v1;
	v62 =	vpop (erf);
	v2 =	vmul.f32 v60, v2  }
0x352: {  	v3 =	vmax.f32 v3, $-3.000000010e+38;
	v0 =	vmul.f32 v62, v0;
	v63 =	vpop (erf);
	vm14 =	veq.s32 v4, s2  }
0x353: {  	v3 =	vsel vm1, $0xFF61B1E6, v3;
	v1 =	vsel vm2, $0xFF61B1E6, v1;
	v2 =	vmul.f32 v63, v2  }
0x354: {  	vm15 =	veq.s32 v6, s2;
	v1 =	vmax.f32 v3, v1;
	v0 =	vsel vm14, $0xFF61B1E6, v0  }
0x355: {  	v0 =	vmax.f32 v1, v0;
	v1 =	vsel vm15, $0xFF61B1E6, v2  }
0x356: {  	v0 =	vmax.f32 v0, v1  }
0x357: {  	(xrf0) =	vmax.scan.msk.f32 $0xffff, v0;
	_ =	sdelay $0x4  }
0x358: {  	s3 =	sadd.s32 $0x1, s3  }
0x359: {  	p0 =	sne.s32 s3, $0x20;
	v0 =	vmov s0;
	v1, _, _ =	vpop (xrf0)  }
.Ltmp7:
0x35a: {  	v1 =	vadd.f32 $0.0e+00, v1;
	(pc) =	sbr.rel @p0 .LBB2_2-.Ltmp7, $3  }
0x35b: {  	_ = 	snop  }
0x35c: {  	v1 =	vbroadcast v1, $0xF;
	_ =	sdelay $0x1  }
0x35d: {  	s1 =	sadd.s32 $0x8, s1;
	s30 =	sadd.s32 $0x80, s30;
	s31 =	sadd.s32 $0x80, s31;
	[tilespmem:v0+s28+$0x0] =	vst.idx.msk $0x1, v1;
	v0 =	vimm.s32 $0x0;
	v1 =	vlaneseq.u32  }
0x35e: {  	s0 =	rddreg [dreg:$0x7]  }
0x35f: {  	[hbm4b:s0+s4] =	stream.linear.scatter [tilespmem:s28], [sflag:$0x2], $0x100, $0x38;
	[tilespmem:$0x9440] =	vst v63  }
0x360: {  	_ =	swait.ge [sflag:s13], $0x100  }
0x361: {  	s1 =	rddreg [dreg:$0x9]  }
0x362: {  	s31 =	rddreg [dreg:$0x8];
	s1 =	sadd.s32 $0x1, s1  }
0x363: {  	p0 =	sne.s32 s1, s31  }
.Ltmp8:
0x364: {  	_ = 	snop;
	(pc) =	sbr.rel @p0 .LBB2_1-.Ltmp8, $3  }
0x365: {  	_ =	sdelay $0x1  }
0x366: {  	[sflag:s13] =	ssyncset.done $0x0  }
0x367: {  	[sflag:s13] =	ssyncadd.s32 $0xFFFFFF00  }
0x368: {  	_ =	sfence.sel $0x180000  }
0x369: {  	[bflag:$0x0] =	sbarrier.arrive $0xFFFF  }
0x36a: {  	_ =	strace $0x90000047  }
0x36b: {  	s0 =	stileid.u32;
	[bflag:$0x2] =	sbarrier.arrive $0xFFFF  }
0x36c: {  	p0 =	sne.s32 s0, $0x0;
	s0 =	rddreg [dreg:$0x3]  }
0x36d: {  	s0 =	sadd.s32 @!p0 $0x100000, s0  }
0x36e: {  	[sflag:s0] =	ssyncadd.tile.s32 @!p0 $0x1;
	_ =	shalt  }
.Lfunc_end2:
_tile_overlayer_lowered:
.L_overlay_start_2:
0x36f: {  	(tag) =	ssettag $0x2  }
0x370: {  	s0 =	rddreg [dreg:$0x0];
	s2 =	stileid.u32  }
0x371: {  	s1 =	rddreg [dreg:$0x1];
	p0 =	sne.s32 s2, $0x0  }
0x372: {  	s3 =	rddreg [dreg:$0x2];
	[bflag:$0x3] =	sbarrier.arrive $0xFFFF;
	s2 =	simm.s32 @!p0 $0x1C02  }
0x373: {  	[timem:s3], [sflag:s2] =	dma.local @!p0 [hbm:s0], s1  }
0x374: {  	s0 =	simm.s32 @!p0 $0x2  }
0x375: {  	_ =	swait.ge @!p0 [sflag:s0], s1  }
0x376: {  	s1 =	ssub.s32 @!p0 $0x0, s1;
	[sflag:s0] =	ssyncset.done @!p0 $0x0  }
0x377: {  	[sflag:s0] =	ssyncadd.s32 @!p0 s1  }
0x378: {  	[bflag:$0x3] =	sbarrier.arrive $0xFFFF  }
0x379: {  	_ =	shalt  }

</sc_bundles>
